<compile_context>
chip_gen: v7x
topology: tpu7x:2x2x1
jax: 0.10.2.dev20260603
libtpu: 0.0.44.dev20260713+nightly
codegen_flags: <defaults>
</compile_context>

<pallas_src>
import functools

import jax
import jax.numpy as jnp
from jax import lax
from jax.experimental import pallas as pl
from jax.experimental.pallas import tpu as pltpu
from jax.experimental.pallas import tpu_sc as plsc

_F32 = jnp.float32


def _wt(w, b):
    return w.T, b.reshape(1, -1)


def _mmg(x, w_t, b):
    bs, n, c = x.shape
    o = w_t.shape[1]

    def body(x_ref, w_ref, b_ref, o_ref):
        o_ref[0] = jax.nn.gelu(
            jnp.dot(x_ref[0], w_ref[...], preferred_element_type=_F32)
            + b_ref[...])

    return pl.pallas_call(
        body,
        grid=(bs,),
        in_specs=[
            pl.BlockSpec((1, n, c), lambda i: (i, 0, 0)),
            pl.BlockSpec((c, o), lambda i: (0, 0)),
            pl.BlockSpec((1, o), lambda i: (0, 0)),
        ],
        out_specs=pl.BlockSpec((1, n, o), lambda i: (i, 0, 0)),
        out_shape=jax.ShapeDtypeStruct((bs, n, o), _F32),
    )(x, w_t, b)


_BF16 = jnp.bfloat16


def _split3(xf):
    hi = xf.astype(_BF16)
    r1 = xf - hi.astype(_F32)
    mid = r1.astype(_BF16)
    lo = (r1 - mid.astype(_F32)).astype(_BF16)
    return hi, mid, lo


def _exact_gather(oh_bf, parts):
    hi, mid, lo = parts
    nb = jnp.dot(oh_bf, hi, preferred_element_type=_F32)
    nb = nb + jnp.dot(oh_bf, mid, preferred_element_type=_F32)
    return nb + jnp.dot(oh_bf, lo, preferred_element_type=_F32)


def _knn_idx(x, sq_row, sq_col, k, tile):
    bs, n, c = x.shape

    def body(xt_ref, xf_ref, sqr_ref, sqc_ref, o_ref):
        g = lax.dot_general(xt_ref[0], xf_ref[0], (((1,), (1,)), ((), ())),
                            preferred_element_type=_F32)
        dist = (sqr_ref[0] - 2.0 * g) + sqc_ref[0]
        iota = lax.broadcasted_iota(jnp.int32, (tile, n), 1)
        base = pl.program_id(0) * n
        cols = []
        for _ in range(k):
            idxm = jnp.argmin(dist, axis=1)[:, None]
            cols.append(idxm + base)
            dist = jnp.where(iota == idxm, jnp.inf, dist)
        o_ref[0] = jnp.concatenate(cols, axis=1)

    return pl.pallas_call(
        body,
        grid=(bs, n // tile),
        in_specs=[
            pl.BlockSpec((1, tile, c), lambda i, j: (i, j, 0)),
            pl.BlockSpec((1, n, c), lambda i, j: (i, 0, 0)),
            pl.BlockSpec((1, tile, 1), lambda i, j: (i, j, 0)),
            pl.BlockSpec((1, 1, n), lambda i, j: (i, 0, 0)),
        ],
        out_specs=pl.BlockSpec((1, tile, k), lambda i, j: (i, j, 0)),
        out_shape=jax.ShapeDtypeStruct((bs, n, k), jnp.int32),
    )(x, x, sq_row, sq_col)


def _sc_gather(table, idx):
    v, d = table.shape
    b = idx.shape[0]
    info = plsc.get_sparse_core_info()
    nw = info.num_cores * info.num_subcores
    b_per_w = b // nw
    chunk = 160
    mesh = plsc.VectorSubcoreMesh(core_axis_name="c", subcore_axis_name="s")

    n_chunk = b_per_w // chunk

    @functools.partial(
        pl.kernel, mesh=mesh,
        out_type=jax.ShapeDtypeStruct((b, d), _F32),
        scratch_types=[
            pltpu.VMEM((chunk,), jnp.int32),
            pltpu.VMEM((chunk, d), _F32),
            pltpu.VMEM((chunk, d), _F32),
            pltpu.SemaphoreType.DMA,
            pltpu.SemaphoreType.DMA,
        ],
    )
    def k(table_hbm, idx_hbm, out_hbm, idx_v, rows_a, rows_b, sem_a, sem_b):
        wid = lax.axis_index("s") * info.num_cores + lax.axis_index("c")
        base = wid * b_per_w
        bufs = [(rows_a, sem_a), (rows_b, sem_b)]
        pltpu.sync_copy(idx_hbm.at[pl.ds(base, chunk)], idx_v)
        cp = pltpu.async_copy(table_hbm.at[idx_v], rows_a, sem_a)
        for ci in range(n_chunk):
            rows, sem = bufs[ci % 2]
            cp.wait()
            if ci + 1 < n_chunk:
                nrows, nsem = bufs[(ci + 1) % 2]
                pltpu.sync_copy(
                    idx_hbm.at[pl.ds(base + (ci + 1) * chunk, chunk)], idx_v)
                cp = pltpu.async_copy(table_hbm.at[idx_v], nrows, nsem)
            pltpu.sync_copy(rows, out_hbm.at[pl.ds(base + ci * chunk, chunk)])

    return k(table, idx)


def _edge_mlp(x, nb, w1_t, b1, w2_t, b2, k, tile):
    bs, n, c = x.shape
    p = w1_t.shape[1]
    q = w2_t.shape[1]

    c_pad = nb.shape[2]

    def body(xt_ref, nb_ref, w1_ref, b1_ref, w2_ref, b2_ref, o_ref):
        xt = xt_ref[0]
        nb3 = nb_ref[0][:, :c].reshape(tile, k, c)
        diff = (nb3 - xt[:, None, :]).reshape(tile * k, c)
        cen = jnp.broadcast_to(xt[:, None, :],
                               (tile, k, c)).reshape(tile * k, c)
        feat = jnp.concatenate([diff, cen], axis=1)
        h = jax.nn.gelu(
            jnp.dot(feat, w1_ref[...], preferred_element_type=_F32)
            + b1_ref[...])
        gl = jax.nn.gelu(jnp.dot(h, w2_ref[...],
                                 preferred_element_type=_F32) + b2_ref[...])
        o_ref[0] = jnp.max(gl.reshape(tile, k, q), axis=1)

    return pl.pallas_call(
        body,
        grid=(bs, n // tile),
        in_specs=[
            pl.BlockSpec((1, tile, c), lambda i, j: (i, j, 0)),
            pl.BlockSpec((1, tile * k, c_pad), lambda i, j: (i, j, 0)),
            pl.BlockSpec((2 * c, p), lambda i, j: (0, 0)),
            pl.BlockSpec((1, p), lambda i, j: (0, 0)),
            pl.BlockSpec((p, q), lambda i, j: (0, 0)),
            pl.BlockSpec((1, q), lambda i, j: (0, 0)),
        ],
        out_specs=pl.BlockSpec((1, tile, q), lambda i, j: (i, j, 0)),
        out_shape=jax.ShapeDtypeStruct((bs, n, q), _F32),
    )(x, nb, w1_t, b1, w2_t, b2)


def _edge_gcn_fast(x, sq_row, sq_col, wa_t, wcm_t, b1, w2_t, b2, k, tile):
    bs, n, c = x.shape
    p = wa_t.shape[1]
    q = w2_t.shape[1]

    def body(xt_ref, xf_ref, sqr_ref, sqc_ref, wa_ref, wc_ref, b1_ref,
             w2_ref, b2_ref, o_ref):
        xt = xt_ref[0]
        xf = xf_ref[0]
        g = lax.dot_general(xt, xf, (((1,), (1,)), ((), ())),
                            preferred_element_type=_F32)
        dist = (sqr_ref[0] - 2.0 * g) + sqc_ref[0]
        a_full = jnp.dot(xf, wa_ref[...],
                         preferred_element_type=_F32).astype(_BF16)
        b_tile = (jnp.dot(xt, wc_ref[...], preferred_element_type=_F32)
                  + b1_ref[...])
        iota = lax.broadcasted_iota(jnp.int32, (tile, n), 1)
        acc = jnp.full((tile, q), -jnp.inf, dtype=_F32)
        for _ in range(k):
            idxm = jnp.argmin(dist, axis=1)[:, None]
            oh = iota == idxm
            nb_a = jnp.dot(oh.astype(_BF16), a_full,
                           preferred_element_type=_F32)
            h = jax.nn.gelu(nb_a + b_tile)
            gl = jax.nn.gelu(jnp.dot(h, w2_ref[...],
                                     preferred_element_type=_F32)
                             + b2_ref[...])
            acc = jnp.maximum(acc, gl)
            dist = jnp.where(oh, jnp.inf, dist)
        o_ref[0] = acc

    return pl.pallas_call(
        body,
        grid=(bs, n // tile),
        in_specs=[
            pl.BlockSpec((1, tile, c), lambda i, j: (i, j, 0)),
            pl.BlockSpec((1, n, c), lambda i, j: (i, 0, 0)),
            pl.BlockSpec((1, tile, 1), lambda i, j: (i, j, 0)),
            pl.BlockSpec((1, 1, n), lambda i, j: (i, 0, 0)),
            pl.BlockSpec((c, p), lambda i, j: (0, 0)),
            pl.BlockSpec((c, p), lambda i, j: (0, 0)),
            pl.BlockSpec((1, p), lambda i, j: (0, 0)),
            pl.BlockSpec((p, q), lambda i, j: (0, 0)),
            pl.BlockSpec((1, q), lambda i, j: (0, 0)),
        ],
        out_specs=pl.BlockSpec((1, tile, q), lambda i, j: (i, j, 0)),
        out_shape=jax.ShapeDtypeStruct((bs, n, q), _F32),
    )(x, x, sq_row, sq_col, wa_t, wcm_t, b1, w2_t, b2)


def _stage1(d5, s, wt_cat, bt, w_d2s_t, b_d2s, n_stk, n_pnt):
    bs, n, c5 = d5.shape
    cd = wt_cat.shape[1]
    cs = s.shape[2]
    u = w_d2s_t.shape[1]

    def body(d5_ref, s_ref, wt_ref, bt_ref, wd2s_ref, bd_ref, us_ref):
        t = jax.nn.gelu(
            jnp.dot(d5_ref[0], wt_ref[...], preferred_element_type=_F32)
            + bt_ref[...])
        spdn = jnp.max(t.reshape(n_stk, n_pnt, cd), axis=1)
        cat = jnp.concatenate([s_ref[0], spdn], axis=1)
        us_ref[0] = jax.nn.gelu(
            jnp.dot(cat, wd2s_ref[...], preferred_element_type=_F32)
            + bd_ref[...])

    return pl.pallas_call(
        body,
        grid=(bs,),
        in_specs=[
            pl.BlockSpec((1, n, c5), lambda i: (i, 0, 0)),
            pl.BlockSpec((1, n_stk, cs), lambda i: (i, 0, 0)),
            pl.BlockSpec((c5, cd), lambda i: (0, 0)),
            pl.BlockSpec((1, cd), lambda i: (0, 0)),
            pl.BlockSpec((cs + cd, u), lambda i: (0, 0)),
            pl.BlockSpec((1, u), lambda i: (0, 0)),
        ],
        out_specs=pl.BlockSpec((1, n_stk, u), lambda i: (i, 0, 0)),
        out_shape=jax.ShapeDtypeStruct((bs, n_stk, u), _F32),
    )(d5, s, wt_cat, bt, w_d2s_t, b_d2s)


def _sparse_gcn(x, sq_row, sq_col, wts, k):
    bs, n, c = x.shape
    (w11, b11, w12, b12, w21, b21, w22, b22, w31, b31, w32, b32) = wts
    q_out = w32.shape[1]

    def gcn_block(xv, sq_t, sq_f, w1_ref, b1_ref, w2_ref, b2_ref):
        parts = _split3(xv)
        if sq_t is None:
            sq_t = jnp.sum(xv * xv, axis=1, keepdims=True)
            ones_c = jnp.ones((1, xv.shape[1]), dtype=_F32)
            y = xv * xv
            yh = y.astype(_BF16)
            r1 = y - yh.astype(_F32)
            ym = r1.astype(_BF16)
            yl = (r1 - ym.astype(_F32)).astype(_BF16)
            ones_b = ones_c.astype(_BF16)
            sq_f = (lax.dot_general(ones_b, yh, (((1,), (1,)), ((), ())),
                                    preferred_element_type=_F32)
                    + lax.dot_general(ones_b, ym, (((1,), (1,)), ((), ())),
                                      preferred_element_type=_F32)
                    + lax.dot_general(ones_b, yl, (((1,), (1,)), ((), ())),
                                      preferred_element_type=_F32))
        g = lax.dot_general(xv, xv, (((1,), (1,)), ((), ())),
                            preferred_element_type=_F32)
        dist = (sq_t - 2.0 * g) + sq_f
        iota = lax.broadcasted_iota(jnp.int32, dist.shape, 1)
        q = w2_ref.shape[1]
        acc = jnp.full((xv.shape[0], q), -jnp.inf, dtype=_F32)
        for _ in range(k):
            idxm = jnp.argmin(dist, axis=1)[:, None]
            oh = iota == idxm
            nb = _exact_gather(oh.astype(_BF16), parts)
            feat = jnp.concatenate([nb - xv, xv], axis=1)
            h = jax.nn.gelu(
                jnp.dot(feat, w1_ref[...], preferred_element_type=_F32)
                + b1_ref[...])
            gl = jax.nn.gelu(jnp.dot(h, w2_ref[...],
                                     preferred_element_type=_F32)
                             + b2_ref[...])
            acc = jnp.maximum(acc, gl)
            dist = jnp.where(oh, jnp.inf, dist)
        return acc

    def body(x_ref, sqr_ref, sqc_ref, w11_r, b11_r, w12_r, b12_r, w21_r,
             b21_r, w22_r, b22_r, w31_r, b31_r, w32_r, b32_r, o_ref):
        xv = x_ref[0]
        x1 = gcn_block(xv, sqr_ref[0], sqc_ref[0], w11_r, b11_r, w12_r, b12_r)
        x2 = gcn_block(x1, None, None, w21_r, b21_r, w22_r, b22_r)
        xc = jnp.concatenate([x1, x2], axis=1)
        y = jax.nn.gelu(
            jnp.dot(xc, w31_r[...], preferred_element_type=_F32)
            + b31_r[...])
        o_ref[0] = jax.nn.gelu(
            jnp.dot(y, w32_r[...], preferred_element_type=_F32) + b32_r[...])

    w_specs = [pl.BlockSpec(w.shape, lambda i: (0, 0)) for w in wts]
    return pl.pallas_call(
        body,
        grid=(bs,),
        in_specs=[pl.BlockSpec((1, n, c), lambda i: (i, 0, 0)),
                  pl.BlockSpec((1, n, 1), lambda i: (i, 0, 0)),
                  pl.BlockSpec((1, 1, n), lambda i: (i, 0, 0))] + w_specs,
        out_specs=pl.BlockSpec((1, n, q_out), lambda i: (i, 0, 0)),
        out_shape=jax.ShapeDtypeStruct((bs, n, q_out), _F32),
    )(x, sq_row, sq_col, *wts)


def kernel(sparse_fea, dense_fea, params):
    bs, c_dn, n_stk, n_pnt = dense_fea.shape
    c_sp = sparse_fea.shape[1]
    n = n_stk * n_pnt

    s_pm = jnp.transpose(sparse_fea, (0, 2, 1))
    d_pm = jnp.transpose(dense_fea.reshape(bs, c_dn, n), (0, 2, 1))

    d_pad = jnp.pad(d_pm, ((0, 0), (2, 2), (0, 0)), mode='edge')
    d5 = jnp.concatenate([d_pad[:, j:j + n, :] for j in range(5)], axis=2)
    wt_cat = jnp.transpose(params['d2s_tconv_w'], (2, 1, 0)).reshape(-1, c_dn)
    bt = params['d2s_tconv_b'].reshape(1, -1)
    w_d2s, b_d2s = params['d2s_mlp'][0]
    w_s2d, b_s2d = params['s2d_mlp'][0]
    u_s = _stage1(d5, s_pm, wt_cat, bt, w_d2s.T, b_d2s.reshape(1, -1),
                  n_stk, n_pnt)
    rep = jnp.broadcast_to(s_pm[:, :, None, :],
                           (bs, n_stk, n_pnt, c_sp)).reshape(bs, n, c_sp)
    cat_d = jnp.concatenate([d_pm, rep], axis=2)
    u_d = _mmg(cat_d, w_s2d.T, b_s2d.reshape(1, -1))

    def edge_prep(layers):
        (w1, b1), (w2, b2) = layers
        return _wt(w1, b1) + _wt(w2, b2)

    sp = params['sp']
    sp_wts = edge_prep(sp['c1']) + edge_prep(sp['c2']) + edge_prep(sp['c3'])
    sq_us = jnp.sum(u_s * u_s, axis=-1)
    us = _sparse_gcn(u_s, sq_us[:, :, None], sq_us[:, None, :], sp_wts, 2)
    us_out = jnp.transpose(us, (0, 2, 1))

    dn = params['dn']
    sq_ud = jnp.sum(u_d * u_d, axis=-1)
    idx1 = _knn_idx(u_d, sq_ud[:, :, None], sq_ud[:, None, :], 10, 512)
    table = jnp.pad(u_d.reshape(bs * n, -1), ((0, 0), (0, 64)))
    nb1 = _sc_gather(table, idx1.reshape(-1))
    x1 = _edge_mlp(u_d, nb1.reshape(bs, n * 10, -1),
                   *(_wt(*dn['c1'][0]) + _wt(*dn['c1'][1])), 10, 512)
    sq_x1 = jnp.sum(x1 * x1, axis=-1)
    w21, b21 = dn['c2'][0]
    c_x1 = x1.shape[2]
    x2 = _edge_gcn_fast(x1, sq_x1[:, :, None], sq_x1[:, None, :],
                        w21[:, :c_x1].T, (w21[:, c_x1:] - w21[:, :c_x1]).T,
                        b21.reshape(1, -1), *_wt(*dn['c2'][1]), 10, 512)

    (w31d, b31d), (w32d, b32d) = dn['c3']
    xcat = jnp.concatenate([x1, x2], axis=2)
    y = _mmg(xcat, w31d.T, b31d.reshape(1, -1))
    yd = _mmg(y, w32d.T, b32d.reshape(1, -1))

    y_pad = jnp.pad(yd, ((0, 0), (2, 2), (0, 0)), mode='edge')
    cat6 = jnp.concatenate([y_pad[:, j:j + n - 1:2, :] for j in range(6)],
                           axis=2)
    w_ds = jnp.transpose(params['ds_conv_w'], (2, 1, 0)).reshape(-1, 128)
    ud_pm = _mmg(cat6, w_ds, params['ds_conv_b'].reshape(1, -1))
    ud_out = jnp.transpose(ud_pm, (0, 2, 1)).reshape(bs, -1, n_stk,
                                                     n_pnt // 2)
    return us_out, ud_out

# --- scband reference (transcript-rebuilt; emitter-appended) ---
"""Pipeline reference for scband-sdgraph-encoder-79310866088277 (READ-ONLY COPY).

The authoritative reference and input builder live on the scoring server;
editing this copy changes nothing except your own understanding.
"""

import jax, jax.numpy as jnp
import numpy as np

BS = 8
SPARSE_IN = 128
SPARSE_OUT = 256
DENSE_IN = 64
DENSE_OUT = 128
N_STK = 32
N_STK_PNT = 32
SP_NEAR = 2
DN_NEAR = 10

def gcn_dims(emb_in, emb_out):
    inc = (emb_out / (4.0 * emb_in)) ** 0.25
    l1_0 = emb_in * 2
    l1_1 = int(l1_0 * inc)
    l1_2 = int(l1_0 * inc ** 2)
    l2_0 = l1_2 * 2
    l2_1 = int(l2_0 * inc)
    l2_2 = emb_out
    l3_0 = l2_2 + l1_2
    l3_1 = int((emb_out / l3_0) ** 0.5 * l3_0)
    return [(l1_0, l1_1), (l1_1, l1_2)], [(l2_0, l2_1), (l2_1, l2_2)], [(l3_0, l3_1), (l3_1, emb_out)]

def knn_idx(x, k):
    sq = jnp.sum(x * x, axis=-1)
    inner = jnp.einsum('bnc,bmc->bnm', x, x)
    dist = sq[:, :, None] - 2.0 * inner + sq[:, None, :]
    _, idx = jax.lax.top_k(-dist, k)
    return jax.lax.stop_gradient(idx)

def get_graph_feature(x, k):
    xt = jnp.transpose(x, (0, 2, 1))
    idx = knn_idx(xt, k)
    nb = jax.vmap(lambda p, i: p[i])(xt, idx)
    cen = xt[:, :, None, :]
    feat = jnp.concatenate([nb - cen, jnp.broadcast_to(cen, nb.shape)], axis=-1)
    return jnp.transpose(feat, (0, 3, 1, 2))

def mlp2d(x, layers):
    for w, b in layers:
        x = jnp.einsum('oc,bcnk->bonk', w, x) + b[None, :, None, None]
        x = jax.nn.gelu(x)
    return x

def mlp1d(x, layers):
    for w, b in layers:
        x = jnp.einsum('oc,bcn->bon', w, x) + b[None, :, None]
        x = jax.nn.gelu(x)
    return x

def gcn_encoder(x, p, k):
    f = get_graph_feature(x, k)
    f = mlp2d(f, p['c1'])
    x1 = jnp.max(f, axis=-1)
    f = get_graph_feature(x1, k)
    f = mlp2d(f, p['c2'])
    x2 = jnp.max(f, axis=-1)
    x = jnp.concatenate([x1, x2], axis=1)
    return mlp1d(x, p['c3'])

def conv1d(x, w, b, stride=1):
    y = jax.lax.conv_general_dilated(x, w, (stride,), 'VALID', dimension_numbers=('NCH', 'OIH', 'NCH'))
    return y + b[None, :, None]

def seq_extend(x, n):
    return jnp.pad(x, ((0, 0), (0, 0), (n, n)), mode='edge')

def _forward(sparse_fea, dense_fea, params):
    bs, c_dn, n_stk, n_pnt = dense_fea.shape
    d = dense_fea.reshape(bs, c_dn, n_stk * n_pnt)
    d = seq_extend(d, 2)
    d = jax.nn.gelu(conv1d(d, params['d2s_tconv_w'], params['d2s_tconv_b']))
    d = d.reshape(bs, c_dn, n_stk, n_pnt)
    sp_from_dn = jnp.max(d, axis=3)
    union_sparse = jnp.concatenate([sparse_fea, sp_from_dn], axis=1)
    union_sparse = mlp1d(union_sparse, params['d2s_mlp'])
    rep = jnp.broadcast_to(sparse_fea[:, :, :, None], (bs, sparse_fea.shape[1], n_stk, n_pnt))
    union_dense = jnp.concatenate([dense_fea, rep], axis=1)
    union_dense = mlp2d(union_dense, params['s2d_mlp'])
    us = gcn_encoder(union_sparse, params['sp'], SP_NEAR)
    ud = union_dense.reshape(bs, union_dense.shape[1], n_stk * n_pnt)
    ud = gcn_encoder(ud, params['dn'], DN_NEAR)
    ud = ud.reshape(bs, ud.shape[1], n_stk * n_pnt)
    ud = seq_extend(ud, 2)
    ud = jax.nn.gelu(conv1d(ud, params['ds_conv_w'], params['ds_conv_b'], stride=2))
    ud = ud.reshape(bs, ud.shape[1], n_stk, n_pnt // 2)
    return us, ud

def setup_inputs(seed: int = 0):
    key = jax.random.key(seed)
    cnt = [0]
    def nxt(shape):
        cnt[0] += 1
        return jax.random.normal(jax.random.fold_in(key, cnt[0]), shape, dtype=jnp.float32) * 0.05
    def mlp_params(dims):
        return [(nxt((o, i)), jnp.zeros((o,), jnp.float32)) for (i, o) in dims]
    U = SPARSE_IN + DENSE_IN
    sp_c1, sp_c2, sp_c3 = gcn_dims(U, SPARSE_OUT)
    dn_c1, dn_c2, dn_c3 = gcn_dims(U, DENSE_OUT)
    params = {
        'd2s_tconv_w': nxt((DENSE_IN, DENSE_IN, 5)),
        'd2s_tconv_b': jnp.zeros((DENSE_IN,), jnp.float32),
        'd2s_mlp': mlp_params([(U, U)]),
        's2d_mlp': mlp_params([(U, U)]),
        'sp': {'c1': mlp_params(sp_c1), 'c2': mlp_params(sp_c2), 'c3': mlp_params(sp_c3)},
        'dn': {'c1': mlp_params(dn_c1), 'c2': mlp_params(dn_c2), 'c3': mlp_params(dn_c3)},
        'ds_conv_w': nxt((DENSE_OUT, DENSE_OUT, 6)),
        'ds_conv_b': jnp.zeros((DENSE_OUT,), jnp.float32),
    }
    sparse_fea = jax.random.normal(jax.random.fold_in(key, 1001), (BS, SPARSE_IN, N_STK), dtype=jnp.float32)
    dense_fea = jax.random.normal(jax.random.fold_in(key, 1002), (BS, DENSE_IN, N_STK, N_STK_PNT), dtype=jnp.float32)
    return {'sparse_fea': sparse_fea, 'dense_fea': dense_fea, 'params': params}

def reference(sparse_fea, dense_fea, params):
    return _forward(sparse_fea, dense_fea, params)

if __name__ == "__main__":
    import jax
    _d = setup_inputs()
    print(jax.jit(kernel)(*tuple(_d.values())))

</pallas_src>

<mosaic_0001>
#map = affine_map<(d0, d1) -> (0, 0)>
#map1 = affine_map<(d0, d1) -> (0)>
module attributes {stable_mosaic.version = 14 : i64} {
  func.func @k(%arg0: i32, %arg1: i32, %arg2: memref<8192x256xf32, #tpu.memory_space<hbm>>, %arg3: memref<81920xi32, #tpu.memory_space<hbm>>, %arg4: memref<81920x256xf32, #tpu.memory_space<hbm>>, %arg5: memref<160xi32, #tpu.memory_space<vmem>>, %arg6: memref<160x256xf32, #tpu.memory_space<vmem>>, %arg7: memref<160x256xf32, #tpu.memory_space<vmem>>, %arg8: memref<!tpu.dma_semaphore, #tpu.memory_space<semaphore_mem>>, %arg9: memref<!tpu.dma_semaphore, #tpu.memory_space<semaphore_mem>>) attributes {dimension_semantics = [#tpu.dimension_semantics<core_parallel>, #tpu.dimension_semantics<subcore_parallel>], iteration_bounds = array<i64: 2, 16>, scalar_prefetch = 0 : i64, scratch_operands = 5 : i64, tpu.core_type = #tpu.core_type<sc_vector_subcore>, window_params = [{transform_indices = #map}, {transform_indices = #map1}, {transform_indices = #map}]} {
    %mul3A = arith.constant 2 : i32
    %mul3A_0 = arith.muli %arg1, %mul3A : i32
    %add3A = arith.addi %mul3A_0, %arg0 : i32
    %mul3A_1 = arith.constant 2560 : i32
    %mul3A_2 = arith.muli %add3A, %mul3A_1 : i32
    "tpu.region"() ({
      %run_scoped3A = tpu.sem_alloc : memref<!tpu.dma_semaphore, #tpu.memory_space<semaphore_mem>>
      %dma_start3A_159 = tpu.memref_slice %arg3[%mul3A_2] : memref<81920xi32, #tpu.memory_space<hbm>> -> memref<160xi32, #tpu.memory_space<hbm>>
      %dma_start3A_160 = tpu.memref_slice %arg3[%mul3A_2] : memref<81920xi32, #tpu.memory_space<hbm>> -> memref<160xi32, #tpu.memory_space<hbm>>
      tpu.enqueue_dma source(%dma_start3A_160 : memref<160xi32, #tpu.memory_space<hbm>>) target(%arg5 : memref<160xi32, #tpu.memory_space<vmem>>) target_semaphore(%run_scoped3A : memref<!tpu.dma_semaphore, #tpu.memory_space<semaphore_mem>>)
      %dma_wait3A_161 = tpu.memref_slice %arg3[%mul3A_2] : memref<81920xi32, #tpu.memory_space<hbm>> -> memref<160xi32, #tpu.memory_space<hbm>>
      %dma_wait3A_162 = tpu.memref_slice %arg3[%mul3A_2] : memref<81920xi32, #tpu.memory_space<hbm>> -> memref<160xi32, #tpu.memory_space<hbm>>
      tpu.wait_dma2 semaphore(%run_scoped3A : memref<!tpu.dma_semaphore, #tpu.memory_space<semaphore_mem>>) src(%dma_wait3A_162 : memref<160xi32, #tpu.memory_space<hbm>>) dst(%arg5 : memref<160xi32, #tpu.memory_space<vmem>>)
      tpu.yield
    }) : () -> ()
    %dma_start3A = arith.constant 0 : i32
    %dma_start3A_3 = arith.constant 0 : i32
    %dma_start3A_4 = tpu.memref_slice %arg2[%dma_start3A, %dma_start3A_3] : memref<8192x256xf32, #tpu.memory_space<hbm>> -> memref<8192x256xf32, #tpu.memory_space<hbm>>
    tpu.enqueue_indirect_dma source(%dma_start3A_4 : memref<8192x256xf32, #tpu.memory_space<hbm>>) target(%arg6 : memref<160x256xf32, #tpu.memory_space<vmem>>) offsets(%arg5 : memref<160xi32, #tpu.memory_space<vmem>>) semaphore(%arg8 : memref<!tpu.dma_semaphore, #tpu.memory_space<semaphore_mem>>)
    %dma_wait3A = arith.constant 0 : i32
    %dma_wait3A_5 = arith.constant 0 : i32
    %dma_wait3A_6 = tpu.memref_slice %arg2[%dma_wait3A, %dma_wait3A_5] : memref<8192x256xf32, #tpu.memory_space<hbm>> -> memref<8192x256xf32, #tpu.memory_space<hbm>>
    tpu.wait_indirect_dma semaphore(%arg8 : memref<!tpu.dma_semaphore, #tpu.memory_space<semaphore_mem>>) src(%dma_wait3A_6 : memref<8192x256xf32, #tpu.memory_space<hbm>>) dst(%arg6 : memref<160x256xf32, #tpu.memory_space<vmem>>)
    %add3A_7 = arith.constant 160 : i32
    %add3A_8 = arith.addi %mul3A_2, %add3A_7 : i32
    "tpu.region"() ({
      %run_scoped3A = tpu.sem_alloc : memref<!tpu.dma_semaphore, #tpu.memory_space<semaphore_mem>>
      %dma_start3A_159 = tpu.memref_slice %arg3[%add3A_8] : memref<81920xi32, #tpu.memory_space<hbm>> -> memref<160xi32, #tpu.memory_space<hbm>>
      %dma_start3A_160 = tpu.memref_slice %arg3[%add3A_8] : memref<81920xi32, #tpu.memory_space<hbm>> -> memref<160xi32, #tpu.memory_space<hbm>>
      tpu.enqueue_dma source(%dma_start3A_160 : memref<160xi32, #tpu.memory_space<hbm>>) target(%arg5 : memref<160xi32, #tpu.memory_space<vmem>>) target_semaphore(%run_scoped3A : memref<!tpu.dma_semaphore, #tpu.memory_space<semaphore_mem>>)
      %dma_wait3A_161 = tpu.memref_slice %arg3[%add3A_8] : memref<81920xi32, #tpu.memory_space<hbm>> -> memref<160xi32, #tpu.memory_space<hbm>>
      %dma_wait3A_162 = tpu.memref_slice %arg3[%add3A_8] : memref<81920xi32, #tpu.memory_space<hbm>> -> memref<160xi32, #tpu.memory_space<hbm>>
      tpu.wait_dma2 semaphore(%run_scoped3A : memref<!tpu.dma_semaphore, #tpu.memory_space<semaphore_mem>>) src(%dma_wait3A_162 : memref<160xi32, #tpu.memory_space<hbm>>) dst(%arg5 : memref<160xi32, #tpu.memory_space<vmem>>)
      tpu.yield
    }) : () -> ()
    %dma_start3A_9 = arith.constant 0 : i32
    %dma_start3A_10 = arith.constant 0 : i32
    %dma_start3A_11 = tpu.memref_slice %arg2[%dma_start3A_9, %dma_start3A_10] : memref<8192x256xf32, #tpu.memory_space<hbm>> -> memref<8192x256xf32, #tpu.memory_space<hbm>>
    tpu.enqueue_indirect_dma source(%dma_start3A_11 : memref<8192x256xf32, #tpu.memory_space<hbm>>) target(%arg7 : memref<160x256xf32, #tpu.memory_space<vmem>>) offsets(%arg5 : memref<160xi32, #tpu.memory_space<vmem>>) semaphore(%arg9 : memref<!tpu.dma_semaphore, #tpu.memory_space<semaphore_mem>>)
    %add3A_12 = arith.constant 0 : i32
    %add3A_13 = arith.addi %mul3A_2, %add3A_12 : i32
    "tpu.region"() ({
      %run_scoped3A = tpu.sem_alloc : memref<!tpu.dma_semaphore, #tpu.memory_space<semaphore_mem>>
      %dma_start3A_159 = arith.constant 0 : i32
      %dma_start3A_160 = tpu.memref_slice %arg4[%add3A_13, %dma_start3A_159] : memref<81920x256xf32, #tpu.memory_space<hbm>> -> memref<160x256xf32, #tpu.memory_space<hbm>>
      %dma_start3A_161 = arith.constant 0 : i32
      %dma_start3A_162 = tpu.memref_slice %arg4[%add3A_13, %dma_start3A_161] : memref<81920x256xf32, #tpu.memory_space<hbm>> -> memref<160x256xf32, #tpu.memory_space<hbm>>
      tpu.enqueue_dma source(%arg6 : memref<160x256xf32, #tpu.memory_space<vmem>>) target(%dma_start3A_162 : memref<160x256xf32, #tpu.memory_space<hbm>>) target_semaphore(%run_scoped3A : memref<!tpu.dma_semaphore, #tpu.memory_space<semaphore_mem>>)
      %dma_wait3A_163 = arith.constant 0 : i32
      %dma_wait3A_164 = tpu.memref_slice %arg4[%add3A_13, %dma_wait3A_163] : memref<81920x256xf32, #tpu.memory_space<hbm>> -> memref<160x256xf32, #tpu.memory_space<hbm>>
      %dma_wait3A_165 = arith.constant 0 : i32
      %dma_wait3A_166 = tpu.memref_slice %arg4[%add3A_13, %dma_wait3A_165] : memref<81920x256xf32, #tpu.memory_space<hbm>> -> memref<160x256xf32, #tpu.memory_space<hbm>>
      tpu.wait_dma2 semaphore(%run_scoped3A : memref<!tpu.dma_semaphore, #tpu.memory_space<semaphore_mem>>) src(%arg6 : memref<160x256xf32, #tpu.memory_space<vmem>>) dst(%dma_wait3A_166 : memref<160x256xf32, #tpu.memory_space<hbm>>)
      tpu.yield
    }) : () -> ()
    %dma_wait3A_14 = arith.constant 0 : i32
    %dma_wait3A_15 = arith.constant 0 : i32
    %dma_wait3A_16 = tpu.memref_slice %arg2[%dma_wait3A_14, %dma_wait3A_15] : memref<8192x256xf32, #tpu.memory_space<hbm>> -> memref<8192x256xf32, #tpu.memory_space<hbm>>
    tpu.wait_indirect_dma semaphore(%arg9 : memref<!tpu.dma_semaphore, #tpu.memory_space<semaphore_mem>>) src(%dma_wait3A_16 : memref<8192x256xf32, #tpu.memory_space<hbm>>) dst(%arg7 : memref<160x256xf32, #tpu.memory_space<vmem>>)
    %add3A_17 = arith.constant 320 : i32
    %add3A_18 = arith.addi %mul3A_2, %add3A_17 : i32
    "tpu.region"() ({
      %run_scoped3A = tpu.sem_alloc : memref<!tpu.dma_semaphore, #tpu.memory_space<semaphore_mem>>
      %dma_start3A_159 = tpu.memref_slice %arg3[%add3A_18] : memref<81920xi32, #tpu.memory_space<hbm>> -> memref<160xi32, #tpu.memory_space<hbm>>
      %dma_start3A_160 = tpu.memref_slice %arg3[%add3A_18] : memref<81920xi32, #tpu.memory_space<hbm>> -> memref<160xi32, #tpu.memory_space<hbm>>
      tpu.enqueue_dma source(%dma_start3A_160 : memref<160xi32, #tpu.memory_space<hbm>>) target(%arg5 : memref<160xi32, #tpu.memory_space<vmem>>) target_semaphore(%run_scoped3A : memref<!tpu.dma_semaphore, #tpu.memory_space<semaphore_mem>>)
      %dma_wait3A_161 = tpu.memref_slice %arg3[%add3A_18] : memref<81920xi32, #tpu.memory_space<hbm>> -> memref<160xi32, #tpu.memory_space<hbm>>
      %dma_wait3A_162 = tpu.memref_slice %arg3[%add3A_18] : memref<81920xi32, #tpu.memory_space<hbm>> -> memref<160xi32, #tpu.memory_space<hbm>>
      tpu.wait_dma2 semaphore(%run_scoped3A : memref<!tpu.dma_semaphore, #tpu.memory_space<semaphore_mem>>) src(%dma_wait3A_162 : memref<160xi32, #tpu.memory_space<hbm>>) dst(%arg5 : memref<160xi32, #tpu.memory_space<vmem>>)
      tpu.yield
    }) : () -> ()
    %dma_start3A_19 = arith.constant 0 : i32
    %dma_start3A_20 = arith.constant 0 : i32
    %dma_start3A_21 = tpu.memref_slice %arg2[%dma_start3A_19, %dma_start3A_20] : memref<8192x256xf32, #tpu.memory_space<hbm>> -> memref<8192x256xf32, #tpu.memory_space<hbm>>
    tpu.enqueue_indirect_dma source(%dma_start3A_21 : memref<8192x256xf32, #tpu.memory_space<hbm>>) target(%arg6 : memref<160x256xf32, #tpu.memory_space<vmem>>) offsets(%arg5 : memref<160xi32, #tpu.memory_space<vmem>>) semaphore(%arg8 : memref<!tpu.dma_semaphore, #tpu.memory_space<semaphore_mem>>)
    %add3A_22 = arith.constant 160 : i32
    %add3A_23 = arith.addi %mul3A_2, %add3A_22 : i32
    "tpu.region"() ({
      %run_scoped3A = tpu.sem_alloc : memref<!tpu.dma_semaphore, #tpu.memory_space<semaphore_mem>>
      %dma_start3A_159 = arith.constant 0 : i32
      %dma_start3A_160 = tpu.memref_slice %arg4[%add3A_23, %dma_start3A_159] : memref<81920x256xf32, #tpu.memory_space<hbm>> -> memref<160x256xf32, #tpu.memory_space<hbm>>
      %dma_start3A_161 = arith.constant 0 : i32
      %dma_start3A_162 = tpu.memref_slice %arg4[%add3A_23, %dma_start3A_161] : memref<81920x256xf32, #tpu.memory_space<hbm>> -> memref<160x256xf32, #tpu.memory_space<hbm>>
      tpu.enqueue_dma source(%arg7 : memref<160x256xf32, #tpu.memory_space<vmem>>) target(%dma_start3A_162 : memref<160x256xf32, #tpu.memory_space<hbm>>) target_semaphore(%run_scoped3A : memref<!tpu.dma_semaphore, #tpu.memory_space<semaphore_mem>>)
      %dma_wait3A_163 = arith.constant 0 : i32
      %dma_wait3A_164 = tpu.memref_slice %arg4[%add3A_23, %dma_wait3A_163] : memref<81920x256xf32, #tpu.memory_space<hbm>> -> memref<160x256xf32, #tpu.memory_space<hbm>>
      %dma_wait3A_165 = arith.constant 0 : i32
      %dma_wait3A_166 = tpu.memref_slice %arg4[%add3A_23, %dma_wait3A_165] : memref<81920x256xf32, #tpu.memory_space<hbm>> -> memref<160x256xf32, #tpu.memory_space<hbm>>
      tpu.wait_dma2 semaphore(%run_scoped3A : memref<!tpu.dma_semaphore, #tpu.memory_space<semaphore_mem>>) src(%arg7 : memref<160x256xf32, #tpu.memory_space<vmem>>) dst(%dma_wait3A_166 : memref<160x256xf32, #tpu.memory_space<hbm>>)
      tpu.yield
    }) : () -> ()
    %dma_wait3A_24 = arith.constant 0 : i32
    %dma_wait3A_25 = arith.constant 0 : i32
    %dma_wait3A_26 = tpu.memref_slice %arg2[%dma_wait3A_24, %dma_wait3A_25] : memref<8192x256xf32, #tpu.memory_space<hbm>> -> memref<8192x256xf32, #tpu.memory_space<hbm>>
    tpu.wait_indirect_dma semaphore(%arg8 : memref<!tpu.dma_semaphore, #tpu.memory_space<semaphore_mem>>) src(%dma_wait3A_26 : memref<8192x256xf32, #tpu.memory_space<hbm>>) dst(%arg6 : memref<160x256xf32, #tpu.memory_space<vmem>>)
    %add3A_27 = arith.constant 480 : i32
    %add3A_28 = arith.addi %mul3A_2, %add3A_27 : i32
    "tpu.region"() ({
      %run_scoped3A = tpu.sem_alloc : memref<!tpu.dma_semaphore, #tpu.memory_space<semaphore_mem>>
      %dma_start3A_159 = tpu.memref_slice %arg3[%add3A_28] : memref<81920xi32, #tpu.memory_space<hbm>> -> memref<160xi32, #tpu.memory_space<hbm>>
      %dma_start3A_160 = tpu.memref_slice %arg3[%add3A_28] : memref<81920xi32, #tpu.memory_space<hbm>> -> memref<160xi32, #tpu.memory_space<hbm>>
      tpu.enqueue_dma source(%dma_start3A_160 : memref<160xi32, #tpu.memory_space<hbm>>) target(%arg5 : memref<160xi32, #tpu.memory_space<vmem>>) target_semaphore(%run_scoped3A : memref<!tpu.dma_semaphore, #tpu.memory_space<semaphore_mem>>)
      %dma_wait3A_161 = tpu.memref_slice %arg3[%add3A_28] : memref<81920xi32, #tpu.memory_space<hbm>> -> memref<160xi32, #tpu.memory_space<hbm>>
      %dma_wait3A_162 = tpu.memref_slice %arg3[%add3A_28] : memref<81920xi32, #tpu.memory_space<hbm>> -> memref<160xi32, #tpu.memory_space<hbm>>
      tpu.wait_dma2 semaphore(%run_scoped3A : memref<!tpu.dma_semaphore, #tpu.memory_space<semaphore_mem>>) src(%dma_wait3A_162 : memref<160xi32, #tpu.memory_space<hbm>>) dst(%arg5 : memref<160xi32, #tpu.memory_space<vmem>>)
      tpu.yield
    }) : () -> ()
    %dma_start3A_29 = arith.constant 0 : i32
    %dma_start3A_30 = arith.constant 0 : i32
    %dma_start3A_31 = tpu.memref_slice %arg2[%dma_start3A_29, %dma_start3A_30] : memref<8192x256xf32, #tpu.memory_space<hbm>> -> memref<8192x256xf32, #tpu.memory_space<hbm>>
    tpu.enqueue_indirect_dma source(%dma_start3A_31 : memref<8192x256xf32, #tpu.memory_space<hbm>>) target(%arg7 : memref<160x256xf32, #tpu.memory_space<vmem>>) offsets(%arg5 : memref<160xi32, #tpu.memory_space<vmem>>) semaphore(%arg9 : memref<!tpu.dma_semaphore, #tpu.memory_space<semaphore_mem>>)
    %add3A_32 = arith.constant 320 : i32
    %add3A_33 = arith.addi %mul3A_2, %add3A_32 : i32
    "tpu.region"() ({
      %run_scoped3A = tpu.sem_alloc : memref<!tpu.dma_semaphore, #tpu.memory_space<semaphore_mem>>
      %dma_start3A_159 = arith.constant 0 : i32
      %dma_start3A_160 = tpu.memref_slice %arg4[%add3A_33, %dma_start3A_159] : memref<81920x256xf32, #tpu.memory_space<hbm>> -> memref<160x256xf32, #tpu.memory_space<hbm>>
      %dma_start3A_161 = arith.constant 0 : i32
      %dma_start3A_162 = tpu.memref_slice %arg4[%add3A_33, %dma_start3A_161] : memref<81920x256xf32, #tpu.memory_space<hbm>> -> memref<160x256xf32, #tpu.memory_space<hbm>>
      tpu.enqueue_dma source(%arg6 : memref<160x256xf32, #tpu.memory_space<vmem>>) target(%dma_start3A_162 : memref<160x256xf32, #tpu.memory_space<hbm>>) target_semaphore(%run_scoped3A : memref<!tpu.dma_semaphore, #tpu.memory_space<semaphore_mem>>)
      %dma_wait3A_163 = arith.constant 0 : i32
      %dma_wait3A_164 = tpu.memref_slice %arg4[%add3A_33, %dma_wait3A_163] : memref<81920x256xf32, #tpu.memory_space<hbm>> -> memref<160x256xf32, #tpu.memory_space<hbm>>
      %dma_wait3A_165 = arith.constant 0 : i32
      %dma_wait3A_166 = tpu.memref_slice %arg4[%add3A_33, %dma_wait3A_165] : memref<81920x256xf32, #tpu.memory_space<hbm>> -> memref<160x256xf32, #tpu.memory_space<hbm>>
      tpu.wait_dma2 semaphore(%run_scoped3A : memref<!tpu.dma_semaphore, #tpu.memory_space<semaphore_mem>>) src(%arg6 : memref<160x256xf32, #tpu.memory_space<vmem>>) dst(%dma_wait3A_166 : memref<160x256xf32, #tpu.memory_space<hbm>>)
      tpu.yield
    }) : () -> ()
    %dma_wait3A_34 = arith.constant 0 : i32
    %dma_wait3A_35 = arith.constant 0 : i32
    %dma_wait3A_36 = tpu.memref_slice %arg2[%dma_wait3A_34, %dma_wait3A_35] : memref<8192x256xf32, #tpu.memory_space<hbm>> -> memref<8192x256xf32, #tpu.memory_space<hbm>>
    tpu.wait_indirect_dma semaphore(%arg9 : memref<!tpu.dma_semaphore, #tpu.memory_space<semaphore_mem>>) src(%dma_wait3A_36 : memref<8192x256xf32, #tpu.memory_space<hbm>>) dst(%arg7 : memref<160x256xf32, #tpu.memory_space<vmem>>)
    %add3A_37 = arith.constant 640 : i32
    %add3A_38 = arith.addi %mul3A_2, %add3A_37 : i32
    "tpu.region"() ({
      %run_scoped3A = tpu.sem_alloc : memref<!tpu.dma_semaphore, #tpu.memory_space<semaphore_mem>>
      %dma_start3A_159 = tpu.memref_slice %arg3[%add3A_38] : memref<81920xi32, #tpu.memory_space<hbm>> -> memref<160xi32, #tpu.memory_space<hbm>>
      %dma_start3A_160 = tpu.memref_slice %arg3[%add3A_38] : memref<81920xi32, #tpu.memory_space<hbm>> -> memref<160xi32, #tpu.memory_space<hbm>>
      tpu.enqueue_dma source(%dma_start3A_160 : memref<160xi32, #tpu.memory_space<hbm>>) target(%arg5 : memref<160xi32, #tpu.memory_space<vmem>>) target_semaphore(%run_scoped3A : memref<!tpu.dma_semaphore, #tpu.memory_space<semaphore_mem>>)
      %dma_wait3A_161 = tpu.memref_slice %arg3[%add3A_38] : memref<81920xi32, #tpu.memory_space<hbm>> -> memref<160xi32, #tpu.memory_space<hbm>>
      %dma_wait3A_162 = tpu.memref_slice %arg3[%add3A_38] : memref<81920xi32, #tpu.memory_space<hbm>> -> memref<160xi32, #tpu.memory_space<hbm>>
      tpu.wait_dma2 semaphore(%run_scoped3A : memref<!tpu.dma_semaphore, #tpu.memory_space<semaphore_mem>>) src(%dma_wait3A_162 : memref<160xi32, #tpu.memory_space<hbm>>) dst(%arg5 : memref<160xi32, #tpu.memory_space<vmem>>)
      tpu.yield
    }) : () -> ()
    %dma_start3A_39 = arith.constant 0 : i32
    %dma_start3A_40 = arith.constant 0 : i32
    %dma_start3A_41 = tpu.memref_slice %arg2[%dma_start3A_39, %dma_start3A_40] : memref<8192x256xf32, #tpu.memory_space<hbm>> -> memref<8192x256xf32, #tpu.memory_space<hbm>>
    tpu.enqueue_indirect_dma source(%dma_start3A_41 : memref<8192x256xf32, #tpu.memory_space<hbm>>) target(%arg6 : memref<160x256xf32, #tpu.memory_space<vmem>>) offsets(%arg5 : memref<160xi32, #tpu.memory_space<vmem>>) semaphore(%arg8 : memref<!tpu.dma_semaphore, #tpu.memory_space<semaphore_mem>>)
    %add3A_42 = arith.constant 480 : i32
    %add3A_43 = arith.addi %mul3A_2, %add3A_42 : i32
    "tpu.region"() ({
      %run_scoped3A = tpu.sem_alloc : memref<!tpu.dma_semaphore, #tpu.memory_space<semaphore_mem>>
      %dma_start3A_159 = arith.constant 0 : i32
      %dma_start3A_160 = tpu.memref_slice %arg4[%add3A_43, %dma_start3A_159] : memref<81920x256xf32, #tpu.memory_space<hbm>> -> memref<160x256xf32, #tpu.memory_space<hbm>>
      %dma_start3A_161 = arith.constant 0 : i32
      %dma_start3A_162 = tpu.memref_slice %arg4[%add3A_43, %dma_start3A_161] : memref<81920x256xf32, #tpu.memory_space<hbm>> -> memref<160x256xf32, #tpu.memory_space<hbm>>
      tpu.enqueue_dma source(%arg7 : memref<160x256xf32, #tpu.memory_space<vmem>>) target(%dma_start3A_162 : memref<160x256xf32, #tpu.memory_space<hbm>>) target_semaphore(%run_scoped3A : memref<!tpu.dma_semaphore, #tpu.memory_space<semaphore_mem>>)
      %dma_wait3A_163 = arith.constant 0 : i32
      %dma_wait3A_164 = tpu.memref_slice %arg4[%add3A_43, %dma_wait3A_163] : memref<81920x256xf32, #tpu.memory_space<hbm>> -> memref<160x256xf32, #tpu.memory_space<hbm>>
      %dma_wait3A_165 = arith.constant 0 : i32
      %dma_wait3A_166 = tpu.memref_slice %arg4[%add3A_43, %dma_wait3A_165] : memref<81920x256xf32, #tpu.memory_space<hbm>> -> memref<160x256xf32, #tpu.memory_space<hbm>>
      tpu.wait_dma2 semaphore(%run_scoped3A : memref<!tpu.dma_semaphore, #tpu.memory_space<semaphore_mem>>) src(%arg7 : memref<160x256xf32, #tpu.memory_space<vmem>>) dst(%dma_wait3A_166 : memref<160x256xf32, #tpu.memory_space<hbm>>)
      tpu.yield
    }) : () -> ()
    %dma_wait3A_44 = arith.constant 0 : i32
    %dma_wait3A_45 = arith.constant 0 : i32
    %dma_wait3A_46 = tpu.memref_slice %arg2[%dma_wait3A_44, %dma_wait3A_45] : memref<8192x256xf32, #tpu.memory_space<hbm>> -> memref<8192x256xf32, #tpu.memory_space<hbm>>
    tpu.wait_indirect_dma semaphore(%arg8 : memref<!tpu.dma_semaphore, #tpu.memory_space<semaphore_mem>>) src(%dma_wait3A_46 : memref<8192x256xf32, #tpu.memory_space<hbm>>) dst(%arg6 : memref<160x256xf32, #tpu.memory_space<vmem>>)
    %add3A_47 = arith.constant 800 : i32
    %add3A_48 = arith.addi %mul3A_2, %add3A_47 : i32
    "tpu.region"() ({
      %run_scoped3A = tpu.sem_alloc : memref<!tpu.dma_semaphore, #tpu.memory_space<semaphore_mem>>
      %dma_start3A_159 = tpu.memref_slice %arg3[%add3A_48] : memref<81920xi32, #tpu.memory_space<hbm>> -> memref<160xi32, #tpu.memory_space<hbm>>
      %dma_start3A_160 = tpu.memref_slice %arg3[%add3A_48] : memref<81920xi32, #tpu.memory_space<hbm>> -> memref<160xi32, #tpu.memory_space<hbm>>
      tpu.enqueue_dma source(%dma_start3A_160 : memref<160xi32, #tpu.memory_space<hbm>>) target(%arg5 : memref<160xi32, #tpu.memory_space<vmem>>) target_semaphore(%run_scoped3A : memref<!tpu.dma_semaphore, #tpu.memory_space<semaphore_mem>>)
      %dma_wait3A_161 = tpu.memref_slice %arg3[%add3A_48] : memref<81920xi32, #tpu.memory_space<hbm>> -> memref<160xi32, #tpu.memory_space<hbm>>
      %dma_wait3A_162 = tpu.memref_slice %arg3[%add3A_48] : memref<81920xi32, #tpu.memory_space<hbm>> -> memref<160xi32, #tpu.memory_space<hbm>>
      tpu.wait_dma2 semaphore(%run_scoped3A : memref<!tpu.dma_semaphore, #tpu.memory_space<semaphore_mem>>) src(%dma_wait3A_162 : memref<160xi32, #tpu.memory_space<hbm>>) dst(%arg5 : memref<160xi32, #tpu.memory_space<vmem>>)
      tpu.yield
    }) : () -> ()
    %dma_start3A_49 = arith.constant 0 : i32
    %dma_start3A_50 = arith.constant 0 : i32
    %dma_start3A_51 = tpu.memref_slice %arg2[%dma_start3A_49, %dma_start3A_50] : memref<8192x256xf32, #tpu.memory_space<hbm>> -> memref<8192x256xf32, #tpu.memory_space<hbm>>
    tpu.enqueue_indirect_dma source(%dma_start3A_51 : memref<8192x256xf32, #tpu.memory_space<hbm>>) target(%arg7 : memref<160x256xf32, #tpu.memory_space<vmem>>) offsets(%arg5 : memref<160xi32, #tpu.memory_space<vmem>>) semaphore(%arg9 : memref<!tpu.dma_semaphore, #tpu.memory_space<semaphore_mem>>)
    %add3A_52 = arith.constant 640 : i32
    %add3A_53 = arith.addi %mul3A_2, %add3A_52 : i32
    "tpu.region"() ({
      %run_scoped3A = tpu.sem_alloc : memref<!tpu.dma_semaphore, #tpu.memory_space<semaphore_mem>>
      %dma_start3A_159 = arith.constant 0 : i32
      %dma_start3A_160 = tpu.memref_slice %arg4[%add3A_53, %dma_start3A_159] : memref<81920x256xf32, #tpu.memory_space<hbm>> -> memref<160x256xf32, #tpu.memory_space<hbm>>
      %dma_start3A_161 = arith.constant 0 : i32
      %dma_start3A_162 = tpu.memref_slice %arg4[%add3A_53, %dma_start3A_161] : memref<81920x256xf32, #tpu.memory_space<hbm>> -> memref<160x256xf32, #tpu.memory_space<hbm>>
      tpu.enqueue_dma source(%arg6 : memref<160x256xf32, #tpu.memory_space<vmem>>) target(%dma_start3A_162 : memref<160x256xf32, #tpu.memory_space<hbm>>) target_semaphore(%run_scoped3A : memref<!tpu.dma_semaphore, #tpu.memory_space<semaphore_mem>>)
      %dma_wait3A_163 = arith.constant 0 : i32
      %dma_wait3A_164 = tpu.memref_slice %arg4[%add3A_53, %dma_wait3A_163] : memref<81920x256xf32, #tpu.memory_space<hbm>> -> memref<160x256xf32, #tpu.memory_space<hbm>>
      %dma_wait3A_165 = arith.constant 0 : i32
      %dma_wait3A_166 = tpu.memref_slice %arg4[%add3A_53, %dma_wait3A_165] : memref<81920x256xf32, #tpu.memory_space<hbm>> -> memref<160x256xf32, #tpu.memory_space<hbm>>
      tpu.wait_dma2 semaphore(%run_scoped3A : memref<!tpu.dma_semaphore, #tpu.memory_space<semaphore_mem>>) src(%arg6 : memref<160x256xf32, #tpu.memory_space<vmem>>) dst(%dma_wait3A_166 : memref<160x256xf32, #tpu.memory_space<hbm>>)
      tpu.yield
    }) : () -> ()
    %dma_wait3A_54 = arith.constant 0 : i32
    %dma_wait3A_55 = arith.constant 0 : i32
    %dma_wait3A_56 = tpu.memref_slice %arg2[%dma_wait3A_54, %dma_wait3A_55] : memref<8192x256xf32, #tpu.memory_space<hbm>> -> memref<8192x256xf32, #tpu.memory_space<hbm>>
    tpu.wait_indirect_dma semaphore(%arg9 : memref<!tpu.dma_semaphore, #tpu.memory_space<semaphore_mem>>) src(%dma_wait3A_56 : memref<8192x256xf32, #tpu.memory_space<hbm>>) dst(%arg7 : memref<160x256xf32, #tpu.memory_space<vmem>>)
    %add3A_57 = arith.constant 960 : i32
    %add3A_58 = arith.addi %mul3A_2, %add3A_57 : i32
    "tpu.region"() ({
      %run_scoped3A = tpu.sem_alloc : memref<!tpu.dma_semaphore, #tpu.memory_space<semaphore_mem>>
      %dma_start3A_159 = tpu.memref_slice %arg3[%add3A_58] : memref<81920xi32, #tpu.memory_space<hbm>> -> memref<160xi32, #tpu.memory_space<hbm>>
      %dma_start3A_160 = tpu.memref_slice %arg3[%add3A_58] : memref<81920xi32, #tpu.memory_space<hbm>> -> memref<160xi32, #tpu.memory_space<hbm>>
      tpu.enqueue_dma source(%dma_start3A_160 : memref<160xi32, #tpu.memory_space<hbm>>) target(%arg5 : memref<160xi32, #tpu.memory_space<vmem>>) target_semaphore(%run_scoped3A : memref<!tpu.dma_semaphore, #tpu.memory_space<semaphore_mem>>)
      %dma_wait3A_161 = tpu.memref_slice %arg3[%add3A_58] : memref<81920xi32, #tpu.memory_space<hbm>> -> memref<160xi32, #tpu.memory_space<hbm>>
      %dma_wait3A_162 = tpu.memref_slice %arg3[%add3A_58] : memref<81920xi32, #tpu.memory_space<hbm>> -> memref<160xi32, #tpu.memory_space<hbm>>
      tpu.wait_dma2 semaphore(%run_scoped3A : memref<!tpu.dma_semaphore, #tpu.memory_space<semaphore_mem>>) src(%dma_wait3A_162 : memref<160xi32, #tpu.memory_space<hbm>>) dst(%arg5 : memref<160xi32, #tpu.memory_space<vmem>>)
      tpu.yield
    }) : () -> ()
    %dma_start3A_59 = arith.constant 0 : i32
    %dma_start3A_60 = arith.constant 0 : i32
    %dma_start3A_61 = tpu.memref_slice %arg2[%dma_start3A_59, %dma_start3A_60] : memref<8192x256xf32, #tpu.memory_space<hbm>> -> memref<8192x256xf32, #tpu.memory_space<hbm>>
    tpu.enqueue_indirect_dma source(%dma_start3A_61 : memref<8192x256xf32, #tpu.memory_space<hbm>>) target(%arg6 : memref<160x256xf32, #tpu.memory_space<vmem>>) offsets(%arg5 : memref<160xi32, #tpu.memory_space<vmem>>) semaphore(%arg8 : memref<!tpu.dma_semaphore, #tpu.memory_space<semaphore_mem>>)
    %add3A_62 = arith.constant 800 : i32
    %add3A_63 = arith.addi %mul3A_2, %add3A_62 : i32
    "tpu.region"() ({
      %run_scoped3A = tpu.sem_alloc : memref<!tpu.dma_semaphore, #tpu.memory_space<semaphore_mem>>
      %dma_start3A_159 = arith.constant 0 : i32
      %dma_start3A_160 = tpu.memref_slice %arg4[%add3A_63, %dma_start3A_159] : memref<81920x256xf32, #tpu.memory_space<hbm>> -> memref<160x256xf32, #tpu.memory_space<hbm>>
      %dma_start3A_161 = arith.constant 0 : i32
      %dma_start3A_162 = tpu.memref_slice %arg4[%add3A_63, %dma_start3A_161] : memref<81920x256xf32, #tpu.memory_space<hbm>> -> memref<160x256xf32, #tpu.memory_space<hbm>>
      tpu.enqueue_dma source(%arg7 : memref<160x256xf32, #tpu.memory_space<vmem>>) target(%dma_start3A_162 : memref<160x256xf32, #tpu.memory_space<hbm>>) target_semaphore(%run_scoped3A : memref<!tpu.dma_semaphore, #tpu.memory_space<semaphore_mem>>)
      %dma_wait3A_163 = arith.constant 0 : i32
      %dma_wait3A_164 = tpu.memref_slice %arg4[%add3A_63, %dma_wait3A_163] : memref<81920x256xf32, #tpu.memory_space<hbm>> -> memref<160x256xf32, #tpu.memory_space<hbm>>
      %dma_wait3A_165 = arith.constant 0 : i32
      %dma_wait3A_166 = tpu.memref_slice %arg4[%add3A_63, %dma_wait3A_165] : memref<81920x256xf32, #tpu.memory_space<hbm>> -> memref<160x256xf32, #tpu.memory_space<hbm>>
      tpu.wait_dma2 semaphore(%run_scoped3A : memref<!tpu.dma_semaphore, #tpu.memory_space<semaphore_mem>>) src(%arg7 : memref<160x256xf32, #tpu.memory_space<vmem>>) dst(%dma_wait3A_166 : memref<160x256xf32, #tpu.memory_space<hbm>>)
      tpu.yield
    }) : () -> ()
    %dma_wait3A_64 = arith.constant 0 : i32
    %dma_wait3A_65 = arith.constant 0 : i32
    %dma_wait3A_66 = tpu.memref_slice %arg2[%dma_wait3A_64, %dma_wait3A_65] : memref<8192x256xf32, #tpu.memory_space<hbm>> -> memref<8192x256xf32, #tpu.memory_space<hbm>>
    tpu.wait_indirect_dma semaphore(%arg8 : memref<!tpu.dma_semaphore, #tpu.memory_space<semaphore_mem>>) src(%dma_wait3A_66 : memref<8192x256xf32, #tpu.memory_space<hbm>>) dst(%arg6 : memref<160x256xf32, #tpu.memory_space<vmem>>)
    %add3A_67 = arith.constant 1120 : i32
    %add3A_68 = arith.addi %mul3A_2, %add3A_67 : i32
    "tpu.region"() ({
      %run_scoped3A = tpu.sem_alloc : memref<!tpu.dma_semaphore, #tpu.memory_space<semaphore_mem>>
      %dma_start3A_159 = tpu.memref_slice %arg3[%add3A_68] : memref<81920xi32, #tpu.memory_space<hbm>> -> memref<160xi32, #tpu.memory_space<hbm>>
      %dma_start3A_160 = tpu.memref_slice %arg3[%add3A_68] : memref<81920xi32, #tpu.memory_space<hbm>> -> memref<160xi32, #tpu.memory_space<hbm>>
      tpu.enqueue_dma source(%dma_start3A_160 : memref<160xi32, #tpu.memory_space<hbm>>) target(%arg5 : memref<160xi32, #tpu.memory_space<vmem>>) target_semaphore(%run_scoped3A : memref<!tpu.dma_semaphore, #tpu.memory_space<semaphore_mem>>)
      %dma_wait3A_161 = tpu.memref_slice %arg3[%add3A_68] : memref<81920xi32, #tpu.memory_space<hbm>> -> memref<160xi32, #tpu.memory_space<hbm>>
      %dma_wait3A_162 = tpu.memref_slice %arg3[%add3A_68] : memref<81920xi32, #tpu.memory_space<hbm>> -> memref<160xi32, #tpu.memory_space<hbm>>
      tpu.wait_dma2 semaphore(%run_scoped3A : memref<!tpu.dma_semaphore, #tpu.memory_space<semaphore_mem>>) src(%dma_wait3A_162 : memref<160xi32, #tpu.memory_space<hbm>>) dst(%arg5 : memref<160xi32, #tpu.memory_space<vmem>>)
      tpu.yield
    }) : () -> ()
    %dma_start3A_69 = arith.constant 0 : i32
    %dma_start3A_70 = arith.constant 0 : i32
    %dma_start3A_71 = tpu.memref_slice %arg2[%dma_start3A_69, %dma_start3A_70] : memref<8192x256xf32, #tpu.memory_space<hbm>> -> memref<8192x256xf32, #tpu.memory_space<hbm>>
    tpu.enqueue_indirect_dma source(%dma_start3A_71 : memref<8192x256xf32, #tpu.memory_space<hbm>>) target(%arg7 : memref<160x256xf32, #tpu.memory_space<vmem>>) offsets(%arg5 : memref<160xi32, #tpu.memory_space<vmem>>) semaphore(%arg9 : memref<!tpu.dma_semaphore, #tpu.memory_space<semaphore_mem>>)
    %add3A_72 = arith.constant 960 : i32
    %add3A_73 = arith.addi %mul3A_2, %add3A_72 : i32
    "tpu.region"() ({
      %run_scoped3A = tpu.sem_alloc : memref<!tpu.dma_semaphore, #tpu.memory_space<semaphore_mem>>
      %dma_start3A_159 = arith.constant 0 : i32
      %dma_start3A_160 = tpu.memref_slice %arg4[%add3A_73, %dma_start3A_159] : memref<81920x256xf32, #tpu.memory_space<hbm>> -> memref<160x256xf32, #tpu.memory_space<hbm>>
      %dma_start3A_161 = arith.constant 0 : i32
      %dma_start3A_162 = tpu.memref_slice %arg4[%add3A_73, %dma_start3A_161] : memref<81920x256xf32, #tpu.memory_space<hbm>> -> memref<160x256xf32, #tpu.memory_space<hbm>>
      tpu.enqueue_dma source(%arg6 : memref<160x256xf32, #tpu.memory_space<vmem>>) target(%dma_start3A_162 : memref<160x256xf32, #tpu.memory_space<hbm>>) target_semaphore(%run_scoped3A : memref<!tpu.dma_semaphore, #tpu.memory_space<semaphore_mem>>)
      %dma_wait3A_163 = arith.constant 0 : i32
      %dma_wait3A_164 = tpu.memref_slice %arg4[%add3A_73, %dma_wait3A_163] : memref<81920x256xf32, #tpu.memory_space<hbm>> -> memref<160x256xf32, #tpu.memory_space<hbm>>
      %dma_wait3A_165 = arith.constant 0 : i32
      %dma_wait3A_166 = tpu.memref_slice %arg4[%add3A_73, %dma_wait3A_165] : memref<81920x256xf32, #tpu.memory_space<hbm>> -> memref<160x256xf32, #tpu.memory_space<hbm>>
      tpu.wait_dma2 semaphore(%run_scoped3A : memref<!tpu.dma_semaphore, #tpu.memory_space<semaphore_mem>>) src(%arg6 : memref<160x256xf32, #tpu.memory_space<vmem>>) dst(%dma_wait3A_166 : memref<160x256xf32, #tpu.memory_space<hbm>>)
      tpu.yield
    }) : () -> ()
    %dma_wait3A_74 = arith.constant 0 : i32
    %dma_wait3A_75 = arith.constant 0 : i32
    %dma_wait3A_76 = tpu.memref_slice %arg2[%dma_wait3A_74, %dma_wait3A_75] : memref<8192x256xf32, #tpu.memory_space<hbm>> -> memref<8192x256xf32, #tpu.memory_space<hbm>>
    tpu.wait_indirect_dma semaphore(%arg9 : memref<!tpu.dma_semaphore, #tpu.memory_space<semaphore_mem>>) src(%dma_wait3A_76 : memref<8192x256xf32, #tpu.memory_space<hbm>>) dst(%arg7 : memref<160x256xf32, #tpu.memory_space<vmem>>)
    %add3A_77 = arith.constant 1280 : i32
    %add3A_78 = arith.addi %mul3A_2, %add3A_77 : i32
    "tpu.region"() ({
      %run_scoped3A = tpu.sem_alloc : memref<!tpu.dma_semaphore, #tpu.memory_space<semaphore_mem>>
      %dma_start3A_159 = tpu.memref_slice %arg3[%add3A_78] : memref<81920xi32, #tpu.memory_space<hbm>> -> memref<160xi32, #tpu.memory_space<hbm>>
      %dma_start3A_160 = tpu.memref_slice %arg3[%add3A_78] : memref<81920xi32, #tpu.memory_space<hbm>> -> memref<160xi32, #tpu.memory_space<hbm>>
      tpu.enqueue_dma source(%dma_start3A_160 : memref<160xi32, #tpu.memory_space<hbm>>) target(%arg5 : memref<160xi32, #tpu.memory_space<vmem>>) target_semaphore(%run_scoped3A : memref<!tpu.dma_semaphore, #tpu.memory_space<semaphore_mem>>)
      %dma_wait3A_161 = tpu.memref_slice %arg3[%add3A_78] : memref<81920xi32, #tpu.memory_space<hbm>> -> memref<160xi32, #tpu.memory_space<hbm>>
      %dma_wait3A_162 = tpu.memref_slice %arg3[%add3A_78] : memref<81920xi32, #tpu.memory_space<hbm>> -> memref<160xi32, #tpu.memory_space<hbm>>
      tpu.wait_dma2 semaphore(%run_scoped3A : memref<!tpu.dma_semaphore, #tpu.memory_space<semaphore_mem>>) src(%dma_wait3A_162 : memref<160xi32, #tpu.memory_space<hbm>>) dst(%arg5 : memref<160xi32, #tpu.memory_space<vmem>>)
      tpu.yield
    }) : () -> ()
    %dma_start3A_79 = arith.constant 0 : i32
    %dma_start3A_80 = arith.constant 0 : i32
    %dma_start3A_81 = tpu.memref_slice %arg2[%dma_start3A_79, %dma_start3A_80] : memref<8192x256xf32, #tpu.memory_space<hbm>> -> memref<8192x256xf32, #tpu.memory_space<hbm>>
    tpu.enqueue_indirect_dma source(%dma_start3A_81 : memref<8192x256xf32, #tpu.memory_space<hbm>>) target(%arg6 : memref<160x256xf32, #tpu.memory_space<vmem>>) offsets(%arg5 : memref<160xi32, #tpu.memory_space<vmem>>) semaphore(%arg8 : memref<!tpu.dma_semaphore, #tpu.memory_space<semaphore_mem>>)
    %add3A_82 = arith.constant 1120 : i32
    %add3A_83 = arith.addi %mul3A_2, %add3A_82 : i32
    "tpu.region"() ({
      %run_scoped3A = tpu.sem_alloc : memref<!tpu.dma_semaphore, #tpu.memory_space<semaphore_mem>>
      %dma_start3A_159 = arith.constant 0 : i32
      %dma_start3A_160 = tpu.memref_slice %arg4[%add3A_83, %dma_start3A_159] : memref<81920x256xf32, #tpu.memory_space<hbm>> -> memref<160x256xf32, #tpu.memory_space<hbm>>
      %dma_start3A_161 = arith.constant 0 : i32
      %dma_start3A_162 = tpu.memref_slice %arg4[%add3A_83, %dma_start3A_161] : memref<81920x256xf32, #tpu.memory_space<hbm>> -> memref<160x256xf32, #tpu.memory_space<hbm>>
      tpu.enqueue_dma source(%arg7 : memref<160x256xf32, #tpu.memory_space<vmem>>) target(%dma_start3A_162 : memref<160x256xf32, #tpu.memory_space<hbm>>) target_semaphore(%run_scoped3A : memref<!tpu.dma_semaphore, #tpu.memory_space<semaphore_mem>>)
      %dma_wait3A_163 = arith.constant 0 : i32
      %dma_wait3A_164 = tpu.memref_slice %arg4[%add3A_83, %dma_wait3A_163] : memref<81920x256xf32, #tpu.memory_space<hbm>> -> memref<160x256xf32, #tpu.memory_space<hbm>>
      %dma_wait3A_165 = arith.constant 0 : i32
      %dma_wait3A_166 = tpu.memref_slice %arg4[%add3A_83, %dma_wait3A_165] : memref<81920x256xf32, #tpu.memory_space<hbm>> -> memref<160x256xf32, #tpu.memory_space<hbm>>
      tpu.wait_dma2 semaphore(%run_scoped3A : memref<!tpu.dma_semaphore, #tpu.memory_space<semaphore_mem>>) src(%arg7 : memref<160x256xf32, #tpu.memory_space<vmem>>) dst(%dma_wait3A_166 : memref<160x256xf32, #tpu.memory_space<hbm>>)
      tpu.yield
    }) : () -> ()
    %dma_wait3A_84 = arith.constant 0 : i32
    %dma_wait3A_85 = arith.constant 0 : i32
    %dma_wait3A_86 = tpu.memref_slice %arg2[%dma_wait3A_84, %dma_wait3A_85] : memref<8192x256xf32, #tpu.memory_space<hbm>> -> memref<8192x256xf32, #tpu.memory_space<hbm>>
    tpu.wait_indirect_dma semaphore(%arg8 : memref<!tpu.dma_semaphore, #tpu.memory_space<semaphore_mem>>) src(%dma_wait3A_86 : memref<8192x256xf32, #tpu.memory_space<hbm>>) dst(%arg6 : memref<160x256xf32, #tpu.memory_space<vmem>>)
    %add3A_87 = arith.constant 1440 : i32
    %add3A_88 = arith.addi %mul3A_2, %add3A_87 : i32
    "tpu.region"() ({
      %run_scoped3A = tpu.sem_alloc : memref<!tpu.dma_semaphore, #tpu.memory_space<semaphore_mem>>
      %dma_start3A_159 = tpu.memref_slice %arg3[%add3A_88] : memref<81920xi32, #tpu.memory_space<hbm>> -> memref<160xi32, #tpu.memory_space<hbm>>
      %dma_start3A_160 = tpu.memref_slice %arg3[%add3A_88] : memref<81920xi32, #tpu.memory_space<hbm>> -> memref<160xi32, #tpu.memory_space<hbm>>
      tpu.enqueue_dma source(%dma_start3A_160 : memref<160xi32, #tpu.memory_space<hbm>>) target(%arg5 : memref<160xi32, #tpu.memory_space<vmem>>) target_semaphore(%run_scoped3A : memref<!tpu.dma_semaphore, #tpu.memory_space<semaphore_mem>>)
      %dma_wait3A_161 = tpu.memref_slice %arg3[%add3A_88] : memref<81920xi32, #tpu.memory_space<hbm>> -> memref<160xi32, #tpu.memory_space<hbm>>
      %dma_wait3A_162 = tpu.memref_slice %arg3[%add3A_88] : memref<81920xi32, #tpu.memory_space<hbm>> -> memref<160xi32, #tpu.memory_space<hbm>>
      tpu.wait_dma2 semaphore(%run_scoped3A : memref<!tpu.dma_semaphore, #tpu.memory_space<semaphore_mem>>) src(%dma_wait3A_162 : memref<160xi32, #tpu.memory_space<hbm>>) dst(%arg5 : memref<160xi32, #tpu.memory_space<vmem>>)
      tpu.yield
    }) : () -> ()
    %dma_start3A_89 = arith.constant 0 : i32
    %dma_start3A_90 = arith.constant 0 : i32
    %dma_start3A_91 = tpu.memref_slice %arg2[%dma_start3A_89, %dma_start3A_90] : memref<8192x256xf32, #tpu.memory_space<hbm>> -> memref<8192x256xf32, #tpu.memory_space<hbm>>
    tpu.enqueue_indirect_dma source(%dma_start3A_91 : memref<8192x256xf32, #tpu.memory_space<hbm>>) target(%arg7 : memref<160x256xf32, #tpu.memory_space<vmem>>) offsets(%arg5 : memref<160xi32, #tpu.memory_space<vmem>>) semaphore(%arg9 : memref<!tpu.dma_semaphore, #tpu.memory_space<semaphore_mem>>)
    %add3A_92 = arith.constant 1280 : i32
    %add3A_93 = arith.addi %mul3A_2, %add3A_92 : i32
    "tpu.region"() ({
      %run_scoped3A = tpu.sem_alloc : memref<!tpu.dma_semaphore, #tpu.memory_space<semaphore_mem>>
      %dma_start3A_159 = arith.constant 0 : i32
      %dma_start3A_160 = tpu.memref_slice %arg4[%add3A_93, %dma_start3A_159] : memref<81920x256xf32, #tpu.memory_space<hbm>> -> memref<160x256xf32, #tpu.memory_space<hbm>>
      %dma_start3A_161 = arith.constant 0 : i32
      %dma_start3A_162 = tpu.memref_slice %arg4[%add3A_93, %dma_start3A_161] : memref<81920x256xf32, #tpu.memory_space<hbm>> -> memref<160x256xf32, #tpu.memory_space<hbm>>
      tpu.enqueue_dma source(%arg6 : memref<160x256xf32, #tpu.memory_space<vmem>>) target(%dma_start3A_162 : memref<160x256xf32, #tpu.memory_space<hbm>>) target_semaphore(%run_scoped3A : memref<!tpu.dma_semaphore, #tpu.memory_space<semaphore_mem>>)
      %dma_wait3A_163 = arith.constant 0 : i32
      %dma_wait3A_164 = tpu.memref_slice %arg4[%add3A_93, %dma_wait3A_163] : memref<81920x256xf32, #tpu.memory_space<hbm>> -> memref<160x256xf32, #tpu.memory_space<hbm>>
      %dma_wait3A_165 = arith.constant 0 : i32
      %dma_wait3A_166 = tpu.memref_slice %arg4[%add3A_93, %dma_wait3A_165] : memref<81920x256xf32, #tpu.memory_space<hbm>> -> memref<160x256xf32, #tpu.memory_space<hbm>>
      tpu.wait_dma2 semaphore(%run_scoped3A : memref<!tpu.dma_semaphore, #tpu.memory_space<semaphore_mem>>) src(%arg6 : memref<160x256xf32, #tpu.memory_space<vmem>>) dst(%dma_wait3A_166 : memref<160x256xf32, #tpu.memory_space<hbm>>)
      tpu.yield
    }) : () -> ()
    %dma_wait3A_94 = arith.constant 0 : i32
    %dma_wait3A_95 = arith.constant 0 : i32
    %dma_wait3A_96 = tpu.memref_slice %arg2[%dma_wait3A_94, %dma_wait3A_95] : memref<8192x256xf32, #tpu.memory_space<hbm>> -> memref<8192x256xf32, #tpu.memory_space<hbm>>
    tpu.wait_indirect_dma semaphore(%arg9 : memref<!tpu.dma_semaphore, #tpu.memory_space<semaphore_mem>>) src(%dma_wait3A_96 : memref<8192x256xf32, #tpu.memory_space<hbm>>) dst(%arg7 : memref<160x256xf32, #tpu.memory_space<vmem>>)
    %add3A_97 = arith.constant 1600 : i32
    %add3A_98 = arith.addi %mul3A_2, %add3A_97 : i32
    "tpu.region"() ({
      %run_scoped3A = tpu.sem_alloc : memref<!tpu.dma_semaphore, #tpu.memory_space<semaphore_mem>>
      %dma_start3A_159 = tpu.memref_slice %arg3[%add3A_98] : memref<81920xi32, #tpu.memory_space<hbm>> -> memref<160xi32, #tpu.memory_space<hbm>>
      %dma_start3A_160 = tpu.memref_slice %arg3[%add3A_98] : memref<81920xi32, #tpu.memory_space<hbm>> -> memref<160xi32, #tpu.memory_space<hbm>>
      tpu.enqueue_dma source(%dma_start3A_160 : memref<160xi32, #tpu.memory_space<hbm>>) target(%arg5 : memref<160xi32, #tpu.memory_space<vmem>>) target_semaphore(%run_scoped3A : memref<!tpu.dma_semaphore, #tpu.memory_space<semaphore_mem>>)
      %dma_wait3A_161 = tpu.memref_slice %arg3[%add3A_98] : memref<81920xi32, #tpu.memory_space<hbm>> -> memref<160xi32, #tpu.memory_space<hbm>>
      %dma_wait3A_162 = tpu.memref_slice %arg3[%add3A_98] : memref<81920xi32, #tpu.memory_space<hbm>> -> memref<160xi32, #tpu.memory_space<hbm>>
      tpu.wait_dma2 semaphore(%run_scoped3A : memref<!tpu.dma_semaphore, #tpu.memory_space<semaphore_mem>>) src(%dma_wait3A_162 : memref<160xi32, #tpu.memory_space<hbm>>) dst(%arg5 : memref<160xi32, #tpu.memory_space<vmem>>)
      tpu.yield
    }) : () -> ()
    %dma_start3A_99 = arith.constant 0 : i32
    %dma_start3A_100 = arith.constant 0 : i32
    %dma_start3A_101 = tpu.memref_slice %arg2[%dma_start3A_99, %dma_start3A_100] : memref<8192x256xf32, #tpu.memory_space<hbm>> -> memref<8192x256xf32, #tpu.memory_space<hbm>>
    tpu.enqueue_indirect_dma source(%dma_start3A_101 : memref<8192x256xf32, #tpu.memory_space<hbm>>) target(%arg6 : memref<160x256xf32, #tpu.memory_space<vmem>>) offsets(%arg5 : memref<160xi32, #tpu.memory_space<vmem>>) semaphore(%arg8 : memref<!tpu.dma_semaphore, #tpu.memory_space<semaphore_mem>>)
    %add3A_102 = arith.constant 1440 : i32
    %add3A_103 = arith.addi %mul3A_2, %add3A_102 : i32
    "tpu.region"() ({
      %run_scoped3A = tpu.sem_alloc : memref<!tpu.dma_semaphore, #tpu.memory_space<semaphore_mem>>
      %dma_start3A_159 = arith.constant 0 : i32
      %dma_start3A_160 = tpu.memref_slice %arg4[%add3A_103, %dma_start3A_159] : memref<81920x256xf32, #tpu.memory_space<hbm>> -> memref<160x256xf32, #tpu.memory_space<hbm>>
      %dma_start3A_161 = arith.constant 0 : i32
      %dma_start3A_162 = tpu.memref_slice %arg4[%add3A_103, %dma_start3A_161] : memref<81920x256xf32, #tpu.memory_space<hbm>> -> memref<160x256xf32, #tpu.memory_space<hbm>>
      tpu.enqueue_dma source(%arg7 : memref<160x256xf32, #tpu.memory_space<vmem>>) target(%dma_start3A_162 : memref<160x256xf32, #tpu.memory_space<hbm>>) target_semaphore(%run_scoped3A : memref<!tpu.dma_semaphore, #tpu.memory_space<semaphore_mem>>)
      %dma_wait3A_163 = arith.constant 0 : i32
      %dma_wait3A_164 = tpu.memref_slice %arg4[%add3A_103, %dma_wait3A_163] : memref<81920x256xf32, #tpu.memory_space<hbm>> -> memref<160x256xf32, #tpu.memory_space<hbm>>
      %dma_wait3A_165 = arith.constant 0 : i32
      %dma_wait3A_166 = tpu.memref_slice %arg4[%add3A_103, %dma_wait3A_165] : memref<81920x256xf32, #tpu.memory_space<hbm>> -> memref<160x256xf32, #tpu.memory_space<hbm>>
      tpu.wait_dma2 semaphore(%run_scoped3A : memref<!tpu.dma_semaphore, #tpu.memory_space<semaphore_mem>>) src(%arg7 : memref<160x256xf32, #tpu.memory_space<vmem>>) dst(%dma_wait3A_166 : memref<160x256xf32, #tpu.memory_space<hbm>>)
      tpu.yield
    }) : () -> ()
    %dma_wait3A_104 = arith.constant 0 : i32
    %dma_wait3A_105 = arith.constant 0 : i32
    %dma_wait3A_106 = tpu.memref_slice %arg2[%dma_wait3A_104, %dma_wait3A_105] : memref<8192x256xf32, #tpu.memory_space<hbm>> -> memref<8192x256xf32, #tpu.memory_space<hbm>>
    tpu.wait_indirect_dma semaphore(%arg8 : memref<!tpu.dma_semaphore, #tpu.memory_space<semaphore_mem>>) src(%dma_wait3A_106 : memref<8192x256xf32, #tpu.memory_space<hbm>>) dst(%arg6 : memref<160x256xf32, #tpu.memory_space<vmem>>)
    %add3A_107 = arith.constant 1760 : i32
    %add3A_108 = arith.addi %mul3A_2, %add3A_107 : i32
    "tpu.region"() ({
      %run_scoped3A = tpu.sem_alloc : memref<!tpu.dma_semaphore, #tpu.memory_space<semaphore_mem>>
      %dma_start3A_159 = tpu.memref_slice %arg3[%add3A_108] : memref<81920xi32, #tpu.memory_space<hbm>> -> memref<160xi32, #tpu.memory_space<hbm>>
      %dma_start3A_160 = tpu.memref_slice %arg3[%add3A_108] : memref<81920xi32, #tpu.memory_space<hbm>> -> memref<160xi32, #tpu.memory_space<hbm>>
      tpu.enqueue_dma source(%dma_start3A_160 : memref<160xi32, #tpu.memory_space<hbm>>) target(%arg5 : memref<160xi32, #tpu.memory_space<vmem>>) target_semaphore(%run_scoped3A : memref<!tpu.dma_semaphore, #tpu.memory_space<semaphore_mem>>)
      %dma_wait3A_161 = tpu.memref_slice %arg3[%add3A_108] : memref<81920xi32, #tpu.memory_space<hbm>> -> memref<160xi32, #tpu.memory_space<hbm>>
      %dma_wait3A_162 = tpu.memref_slice %arg3[%add3A_108] : memref<81920xi32, #tpu.memory_space<hbm>> -> memref<160xi32, #tpu.memory_space<hbm>>
      tpu.wait_dma2 semaphore(%run_scoped3A : memref<!tpu.dma_semaphore, #tpu.memory_space<semaphore_mem>>) src(%dma_wait3A_162 : memref<160xi32, #tpu.memory_space<hbm>>) dst(%arg5 : memref<160xi32, #tpu.memory_space<vmem>>)
      tpu.yield
    }) : () -> ()
    %dma_start3A_109 = arith.constant 0 : i32
    %dma_start3A_110 = arith.constant 0 : i32
    %dma_start3A_111 = tpu.memref_slice %arg2[%dma_start3A_109, %dma_start3A_110] : memref<8192x256xf32, #tpu.memory_space<hbm>> -> memref<8192x256xf32, #tpu.memory_space<hbm>>
    tpu.enqueue_indirect_dma source(%dma_start3A_111 : memref<8192x256xf32, #tpu.memory_space<hbm>>) target(%arg7 : memref<160x256xf32, #tpu.memory_space<vmem>>) offsets(%arg5 : memref<160xi32, #tpu.memory_space<vmem>>) semaphore(%arg9 : memref<!tpu.dma_semaphore, #tpu.memory_space<semaphore_mem>>)
    %add3A_112 = arith.constant 1600 : i32
    %add3A_113 = arith.addi %mul3A_2, %add3A_112 : i32
    "tpu.region"() ({
      %run_scoped3A = tpu.sem_alloc : memref<!tpu.dma_semaphore, #tpu.memory_space<semaphore_mem>>
      %dma_start3A_159 = arith.constant 0 : i32
      %dma_start3A_160 = tpu.memref_slice %arg4[%add3A_113, %dma_start3A_159] : memref<81920x256xf32, #tpu.memory_space<hbm>> -> memref<160x256xf32, #tpu.memory_space<hbm>>
      %dma_start3A_161 = arith.constant 0 : i32
      %dma_start3A_162 = tpu.memref_slice %arg4[%add3A_113, %dma_start3A_161] : memref<81920x256xf32, #tpu.memory_space<hbm>> -> memref<160x256xf32, #tpu.memory_space<hbm>>
      tpu.enqueue_dma source(%arg6 : memref<160x256xf32, #tpu.memory_space<vmem>>) target(%dma_start3A_162 : memref<160x256xf32, #tpu.memory_space<hbm>>) target_semaphore(%run_scoped3A : memref<!tpu.dma_semaphore, #tpu.memory_space<semaphore_mem>>)
      %dma_wait3A_163 = arith.constant 0 : i32
      %dma_wait3A_164 = tpu.memref_slice %arg4[%add3A_113, %dma_wait3A_163] : memref<81920x256xf32, #tpu.memory_space<hbm>> -> memref<160x256xf32, #tpu.memory_space<hbm>>
      %dma_wait3A_165 = arith.constant 0 : i32
      %dma_wait3A_166 = tpu.memref_slice %arg4[%add3A_113, %dma_wait3A_165] : memref<81920x256xf32, #tpu.memory_space<hbm>> -> memref<160x256xf32, #tpu.memory_space<hbm>>
      tpu.wait_dma2 semaphore(%run_scoped3A : memref<!tpu.dma_semaphore, #tpu.memory_space<semaphore_mem>>) src(%arg6 : memref<160x256xf32, #tpu.memory_space<vmem>>) dst(%dma_wait3A_166 : memref<160x256xf32, #tpu.memory_space<hbm>>)
      tpu.yield
    }) : () -> ()
    %dma_wait3A_114 = arith.constant 0 : i32
    %dma_wait3A_115 = arith.constant 0 : i32
    %dma_wait3A_116 = tpu.memref_slice %arg2[%dma_wait3A_114, %dma_wait3A_115] : memref<8192x256xf32, #tpu.memory_space<hbm>> -> memref<8192x256xf32, #tpu.memory_space<hbm>>
    tpu.wait_indirect_dma semaphore(%arg9 : memref<!tpu.dma_semaphore, #tpu.memory_space<semaphore_mem>>) src(%dma_wait3A_116 : memref<8192x256xf32, #tpu.memory_space<hbm>>) dst(%arg7 : memref<160x256xf32, #tpu.memory_space<vmem>>)
    %add3A_117 = arith.constant 1920 : i32
    %add3A_118 = arith.addi %mul3A_2, %add3A_117 : i32
    "tpu.region"() ({
      %run_scoped3A = tpu.sem_alloc : memref<!tpu.dma_semaphore, #tpu.memory_space<semaphore_mem>>
      %dma_start3A_159 = tpu.memref_slice %arg3[%add3A_118] : memref<81920xi32, #tpu.memory_space<hbm>> -> memref<160xi32, #tpu.memory_space<hbm>>
      %dma_start3A_160 = tpu.memref_slice %arg3[%add3A_118] : memref<81920xi32, #tpu.memory_space<hbm>> -> memref<160xi32, #tpu.memory_space<hbm>>
      tpu.enqueue_dma source(%dma_start3A_160 : memref<160xi32, #tpu.memory_space<hbm>>) target(%arg5 : memref<160xi32, #tpu.memory_space<vmem>>) target_semaphore(%run_scoped3A : memref<!tpu.dma_semaphore, #tpu.memory_space<semaphore_mem>>)
      %dma_wait3A_161 = tpu.memref_slice %arg3[%add3A_118] : memref<81920xi32, #tpu.memory_space<hbm>> -> memref<160xi32, #tpu.memory_space<hbm>>
      %dma_wait3A_162 = tpu.memref_slice %arg3[%add3A_118] : memref<81920xi32, #tpu.memory_space<hbm>> -> memref<160xi32, #tpu.memory_space<hbm>>
      tpu.wait_dma2 semaphore(%run_scoped3A : memref<!tpu.dma_semaphore, #tpu.memory_space<semaphore_mem>>) src(%dma_wait3A_162 : memref<160xi32, #tpu.memory_space<hbm>>) dst(%arg5 : memref<160xi32, #tpu.memory_space<vmem>>)
      tpu.yield
    }) : () -> ()
    %dma_start3A_119 = arith.constant 0 : i32
    %dma_start3A_120 = arith.constant 0 : i32
    %dma_start3A_121 = tpu.memref_slice %arg2[%dma_start3A_119, %dma_start3A_120] : memref<8192x256xf32, #tpu.memory_space<hbm>> -> memref<8192x256xf32, #tpu.memory_space<hbm>>
    tpu.enqueue_indirect_dma source(%dma_start3A_121 : memref<8192x256xf32, #tpu.memory_space<hbm>>) target(%arg6 : memref<160x256xf32, #tpu.memory_space<vmem>>) offsets(%arg5 : memref<160xi32, #tpu.memory_space<vmem>>) semaphore(%arg8 : memref<!tpu.dma_semaphore, #tpu.memory_space<semaphore_mem>>)
    %add3A_122 = arith.constant 1760 : i32
    %add3A_123 = arith.addi %mul3A_2, %add3A_122 : i32
    "tpu.region"() ({
      %run_scoped3A = tpu.sem_alloc : memref<!tpu.dma_semaphore, #tpu.memory_space<semaphore_mem>>
      %dma_start3A_159 = arith.constant 0 : i32
      %dma_start3A_160 = tpu.memref_slice %arg4[%add3A_123, %dma_start3A_159] : memref<81920x256xf32, #tpu.memory_space<hbm>> -> memref<160x256xf32, #tpu.memory_space<hbm>>
      %dma_start3A_161 = arith.constant 0 : i32
      %dma_start3A_162 = tpu.memref_slice %arg4[%add3A_123, %dma_start3A_161] : memref<81920x256xf32, #tpu.memory_space<hbm>> -> memref<160x256xf32, #tpu.memory_space<hbm>>
      tpu.enqueue_dma source(%arg7 : memref<160x256xf32, #tpu.memory_space<vmem>>) target(%dma_start3A_162 : memref<160x256xf32, #tpu.memory_space<hbm>>) target_semaphore(%run_scoped3A : memref<!tpu.dma_semaphore, #tpu.memory_space<semaphore_mem>>)
      %dma_wait3A_163 = arith.constant 0 : i32
      %dma_wait3A_164 = tpu.memref_slice %arg4[%add3A_123, %dma_wait3A_163] : memref<81920x256xf32, #tpu.memory_space<hbm>> -> memref<160x256xf32, #tpu.memory_space<hbm>>
      %dma_wait3A_165 = arith.constant 0 : i32
      %dma_wait3A_166 = tpu.memref_slice %arg4[%add3A_123, %dma_wait3A_165] : memref<81920x256xf32, #tpu.memory_space<hbm>> -> memref<160x256xf32, #tpu.memory_space<hbm>>
      tpu.wait_dma2 semaphore(%run_scoped3A : memref<!tpu.dma_semaphore, #tpu.memory_space<semaphore_mem>>) src(%arg7 : memref<160x256xf32, #tpu.memory_space<vmem>>) dst(%dma_wait3A_166 : memref<160x256xf32, #tpu.memory_space<hbm>>)
      tpu.yield
    }) : () -> ()
    %dma_wait3A_124 = arith.constant 0 : i32
    %dma_wait3A_125 = arith.constant 0 : i32
    %dma_wait3A_126 = tpu.memref_slice %arg2[%dma_wait3A_124, %dma_wait3A_125] : memref<8192x256xf32, #tpu.memory_space<hbm>> -> memref<8192x256xf32, #tpu.memory_space<hbm>>
    tpu.wait_indirect_dma semaphore(%arg8 : memref<!tpu.dma_semaphore, #tpu.memory_space<semaphore_mem>>) src(%dma_wait3A_126 : memref<8192x256xf32, #tpu.memory_space<hbm>>) dst(%arg6 : memref<160x256xf32, #tpu.memory_space<vmem>>)
    %add3A_127 = arith.constant 2080 : i32
    %add3A_128 = arith.addi %mul3A_2, %add3A_127 : i32
    "tpu.region"() ({
      %run_scoped3A = tpu.sem_alloc : memref<!tpu.dma_semaphore, #tpu.memory_space<semaphore_mem>>
      %dma_start3A_159 = tpu.memref_slice %arg3[%add3A_128] : memref<81920xi32, #tpu.memory_space<hbm>> -> memref<160xi32, #tpu.memory_space<hbm>>
      %dma_start3A_160 = tpu.memref_slice %arg3[%add3A_128] : memref<81920xi32, #tpu.memory_space<hbm>> -> memref<160xi32, #tpu.memory_space<hbm>>
      tpu.enqueue_dma source(%dma_start3A_160 : memref<160xi32, #tpu.memory_space<hbm>>) target(%arg5 : memref<160xi32, #tpu.memory_space<vmem>>) target_semaphore(%run_scoped3A : memref<!tpu.dma_semaphore, #tpu.memory_space<semaphore_mem>>)
      %dma_wait3A_161 = tpu.memref_slice %arg3[%add3A_128] : memref<81920xi32, #tpu.memory_space<hbm>> -> memref<160xi32, #tpu.memory_space<hbm>>
      %dma_wait3A_162 = tpu.memref_slice %arg3[%add3A_128] : memref<81920xi32, #tpu.memory_space<hbm>> -> memref<160xi32, #tpu.memory_space<hbm>>
      tpu.wait_dma2 semaphore(%run_scoped3A : memref<!tpu.dma_semaphore, #tpu.memory_space<semaphore_mem>>) src(%dma_wait3A_162 : memref<160xi32, #tpu.memory_space<hbm>>) dst(%arg5 : memref<160xi32, #tpu.memory_space<vmem>>)
      tpu.yield
    }) : () -> ()
    %dma_start3A_129 = arith.constant 0 : i32
    %dma_start3A_130 = arith.constant 0 : i32
    %dma_start3A_131 = tpu.memref_slice %arg2[%dma_start3A_129, %dma_start3A_130] : memref<8192x256xf32, #tpu.memory_space<hbm>> -> memref<8192x256xf32, #tpu.memory_space<hbm>>
    tpu.enqueue_indirect_dma source(%dma_start3A_131 : memref<8192x256xf32, #tpu.memory_space<hbm>>) target(%arg7 : memref<160x256xf32, #tpu.memory_space<vmem>>) offsets(%arg5 : memref<160xi32, #tpu.memory_space<vmem>>) semaphore(%arg9 : memref<!tpu.dma_semaphore, #tpu.memory_space<semaphore_mem>>)
    %add3A_132 = arith.constant 1920 : i32
    %add3A_133 = arith.addi %mul3A_2, %add3A_132 : i32
    "tpu.region"() ({
      %run_scoped3A = tpu.sem_alloc : memref<!tpu.dma_semaphore, #tpu.memory_space<semaphore_mem>>
      %dma_start3A_159 = arith.constant 0 : i32
      %dma_start3A_160 = tpu.memref_slice %arg4[%add3A_133, %dma_start3A_159] : memref<81920x256xf32, #tpu.memory_space<hbm>> -> memref<160x256xf32, #tpu.memory_space<hbm>>
      %dma_start3A_161 = arith.constant 0 : i32
      %dma_start3A_162 = tpu.memref_slice %arg4[%add3A_133, %dma_start3A_161] : memref<81920x256xf32, #tpu.memory_space<hbm>> -> memref<160x256xf32, #tpu.memory_space<hbm>>
      tpu.enqueue_dma source(%arg6 : memref<160x256xf32, #tpu.memory_space<vmem>>) target(%dma_start3A_162 : memref<160x256xf32, #tpu.memory_space<hbm>>) target_semaphore(%run_scoped3A : memref<!tpu.dma_semaphore, #tpu.memory_space<semaphore_mem>>)
      %dma_wait3A_163 = arith.constant 0 : i32
      %dma_wait3A_164 = tpu.memref_slice %arg4[%add3A_133, %dma_wait3A_163] : memref<81920x256xf32, #tpu.memory_space<hbm>> -> memref<160x256xf32, #tpu.memory_space<hbm>>
      %dma_wait3A_165 = arith.constant 0 : i32
      %dma_wait3A_166 = tpu.memref_slice %arg4[%add3A_133, %dma_wait3A_165] : memref<81920x256xf32, #tpu.memory_space<hbm>> -> memref<160x256xf32, #tpu.memory_space<hbm>>
      tpu.wait_dma2 semaphore(%run_scoped3A : memref<!tpu.dma_semaphore, #tpu.memory_space<semaphore_mem>>) src(%arg6 : memref<160x256xf32, #tpu.memory_space<vmem>>) dst(%dma_wait3A_166 : memref<160x256xf32, #tpu.memory_space<hbm>>)
      tpu.yield
    }) : () -> ()
    %dma_wait3A_134 = arith.constant 0 : i32
    %dma_wait3A_135 = arith.constant 0 : i32
    %dma_wait3A_136 = tpu.memref_slice %arg2[%dma_wait3A_134, %dma_wait3A_135] : memref<8192x256xf32, #tpu.memory_space<hbm>> -> memref<8192x256xf32, #tpu.memory_space<hbm>>
    tpu.wait_indirect_dma semaphore(%arg9 : memref<!tpu.dma_semaphore, #tpu.memory_space<semaphore_mem>>) src(%dma_wait3A_136 : memref<8192x256xf32, #tpu.memory_space<hbm>>) dst(%arg7 : memref<160x256xf32, #tpu.memory_space<vmem>>)
    %add3A_137 = arith.constant 2240 : i32
    %add3A_138 = arith.addi %mul3A_2, %add3A_137 : i32
    "tpu.region"() ({
      %run_scoped3A = tpu.sem_alloc : memref<!tpu.dma_semaphore, #tpu.memory_space<semaphore_mem>>
      %dma_start3A_159 = tpu.memref_slice %arg3[%add3A_138] : memref<81920xi32, #tpu.memory_space<hbm>> -> memref<160xi32, #tpu.memory_space<hbm>>
      %dma_start3A_160 = tpu.memref_slice %arg3[%add3A_138] : memref<81920xi32, #tpu.memory_space<hbm>> -> memref<160xi32, #tpu.memory_space<hbm>>
      tpu.enqueue_dma source(%dma_start3A_160 : memref<160xi32, #tpu.memory_space<hbm>>) target(%arg5 : memref<160xi32, #tpu.memory_space<vmem>>) target_semaphore(%run_scoped3A : memref<!tpu.dma_semaphore, #tpu.memory_space<semaphore_mem>>)
      %dma_wait3A_161 = tpu.memref_slice %arg3[%add3A_138] : memref<81920xi32, #tpu.memory_space<hbm>> -> memref<160xi32, #tpu.memory_space<hbm>>
      %dma_wait3A_162 = tpu.memref_slice %arg3[%add3A_138] : memref<81920xi32, #tpu.memory_space<hbm>> -> memref<160xi32, #tpu.memory_space<hbm>>
      tpu.wait_dma2 semaphore(%run_scoped3A : memref<!tpu.dma_semaphore, #tpu.memory_space<semaphore_mem>>) src(%dma_wait3A_162 : memref<160xi32, #tpu.memory_space<hbm>>) dst(%arg5 : memref<160xi32, #tpu.memory_space<vmem>>)
      tpu.yield
    }) : () -> ()
    %dma_start3A_139 = arith.constant 0 : i32
    %dma_start3A_140 = arith.constant 0 : i32
    %dma_start3A_141 = tpu.memref_slice %arg2[%dma_start3A_139, %dma_start3A_140] : memref<8192x256xf32, #tpu.memory_space<hbm>> -> memref<8192x256xf32, #tpu.memory_space<hbm>>
    tpu.enqueue_indirect_dma source(%dma_start3A_141 : memref<8192x256xf32, #tpu.memory_space<hbm>>) target(%arg6 : memref<160x256xf32, #tpu.memory_space<vmem>>) offsets(%arg5 : memref<160xi32, #tpu.memory_space<vmem>>) semaphore(%arg8 : memref<!tpu.dma_semaphore, #tpu.memory_space<semaphore_mem>>)
    %add3A_142 = arith.constant 2080 : i32
    %add3A_143 = arith.addi %mul3A_2, %add3A_142 : i32
    "tpu.region"() ({
      %run_scoped3A = tpu.sem_alloc : memref<!tpu.dma_semaphore, #tpu.memory_space<semaphore_mem>>
      %dma_start3A_159 = arith.constant 0 : i32
      %dma_start3A_160 = tpu.memref_slice %arg4[%add3A_143, %dma_start3A_159] : memref<81920x256xf32, #tpu.memory_space<hbm>> -> memref<160x256xf32, #tpu.memory_space<hbm>>
      %dma_start3A_161 = arith.constant 0 : i32
      %dma_start3A_162 = tpu.memref_slice %arg4[%add3A_143, %dma_start3A_161] : memref<81920x256xf32, #tpu.memory_space<hbm>> -> memref<160x256xf32, #tpu.memory_space<hbm>>
      tpu.enqueue_dma source(%arg7 : memref<160x256xf32, #tpu.memory_space<vmem>>) target(%dma_start3A_162 : memref<160x256xf32, #tpu.memory_space<hbm>>) target_semaphore(%run_scoped3A : memref<!tpu.dma_semaphore, #tpu.memory_space<semaphore_mem>>)
      %dma_wait3A_163 = arith.constant 0 : i32
      %dma_wait3A_164 = tpu.memref_slice %arg4[%add3A_143, %dma_wait3A_163] : memref<81920x256xf32, #tpu.memory_space<hbm>> -> memref<160x256xf32, #tpu.memory_space<hbm>>
      %dma_wait3A_165 = arith.constant 0 : i32
      %dma_wait3A_166 = tpu.memref_slice %arg4[%add3A_143, %dma_wait3A_165] : memref<81920x256xf32, #tpu.memory_space<hbm>> -> memref<160x256xf32, #tpu.memory_space<hbm>>
      tpu.wait_dma2 semaphore(%run_scoped3A : memref<!tpu.dma_semaphore, #tpu.memory_space<semaphore_mem>>) src(%arg7 : memref<160x256xf32, #tpu.memory_space<vmem>>) dst(%dma_wait3A_166 : memref<160x256xf32, #tpu.memory_space<hbm>>)
      tpu.yield
    }) : () -> ()
    %dma_wait3A_144 = arith.constant 0 : i32
    %dma_wait3A_145 = arith.constant 0 : i32
    %dma_wait3A_146 = tpu.memref_slice %arg2[%dma_wait3A_144, %dma_wait3A_145] : memref<8192x256xf32, #tpu.memory_space<hbm>> -> memref<8192x256xf32, #tpu.memory_space<hbm>>
    tpu.wait_indirect_dma semaphore(%arg8 : memref<!tpu.dma_semaphore, #tpu.memory_space<semaphore_mem>>) src(%dma_wait3A_146 : memref<8192x256xf32, #tpu.memory_space<hbm>>) dst(%arg6 : memref<160x256xf32, #tpu.memory_space<vmem>>)
    %add3A_147 = arith.constant 2400 : i32
    %add3A_148 = arith.addi %mul3A_2, %add3A_147 : i32
    "tpu.region"() ({
      %run_scoped3A = tpu.sem_alloc : memref<!tpu.dma_semaphore, #tpu.memory_space<semaphore_mem>>
      %dma_start3A_159 = tpu.memref_slice %arg3[%add3A_148] : memref<81920xi32, #tpu.memory_space<hbm>> -> memref<160xi32, #tpu.memory_space<hbm>>
      %dma_start3A_160 = tpu.memref_slice %arg3[%add3A_148] : memref<81920xi32, #tpu.memory_space<hbm>> -> memref<160xi32, #tpu.memory_space<hbm>>
      tpu.enqueue_dma source(%dma_start3A_160 : memref<160xi32, #tpu.memory_space<hbm>>) target(%arg5 : memref<160xi32, #tpu.memory_space<vmem>>) target_semaphore(%run_scoped3A : memref<!tpu.dma_semaphore, #tpu.memory_space<semaphore_mem>>)
      %dma_wait3A_161 = tpu.memref_slice %arg3[%add3A_148] : memref<81920xi32, #tpu.memory_space<hbm>> -> memref<160xi32, #tpu.memory_space<hbm>>
      %dma_wait3A_162 = tpu.memref_slice %arg3[%add3A_148] : memref<81920xi32, #tpu.memory_space<hbm>> -> memref<160xi32, #tpu.memory_space<hbm>>
      tpu.wait_dma2 semaphore(%run_scoped3A : memref<!tpu.dma_semaphore, #tpu.memory_space<semaphore_mem>>) src(%dma_wait3A_162 : memref<160xi32, #tpu.memory_space<hbm>>) dst(%arg5 : memref<160xi32, #tpu.memory_space<vmem>>)
      tpu.yield
    }) : () -> ()
    %dma_start3A_149 = arith.constant 0 : i32
    %dma_start3A_150 = arith.constant 0 : i32
    %dma_start3A_151 = tpu.memref_slice %arg2[%dma_start3A_149, %dma_start3A_150] : memref<8192x256xf32, #tpu.memory_space<hbm>> -> memref<8192x256xf32, #tpu.memory_space<hbm>>
    tpu.enqueue_indirect_dma source(%dma_start3A_151 : memref<8192x256xf32, #tpu.memory_space<hbm>>) target(%arg7 : memref<160x256xf32, #tpu.memory_space<vmem>>) offsets(%arg5 : memref<160xi32, #tpu.memory_space<vmem>>) semaphore(%arg9 : memref<!tpu.dma_semaphore, #tpu.memory_space<semaphore_mem>>)
    %add3A_152 = arith.constant 2240 : i32
    %add3A_153 = arith.addi %mul3A_2, %add3A_152 : i32
    "tpu.region"() ({
      %run_scoped3A = tpu.sem_alloc : memref<!tpu.dma_semaphore, #tpu.memory_space<semaphore_mem>>
      %dma_start3A_159 = arith.constant 0 : i32
      %dma_start3A_160 = tpu.memref_slice %arg4[%add3A_153, %dma_start3A_159] : memref<81920x256xf32, #tpu.memory_space<hbm>> -> memref<160x256xf32, #tpu.memory_space<hbm>>
      %dma_start3A_161 = arith.constant 0 : i32
      %dma_start3A_162 = tpu.memref_slice %arg4[%add3A_153, %dma_start3A_161] : memref<81920x256xf32, #tpu.memory_space<hbm>> -> memref<160x256xf32, #tpu.memory_space<hbm>>
      tpu.enqueue_dma source(%arg6 : memref<160x256xf32, #tpu.memory_space<vmem>>) target(%dma_start3A_162 : memref<160x256xf32, #tpu.memory_space<hbm>>) target_semaphore(%run_scoped3A : memref<!tpu.dma_semaphore, #tpu.memory_space<semaphore_mem>>)
      %dma_wait3A_163 = arith.constant 0 : i32
      %dma_wait3A_164 = tpu.memref_slice %arg4[%add3A_153, %dma_wait3A_163] : memref<81920x256xf32, #tpu.memory_space<hbm>> -> memref<160x256xf32, #tpu.memory_space<hbm>>
      %dma_wait3A_165 = arith.constant 0 : i32
      %dma_wait3A_166 = tpu.memref_slice %arg4[%add3A_153, %dma_wait3A_165] : memref<81920x256xf32, #tpu.memory_space<hbm>> -> memref<160x256xf32, #tpu.memory_space<hbm>>
      tpu.wait_dma2 semaphore(%run_scoped3A : memref<!tpu.dma_semaphore, #tpu.memory_space<semaphore_mem>>) src(%arg6 : memref<160x256xf32, #tpu.memory_space<vmem>>) dst(%dma_wait3A_166 : memref<160x256xf32, #tpu.memory_space<hbm>>)
      tpu.yield
    }) : () -> ()
    %dma_wait3A_154 = arith.constant 0 : i32
    %dma_wait3A_155 = arith.constant 0 : i32
    %dma_wait3A_156 = tpu.memref_slice %arg2[%dma_wait3A_154, %dma_wait3A_155] : memref<8192x256xf32, #tpu.memory_space<hbm>> -> memref<8192x256xf32, #tpu.memory_space<hbm>>
    tpu.wait_indirect_dma semaphore(%arg9 : memref<!tpu.dma_semaphore, #tpu.memory_space<semaphore_mem>>) src(%dma_wait3A_156 : memref<8192x256xf32, #tpu.memory_space<hbm>>) dst(%arg7 : memref<160x256xf32, #tpu.memory_space<vmem>>)
    %add3A_157 = arith.constant 2400 : i32
    %add3A_158 = arith.addi %mul3A_2, %add3A_157 : i32
    "tpu.region"() ({
      %run_scoped3A = tpu.sem_alloc : memref<!tpu.dma_semaphore, #tpu.memory_space<semaphore_mem>>
      %dma_start3A_159 = arith.constant 0 : i32
      %dma_start3A_160 = tpu.memref_slice %arg4[%add3A_158, %dma_start3A_159] : memref<81920x256xf32, #tpu.memory_space<hbm>> -> memref<160x256xf32, #tpu.memory_space<hbm>>
      %dma_start3A_161 = arith.constant 0 : i32
      %dma_start3A_162 = tpu.memref_slice %arg4[%add3A_158, %dma_start3A_161] : memref<81920x256xf32, #tpu.memory_space<hbm>> -> memref<160x256xf32, #tpu.memory_space<hbm>>
      tpu.enqueue_dma source(%arg7 : memref<160x256xf32, #tpu.memory_space<vmem>>) target(%dma_start3A_162 : memref<160x256xf32, #tpu.memory_space<hbm>>) target_semaphore(%run_scoped3A : memref<!tpu.dma_semaphore, #tpu.memory_space<semaphore_mem>>)
      %dma_wait3A_163 = arith.constant 0 : i32
      %dma_wait3A_164 = tpu.memref_slice %arg4[%add3A_158, %dma_wait3A_163] : memref<81920x256xf32, #tpu.memory_space<hbm>> -> memref<160x256xf32, #tpu.memory_space<hbm>>
      %dma_wait3A_165 = arith.constant 0 : i32
      %dma_wait3A_166 = tpu.memref_slice %arg4[%add3A_158, %dma_wait3A_165] : memref<81920x256xf32, #tpu.memory_space<hbm>> -> memref<160x256xf32, #tpu.memory_space<hbm>>
      tpu.wait_dma2 semaphore(%run_scoped3A : memref<!tpu.dma_semaphore, #tpu.memory_space<semaphore_mem>>) src(%arg7 : memref<160x256xf32, #tpu.memory_space<vmem>>) dst(%dma_wait3A_166 : memref<160x256xf32, #tpu.memory_space<hbm>>)
      tpu.yield
    }) : () -> ()
    return
  }
}

module attributes {stable_mosaic.version = 14 : i64} {
  func.func @body(%arg0: i32, %arg1: memref<1x1024x192xf32, #tpu.memory_space<vmem>>, %arg2: memref<192x192xf32, #tpu.memory_space<vmem>>, %arg3: memref<1x192xf32, #tpu.memory_space<vmem>>, %arg4: memref<1x1024x192xf32, #tpu.memory_space<vmem>>) attributes {dimension_semantics = [#tpu.dimension_semantics<arbitrary>], iteration_bounds = array<i64: 8>, scalar_prefetch = 0 : i64, scratch_operands = 0 : i64, tpu.core_type = #tpu.core_type<tc>, window_params = [{transform_indices = @transform_0, window_bounds = array<i64: 1, 1024, 192>}, {pipeline_mode = #tpu.pipeline_mode<synchronous>, transform_indices = @transform_1, window_bounds = array<i64: 192, 192>}, {pipeline_mode = #tpu.pipeline_mode<synchronous>, transform_indices = @transform_2, window_bounds = array<i64: 1, 192>}, {transform_indices = @transform_3, window_bounds = array<i64: 1, 1024, 192>}]} {
    %get3A = arith.constant 0 : index
    %get3A_0 = arith.constant 0 : index
    %get3A_1 = arith.constant 0 : index
    %get3A_2 = vector.load %arg1[%get3A, %get3A_0, %get3A_1] : memref<1x1024x192xf32, #tpu.memory_space<vmem>>, vector<1x1024x192xf32>
    %get3A_3 = vector.shape_cast %get3A_2 : vector<1x1024x192xf32> to vector<1024x192xf32>
    %get3A_4 = arith.constant 0 : index
    %get3A_5 = arith.constant 0 : index
    %get3A_6 = vector.load %arg2[%get3A_4, %get3A_5] : memref<192x192xf32, #tpu.memory_space<vmem>>, vector<192x192xf32>
    %dot_general3A = arith.constant dense<0.000000e+00> : vector<1024x192xf32>
    %dot_general3A_7 = tpu.matmul %get3A_3, %get3A_6, %dot_general3A {dimension_numbers = #tpu.dot_dimension_numbers<[1], [0], [0], [1], [0, 0, 1, 1], [], []>, transpose_lhs_hint = false} : vector<1024x192xf32>, vector<192x192xf32>, vector<1024x192xf32> -> vector<1024x192xf32>
    %get3A_8 = arith.constant 0 : index
    %get3A_9 = arith.constant 0 : index
    %get3A_10 = vector.load %arg3[%get3A_8, %get3A_9] : memref<1x192xf32, #tpu.memory_space<vmem>>, vector<1x192xf32>
    %add3A = vector.broadcast %get3A_10 : vector<1x192xf32> to vector<1024x192xf32>
    %add3A_11 = arith.addf %dot_general3A_7, %add3A : vector<1024x192xf32>
    %integer_pow3A = arith.mulf %add3A_11, %add3A_11 : vector<1024x192xf32>
    %integer_pow3A_12 = arith.mulf %add3A_11, %integer_pow3A : vector<1024x192xf32>
    %mul3A = arith.constant 4.471500e-02 : f32
    %mul3A_13 = vector.broadcast %mul3A : f32 to vector<1024x192xf32>
    %mul3A_14 = arith.mulf %mul3A_13, %integer_pow3A_12 : vector<1024x192xf32>
    %add3A_15 = arith.addf %add3A_11, %mul3A_14 : vector<1024x192xf32>
    %mul3A_16 = arith.constant 0.797884583 : f32
    %mul3A_17 = vector.broadcast %mul3A_16 : f32 to vector<1024x192xf32>
    %mul3A_18 = arith.mulf %mul3A_17, %add3A_15 : vector<1024x192xf32>
    %tanh3A = math.tanh %mul3A_18 : vector<1024x192xf32>
    %add3A_19 = arith.constant 1.000000e+00 : f32
    %add3A_20 = vector.broadcast %add3A_19 : f32 to vector<1024x192xf32>
    %add3A_21 = arith.addf %add3A_20, %tanh3A : vector<1024x192xf32>
    %mul3A_22 = arith.constant 5.000000e-01 : f32
    %mul3A_23 = vector.broadcast %mul3A_22 : f32 to vector<1024x192xf32>
    %mul3A_24 = arith.mulf %mul3A_23, %add3A_21 : vector<1024x192xf32>
    %mul3A_25 = arith.mulf %add3A_11, %mul3A_24 : vector<1024x192xf32>
    %swap3A = arith.constant 0 : index
    %swap3A_26 = arith.constant 0 : index
    %swap3A_27 = arith.constant 0 : index
    %swap3A_28 = vector.load %arg4[%swap3A, %swap3A_26, %swap3A_27] : memref<1x1024x192xf32, #tpu.memory_space<vmem>>, vector<1x1024x192xf32>
    %swap3A_29 = vector.shape_cast %swap3A_28 : vector<1x1024x192xf32> to vector<1024x192xf32>
    %swap3A_30 = vector.shape_cast %mul3A_25 : vector<1024x192xf32> to vector<1x1024x192xf32>
    tpu.vector_store %arg4[%swap3A, %swap3A_26, %swap3A_27], %swap3A_30 {strides = array<i32>} : memref<1x1024x192xf32, #tpu.memory_space<vmem>>, vector<1x1024x192xf32>,
    return
  }
  func.func @transform_0(%arg0: i32) -> (i32, i32, i32) {
    %c0_i32 = arith.constant 0 : i32
    %c0_i32_0 = arith.constant 0 : i32
    %c0_i32_1 = arith.constant 0 : i32
    return %arg0, %c0_i32, %c0_i32_0 : i32, i32, i32
  }
  func.func @transform_1(%arg0: i32) -> (i32, i32) {
    %c0_i32 = arith.constant 0 : i32
    %c0_i32_0 = arith.constant 0 : i32
    %c0_i32_1 = arith.constant 0 : i32
    return %c0_i32, %c0_i32_0 : i32, i32
  }
  func.func @transform_2(%arg0: i32) -> (i32, i32) {
    %c0_i32 = arith.constant 0 : i32
    %c0_i32_0 = arith.constant 0 : i32
    %c0_i32_1 = arith.constant 0 : i32
    return %c0_i32, %c0_i32_0 : i32, i32
  }
  func.func @transform_3(%arg0: i32) -> (i32, i32, i32) {
    %c0_i32 = arith.constant 0 : i32
    %c0_i32_0 = arith.constant 0 : i32
    %c0_i32_1 = arith.constant 0 : i32
    return %arg0, %c0_i32, %c0_i32_0 : i32, i32, i32
  }
}

module attributes {stable_mosaic.version = 14 : i64} {
  func.func @body(%arg0: i32, %arg1: i32, %arg2: memref<1x512x192xf32, #tpu.memory_space<vmem>>, %arg3: memref<1x1024x192xf32, #tpu.memory_space<vmem>>, %arg4: memref<1x512x1xf32, #tpu.memory_space<vmem>>, %arg5: memref<1x1x1024xf32, #tpu.memory_space<vmem>>, %arg6: memref<1x512x10xi32, #tpu.memory_space<vmem>>) attributes {dimension_semantics = [#tpu.dimension_semantics<arbitrary>, #tpu.dimension_semantics<arbitrary>], iteration_bounds = array<i64: 8, 2>, scalar_prefetch = 0 : i64, scratch_operands = 0 : i64, tpu.core_type = #tpu.core_type<tc>, window_params = [{transform_indices = @transform_0, window_bounds = array<i64: 1, 512, 192>}, {transform_indices = @transform_1, window_bounds = array<i64: 1, 1024, 192>}, {transform_indices = @transform_2, window_bounds = array<i64: 1, 512, 1>}, {transform_indices = @transform_3, window_bounds = array<i64: 1, 1, 1024>}, {transform_indices = @transform_4, window_bounds = array<i64: 1, 512, 10>}]} {
    %get3A = arith.constant 0 : index
    %get3A_0 = arith.constant 0 : index
    %get3A_1 = arith.constant 0 : index
    %get3A_2 = vector.load %arg2[%get3A, %get3A_0, %get3A_1] : memref<1x512x192xf32, #tpu.memory_space<vmem>>, vector<1x512x192xf32>
    %get3A_3 = vector.shape_cast %get3A_2 : vector<1x512x192xf32> to vector<512x192xf32>
    %get3A_4 = arith.constant 0 : index
    %get3A_5 = arith.constant 0 : index
    %get3A_6 = arith.constant 0 : index
    %get3A_7 = vector.load %arg3[%get3A_4, %get3A_5, %get3A_6] : memref<1x1024x192xf32, #tpu.memory_space<vmem>>, vector<1x1024x192xf32>
    %get3A_8 = vector.shape_cast %get3A_7 : vector<1x1024x192xf32> to vector<1024x192xf32>
    %dot_general3A = arith.constant dense<0.000000e+00> : vector<512x1024xf32>
    %dot_general3A_9 = tpu.matmul %get3A_3, %get3A_8, %dot_general3A {dimension_numbers = #tpu.dot_dimension_numbers<[1], [1], [0], [0], [0, 0, 1, 0], [], []>, transpose_lhs_hint = false} : vector<512x192xf32>, vector<1024x192xf32>, vector<512x1024xf32> -> vector<512x1024xf32>
    %get3A_10 = arith.constant 0 : index
    %get3A_11 = arith.constant 0 : index
    %get3A_12 = arith.constant 0 : index
    %get3A_13 = vector.load %arg4[%get3A_10, %get3A_11, %get3A_12] : memref<1x512x1xf32, #tpu.memory_space<vmem>>, vector<1x512x1xf32>
    %get3A_14 = vector.shape_cast %get3A_13 : vector<1x512x1xf32> to vector<512x1xf32>
    %mul3A = arith.constant 2.000000e+00 : f32
    %mul3A_15 = vector.broadcast %mul3A : f32 to vector<512x1024xf32>
    %mul3A_16 = arith.mulf %mul3A_15, %dot_general3A_9 : vector<512x1024xf32>
    %sub3A = vector.broadcast %get3A_14 : vector<512x1xf32> to vector<512x1024xf32>
    %sub3A_17 = arith.subf %sub3A, %mul3A_16 : vector<512x1024xf32>
    %get3A_18 = arith.constant 0 : index
    %get3A_19 = arith.constant 0 : index
    %get3A_20 = arith.constant 0 : index
    %get3A_21 = vector.load %arg5[%get3A_18, %get3A_19, %get3A_20] : memref<1x1x1024xf32, #tpu.memory_space<vmem>>, vector<1x1x1024xf32>
    %get3A_22 = vector.shape_cast %get3A_21 : vector<1x1x1024xf32> to vector<1x1024xf32>
    %add3A = vector.broadcast %get3A_22 : vector<1x1024xf32> to vector<512x1024xf32>
    %add3A_23 = arith.addf %sub3A_17, %add3A : vector<512x1024xf32>
    %iota3A = tpu.iota {dimensions = array<i32: 1>} : vector<512x1024xi32>
    %mul3A_24 = arith.constant 1024 : i32
    %mul3A_25 = arith.muli %arg0, %mul3A_24 : i32
    %argmin3A = tpu.reduce_index %add3A_23 {axis = 1 : i32, kind = #tpu.reduction_kind<arg_min>} : vector<512x1024xf32> -> vector<512xi32>
    %broadcast_in_dim3A = vector.shape_cast %argmin3A : vector<512xi32> to vector<512x1xi32>
    %add3A_26 = vector.broadcast %mul3A_25 : i32 to vector<512x1xi32>
    %add3A_27 = arith.addi %broadcast_in_dim3A, %add3A_26 : vector<512x1xi32>
    %eq3A = vector.broadcast %broadcast_in_dim3A : vector<512x1xi32> to vector<512x1024xi32>
    %eq3A_28 = arith.cmpi eq, %iota3A, %eq3A : vector<512x1024xi32>
    %jit3A = arith.constant 0x7F800000 : f32
    %broadcast_in_dim3A_29 = vector.broadcast %jit3A : f32 to vector<512x1024xf32>
    %select_n3A = arith.select %eq3A_28, %broadcast_in_dim3A_29, %add3A_23 : vector<512x1024xi1>, vector<512x1024xf32>
    %argmin3A_30 = tpu.reduce_index %select_n3A {axis = 1 : i32, kind = #tpu.reduction_kind<arg_min>} : vector<512x1024xf32> -> vector<512xi32>
    %broadcast_in_dim3A_31 = vector.shape_cast %argmin3A_30 : vector<512xi32> to vector<512x1xi32>
    %add3A_32 = vector.broadcast %mul3A_25 : i32 to vector<512x1xi32>
    %add3A_33 = arith.addi %broadcast_in_dim3A_31, %add3A_32 : vector<512x1xi32>
    %eq3A_34 = vector.broadcast %broadcast_in_dim3A_31 : vector<512x1xi32> to vector<512x1024xi32>
    %eq3A_35 = arith.cmpi eq, %iota3A, %eq3A_34 : vector<512x1024xi32>
    %jit3A_36 = arith.constant 0x7F800000 : f32
    %broadcast_in_dim3A_37 = vector.broadcast %jit3A_36 : f32 to vector<512x1024xf32>
    %select_n3A_38 = arith.select %eq3A_35, %broadcast_in_dim3A_37, %select_n3A : vector<512x1024xi1>, vector<512x1024xf32>
    %argmin3A_39 = tpu.reduce_index %select_n3A_38 {axis = 1 : i32, kind = #tpu.reduction_kind<arg_min>} : vector<512x1024xf32> -> vector<512xi32>
    %broadcast_in_dim3A_40 = vector.shape_cast %argmin3A_39 : vector<512xi32> to vector<512x1xi32>
    %add3A_41 = vector.broadcast %mul3A_25 : i32 to vector<512x1xi32>
    %add3A_42 = arith.addi %broadcast_in_dim3A_40, %add3A_41 : vector<512x1xi32>
    %eq3A_43 = vector.broadcast %broadcast_in_dim3A_40 : vector<512x1xi32> to vector<512x1024xi32>
    %eq3A_44 = arith.cmpi eq, %iota3A, %eq3A_43 : vector<512x1024xi32>
    %jit3A_45 = arith.constant 0x7F800000 : f32
    %broadcast_in_dim3A_46 = vector.broadcast %jit3A_45 : f32 to vector<512x1024xf32>
    %select_n3A_47 = arith.select %eq3A_44, %broadcast_in_dim3A_46, %select_n3A_38 : vector<512x1024xi1>, vector<512x1024xf32>
    %argmin3A_48 = tpu.reduce_index %select_n3A_47 {axis = 1 : i32, kind = #tpu.reduction_kind<arg_min>} : vector<512x1024xf32> -> vector<512xi32>
    %broadcast_in_dim3A_49 = vector.shape_cast %argmin3A_48 : vector<512xi32> to vector<512x1xi32>
    %add3A_50 = vector.broadcast %mul3A_25 : i32 to vector<512x1xi32>
    %add3A_51 = arith.addi %broadcast_in_dim3A_49, %add3A_50 : vector<512x1xi32>
    %eq3A_52 = vector.broadcast %broadcast_in_dim3A_49 : vector<512x1xi32> to vector<512x1024xi32>
    %eq3A_53 = arith.cmpi eq, %iota3A, %eq3A_52 : vector<512x1024xi32>
    %jit3A_54 = arith.constant 0x7F800000 : f32
    %broadcast_in_dim3A_55 = vector.broadcast %jit3A_54 : f32 to vector<512x1024xf32>
    %select_n3A_56 = arith.select %eq3A_53, %broadcast_in_dim3A_55, %select_n3A_47 : vector<512x1024xi1>, vector<512x1024xf32>
    %argmin3A_57 = tpu.reduce_index %select_n3A_56 {axis = 1 : i32, kind = #tpu.reduction_kind<arg_min>} : vector<512x1024xf32> -> vector<512xi32>
    %broadcast_in_dim3A_58 = vector.shape_cast %argmin3A_57 : vector<512xi32> to vector<512x1xi32>
    %add3A_59 = vector.broadcast %mul3A_25 : i32 to vector<512x1xi32>
    %add3A_60 = arith.addi %broadcast_in_dim3A_58, %add3A_59 : vector<512x1xi32>
    %eq3A_61 = vector.broadcast %broadcast_in_dim3A_58 : vector<512x1xi32> to vector<512x1024xi32>
    %eq3A_62 = arith.cmpi eq, %iota3A, %eq3A_61 : vector<512x1024xi32>
    %jit3A_63 = arith.constant 0x7F800000 : f32
    %broadcast_in_dim3A_64 = vector.broadcast %jit3A_63 : f32 to vector<512x1024xf32>
    %select_n3A_65 = arith.select %eq3A_62, %broadcast_in_dim3A_64, %select_n3A_56 : vector<512x1024xi1>, vector<512x1024xf32>
    %argmin3A_66 = tpu.reduce_index %select_n3A_65 {axis = 1 : i32, kind = #tpu.reduction_kind<arg_min>} : vector<512x1024xf32> -> vector<512xi32>
    %broadcast_in_dim3A_67 = vector.shape_cast %argmin3A_66 : vector<512xi32> to vector<512x1xi32>
    %add3A_68 = vector.broadcast %mul3A_25 : i32 to vector<512x1xi32>
    %add3A_69 = arith.addi %broadcast_in_dim3A_67, %add3A_68 : vector<512x1xi32>
    %eq3A_70 = vector.broadcast %broadcast_in_dim3A_67 : vector<512x1xi32> to vector<512x1024xi32>
    %eq3A_71 = arith.cmpi eq, %iota3A, %eq3A_70 : vector<512x1024xi32>
    %jit3A_72 = arith.constant 0x7F800000 : f32
    %broadcast_in_dim3A_73 = vector.broadcast %jit3A_72 : f32 to vector<512x1024xf32>
    %select_n3A_74 = arith.select %eq3A_71, %broadcast_in_dim3A_73, %select_n3A_65 : vector<512x1024xi1>, vector<512x1024xf32>
    %argmin3A_75 = tpu.reduce_index %select_n3A_74 {axis = 1 : i32, kind = #tpu.reduction_kind<arg_min>} : vector<512x1024xf32> -> vector<512xi32>
    %broadcast_in_dim3A_76 = vector.shape_cast %argmin3A_75 : vector<512xi32> to vector<512x1xi32>
    %add3A_77 = vector.broadcast %mul3A_25 : i32 to vector<512x1xi32>
    %add3A_78 = arith.addi %broadcast_in_dim3A_76, %add3A_77 : vector<512x1xi32>
    %eq3A_79 = vector.broadcast %broadcast_in_dim3A_76 : vector<512x1xi32> to vector<512x1024xi32>
    %eq3A_80 = arith.cmpi eq, %iota3A, %eq3A_79 : vector<512x1024xi32>
    %jit3A_81 = arith.constant 0x7F800000 : f32
    %broadcast_in_dim3A_82 = vector.broadcast %jit3A_81 : f32 to vector<512x1024xf32>
    %select_n3A_83 = arith.select %eq3A_80, %broadcast_in_dim3A_82, %select_n3A_74 : vector<512x1024xi1>, vector<512x1024xf32>
    %argmin3A_84 = tpu.reduce_index %select_n3A_83 {axis = 1 : i32, kind = #tpu.reduction_kind<arg_min>} : vector<512x1024xf32> -> vector<512xi32>
    %broadcast_in_dim3A_85 = vector.shape_cast %argmin3A_84 : vector<512xi32> to vector<512x1xi32>
    %add3A_86 = vector.broadcast %mul3A_25 : i32 to vector<512x1xi32>
    %add3A_87 = arith.addi %broadcast_in_dim3A_85, %add3A_86 : vector<512x1xi32>
    %eq3A_88 = vector.broadcast %broadcast_in_dim3A_85 : vector<512x1xi32> to vector<512x1024xi32>
    %eq3A_89 = arith.cmpi eq, %iota3A, %eq3A_88 : vector<512x1024xi32>
    %jit3A_90 = arith.constant 0x7F800000 : f32
    %broadcast_in_dim3A_91 = vector.broadcast %jit3A_90 : f32 to vector<512x1024xf32>
    %select_n3A_92 = arith.select %eq3A_89, %broadcast_in_dim3A_91, %select_n3A_83 : vector<512x1024xi1>, vector<512x1024xf32>
    %argmin3A_93 = tpu.reduce_index %select_n3A_92 {axis = 1 : i32, kind = #tpu.reduction_kind<arg_min>} : vector<512x1024xf32> -> vector<512xi32>
    %broadcast_in_dim3A_94 = vector.shape_cast %argmin3A_93 : vector<512xi32> to vector<512x1xi32>
    %add3A_95 = vector.broadcast %mul3A_25 : i32 to vector<512x1xi32>
    %add3A_96 = arith.addi %broadcast_in_dim3A_94, %add3A_95 : vector<512x1xi32>
    %eq3A_97 = vector.broadcast %broadcast_in_dim3A_94 : vector<512x1xi32> to vector<512x1024xi32>
    %eq3A_98 = arith.cmpi eq, %iota3A, %eq3A_97 : vector<512x1024xi32>
    %jit3A_99 = arith.constant 0x7F800000 : f32
    %broadcast_in_dim3A_100 = vector.broadcast %jit3A_99 : f32 to vector<512x1024xf32>
    %select_n3A_101 = arith.select %eq3A_98, %broadcast_in_dim3A_100, %select_n3A_92 : vector<512x1024xi1>, vector<512x1024xf32>
    %argmin3A_102 = tpu.reduce_index %select_n3A_101 {axis = 1 : i32, kind = #tpu.reduction_kind<arg_min>} : vector<512x1024xf32> -> vector<512xi32>
    %broadcast_in_dim3A_103 = vector.shape_cast %argmin3A_102 : vector<512xi32> to vector<512x1xi32>
    %add3A_104 = vector.broadcast %mul3A_25 : i32 to vector<512x1xi32>
    %add3A_105 = arith.addi %broadcast_in_dim3A_103, %add3A_104 : vector<512x1xi32>
    %concatenate3A = tpu.concatenate %add3A_27, %add3A_33, %add3A_42, %add3A_51, %add3A_60, %add3A_69, %add3A_78, %add3A_87, %add3A_96, %add3A_105 in 1 : vector<512x1xi32>, vector<512x1xi32>, vector<512x1xi32>, vector<512x1xi32>, vector<512x1xi32>, vector<512x1xi32>, vector<512x1xi32>, vector<512x1xi32>, vector<512x1xi32>, vector<512x1xi32> -> vector<512x10xi32>
    %swap3A = arith.constant 0 : index
    %swap3A_106 = arith.constant 0 : index
    %swap3A_107 = arith.constant 0 : index
    %swap3A_108 = vector.load %arg6[%swap3A, %swap3A_106, %swap3A_107] : memref<1x512x10xi32, #tpu.memory_space<vmem>>, vector<1x512x10xi32>
    %swap3A_109 = vector.shape_cast %swap3A_108 : vector<1x512x10xi32> to vector<512x10xi32>
    %swap3A_110 = vector.shape_cast %concatenate3A : vector<512x10xi32> to vector<1x512x10xi32>
    tpu.vector_store %arg6[%swap3A, %swap3A_106, %swap3A_107], %swap3A_110 {strides = array<i32>} : memref<1x512x10xi32, #tpu.memory_space<vmem>>, vector<1x512x10xi32>,
    return
  }
  func.func @transform_0(%arg0: i32, %arg1: i32) -> (i32, i32, i32) {
    %c0_i32 = arith.constant 0 : i32
    %c0_i32_0 = arith.constant 0 : i32
    return %arg0, %arg1, %c0_i32 : i32, i32, i32
  }
  func.func @transform_1(%arg0: i32, %arg1: i32) -> (i32, i32, i32) {
    %c0_i32 = arith.constant 0 : i32
    %c0_i32_0 = arith.constant 0 : i32
    %c0_i32_1 = arith.constant 0 : i32
    return %arg0, %c0_i32, %c0_i32_0 : i32, i32, i32
  }
  func.func @transform_2(%arg0: i32, %arg1: i32) -> (i32, i32, i32) {
    %c0_i32 = arith.constant 0 : i32
    %c0_i32_0 = arith.constant 0 : i32
    return %arg0, %arg1, %c0_i32 : i32, i32, i32
  }
  func.func @transform_3(%arg0: i32, %arg1: i32) -> (i32, i32, i32) {
    %c0_i32 = arith.constant 0 : i32
    %c0_i32_0 = arith.constant 0 : i32
    %c0_i32_1 = arith.constant 0 : i32
    return %arg0, %c0_i32, %c0_i32_0 : i32, i32, i32
  }
  func.func @transform_4(%arg0: i32, %arg1: i32) -> (i32, i32, i32) {
    %c0_i32 = arith.constant 0 : i32
    %c0_i32_0 = arith.constant 0 : i32
    return %arg0, %arg1, %c0_i32 : i32, i32, i32
  }
}

module attributes {stable_mosaic.version = 14 : i64} {
  func.func @body(%arg0: i32, %arg1: memref<1x1024x320xf32, #tpu.memory_space<vmem>>, %arg2: memref<1x32x128xf32, #tpu.memory_space<vmem>>, %arg3: memref<320x64xf32, #tpu.memory_space<vmem>>, %arg4: memref<1x64xf32, #tpu.memory_space<vmem>>, %arg5: memref<192x192xf32, #tpu.memory_space<vmem>>, %arg6: memref<1x192xf32, #tpu.memory_space<vmem>>, %arg7: memref<1x32x192xf32, #tpu.memory_space<vmem>>) attributes {dimension_semantics = [#tpu.dimension_semantics<arbitrary>], iteration_bounds = array<i64: 8>, scalar_prefetch = 0 : i64, scratch_operands = 0 : i64, tpu.core_type = #tpu.core_type<tc>, window_params = [{transform_indices = @transform_0, window_bounds = array<i64: 1, 1024, 320>}, {transform_indices = @transform_1, window_bounds = array<i64: 1, 32, 128>}, {pipeline_mode = #tpu.pipeline_mode<synchronous>, transform_indices = @transform_2, window_bounds = array<i64: 320, 64>}, {pipeline_mode = #tpu.pipeline_mode<synchronous>, transform_indices = @transform_3, window_bounds = array<i64: 1, 64>}, {pipeline_mode = #tpu.pipeline_mode<synchronous>, transform_indices = @transform_4, window_bounds = array<i64: 192, 192>}, {pipeline_mode = #tpu.pipeline_mode<synchronous>, transform_indices = @transform_5, window_bounds = array<i64: 1, 192>}, {transform_indices = @transform_6, window_bounds = array<i64: 1, 32, 192>}]} {
    %get3A = arith.constant 0 : index
    %get3A_0 = arith.constant 0 : index
    %get3A_1 = arith.constant 0 : index
    %get3A_2 = vector.load %arg1[%get3A, %get3A_0, %get3A_1] : memref<1x1024x320xf32, #tpu.memory_space<vmem>>, vector<1x1024x320xf32>
    %get3A_3 = vector.shape_cast %get3A_2 : vector<1x1024x320xf32> to vector<1024x320xf32>
    %get3A_4 = arith.constant 0 : index
    %get3A_5 = arith.constant 0 : index
    %get3A_6 = vector.load %arg3[%get3A_4, %get3A_5] : memref<320x64xf32, #tpu.memory_space<vmem>>, vector<320x64xf32>
    %dot_general3A = arith.constant dense<0.000000e+00> : vector<1024x64xf32>
    %dot_general3A_7 = tpu.matmul %get3A_3, %get3A_6, %dot_general3A {dimension_numbers = #tpu.dot_dimension_numbers<[1], [0], [0], [1], [0, 0, 1, 1], [], []>, transpose_lhs_hint = false} : vector<1024x320xf32>, vector<320x64xf32>, vector<1024x64xf32> -> vector<1024x64xf32>
    %get3A_8 = arith.constant 0 : index
    %get3A_9 = arith.constant 0 : index
    %get3A_10 = vector.load %arg4[%get3A_8, %get3A_9] : memref<1x64xf32, #tpu.memory_space<vmem>>, vector<1x64xf32>
    %add3A = vector.broadcast %get3A_10 : vector<1x64xf32> to vector<1024x64xf32>
    %add3A_11 = arith.addf %dot_general3A_7, %add3A : vector<1024x64xf32>
    %integer_pow3A = arith.mulf %add3A_11, %add3A_11 : vector<1024x64xf32>
    %integer_pow3A_12 = arith.mulf %add3A_11, %integer_pow3A : vector<1024x64xf32>
    %mul3A = arith.constant 4.471500e-02 : f32
    %mul3A_13 = vector.broadcast %mul3A : f32 to vector<1024x64xf32>
    %mul3A_14 = arith.mulf %mul3A_13, %integer_pow3A_12 : vector<1024x64xf32>
    %add3A_15 = arith.addf %add3A_11, %mul3A_14 : vector<1024x64xf32>
    %mul3A_16 = arith.constant 0.797884583 : f32
    %mul3A_17 = vector.broadcast %mul3A_16 : f32 to vector<1024x64xf32>
    %mul3A_18 = arith.mulf %mul3A_17, %add3A_15 : vector<1024x64xf32>
    %tanh3A = math.tanh %mul3A_18 : vector<1024x64xf32>
    %add3A_19 = arith.constant 1.000000e+00 : f32
    %add3A_20 = vector.broadcast %add3A_19 : f32 to vector<1024x64xf32>
    %add3A_21 = arith.addf %add3A_20, %tanh3A : vector<1024x64xf32>
    %mul3A_22 = arith.constant 5.000000e-01 : f32
    %mul3A_23 = vector.broadcast %mul3A_22 : f32 to vector<1024x64xf32>
    %mul3A_24 = arith.mulf %mul3A_23, %add3A_21 : vector<1024x64xf32>
    %mul3A_25 = arith.mulf %add3A_11, %mul3A_24 : vector<1024x64xf32>
    %reshape3A = vector.shape_cast %mul3A_25 : vector<1024x64xf32> to vector<32x32x64xf32>
    %reduce_max3A = arith.constant dense<0xFF800000> : vector<32x64xf32>
    %reduce_max3A_26 = vector.multi_reduction <maximumf>, %reshape3A, %reduce_max3A [1] : vector<32x32x64xf32> to vector<32x64xf32>
    %get3A_27 = arith.constant 0 : index
    %get3A_28 = arith.constant 0 : index
    %get3A_29 = arith.constant 0 : index
    %get3A_30 = vector.load %arg2[%get3A_27, %get3A_28, %get3A_29] : memref<1x32x128xf32, #tpu.memory_space<vmem>>, vector<1x32x128xf32>
    %get3A_31 = vector.shape_cast %get3A_30 : vector<1x32x128xf32> to vector<32x128xf32>
    %concatenate3A = tpu.concatenate %get3A_31, %reduce_max3A_26 in 1 : vector<32x128xf32>, vector<32x64xf32> -> vector<32x192xf32>
    %get3A_32 = arith.constant 0 : index
    %get3A_33 = arith.constant 0 : index
    %get3A_34 = vector.load %arg5[%get3A_32, %get3A_33] : memref<192x192xf32, #tpu.memory_space<vmem>>, vector<192x192xf32>
    %dot_general3A_35 = arith.constant dense<0.000000e+00> : vector<32x192xf32>
    %dot_general3A_36 = tpu.matmul %concatenate3A, %get3A_34, %dot_general3A_35 {dimension_numbers = #tpu.dot_dimension_numbers<[1], [0], [0], [1], [0, 0, 1, 1], [], []>, transpose_lhs_hint = false} : vector<32x192xf32>, vector<192x192xf32>, vector<32x192xf32> -> vector<32x192xf32>
    %get3A_37 = arith.constant 0 : index
    %get3A_38 = arith.constant 0 : index
    %get3A_39 = vector.load %arg6[%get3A_37, %get3A_38] : memref<1x192xf32, #tpu.memory_space<vmem>>, vector<1x192xf32>
    %add3A_40 = vector.broadcast %get3A_39 : vector<1x192xf32> to vector<32x192xf32>
    %add3A_41 = arith.addf %dot_general3A_36, %add3A_40 : vector<32x192xf32>
    %integer_pow3A_42 = arith.mulf %add3A_41, %add3A_41 : vector<32x192xf32>
    %integer_pow3A_43 = arith.mulf %add3A_41, %integer_pow3A_42 : vector<32x192xf32>
    %mul3A_44 = arith.constant 4.471500e-02 : f32
    %mul3A_45 = vector.broadcast %mul3A_44 : f32 to vector<32x192xf32>
    %mul3A_46 = arith.mulf %mul3A_45, %integer_pow3A_43 : vector<32x192xf32>
    %add3A_47 = arith.addf %add3A_41, %mul3A_46 : vector<32x192xf32>
    %mul3A_48 = arith.constant 0.797884583 : f32
    %mul3A_49 = vector.broadcast %mul3A_48 : f32 to vector<32x192xf32>
    %mul3A_50 = arith.mulf %mul3A_49, %add3A_47 : vector<32x192xf32>
    %tanh3A_51 = math.tanh %mul3A_50 : vector<32x192xf32>
    %add3A_52 = arith.constant 1.000000e+00 : f32
    %add3A_53 = vector.broadcast %add3A_52 : f32 to vector<32x192xf32>
    %add3A_54 = arith.addf %add3A_53, %tanh3A_51 : vector<32x192xf32>
    %mul3A_55 = arith.constant 5.000000e-01 : f32
    %mul3A_56 = vector.broadcast %mul3A_55 : f32 to vector<32x192xf32>
    %mul3A_57 = arith.mulf %mul3A_56, %add3A_54 : vector<32x192xf32>
    %mul3A_58 = arith.mulf %add3A_41, %mul3A_57 : vector<32x192xf32>
    %swap3A = arith.constant 0 : index
    %swap3A_59 = arith.constant 0 : index
    %swap3A_60 = arith.constant 0 : index
    %swap3A_61 = vector.load %arg7[%swap3A, %swap3A_59, %swap3A_60] : memref<1x32x192xf32, #tpu.memory_space<vmem>>, vector<1x32x192xf32>
    %swap3A_62 = vector.shape_cast %swap3A_61 : vector<1x32x192xf32> to vector<32x192xf32>
    %swap3A_63 = vector.shape_cast %mul3A_58 : vector<32x192xf32> to vector<1x32x192xf32>
    tpu.vector_store %arg7[%swap3A, %swap3A_59, %swap3A_60], %swap3A_63 {strides = array<i32>} : memref<1x32x192xf32, #tpu.memory_space<vmem>>, vector<1x32x192xf32>,
    return
  }
  func.func @transform_0(%arg0: i32) -> (i32, i32, i32) {
    %c0_i32 = arith.constant 0 : i32
    %c0_i32_0 = arith.constant 0 : i32
    %c0_i32_1 = arith.constant 0 : i32
    return %arg0, %c0_i32, %c0_i32_0 : i32, i32, i32
  }
  func.func @transform_1(%arg0: i32) -> (i32, i32, i32) {
    %c0_i32 = arith.constant 0 : i32
    %c0_i32_0 = arith.constant 0 : i32
    %c0_i32_1 = arith.constant 0 : i32
    return %arg0, %c0_i32, %c0_i32_0 : i32, i32, i32
  }
  func.func @transform_2(%arg0: i32) -> (i32, i32) {
    %c0_i32 = arith.constant 0 : i32
    %c0_i32_0 = arith.constant 0 : i32
    %c0_i32_1 = arith.constant 0 : i32
    return %c0_i32, %c0_i32_0 : i32, i32
  }
  func.func @transform_3(%arg0: i32) -> (i32, i32) {
    %c0_i32 = arith.constant 0 : i32
    %c0_i32_0 = arith.constant 0 : i32
    %c0_i32_1 = arith.constant 0 : i32
    return %c0_i32, %c0_i32_0 : i32, i32
  }
  func.func @transform_4(%arg0: i32) -> (i32, i32) {
    %c0_i32 = arith.constant 0 : i32
    %c0_i32_0 = arith.constant 0 : i32
    %c0_i32_1 = arith.constant 0 : i32
    return %c0_i32, %c0_i32_0 : i32, i32
  }
  func.func @transform_5(%arg0: i32) -> (i32, i32) {
    %c0_i32 = arith.constant 0 : i32
    %c0_i32_0 = arith.constant 0 : i32
    %c0_i32_1 = arith.constant 0 : i32
    return %c0_i32, %c0_i32_0 : i32, i32
  }
  func.func @transform_6(%arg0: i32) -> (i32, i32, i32) {
    %c0_i32 = arith.constant 0 : i32
    %c0_i32_0 = arith.constant 0 : i32
    %c0_i32_1 = arith.constant 0 : i32
    return %arg0, %c0_i32, %c0_i32_0 : i32, i32, i32
  }
}

module attributes {stable_mosaic.version = 14 : i64} {
  func.func @body(%arg0: i32, %arg1: memref<1x32x192xf32, #tpu.memory_space<vmem>>, %arg2: memref<1x32x1xf32, #tpu.memory_space<vmem>>, %arg3: memref<1x1x32xf32, #tpu.memory_space<vmem>>, %arg4: memref<384x291xf32, #tpu.memory_space<vmem>>, %arg5: memref<1x291xf32, #tpu.memory_space<vmem>>, %arg6: memref<291x221xf32, #tpu.memory_space<vmem>>, %arg7: memref<1x221xf32, #tpu.memory_space<vmem>>, %arg8: memref<442x335xf32, #tpu.memory_space<vmem>>, %arg9: memref<1x335xf32, #tpu.memory_space<vmem>>, %arg10: memref<335x256xf32, #tpu.memory_space<vmem>>, %arg11: memref<1x256xf32, #tpu.memory_space<vmem>>, %arg12: memref<477x349xf32, #tpu.memory_space<vmem>>, %arg13: memref<1x349xf32, #tpu.memory_space<vmem>>, %arg14: memref<349x256xf32, #tpu.memory_space<vmem>>, %arg15: memref<1x256xf32, #tpu.memory_space<vmem>>, %arg16: memref<1x32x256xf32, #tpu.memory_space<vmem>>) attributes {dimension_semantics = [#tpu.dimension_semantics<arbitrary>], iteration_bounds = array<i64: 8>, scalar_prefetch = 0 : i64, scratch_operands = 0 : i64, tpu.core_type = #tpu.core_type<tc>, window_params = [{transform_indices = @transform_0, window_bounds = array<i64: 1, 32, 192>}, {transform_indices = @transform_1, window_bounds = array<i64: 1, 32, 1>}, {transform_indices = @transform_2, window_bounds = array<i64: 1, 1, 32>}, {pipeline_mode = #tpu.pipeline_mode<synchronous>, transform_indices = @transform_3, window_bounds = array<i64: 384, 291>}, {pipeline_mode = #tpu.pipeline_mode<synchronous>, transform_indices = @transform_4, window_bounds = array<i64: 1, 291>}, {pipeline_mode = #tpu.pipeline_mode<synchronous>, transform_indices = @transform_5, window_bounds = array<i64: 291, 221>}, {pipeline_mode = #tpu.pipeline_mode<synchronous>, transform_indices = @transform_6, window_bounds = array<i64: 1, 221>}, {pipeline_mode = #tpu.pipeline_mode<synchronous>, transform_indices = @transform_7, window_bounds = array<i64: 442, 335>}, {pipeline_mode = #tpu.pipeline_mode<synchronous>, transform_indices = @transform_8, window_bounds = array<i64: 1, 335>}, {pipeline_mode = #tpu.pipeline_mode<synchronous>, transform_indices = @transform_9, window_bounds = array<i64: 335, 256>}, {pipeline_mode = #tpu.pipeline_mode<synchronous>, transform_indices = @transform_10, window_bounds = array<i64: 1, 256>}, {pipeline_mode = #tpu.pipeline_mode<synchronous>, transform_indices = @transform_11, window_bounds = array<i64: 477, 349>}, {pipeline_mode = #tpu.pipeline_mode<synchronous>, transform_indices = @transform_12, window_bounds = array<i64: 1, 349>}, {pipeline_mode = #tpu.pipeline_mode<synchronous>, transform_indices = @transform_13, window_bounds = array<i64: 349, 256>}, {pipeline_mode = #tpu.pipeline_mode<synchronous>, transform_indices = @transform_14, window_bounds = array<i64: 1, 256>}, {transform_indices = @transform_15, window_bounds = array<i64: 1, 32, 256>}]} {
    %get3A = arith.constant 0 : index
    %get3A_0 = arith.constant 0 : index
    %get3A_1 = arith.constant 0 : index
    %get3A_2 = vector.load %arg1[%get3A, %get3A_0, %get3A_1] : memref<1x32x192xf32, #tpu.memory_space<vmem>>, vector<1x32x192xf32>
    %get3A_3 = vector.shape_cast %get3A_2 : vector<1x32x192xf32> to vector<32x192xf32>
    %get3A_4 = arith.constant 0 : index
    %get3A_5 = arith.constant 0 : index
    %get3A_6 = arith.constant 0 : index
    %get3A_7 = vector.load %arg2[%get3A_4, %get3A_5, %get3A_6] : memref<1x32x1xf32, #tpu.memory_space<vmem>>, vector<1x32x1xf32>
    %get3A_8 = vector.shape_cast %get3A_7 : vector<1x32x1xf32> to vector<32x1xf32>
    %get3A_9 = arith.constant 0 : index
    %get3A_10 = arith.constant 0 : index
    %get3A_11 = arith.constant 0 : index
    %get3A_12 = vector.load %arg3[%get3A_9, %get3A_10, %get3A_11] : memref<1x1x32xf32, #tpu.memory_space<vmem>>, vector<1x1x32xf32>
    %get3A_13 = vector.shape_cast %get3A_12 : vector<1x1x32xf32> to vector<1x32xf32>
    %convert_element_type3A = arith.truncf %get3A_3 : vector<32x192xf32> to vector<32x192xbf16>
    %convert_element_type3A_14 = arith.extf %convert_element_type3A : vector<32x192xbf16> to vector<32x192xf32>
    %sub3A = arith.subf %get3A_3, %convert_element_type3A_14 : vector<32x192xf32>
    %convert_element_type3A_15 = arith.truncf %sub3A : vector<32x192xf32> to vector<32x192xbf16>
    %convert_element_type3A_16 = arith.extf %convert_element_type3A_15 : vector<32x192xbf16> to vector<32x192xf32>
    %sub3A_17 = arith.subf %sub3A, %convert_element_type3A_16 : vector<32x192xf32>
    %convert_element_type3A_18 = arith.truncf %sub3A_17 : vector<32x192xf32> to vector<32x192xbf16>
    %dot_general3A = arith.constant dense<0.000000e+00> : vector<32x32xf32>
    %dot_general3A_19 = tpu.matmul %get3A_3, %get3A_3, %dot_general3A {dimension_numbers = #tpu.dot_dimension_numbers<[1], [1], [0], [0], [0, 0, 1, 0], [], []>, transpose_lhs_hint = false} : vector<32x192xf32>, vector<32x192xf32>, vector<32x32xf32> -> vector<32x32xf32>
    %mul3A = arith.constant 2.000000e+00 : f32
    %mul3A_20 = vector.broadcast %mul3A : f32 to vector<32x32xf32>
    %mul3A_21 = arith.mulf %mul3A_20, %dot_general3A_19 : vector<32x32xf32>
    %sub3A_22 = vector.broadcast %get3A_8 : vector<32x1xf32> to vector<32x32xf32>
    %sub3A_23 = arith.subf %sub3A_22, %mul3A_21 : vector<32x32xf32>
    %add3A = vector.broadcast %get3A_13 : vector<1x32xf32> to vector<32x32xf32>
    %add3A_24 = arith.addf %sub3A_23, %add3A : vector<32x32xf32>
    %iota3A = tpu.iota {dimensions = array<i32: 1>} : vector<32x32xi32>
    %broadcast_in_dim3A = arith.constant 0xFF800000 : f32
    %broadcast_in_dim3A_25 = vector.broadcast %broadcast_in_dim3A : f32 to vector<32x221xf32>
    %argmin3A = tpu.reduce_index %add3A_24 {axis = 1 : i32, kind = #tpu.reduction_kind<arg_min>} : vector<32x32xf32> -> vector<32xi32>
    %broadcast_in_dim3A_26 = vector.shape_cast %argmin3A : vector<32xi32> to vector<32x1xi32>
    %eq3A = vector.broadcast %broadcast_in_dim3A_26 : vector<32x1xi32> to vector<32x32xi32>
    %eq3A_27 = arith.cmpi eq, %iota3A, %eq3A : vector<32x32xi32>
    %convert_element_type3A_28 = arith.extui %eq3A_27 : vector<32x32xi1> to vector<32x32xi32>
    %convert_element_type3A_29 = arith.sitofp %convert_element_type3A_28 : vector<32x32xi32> to vector<32x32xf32>
    %convert_element_type3A_30 = arith.truncf %convert_element_type3A_29 : vector<32x32xf32> to vector<32x32xbf16>
    %dot_general3A_31 = arith.constant dense<0.000000e+00> : vector<32x192xf32>
    %dot_general3A_32 = tpu.matmul %convert_element_type3A_30, %convert_element_type3A, %dot_general3A_31 {dimension_numbers = #tpu.dot_dimension_numbers<[1], [0], [0], [1], [0, 0, 1, 1], [], []>, transpose_lhs_hint = false} : vector<32x32xbf16>, vector<32x192xbf16>, vector<32x192xf32> -> vector<32x192xf32>
    %dot_general3A_33 = arith.constant dense<0.000000e+00> : vector<32x192xf32>
    %dot_general3A_34 = tpu.matmul %convert_element_type3A_30, %convert_element_type3A_15, %dot_general3A_33 {dimension_numbers = #tpu.dot_dimension_numbers<[1], [0], [0], [1], [0, 0, 1, 1], [], []>, transpose_lhs_hint = false} : vector<32x32xbf16>, vector<32x192xbf16>, vector<32x192xf32> -> vector<32x192xf32>
    %add3A_35 = arith.addf %dot_general3A_32, %dot_general3A_34 : vector<32x192xf32>
    %dot_general3A_36 = arith.constant dense<0.000000e+00> : vector<32x192xf32>
    %dot_general3A_37 = tpu.matmul %convert_element_type3A_30, %convert_element_type3A_18, %dot_general3A_36 {dimension_numbers = #tpu.dot_dimension_numbers<[1], [0], [0], [1], [0, 0, 1, 1], [], []>, transpose_lhs_hint = false} : vector<32x32xbf16>, vector<32x192xbf16>, vector<32x192xf32> -> vector<32x192xf32>
    %add3A_38 = arith.addf %add3A_35, %dot_general3A_37 : vector<32x192xf32>
    %sub3A_39 = arith.subf %add3A_38, %get3A_3 : vector<32x192xf32>
    %concatenate3A = tpu.concatenate %sub3A_39, %get3A_3 in 1 : vector<32x192xf32>, vector<32x192xf32> -> vector<32x384xf32>
    %get3A_40 = arith.constant 0 : index
    %get3A_41 = arith.constant 0 : index
    %get3A_42 = vector.load %arg4[%get3A_40, %get3A_41] : memref<384x291xf32, #tpu.memory_space<vmem>>, vector<384x291xf32>
    %dot_general3A_43 = arith.constant dense<0.000000e+00> : vector<32x291xf32>
    %dot_general3A_44 = tpu.matmul %concatenate3A, %get3A_42, %dot_general3A_43 {dimension_numbers = #tpu.dot_dimension_numbers<[1], [0], [0], [1], [0, 0, 1, 1], [], []>, transpose_lhs_hint = false} : vector<32x384xf32>, vector<384x291xf32>, vector<32x291xf32> -> vector<32x291xf32>
    %get3A_45 = arith.constant 0 : index
    %get3A_46 = arith.constant 0 : index
    %get3A_47 = vector.load %arg5[%get3A_45, %get3A_46] : memref<1x291xf32, #tpu.memory_space<vmem>>, vector<1x291xf32>
    %add3A_48 = vector.broadcast %get3A_47 : vector<1x291xf32> to vector<32x291xf32>
    %add3A_49 = arith.addf %dot_general3A_44, %add3A_48 : vector<32x291xf32>
    %integer_pow3A = arith.mulf %add3A_49, %add3A_49 : vector<32x291xf32>
    %integer_pow3A_50 = arith.mulf %add3A_49, %integer_pow3A : vector<32x291xf32>
    %mul3A_51 = arith.constant 4.471500e-02 : f32
    %mul3A_52 = vector.broadcast %mul3A_51 : f32 to vector<32x291xf32>
    %mul3A_53 = arith.mulf %mul3A_52, %integer_pow3A_50 : vector<32x291xf32>
    %add3A_54 = arith.addf %add3A_49, %mul3A_53 : vector<32x291xf32>
    %mul3A_55 = arith.constant 0.797884583 : f32
    %mul3A_56 = vector.broadcast %mul3A_55 : f32 to vector<32x291xf32>
    %mul3A_57 = arith.mulf %mul3A_56, %add3A_54 : vector<32x291xf32>
    %tanh3A = math.tanh %mul3A_57 : vector<32x291xf32>
    %add3A_58 = arith.constant 1.000000e+00 : f32
    %add3A_59 = vector.broadcast %add3A_58 : f32 to vector<32x291xf32>
    %add3A_60 = arith.addf %add3A_59, %tanh3A : vector<32x291xf32>
    %mul3A_61 = arith.constant 5.000000e-01 : f32
    %mul3A_62 = vector.broadcast %mul3A_61 : f32 to vector<32x291xf32>
    %mul3A_63 = arith.mulf %mul3A_62, %add3A_60 : vector<32x291xf32>
    %mul3A_64 = arith.mulf %add3A_49, %mul3A_63 : vector<32x291xf32>
    %get3A_65 = arith.constant 0 : index
    %get3A_66 = arith.constant 0 : index
    %get3A_67 = vector.load %arg6[%get3A_65, %get3A_66] : memref<291x221xf32, #tpu.memory_space<vmem>>, vector<291x221xf32>
    %dot_general3A_68 = arith.constant dense<0.000000e+00> : vector<32x221xf32>
    %dot_general3A_69 = tpu.matmul %mul3A_64, %get3A_67, %dot_general3A_68 {dimension_numbers = #tpu.dot_dimension_numbers<[1], [0], [0], [1], [0, 0, 1, 1], [], []>, transpose_lhs_hint = false} : vector<32x291xf32>, vector<291x221xf32>, vector<32x221xf32> -> vector<32x221xf32>
    %get3A_70 = arith.constant 0 : index
    %get3A_71 = arith.constant 0 : index
    %get3A_72 = vector.load %arg7[%get3A_70, %get3A_71] : memref<1x221xf32, #tpu.memory_space<vmem>>, vector<1x221xf32>
    %add3A_73 = vector.broadcast %get3A_72 : vector<1x221xf32> to vector<32x221xf32>
    %add3A_74 = arith.addf %dot_general3A_69, %add3A_73 : vector<32x221xf32>
    %integer_pow3A_75 = arith.mulf %add3A_74, %add3A_74 : vector<32x221xf32>
    %integer_pow3A_76 = arith.mulf %add3A_74, %integer_pow3A_75 : vector<32x221xf32>
    %mul3A_77 = arith.constant 4.471500e-02 : f32
    %mul3A_78 = vector.broadcast %mul3A_77 : f32 to vector<32x221xf32>
    %mul3A_79 = arith.mulf %mul3A_78, %integer_pow3A_76 : vector<32x221xf32>
    %add3A_80 = arith.addf %add3A_74, %mul3A_79 : vector<32x221xf32>
    %mul3A_81 = arith.constant 0.797884583 : f32
    %mul3A_82 = vector.broadcast %mul3A_81 : f32 to vector<32x221xf32>
    %mul3A_83 = arith.mulf %mul3A_82, %add3A_80 : vector<32x221xf32>
    %tanh3A_84 = math.tanh %mul3A_83 : vector<32x221xf32>
    %add3A_85 = arith.constant 1.000000e+00 : f32
    %add3A_86 = vector.broadcast %add3A_85 : f32 to vector<32x221xf32>
    %add3A_87 = arith.addf %add3A_86, %tanh3A_84 : vector<32x221xf32>
    %mul3A_88 = arith.constant 5.000000e-01 : f32
    %mul3A_89 = vector.broadcast %mul3A_88 : f32 to vector<32x221xf32>
    %mul3A_90 = arith.mulf %mul3A_89, %add3A_87 : vector<32x221xf32>
    %mul3A_91 = arith.mulf %add3A_74, %mul3A_90 : vector<32x221xf32>
    %max3A = arith.maximumf %broadcast_in_dim3A_25, %mul3A_91 : vector<32x221xf32>
    %jit3A = arith.constant 0x7F800000 : f32
    %broadcast_in_dim3A_92 = vector.broadcast %jit3A : f32 to vector<32x32xf32>
    %select_n3A = arith.select %eq3A_27, %broadcast_in_dim3A_92, %add3A_24 : vector<32x32xi1>, vector<32x32xf32>
    %argmin3A_93 = tpu.reduce_index %select_n3A {axis = 1 : i32, kind = #tpu.reduction_kind<arg_min>} : vector<32x32xf32> -> vector<32xi32>
    %broadcast_in_dim3A_94 = vector.shape_cast %argmin3A_93 : vector<32xi32> to vector<32x1xi32>
    %eq3A_95 = vector.broadcast %broadcast_in_dim3A_94 : vector<32x1xi32> to vector<32x32xi32>
    %eq3A_96 = arith.cmpi eq, %iota3A, %eq3A_95 : vector<32x32xi32>
    %convert_element_type3A_97 = arith.extui %eq3A_96 : vector<32x32xi1> to vector<32x32xi32>
    %convert_element_type3A_98 = arith.sitofp %convert_element_type3A_97 : vector<32x32xi32> to vector<32x32xf32>
    %convert_element_type3A_99 = arith.truncf %convert_element_type3A_98 : vector<32x32xf32> to vector<32x32xbf16>
    %dot_general3A_100 = arith.constant dense<0.000000e+00> : vector<32x192xf32>
    %dot_general3A_101 = tpu.matmul %convert_element_type3A_99, %convert_element_type3A, %dot_general3A_100 {dimension_numbers = #tpu.dot_dimension_numbers<[1], [0], [0], [1], [0, 0, 1, 1], [], []>, transpose_lhs_hint = false} : vector<32x32xbf16>, vector<32x192xbf16>, vector<32x192xf32> -> vector<32x192xf32>
    %dot_general3A_102 = arith.constant dense<0.000000e+00> : vector<32x192xf32>
    %dot_general3A_103 = tpu.matmul %convert_element_type3A_99, %convert_element_type3A_15, %dot_general3A_102 {dimension_numbers = #tpu.dot_dimension_numbers<[1], [0], [0], [1], [0, 0, 1, 1], [], []>, transpose_lhs_hint = false} : vector<32x32xbf16>, vector<32x192xbf16>, vector<32x192xf32> -> vector<32x192xf32>
    %add3A_104 = arith.addf %dot_general3A_101, %dot_general3A_103 : vector<32x192xf32>
    %dot_general3A_105 = arith.constant dense<0.000000e+00> : vector<32x192xf32>
    %dot_general3A_106 = tpu.matmul %convert_element_type3A_99, %convert_element_type3A_18, %dot_general3A_105 {dimension_numbers = #tpu.dot_dimension_numbers<[1], [0], [0], [1], [0, 0, 1, 1], [], []>, transpose_lhs_hint = false} : vector<32x32xbf16>, vector<32x192xbf16>, vector<32x192xf32> -> vector<32x192xf32>
    %add3A_107 = arith.addf %add3A_104, %dot_general3A_106 : vector<32x192xf32>
    %sub3A_108 = arith.subf %add3A_107, %get3A_3 : vector<32x192xf32>
    %concatenate3A_109 = tpu.concatenate %sub3A_108, %get3A_3 in 1 : vector<32x192xf32>, vector<32x192xf32> -> vector<32x384xf32>
    %get3A_110 = arith.constant 0 : index
    %get3A_111 = arith.constant 0 : index
    %get3A_112 = vector.load %arg4[%get3A_110, %get3A_111] : memref<384x291xf32, #tpu.memory_space<vmem>>, vector<384x291xf32>
    %dot_general3A_113 = arith.constant dense<0.000000e+00> : vector<32x291xf32>
    %dot_general3A_114 = tpu.matmul %concatenate3A_109, %get3A_112, %dot_general3A_113 {dimension_numbers = #tpu.dot_dimension_numbers<[1], [0], [0], [1], [0, 0, 1, 1], [], []>, transpose_lhs_hint = false} : vector<32x384xf32>, vector<384x291xf32>, vector<32x291xf32> -> vector<32x291xf32>
    %get3A_115 = arith.constant 0 : index
    %get3A_116 = arith.constant 0 : index
    %get3A_117 = vector.load %arg5[%get3A_115, %get3A_116] : memref<1x291xf32, #tpu.memory_space<vmem>>, vector<1x291xf32>
    %add3A_118 = vector.broadcast %get3A_117 : vector<1x291xf32> to vector<32x291xf32>
    %add3A_119 = arith.addf %dot_general3A_114, %add3A_118 : vector<32x291xf32>
    %integer_pow3A_120 = arith.mulf %add3A_119, %add3A_119 : vector<32x291xf32>
    %integer_pow3A_121 = arith.mulf %add3A_119, %integer_pow3A_120 : vector<32x291xf32>
    %mul3A_122 = arith.constant 4.471500e-02 : f32
    %mul3A_123 = vector.broadcast %mul3A_122 : f32 to vector<32x291xf32>
    %mul3A_124 = arith.mulf %mul3A_123, %integer_pow3A_121 : vector<32x291xf32>
    %add3A_125 = arith.addf %add3A_119, %mul3A_124 : vector<32x291xf32>
    %mul3A_126 = arith.constant 0.797884583 : f32
    %mul3A_127 = vector.broadcast %mul3A_126 : f32 to vector<32x291xf32>
    %mul3A_128 = arith.mulf %mul3A_127, %add3A_125 : vector<32x291xf32>
    %tanh3A_129 = math.tanh %mul3A_128 : vector<32x291xf32>
    %add3A_130 = arith.constant 1.000000e+00 : f32
    %add3A_131 = vector.broadcast %add3A_130 : f32 to vector<32x291xf32>
    %add3A_132 = arith.addf %add3A_131, %tanh3A_129 : vector<32x291xf32>
    %mul3A_133 = arith.constant 5.000000e-01 : f32
    %mul3A_134 = vector.broadcast %mul3A_133 : f32 to vector<32x291xf32>
    %mul3A_135 = arith.mulf %mul3A_134, %add3A_132 : vector<32x291xf32>
    %mul3A_136 = arith.mulf %add3A_119, %mul3A_135 : vector<32x291xf32>
    %get3A_137 = arith.constant 0 : index
    %get3A_138 = arith.constant 0 : index
    %get3A_139 = vector.load %arg6[%get3A_137, %get3A_138] : memref<291x221xf32, #tpu.memory_space<vmem>>, vector<291x221xf32>
    %dot_general3A_140 = arith.constant dense<0.000000e+00> : vector<32x221xf32>
    %dot_general3A_141 = tpu.matmul %mul3A_136, %get3A_139, %dot_general3A_140 {dimension_numbers = #tpu.dot_dimension_numbers<[1], [0], [0], [1], [0, 0, 1, 1], [], []>, transpose_lhs_hint = false} : vector<32x291xf32>, vector<291x221xf32>, vector<32x221xf32> -> vector<32x221xf32>
    %get3A_142 = arith.constant 0 : index
    %get3A_143 = arith.constant 0 : index
    %get3A_144 = vector.load %arg7[%get3A_142, %get3A_143] : memref<1x221xf32, #tpu.memory_space<vmem>>, vector<1x221xf32>
    %add3A_145 = vector.broadcast %get3A_144 : vector<1x221xf32> to vector<32x221xf32>
    %add3A_146 = arith.addf %dot_general3A_141, %add3A_145 : vector<32x221xf32>
    %integer_pow3A_147 = arith.mulf %add3A_146, %add3A_146 : vector<32x221xf32>
    %integer_pow3A_148 = arith.mulf %add3A_146, %integer_pow3A_147 : vector<32x221xf32>
    %mul3A_149 = arith.constant 4.471500e-02 : f32
    %mul3A_150 = vector.broadcast %mul3A_149 : f32 to vector<32x221xf32>
    %mul3A_151 = arith.mulf %mul3A_150, %integer_pow3A_148 : vector<32x221xf32>
    %add3A_152 = arith.addf %add3A_146, %mul3A_151 : vector<32x221xf32>
    %mul3A_153 = arith.constant 0.797884583 : f32
    %mul3A_154 = vector.broadcast %mul3A_153 : f32 to vector<32x221xf32>
    %mul3A_155 = arith.mulf %mul3A_154, %add3A_152 : vector<32x221xf32>
    %tanh3A_156 = math.tanh %mul3A_155 : vector<32x221xf32>
    %add3A_157 = arith.constant 1.000000e+00 : f32
    %add3A_158 = vector.broadcast %add3A_157 : f32 to vector<32x221xf32>
    %add3A_159 = arith.addf %add3A_158, %tanh3A_156 : vector<32x221xf32>
    %mul3A_160 = arith.constant 5.000000e-01 : f32
    %mul3A_161 = vector.broadcast %mul3A_160 : f32 to vector<32x221xf32>
    %mul3A_162 = arith.mulf %mul3A_161, %add3A_159 : vector<32x221xf32>
    %mul3A_163 = arith.mulf %add3A_146, %mul3A_162 : vector<32x221xf32>
    %max3A_164 = arith.maximumf %max3A, %mul3A_163 : vector<32x221xf32>
    %convert_element_type3A_165 = arith.truncf %max3A_164 : vector<32x221xf32> to vector<32x221xbf16>
    %convert_element_type3A_166 = arith.extf %convert_element_type3A_165 : vector<32x221xbf16> to vector<32x221xf32>
    %sub3A_167 = arith.subf %max3A_164, %convert_element_type3A_166 : vector<32x221xf32>
    %convert_element_type3A_168 = arith.truncf %sub3A_167 : vector<32x221xf32> to vector<32x221xbf16>
    %convert_element_type3A_169 = arith.extf %convert_element_type3A_168 : vector<32x221xbf16> to vector<32x221xf32>
    %sub3A_170 = arith.subf %sub3A_167, %convert_element_type3A_169 : vector<32x221xf32>
    %convert_element_type3A_171 = arith.truncf %sub3A_170 : vector<32x221xf32> to vector<32x221xbf16>
    %mul3A_172 = arith.mulf %max3A_164, %max3A_164 : vector<32x221xf32>
    %reduce_sum3A = arith.constant dense<0.000000e+00> : vector<32xf32>
    %reduce_sum3A_173 = vector.multi_reduction <add>, %mul3A_172, %reduce_sum3A [1] : vector<32x221xf32> to vector<32xf32>
    %broadcast_in_dim3A_174 = vector.shape_cast %reduce_sum3A_173 : vector<32xf32> to vector<32x1xf32>
    %broadcast_in_dim3A_175 = arith.constant 1.000000e+00 : f32
    %broadcast_in_dim3A_176 = vector.broadcast %broadcast_in_dim3A_175 : f32 to vector<1x221xf32>
    %mul3A_177 = arith.mulf %max3A_164, %max3A_164 : vector<32x221xf32>
    %convert_element_type3A_178 = arith.truncf %mul3A_177 : vector<32x221xf32> to vector<32x221xbf16>
    %convert_element_type3A_179 = arith.extf %convert_element_type3A_178 : vector<32x221xbf16> to vector<32x221xf32>
    %sub3A_180 = arith.subf %mul3A_177, %convert_element_type3A_179 : vector<32x221xf32>
    %convert_element_type3A_181 = arith.truncf %sub3A_180 : vector<32x221xf32> to vector<32x221xbf16>
    %convert_element_type3A_182 = arith.extf %convert_element_type3A_181 : vector<32x221xbf16> to vector<32x221xf32>
    %sub3A_183 = arith.subf %sub3A_180, %convert_element_type3A_182 : vector<32x221xf32>
    %convert_element_type3A_184 = arith.truncf %sub3A_183 : vector<32x221xf32> to vector<32x221xbf16>
    %convert_element_type3A_185 = arith.truncf %broadcast_in_dim3A_176 : vector<1x221xf32> to vector<1x221xbf16>
    %dot_general3A_186 = arith.constant dense<0.000000e+00> : vector<1x32xf32>
    %dot_general3A_187 = tpu.matmul %convert_element_type3A_185, %convert_element_type3A_178, %dot_general3A_186 {dimension_numbers = #tpu.dot_dimension_numbers<[1], [1], [0], [0], [0, 0, 1, 0], [], []>, transpose_lhs_hint = false} : vector<1x221xbf16>, vector<32x221xbf16>, vector<1x32xf32> -> vector<1x32xf32>
    %dot_general3A_188 = arith.constant dense<0.000000e+00> : vector<1x32xf32>
    %dot_general3A_189 = tpu.matmul %convert_element_type3A_185, %convert_element_type3A_181, %dot_general3A_188 {dimension_numbers = #tpu.dot_dimension_numbers<[1], [1], [0], [0], [0, 0, 1, 0], [], []>, transpose_lhs_hint = false} : vector<1x221xbf16>, vector<32x221xbf16>, vector<1x32xf32> -> vector<1x32xf32>
    %add3A_190 = arith.addf %dot_general3A_187, %dot_general3A_189 : vector<1x32xf32>
    %dot_general3A_191 = arith.constant dense<0.000000e+00> : vector<1x32xf32>
    %dot_general3A_192 = tpu.matmul %convert_element_type3A_185, %convert_element_type3A_184, %dot_general3A_191 {dimension_numbers = #tpu.dot_dimension_numbers<[1], [1], [0], [0], [0, 0, 1, 0], [], []>, transpose_lhs_hint = false} : vector<1x221xbf16>, vector<32x221xbf16>, vector<1x32xf32> -> vector<1x32xf32>
    %add3A_193 = arith.addf %add3A_190, %dot_general3A_192 : vector<1x32xf32>
    %dot_general3A_194 = arith.constant dense<0.000000e+00> : vector<32x32xf32>
    %dot_general3A_195 = tpu.matmul %max3A_164, %max3A_164, %dot_general3A_194 {dimension_numbers = #tpu.dot_dimension_numbers<[1], [1], [0], [0], [0, 0, 1, 0], [], []>, transpose_lhs_hint = false} : vector<32x221xf32>, vector<32x221xf32>, vector<32x32xf32> -> vector<32x32xf32>
    %mul3A_196 = arith.constant 2.000000e+00 : f32
    %mul3A_197 = vector.broadcast %mul3A_196 : f32 to vector<32x32xf32>
    %mul3A_198 = arith.mulf %mul3A_197, %dot_general3A_195 : vector<32x32xf32>
    %sub3A_199 = vector.broadcast %broadcast_in_dim3A_174 : vector<32x1xf32> to vector<32x32xf32>
    %sub3A_200 = arith.subf %sub3A_199, %mul3A_198 : vector<32x32xf32>
    %add3A_201 = vector.broadcast %add3A_193 : vector<1x32xf32> to vector<32x32xf32>
    %add3A_202 = arith.addf %sub3A_200, %add3A_201 : vector<32x32xf32>
    %iota3A_203 = tpu.iota {dimensions = array<i32: 1>} : vector<32x32xi32>
    %broadcast_in_dim3A_204 = arith.constant 0xFF800000 : f32
    %broadcast_in_dim3A_205 = vector.broadcast %broadcast_in_dim3A_204 : f32 to vector<32x256xf32>
    %argmin3A_206 = tpu.reduce_index %add3A_202 {axis = 1 : i32, kind = #tpu.reduction_kind<arg_min>} : vector<32x32xf32> -> vector<32xi32>
    %broadcast_in_dim3A_207 = vector.shape_cast %argmin3A_206 : vector<32xi32> to vector<32x1xi32>
    %eq3A_208 = vector.broadcast %broadcast_in_dim3A_207 : vector<32x1xi32> to vector<32x32xi32>
    %eq3A_209 = arith.cmpi eq, %iota3A_203, %eq3A_208 : vector<32x32xi32>
    %convert_element_type3A_210 = arith.extui %eq3A_209 : vector<32x32xi1> to vector<32x32xi32>
    %convert_element_type3A_211 = arith.sitofp %convert_element_type3A_210 : vector<32x32xi32> to vector<32x32xf32>
    %convert_element_type3A_212 = arith.truncf %convert_element_type3A_211 : vector<32x32xf32> to vector<32x32xbf16>
    %dot_general3A_213 = arith.constant dense<0.000000e+00> : vector<32x221xf32>
    %dot_general3A_214 = tpu.matmul %convert_element_type3A_212, %convert_element_type3A_165, %dot_general3A_213 {dimension_numbers = #tpu.dot_dimension_numbers<[1], [0], [0], [1], [0, 0, 1, 1], [], []>, transpose_lhs_hint = false} : vector<32x32xbf16>, vector<32x221xbf16>, vector<32x221xf32> -> vector<32x221xf32>
    %dot_general3A_215 = arith.constant dense<0.000000e+00> : vector<32x221xf32>
    %dot_general3A_216 = tpu.matmul %convert_element_type3A_212, %convert_element_type3A_168, %dot_general3A_215 {dimension_numbers = #tpu.dot_dimension_numbers<[1], [0], [0], [1], [0, 0, 1, 1], [], []>, transpose_lhs_hint = false} : vector<32x32xbf16>, vector<32x221xbf16>, vector<32x221xf32> -> vector<32x221xf32>
    %add3A_217 = arith.addf %dot_general3A_214, %dot_general3A_216 : vector<32x221xf32>
    %dot_general3A_218 = arith.constant dense<0.000000e+00> : vector<32x221xf32>
    %dot_general3A_219 = tpu.matmul %convert_element_type3A_212, %convert_element_type3A_171, %dot_general3A_218 {dimension_numbers = #tpu.dot_dimension_numbers<[1], [0], [0], [1], [0, 0, 1, 1], [], []>, transpose_lhs_hint = false} : vector<32x32xbf16>, vector<32x221xbf16>, vector<32x221xf32> -> vector<32x221xf32>
    %add3A_220 = arith.addf %add3A_217, %dot_general3A_219 : vector<32x221xf32>
    %sub3A_221 = arith.subf %add3A_220, %max3A_164 : vector<32x221xf32>
    %concatenate3A_222 = tpu.concatenate %sub3A_221, %max3A_164 in 1 : vector<32x221xf32>, vector<32x221xf32> -> vector<32x442xf32>
    %get3A_223 = arith.constant 0 : index
    %get3A_224 = arith.constant 0 : index
    %get3A_225 = vector.load %arg8[%get3A_223, %get3A_224] : memref<442x335xf32, #tpu.memory_space<vmem>>, vector<442x335xf32>
    %dot_general3A_226 = arith.constant dense<0.000000e+00> : vector<32x335xf32>
    %dot_general3A_227 = tpu.matmul %concatenate3A_222, %get3A_225, %dot_general3A_226 {dimension_numbers = #tpu.dot_dimension_numbers<[1], [0], [0], [1], [0, 0, 1, 1], [], []>, transpose_lhs_hint = false} : vector<32x442xf32>, vector<442x335xf32>, vector<32x335xf32> -> vector<32x335xf32>
    %get3A_228 = arith.constant 0 : index
    %get3A_229 = arith.constant 0 : index
    %get3A_230 = vector.load %arg9[%get3A_228, %get3A_229] : memref<1x335xf32, #tpu.memory_space<vmem>>, vector<1x335xf32>
    %add3A_231 = vector.broadcast %get3A_230 : vector<1x335xf32> to vector<32x335xf32>
    %add3A_232 = arith.addf %dot_general3A_227, %add3A_231 : vector<32x335xf32>
    %integer_pow3A_233 = arith.mulf %add3A_232, %add3A_232 : vector<32x335xf32>
    %integer_pow3A_234 = arith.mulf %add3A_232, %integer_pow3A_233 : vector<32x335xf32>
    %mul3A_235 = arith.constant 4.471500e-02 : f32
    %mul3A_236 = vector.broadcast %mul3A_235 : f32 to vector<32x335xf32>
    %mul3A_237 = arith.mulf %mul3A_236, %integer_pow3A_234 : vector<32x335xf32>
    %add3A_238 = arith.addf %add3A_232, %mul3A_237 : vector<32x335xf32>
    %mul3A_239 = arith.constant 0.797884583 : f32
    %mul3A_240 = vector.broadcast %mul3A_239 : f32 to vector<32x335xf32>
    %mul3A_241 = arith.mulf %mul3A_240, %add3A_238 : vector<32x335xf32>
    %tanh3A_242 = math.tanh %mul3A_241 : vector<32x335xf32>
    %add3A_243 = arith.constant 1.000000e+00 : f32
    %add3A_244 = vector.broadcast %add3A_243 : f32 to vector<32x335xf32>
    %add3A_245 = arith.addf %add3A_244, %tanh3A_242 : vector<32x335xf32>
    %mul3A_246 = arith.constant 5.000000e-01 : f32
    %mul3A_247 = vector.broadcast %mul3A_246 : f32 to vector<32x335xf32>
    %mul3A_248 = arith.mulf %mul3A_247, %add3A_245 : vector<32x335xf32>
    %mul3A_249 = arith.mulf %add3A_232, %mul3A_248 : vector<32x335xf32>
    %get3A_250 = arith.constant 0 : index
    %get3A_251 = arith.constant 0 : index
    %get3A_252 = vector.load %arg10[%get3A_250, %get3A_251] : memref<335x256xf32, #tpu.memory_space<vmem>>, vector<335x256xf32>
    %dot_general3A_253 = arith.constant dense<0.000000e+00> : vector<32x256xf32>
    %dot_general3A_254 = tpu.matmul %mul3A_249, %get3A_252, %dot_general3A_253 {dimension_numbers = #tpu.dot_dimension_numbers<[1], [0], [0], [1], [0, 0, 1, 1], [], []>, transpose_lhs_hint = false} : vector<32x335xf32>, vector<335x256xf32>, vector<32x256xf32> -> vector<32x256xf32>
    %get3A_255 = arith.constant 0 : index
    %get3A_256 = arith.constant 0 : index
    %get3A_257 = vector.load %arg11[%get3A_255, %get3A_256] : memref<1x256xf32, #tpu.memory_space<vmem>>, vector<1x256xf32>
    %add3A_258 = vector.broadcast %get3A_257 : vector<1x256xf32> to vector<32x256xf32>
    %add3A_259 = arith.addf %dot_general3A_254, %add3A_258 : vector<32x256xf32>
    %integer_pow3A_260 = arith.mulf %add3A_259, %add3A_259 : vector<32x256xf32>
    %integer_pow3A_261 = arith.mulf %add3A_259, %integer_pow3A_260 : vector<32x256xf32>
    %mul3A_262 = arith.constant 4.471500e-02 : f32
    %mul3A_263 = vector.broadcast %mul3A_262 : f32 to vector<32x256xf32>
    %mul3A_264 = arith.mulf %mul3A_263, %integer_pow3A_261 : vector<32x256xf32>
    %add3A_265 = arith.addf %add3A_259, %mul3A_264 : vector<32x256xf32>
    %mul3A_266 = arith.constant 0.797884583 : f32
    %mul3A_267 = vector.broadcast %mul3A_266 : f32 to vector<32x256xf32>
    %mul3A_268 = arith.mulf %mul3A_267, %add3A_265 : vector<32x256xf32>
    %tanh3A_269 = math.tanh %mul3A_268 : vector<32x256xf32>
    %add3A_270 = arith.constant 1.000000e+00 : f32
    %add3A_271 = vector.broadcast %add3A_270 : f32 to vector<32x256xf32>
    %add3A_272 = arith.addf %add3A_271, %tanh3A_269 : vector<32x256xf32>
    %mul3A_273 = arith.constant 5.000000e-01 : f32
    %mul3A_274 = vector.broadcast %mul3A_273 : f32 to vector<32x256xf32>
    %mul3A_275 = arith.mulf %mul3A_274, %add3A_272 : vector<32x256xf32>
    %mul3A_276 = arith.mulf %add3A_259, %mul3A_275 : vector<32x256xf32>
    %max3A_277 = arith.maximumf %broadcast_in_dim3A_205, %mul3A_276 : vector<32x256xf32>
    %jit3A_278 = arith.constant 0x7F800000 : f32
    %broadcast_in_dim3A_279 = vector.broadcast %jit3A_278 : f32 to vector<32x32xf32>
    %select_n3A_280 = arith.select %eq3A_209, %broadcast_in_dim3A_279, %add3A_202 : vector<32x32xi1>, vector<32x32xf32>
    %argmin3A_281 = tpu.reduce_index %select_n3A_280 {axis = 1 : i32, kind = #tpu.reduction_kind<arg_min>} : vector<32x32xf32> -> vector<32xi32>
    %broadcast_in_dim3A_282 = vector.shape_cast %argmin3A_281 : vector<32xi32> to vector<32x1xi32>
    %eq3A_283 = vector.broadcast %broadcast_in_dim3A_282 : vector<32x1xi32> to vector<32x32xi32>
    %eq3A_284 = arith.cmpi eq, %iota3A_203, %eq3A_283 : vector<32x32xi32>
    %convert_element_type3A_285 = arith.extui %eq3A_284 : vector<32x32xi1> to vector<32x32xi32>
    %convert_element_type3A_286 = arith.sitofp %convert_element_type3A_285 : vector<32x32xi32> to vector<32x32xf32>
    %convert_element_type3A_287 = arith.truncf %convert_element_type3A_286 : vector<32x32xf32> to vector<32x32xbf16>
    %dot_general3A_288 = arith.constant dense<0.000000e+00> : vector<32x221xf32>
    %dot_general3A_289 = tpu.matmul %convert_element_type3A_287, %convert_element_type3A_165, %dot_general3A_288 {dimension_numbers = #tpu.dot_dimension_numbers<[1], [0], [0], [1], [0, 0, 1, 1], [], []>, transpose_lhs_hint = false} : vector<32x32xbf16>, vector<32x221xbf16>, vector<32x221xf32> -> vector<32x221xf32>
    %dot_general3A_290 = arith.constant dense<0.000000e+00> : vector<32x221xf32>
    %dot_general3A_291 = tpu.matmul %convert_element_type3A_287, %convert_element_type3A_168, %dot_general3A_290 {dimension_numbers = #tpu.dot_dimension_numbers<[1], [0], [0], [1], [0, 0, 1, 1], [], []>, transpose_lhs_hint = false} : vector<32x32xbf16>, vector<32x221xbf16>, vector<32x221xf32> -> vector<32x221xf32>
    %add3A_292 = arith.addf %dot_general3A_289, %dot_general3A_291 : vector<32x221xf32>
    %dot_general3A_293 = arith.constant dense<0.000000e+00> : vector<32x221xf32>
    %dot_general3A_294 = tpu.matmul %convert_element_type3A_287, %convert_element_type3A_171, %dot_general3A_293 {dimension_numbers = #tpu.dot_dimension_numbers<[1], [0], [0], [1], [0, 0, 1, 1], [], []>, transpose_lhs_hint = false} : vector<32x32xbf16>, vector<32x221xbf16>, vector<32x221xf32> -> vector<32x221xf32>
    %add3A_295 = arith.addf %add3A_292, %dot_general3A_294 : vector<32x221xf32>
    %sub3A_296 = arith.subf %add3A_295, %max3A_164 : vector<32x221xf32>
    %concatenate3A_297 = tpu.concatenate %sub3A_296, %max3A_164 in 1 : vector<32x221xf32>, vector<32x221xf32> -> vector<32x442xf32>
    %get3A_298 = arith.constant 0 : index
    %get3A_299 = arith.constant 0 : index
    %get3A_300 = vector.load %arg8[%get3A_298, %get3A_299] : memref<442x335xf32, #tpu.memory_space<vmem>>, vector<442x335xf32>
    %dot_general3A_301 = arith.constant dense<0.000000e+00> : vector<32x335xf32>
    %dot_general3A_302 = tpu.matmul %concatenate3A_297, %get3A_300, %dot_general3A_301 {dimension_numbers = #tpu.dot_dimension_numbers<[1], [0], [0], [1], [0, 0, 1, 1], [], []>, transpose_lhs_hint = false} : vector<32x442xf32>, vector<442x335xf32>, vector<32x335xf32> -> vector<32x335xf32>
    %get3A_303 = arith.constant 0 : index
    %get3A_304 = arith.constant 0 : index
    %get3A_305 = vector.load %arg9[%get3A_303, %get3A_304] : memref<1x335xf32, #tpu.memory_space<vmem>>, vector<1x335xf32>
    %add3A_306 = vector.broadcast %get3A_305 : vector<1x335xf32> to vector<32x335xf32>
    %add3A_307 = arith.addf %dot_general3A_302, %add3A_306 : vector<32x335xf32>
    %integer_pow3A_308 = arith.mulf %add3A_307, %add3A_307 : vector<32x335xf32>
    %integer_pow3A_309 = arith.mulf %add3A_307, %integer_pow3A_308 : vector<32x335xf32>
    %mul3A_310 = arith.constant 4.471500e-02 : f32
    %mul3A_311 = vector.broadcast %mul3A_310 : f32 to vector<32x335xf32>
    %mul3A_312 = arith.mulf %mul3A_311, %integer_pow3A_309 : vector<32x335xf32>
    %add3A_313 = arith.addf %add3A_307, %mul3A_312 : vector<32x335xf32>
    %mul3A_314 = arith.constant 0.797884583 : f32
    %mul3A_315 = vector.broadcast %mul3A_314 : f32 to vector<32x335xf32>
    %mul3A_316 = arith.mulf %mul3A_315, %add3A_313 : vector<32x335xf32>
    %tanh3A_317 = math.tanh %mul3A_316 : vector<32x335xf32>
    %add3A_318 = arith.constant 1.000000e+00 : f32
    %add3A_319 = vector.broadcast %add3A_318 : f32 to vector<32x335xf32>
    %add3A_320 = arith.addf %add3A_319, %tanh3A_317 : vector<32x335xf32>
    %mul3A_321 = arith.constant 5.000000e-01 : f32
    %mul3A_322 = vector.broadcast %mul3A_321 : f32 to vector<32x335xf32>
    %mul3A_323 = arith.mulf %mul3A_322, %add3A_320 : vector<32x335xf32>
    %mul3A_324 = arith.mulf %add3A_307, %mul3A_323 : vector<32x335xf32>
    %get3A_325 = arith.constant 0 : index
    %get3A_326 = arith.constant 0 : index
    %get3A_327 = vector.load %arg10[%get3A_325, %get3A_326] : memref<335x256xf32, #tpu.memory_space<vmem>>, vector<335x256xf32>
    %dot_general3A_328 = arith.constant dense<0.000000e+00> : vector<32x256xf32>
    %dot_general3A_329 = tpu.matmul %mul3A_324, %get3A_327, %dot_general3A_328 {dimension_numbers = #tpu.dot_dimension_numbers<[1], [0], [0], [1], [0, 0, 1, 1], [], []>, transpose_lhs_hint = false} : vector<32x335xf32>, vector<335x256xf32>, vector<32x256xf32> -> vector<32x256xf32>
    %get3A_330 = arith.constant 0 : index
    %get3A_331 = arith.constant 0 : index
    %get3A_332 = vector.load %arg11[%get3A_330, %get3A_331] : memref<1x256xf32, #tpu.memory_space<vmem>>, vector<1x256xf32>
    %add3A_333 = vector.broadcast %get3A_332 : vector<1x256xf32> to vector<32x256xf32>
    %add3A_334 = arith.addf %dot_general3A_329, %add3A_333 : vector<32x256xf32>
    %integer_pow3A_335 = arith.mulf %add3A_334, %add3A_334 : vector<32x256xf32>
    %integer_pow3A_336 = arith.mulf %add3A_334, %integer_pow3A_335 : vector<32x256xf32>
    %mul3A_337 = arith.constant 4.471500e-02 : f32
    %mul3A_338 = vector.broadcast %mul3A_337 : f32 to vector<32x256xf32>
    %mul3A_339 = arith.mulf %mul3A_338, %integer_pow3A_336 : vector<32x256xf32>
    %add3A_340 = arith.addf %add3A_334, %mul3A_339 : vector<32x256xf32>
    %mul3A_341 = arith.constant 0.797884583 : f32
    %mul3A_342 = vector.broadcast %mul3A_341 : f32 to vector<32x256xf32>
    %mul3A_343 = arith.mulf %mul3A_342, %add3A_340 : vector<32x256xf32>
    %tanh3A_344 = math.tanh %mul3A_343 : vector<32x256xf32>
    %add3A_345 = arith.constant 1.000000e+00 : f32
    %add3A_346 = vector.broadcast %add3A_345 : f32 to vector<32x256xf32>
    %add3A_347 = arith.addf %add3A_346, %tanh3A_344 : vector<32x256xf32>
    %mul3A_348 = arith.constant 5.000000e-01 : f32
    %mul3A_349 = vector.broadcast %mul3A_348 : f32 to vector<32x256xf32>
    %mul3A_350 = arith.mulf %mul3A_349, %add3A_347 : vector<32x256xf32>
    %mul3A_351 = arith.mulf %add3A_334, %mul3A_350 : vector<32x256xf32>
    %max3A_352 = arith.maximumf %max3A_277, %mul3A_351 : vector<32x256xf32>
    %concatenate3A_353 = tpu.concatenate %max3A_164, %max3A_352 in 1 : vector<32x221xf32>, vector<32x256xf32> -> vector<32x477xf32>
    %get3A_354 = arith.constant 0 : index
    %get3A_355 = arith.constant 0 : index
    %get3A_356 = vector.load %arg12[%get3A_354, %get3A_355] : memref<477x349xf32, #tpu.memory_space<vmem>>, vector<477x349xf32>
    %dot_general3A_357 = arith.constant dense<0.000000e+00> : vector<32x349xf32>
    %dot_general3A_358 = tpu.matmul %concatenate3A_353, %get3A_356, %dot_general3A_357 {dimension_numbers = #tpu.dot_dimension_numbers<[1], [0], [0], [1], [0, 0, 1, 1], [], []>, transpose_lhs_hint = false} : vector<32x477xf32>, vector<477x349xf32>, vector<32x349xf32> -> vector<32x349xf32>
    %get3A_359 = arith.constant 0 : index
    %get3A_360 = arith.constant 0 : index
    %get3A_361 = vector.load %arg13[%get3A_359, %get3A_360] : memref<1x349xf32, #tpu.memory_space<vmem>>, vector<1x349xf32>
    %add3A_362 = vector.broadcast %get3A_361 : vector<1x349xf32> to vector<32x349xf32>
    %add3A_363 = arith.addf %dot_general3A_358, %add3A_362 : vector<32x349xf32>
    %integer_pow3A_364 = arith.mulf %add3A_363, %add3A_363 : vector<32x349xf32>
    %integer_pow3A_365 = arith.mulf %add3A_363, %integer_pow3A_364 : vector<32x349xf32>
    %mul3A_366 = arith.constant 4.471500e-02 : f32
    %mul3A_367 = vector.broadcast %mul3A_366 : f32 to vector<32x349xf32>
    %mul3A_368 = arith.mulf %mul3A_367, %integer_pow3A_365 : vector<32x349xf32>
    %add3A_369 = arith.addf %add3A_363, %mul3A_368 : vector<32x349xf32>
    %mul3A_370 = arith.constant 0.797884583 : f32
    %mul3A_371 = vector.broadcast %mul3A_370 : f32 to vector<32x349xf32>
    %mul3A_372 = arith.mulf %mul3A_371, %add3A_369 : vector<32x349xf32>
    %tanh3A_373 = math.tanh %mul3A_372 : vector<32x349xf32>
    %add3A_374 = arith.constant 1.000000e+00 : f32
    %add3A_375 = vector.broadcast %add3A_374 : f32 to vector<32x349xf32>
    %add3A_376 = arith.addf %add3A_375, %tanh3A_373 : vector<32x349xf32>
    %mul3A_377 = arith.constant 5.000000e-01 : f32
    %mul3A_378 = vector.broadcast %mul3A_377 : f32 to vector<32x349xf32>
    %mul3A_379 = arith.mulf %mul3A_378, %add3A_376 : vector<32x349xf32>
    %mul3A_380 = arith.mulf %add3A_363, %mul3A_379 : vector<32x349xf32>
    %get3A_381 = arith.constant 0 : index
    %get3A_382 = arith.constant 0 : index
    %get3A_383 = vector.load %arg14[%get3A_381, %get3A_382] : memref<349x256xf32, #tpu.memory_space<vmem>>, vector<349x256xf32>
    %dot_general3A_384 = arith.constant dense<0.000000e+00> : vector<32x256xf32>
    %dot_general3A_385 = tpu.matmul %mul3A_380, %get3A_383, %dot_general3A_384 {dimension_numbers = #tpu.dot_dimension_numbers<[1], [0], [0], [1], [0, 0, 1, 1], [], []>, transpose_lhs_hint = false} : vector<32x349xf32>, vector<349x256xf32>, vector<32x256xf32> -> vector<32x256xf32>
    %get3A_386 = arith.constant 0 : index
    %get3A_387 = arith.constant 0 : index
    %get3A_388 = vector.load %arg15[%get3A_386, %get3A_387] : memref<1x256xf32, #tpu.memory_space<vmem>>, vector<1x256xf32>
    %add3A_389 = vector.broadcast %get3A_388 : vector<1x256xf32> to vector<32x256xf32>
    %add3A_390 = arith.addf %dot_general3A_385, %add3A_389 : vector<32x256xf32>
    %integer_pow3A_391 = arith.mulf %add3A_390, %add3A_390 : vector<32x256xf32>
    %integer_pow3A_392 = arith.mulf %add3A_390, %integer_pow3A_391 : vector<32x256xf32>
    %mul3A_393 = arith.constant 4.471500e-02 : f32
    %mul3A_394 = vector.broadcast %mul3A_393 : f32 to vector<32x256xf32>
    %mul3A_395 = arith.mulf %mul3A_394, %integer_pow3A_392 : vector<32x256xf32>
    %add3A_396 = arith.addf %add3A_390, %mul3A_395 : vector<32x256xf32>
    %mul3A_397 = arith.constant 0.797884583 : f32
    %mul3A_398 = vector.broadcast %mul3A_397 : f32 to vector<32x256xf32>
    %mul3A_399 = arith.mulf %mul3A_398, %add3A_396 : vector<32x256xf32>
    %tanh3A_400 = math.tanh %mul3A_399 : vector<32x256xf32>
    %add3A_401 = arith.constant 1.000000e+00 : f32
    %add3A_402 = vector.broadcast %add3A_401 : f32 to vector<32x256xf32>
    %add3A_403 = arith.addf %add3A_402, %tanh3A_400 : vector<32x256xf32>
    %mul3A_404 = arith.constant 5.000000e-01 : f32
    %mul3A_405 = vector.broadcast %mul3A_404 : f32 to vector<32x256xf32>
    %mul3A_406 = arith.mulf %mul3A_405, %add3A_403 : vector<32x256xf32>
    %mul3A_407 = arith.mulf %add3A_390, %mul3A_406 : vector<32x256xf32>
    %swap3A = arith.constant 0 : index
    %swap3A_408 = arith.constant 0 : index
    %swap3A_409 = arith.constant 0 : index
    %swap3A_410 = vector.load %arg16[%swap3A, %swap3A_408, %swap3A_409] : memref<1x32x256xf32, #tpu.memory_space<vmem>>, vector<1x32x256xf32>
    %swap3A_411 = vector.shape_cast %swap3A_410 : vector<1x32x256xf32> to vector<32x256xf32>
    %swap3A_412 = vector.shape_cast %mul3A_407 : vector<32x256xf32> to vector<1x32x256xf32>
    tpu.vector_store %arg16[%swap3A, %swap3A_408, %swap3A_409], %swap3A_412 {strides = array<i32>} : memref<1x32x256xf32, #tpu.memory_space<vmem>>, vector<1x32x256xf32>,
    return
  }
  func.func @transform_0(%arg0: i32) -> (i32, i32, i32) {
    %c0_i32 = arith.constant 0 : i32
    %c0_i32_0 = arith.constant 0 : i32
    %c0_i32_1 = arith.constant 0 : i32
    return %arg0, %c0_i32, %c0_i32_0 : i32, i32, i32
  }
  func.func @transform_1(%arg0: i32) -> (i32, i32, i32) {
    %c0_i32 = arith.constant 0 : i32
    %c0_i32_0 = arith.constant 0 : i32
    %c0_i32_1 = arith.constant 0 : i32
    return %arg0, %c0_i32, %c0_i32_0 : i32, i32, i32
  }
  func.func @transform_2(%arg0: i32) -> (i32, i32, i32) {
    %c0_i32 = arith.constant 0 : i32
    %c0_i32_0 = arith.constant 0 : i32
    %c0_i32_1 = arith.constant 0 : i32
    return %arg0, %c0_i32, %c0_i32_0 : i32, i32, i32
  }
  func.func @transform_3(%arg0: i32) -> (i32, i32) {
    %c0_i32 = arith.constant 0 : i32
    %c0_i32_0 = arith.constant 0 : i32
    %c0_i32_1 = arith.constant 0 : i32
    return %c0_i32, %c0_i32_0 : i32, i32
  }
  func.func @transform_4(%arg0: i32) -> (i32, i32) {
    %c0_i32 = arith.constant 0 : i32
    %c0_i32_0 = arith.constant 0 : i32
    %c0_i32_1 = arith.constant 0 : i32
    return %c0_i32, %c0_i32_0 : i32, i32
  }
  func.func @transform_5(%arg0: i32) -> (i32, i32) {
    %c0_i32 = arith.constant 0 : i32
    %c0_i32_0 = arith.constant 0 : i32
    %c0_i32_1 = arith.constant 0 : i32
    return %c0_i32, %c0_i32_0 : i32, i32
  }
  func.func @transform_6(%arg0: i32) -> (i32, i32) {
    %c0_i32 = arith.constant 0 : i32
    %c0_i32_0 = arith.constant 0 : i32
    %c0_i32_1 = arith.constant 0 : i32
    return %c0_i32, %c0_i32_0 : i32, i32
  }
  func.func @transform_7(%arg0: i32) -> (i32, i32) {
    %c0_i32 = arith.constant 0 : i32
    %c0_i32_0 = arith.constant 0 : i32
    %c0_i32_1 = arith.constant 0 : i32
    return %c0_i32, %c0_i32_0 : i32, i32
  }
  func.func @transform_8(%arg0: i32) -> (i32, i32) {
    %c0_i32 = arith.constant 0 : i32
    %c0_i32_0 = arith.constant 0 : i32
    %c0_i32_1 = arith.constant 0 : i32
    return %c0_i32, %c0_i32_0 : i32, i32
  }
  func.func @transform_9(%arg0: i32) -> (i32, i32) {
    %c0_i32 = arith.constant 0 : i32
    %c0_i32_0 = arith.constant 0 : i32
    %c0_i32_1 = arith.constant 0 : i32
    return %c0_i32, %c0_i32_0 : i32, i32
  }
  func.func @transform_10(%arg0: i32) -> (i32, i32) {
    %c0_i32 = arith.constant 0 : i32
    %c0_i32_0 = arith.constant 0 : i32
    %c0_i32_1 = arith.constant 0 : i32
    return %c0_i32, %c0_i32_0 : i32, i32
  }
  func.func @transform_11(%arg0: i32) -> (i32, i32) {
    %c0_i32 = arith.constant 0 : i32
    %c0_i32_0 = arith.constant 0 : i32
    %c0_i32_1 = arith.constant 0 : i32
    return %c0_i32, %c0_i32_0 : i32, i32
  }
  func.func @transform_12(%arg0: i32) -> (i32, i32) {
    %c0_i32 = arith.constant 0 : i32
    %c0_i32_0 = arith.constant 0 : i32
    %c0_i32_1 = arith.constant 0 : i32
    return %c0_i32, %c0_i32_0 : i32, i32
  }
  func.func @transform_13(%arg0: i32) -> (i32, i32) {
    %c0_i32 = arith.constant 0 : i32
    %c0_i32_0 = arith.constant 0 : i32
    %c0_i32_1 = arith.constant 0 : i32
    return %c0_i32, %c0_i32_0 : i32, i32
  }
  func.func @transform_14(%arg0: i32) -> (i32, i32) {
    %c0_i32 = arith.constant 0 : i32
    %c0_i32_0 = arith.constant 0 : i32
    %c0_i32_1 = arith.constant 0 : i32
    return %c0_i32, %c0_i32_0 : i32, i32
  }
  func.func @transform_15(%arg0: i32) -> (i32, i32, i32) {
    %c0_i32 = arith.constant 0 : i32
    %c0_i32_0 = arith.constant 0 : i32
    %c0_i32_1 = arith.constant 0 : i32
    return %arg0, %c0_i32, %c0_i32_0 : i32, i32, i32
  }
}

module attributes {stable_mosaic.version = 14 : i64} {
  func.func @body(%arg0: i32, %arg1: i32, %arg2: memref<1x512x192xf32, #tpu.memory_space<vmem>>, %arg3: memref<1x5120x256xf32, #tpu.memory_space<vmem>>, %arg4: memref<384x245xf32, #tpu.memory_space<vmem>>, %arg5: memref<1x245xf32, #tpu.memory_space<vmem>>, %arg6: memref<245x156xf32, #tpu.memory_space<vmem>>, %arg7: memref<1x156xf32, #tpu.memory_space<vmem>>, %arg8: memref<1x512x156xf32, #tpu.memory_space<vmem>>) attributes {dimension_semantics = [#tpu.dimension_semantics<arbitrary>, #tpu.dimension_semantics<arbitrary>], iteration_bounds = array<i64: 8, 2>, scalar_prefetch = 0 : i64, scratch_operands = 0 : i64, tpu.core_type = #tpu.core_type<tc>, window_params = [{transform_indices = @transform_0, window_bounds = array<i64: 1, 512, 192>}, {transform_indices = @transform_1, window_bounds = array<i64: 1, 5120, 256>}, {pipeline_mode = #tpu.pipeline_mode<synchronous>, transform_indices = @transform_2, window_bounds = array<i64: 384, 245>}, {pipeline_mode = #tpu.pipeline_mode<synchronous>, transform_indices = @transform_3, window_bounds = array<i64: 1, 245>}, {pipeline_mode = #tpu.pipeline_mode<synchronous>, transform_indices = @transform_4, window_bounds = array<i64: 245, 156>}, {pipeline_mode = #tpu.pipeline_mode<synchronous>, transform_indices = @transform_5, window_bounds = array<i64: 1, 156>}, {transform_indices = @transform_6, window_bounds = array<i64: 1, 512, 156>}]} {
    %get3A = arith.constant 0 : index
    %get3A_0 = arith.constant 0 : index
    %get3A_1 = arith.constant 0 : index
    %get3A_2 = vector.load %arg2[%get3A, %get3A_0, %get3A_1] : memref<1x512x192xf32, #tpu.memory_space<vmem>>, vector<1x512x192xf32>
    %get3A_3 = vector.shape_cast %get3A_2 : vector<1x512x192xf32> to vector<512x192xf32>
    %get3A_4 = arith.constant 0 : index
    %get3A_5 = arith.constant 0 : index
    %get3A_6 = arith.constant 0 : index
    %get3A_7 = vector.load %arg3[%get3A_4, %get3A_5, %get3A_6] : memref<1x5120x256xf32, #tpu.memory_space<vmem>>, vector<1x5120x256xf32>
    %get3A_8 = vector.shape_cast %get3A_7 : vector<1x5120x256xf32> to vector<5120x256xf32>
    %slice3A = vector.extract_strided_slice %get3A_8 {offsets = [0, 0], sizes = [5120, 192], strides = [1, 1]} : vector<5120x256xf32> to vector<5120x192xf32>
    %reshape3A = vector.shape_cast %slice3A : vector<5120x192xf32> to vector<512x10x192xf32>
    %broadcast_in_dim3A = vector.shape_cast %get3A_3 : vector<512x192xf32> to vector<512x1x192xf32>
    %sub3A = vector.broadcast %broadcast_in_dim3A : vector<512x1x192xf32> to vector<512x10x192xf32>
    %sub3A_9 = arith.subf %reshape3A, %sub3A : vector<512x10x192xf32>
    %reshape3A_10 = vector.shape_cast %sub3A_9 : vector<512x10x192xf32> to vector<5120x192xf32>
    %broadcast_in_dim3A_11 = vector.shape_cast %get3A_3 : vector<512x192xf32> to vector<512x1x192xf32>
    %broadcast_in_dim3A_12 = vector.shape_cast %broadcast_in_dim3A_11 : vector<512x1x192xf32> to vector<512x1x192xf32>
    %broadcast_in_dim3A_13 = vector.broadcast %broadcast_in_dim3A_12 : vector<512x1x192xf32> to vector<512x10x192xf32>
    %reshape3A_14 = vector.shape_cast %broadcast_in_dim3A_13 : vector<512x10x192xf32> to vector<5120x192xf32>
    %concatenate3A = tpu.concatenate %reshape3A_10, %reshape3A_14 in 1 : vector<5120x192xf32>, vector<5120x192xf32> -> vector<5120x384xf32>
    %get3A_15 = arith.constant 0 : index
    %get3A_16 = arith.constant 0 : index
    %get3A_17 = vector.load %arg4[%get3A_15, %get3A_16] : memref<384x245xf32, #tpu.memory_space<vmem>>, vector<384x245xf32>
    %dot_general3A = arith.constant dense<0.000000e+00> : vector<5120x245xf32>
    %dot_general3A_18 = tpu.matmul %concatenate3A, %get3A_17, %dot_general3A {dimension_numbers = #tpu.dot_dimension_numbers<[1], [0], [0], [1], [0, 0, 1, 1], [], []>, transpose_lhs_hint = false} : vector<5120x384xf32>, vector<384x245xf32>, vector<5120x245xf32> -> vector<5120x245xf32>
    %get3A_19 = arith.constant 0 : index
    %get3A_20 = arith.constant 0 : index
    %get3A_21 = vector.load %arg5[%get3A_19, %get3A_20] : memref<1x245xf32, #tpu.memory_space<vmem>>, vector<1x245xf32>
    %add3A = vector.broadcast %get3A_21 : vector<1x245xf32> to vector<5120x245xf32>
    %add3A_22 = arith.addf %dot_general3A_18, %add3A : vector<5120x245xf32>
    %integer_pow3A = arith.mulf %add3A_22, %add3A_22 : vector<5120x245xf32>
    %integer_pow3A_23 = arith.mulf %add3A_22, %integer_pow3A : vector<5120x245xf32>
    %mul3A = arith.constant 4.471500e-02 : f32
    %mul3A_24 = vector.broadcast %mul3A : f32 to vector<5120x245xf32>
    %mul3A_25 = arith.mulf %mul3A_24, %integer_pow3A_23 : vector<5120x245xf32>
    %add3A_26 = arith.addf %add3A_22, %mul3A_25 : vector<5120x245xf32>
    %mul3A_27 = arith.constant 0.797884583 : f32
    %mul3A_28 = vector.broadcast %mul3A_27 : f32 to vector<5120x245xf32>
    %mul3A_29 = arith.mulf %mul3A_28, %add3A_26 : vector<5120x245xf32>
    %tanh3A = math.tanh %mul3A_29 : vector<5120x245xf32>
    %add3A_30 = arith.constant 1.000000e+00 : f32
    %add3A_31 = vector.broadcast %add3A_30 : f32 to vector<5120x245xf32>
    %add3A_32 = arith.addf %add3A_31, %tanh3A : vector<5120x245xf32>
    %mul3A_33 = arith.constant 5.000000e-01 : f32
    %mul3A_34 = vector.broadcast %mul3A_33 : f32 to vector<5120x245xf32>
    %mul3A_35 = arith.mulf %mul3A_34, %add3A_32 : vector<5120x245xf32>
    %mul3A_36 = arith.mulf %add3A_22, %mul3A_35 : vector<5120x245xf32>
    %get3A_37 = arith.constant 0 : index
    %get3A_38 = arith.constant 0 : index
    %get3A_39 = vector.load %arg6[%get3A_37, %get3A_38] : memref<245x156xf32, #tpu.memory_space<vmem>>, vector<245x156xf32>
    %dot_general3A_40 = arith.constant dense<0.000000e+00> : vector<5120x156xf32>
    %dot_general3A_41 = tpu.matmul %mul3A_36, %get3A_39, %dot_general3A_40 {dimension_numbers = #tpu.dot_dimension_numbers<[1], [0], [0], [1], [0, 0, 1, 1], [], []>, transpose_lhs_hint = false} : vector<5120x245xf32>, vector<245x156xf32>, vector<5120x156xf32> -> vector<5120x156xf32>
    %get3A_42 = arith.constant 0 : index
    %get3A_43 = arith.constant 0 : index
    %get3A_44 = vector.load %arg7[%get3A_42, %get3A_43] : memref<1x156xf32, #tpu.memory_space<vmem>>, vector<1x156xf32>
    %add3A_45 = vector.broadcast %get3A_44 : vector<1x156xf32> to vector<5120x156xf32>
    %add3A_46 = arith.addf %dot_general3A_41, %add3A_45 : vector<5120x156xf32>
    %integer_pow3A_47 = arith.mulf %add3A_46, %add3A_46 : vector<5120x156xf32>
    %integer_pow3A_48 = arith.mulf %add3A_46, %integer_pow3A_47 : vector<5120x156xf32>
    %mul3A_49 = arith.constant 4.471500e-02 : f32
    %mul3A_50 = vector.broadcast %mul3A_49 : f32 to vector<5120x156xf32>
    %mul3A_51 = arith.mulf %mul3A_50, %integer_pow3A_48 : vector<5120x156xf32>
    %add3A_52 = arith.addf %add3A_46, %mul3A_51 : vector<5120x156xf32>
    %mul3A_53 = arith.constant 0.797884583 : f32
    %mul3A_54 = vector.broadcast %mul3A_53 : f32 to vector<5120x156xf32>
    %mul3A_55 = arith.mulf %mul3A_54, %add3A_52 : vector<5120x156xf32>
    %tanh3A_56 = math.tanh %mul3A_55 : vector<5120x156xf32>
    %add3A_57 = arith.constant 1.000000e+00 : f32
    %add3A_58 = vector.broadcast %add3A_57 : f32 to vector<5120x156xf32>
    %add3A_59 = arith.addf %add3A_58, %tanh3A_56 : vector<5120x156xf32>
    %mul3A_60 = arith.constant 5.000000e-01 : f32
    %mul3A_61 = vector.broadcast %mul3A_60 : f32 to vector<5120x156xf32>
    %mul3A_62 = arith.mulf %mul3A_61, %add3A_59 : vector<5120x156xf32>
    %mul3A_63 = arith.mulf %add3A_46, %mul3A_62 : vector<5120x156xf32>
    %reshape3A_64 = vector.shape_cast %mul3A_63 : vector<5120x156xf32> to vector<512x10x156xf32>
    %reduce_max3A = arith.constant dense<0xFF800000> : vector<512x156xf32>
    %reduce_max3A_65 = vector.multi_reduction <maximumf>, %reshape3A_64, %reduce_max3A [1] : vector<512x10x156xf32> to vector<512x156xf32>
    %swap3A = arith.constant 0 : index
    %swap3A_66 = arith.constant 0 : index
    %swap3A_67 = arith.constant 0 : index
    %swap3A_68 = vector.load %arg8[%swap3A, %swap3A_66, %swap3A_67] : memref<1x512x156xf32, #tpu.memory_space<vmem>>, vector<1x512x156xf32>
    %swap3A_69 = vector.shape_cast %swap3A_68 : vector<1x512x156xf32> to vector<512x156xf32>
    %swap3A_70 = vector.shape_cast %reduce_max3A_65 : vector<512x156xf32> to vector<1x512x156xf32>
    tpu.vector_store %arg8[%swap3A, %swap3A_66, %swap3A_67], %swap3A_70 {strides = array<i32>} : memref<1x512x156xf32, #tpu.memory_space<vmem>>, vector<1x512x156xf32>,
    return
  }
  func.func @transform_0(%arg0: i32, %arg1: i32) -> (i32, i32, i32) {
    %c0_i32 = arith.constant 0 : i32
    %c0_i32_0 = arith.constant 0 : i32
    return %arg0, %arg1, %c0_i32 : i32, i32, i32
  }
  func.func @transform_1(%arg0: i32, %arg1: i32) -> (i32, i32, i32) {
    %c0_i32 = arith.constant 0 : i32
    %c0_i32_0 = arith.constant 0 : i32
    return %arg0, %arg1, %c0_i32 : i32, i32, i32
  }
  func.func @transform_2(%arg0: i32, %arg1: i32) -> (i32, i32) {
    %c0_i32 = arith.constant 0 : i32
    %c0_i32_0 = arith.constant 0 : i32
    %c0_i32_1 = arith.constant 0 : i32
    return %c0_i32, %c0_i32_0 : i32, i32
  }
  func.func @transform_3(%arg0: i32, %arg1: i32) -> (i32, i32) {
    %c0_i32 = arith.constant 0 : i32
    %c0_i32_0 = arith.constant 0 : i32
    %c0_i32_1 = arith.constant 0 : i32
    return %c0_i32, %c0_i32_0 : i32, i32
  }
  func.func @transform_4(%arg0: i32, %arg1: i32) -> (i32, i32) {
    %c0_i32 = arith.constant 0 : i32
    %c0_i32_0 = arith.constant 0 : i32
    %c0_i32_1 = arith.constant 0 : i32
    return %c0_i32, %c0_i32_0 : i32, i32
  }
  func.func @transform_5(%arg0: i32, %arg1: i32) -> (i32, i32) {
    %c0_i32 = arith.constant 0 : i32
    %c0_i32_0 = arith.constant 0 : i32
    %c0_i32_1 = arith.constant 0 : i32
    return %c0_i32, %c0_i32_0 : i32, i32
  }
  func.func @transform_6(%arg0: i32, %arg1: i32) -> (i32, i32, i32) {
    %c0_i32 = arith.constant 0 : i32
    %c0_i32_0 = arith.constant 0 : i32
    return %arg0, %arg1, %c0_i32 : i32, i32, i32
  }
}

module attributes {stable_mosaic.version = 14 : i64} {
  func.func @body(%arg0: i32, %arg1: i32, %arg2: memref<1x512x156xf32, #tpu.memory_space<vmem>>, %arg3: memref<1x1024x156xf32, #tpu.memory_space<vmem>>, %arg4: memref<1x512x1xf32, #tpu.memory_space<vmem>>, %arg5: memref<1x1x1024xf32, #tpu.memory_space<vmem>>, %arg6: memref<156x199xf32, #tpu.memory_space<vmem>>, %arg7: memref<156x199xf32, #tpu.memory_space<vmem>>, %arg8: memref<1x199xf32, #tpu.memory_space<vmem>>, %arg9: memref<199x128xf32, #tpu.memory_space<vmem>>, %arg10: memref<1x128xf32, #tpu.memory_space<vmem>>, %arg11: memref<1x512x128xf32, #tpu.memory_space<vmem>>) attributes {dimension_semantics = [#tpu.dimension_semantics<arbitrary>, #tpu.dimension_semantics<arbitrary>], iteration_bounds = array<i64: 8, 2>, scalar_prefetch = 0 : i64, scratch_operands = 0 : i64, tpu.core_type = #tpu.core_type<tc>, window_params = [{transform_indices = @transform_0, window_bounds = array<i64: 1, 512, 156>}, {transform_indices = @transform_1, window_bounds = array<i64: 1, 1024, 156>}, {transform_indices = @transform_2, window_bounds = array<i64: 1, 512, 1>}, {transform_indices = @transform_3, window_bounds = array<i64: 1, 1, 1024>}, {pipeline_mode = #tpu.pipeline_mode<synchronous>, transform_indices = @transform_4, window_bounds = array<i64: 156, 199>}, {pipeline_mode = #tpu.pipeline_mode<synchronous>, transform_indices = @transform_5, window_bounds = array<i64: 156, 199>}, {pipeline_mode = #tpu.pipeline_mode<synchronous>, transform_indices = @transform_6, window_bounds = array<i64: 1, 199>}, {pipeline_mode = #tpu.pipeline_mode<synchronous>, transform_indices = @transform_7, window_bounds = array<i64: 199, 128>}, {pipeline_mode = #tpu.pipeline_mode<synchronous>, transform_indices = @transform_8, window_bounds = array<i64: 1, 128>}, {transform_indices = @transform_9, window_bounds = array<i64: 1, 512, 128>}]} {
    %get3A = arith.constant 0 : index
    %get3A_0 = arith.constant 0 : index
    %get3A_1 = arith.constant 0 : index
    %get3A_2 = vector.load %arg2[%get3A, %get3A_0, %get3A_1] : memref<1x512x156xf32, #tpu.memory_space<vmem>>, vector<1x512x156xf32>
    %get3A_3 = vector.shape_cast %get3A_2 : vector<1x512x156xf32> to vector<512x156xf32>
    %get3A_4 = arith.constant 0 : index
    %get3A_5 = arith.constant 0 : index
    %get3A_6 = arith.constant 0 : index
    %get3A_7 = vector.load %arg3[%get3A_4, %get3A_5, %get3A_6] : memref<1x1024x156xf32, #tpu.memory_space<vmem>>, vector<1x1024x156xf32>
    %get3A_8 = vector.shape_cast %get3A_7 : vector<1x1024x156xf32> to vector<1024x156xf32>
    %dot_general3A = arith.constant dense<0.000000e+00> : vector<512x1024xf32>
    %dot_general3A_9 = tpu.matmul %get3A_3, %get3A_8, %dot_general3A {dimension_numbers = #tpu.dot_dimension_numbers<[1], [1], [0], [0], [0, 0, 1, 0], [], []>, transpose_lhs_hint = false} : vector<512x156xf32>, vector<1024x156xf32>, vector<512x1024xf32> -> vector<512x1024xf32>
    %get3A_10 = arith.constant 0 : index
    %get3A_11 = arith.constant 0 : index
    %get3A_12 = arith.constant 0 : index
    %get3A_13 = vector.load %arg4[%get3A_10, %get3A_11, %get3A_12] : memref<1x512x1xf32, #tpu.memory_space<vmem>>, vector<1x512x1xf32>
    %get3A_14 = vector.shape_cast %get3A_13 : vector<1x512x1xf32> to vector<512x1xf32>
    %mul3A = arith.constant 2.000000e+00 : f32
    %mul3A_15 = vector.broadcast %mul3A : f32 to vector<512x1024xf32>
    %mul3A_16 = arith.mulf %mul3A_15, %dot_general3A_9 : vector<512x1024xf32>
    %sub3A = vector.broadcast %get3A_14 : vector<512x1xf32> to vector<512x1024xf32>
    %sub3A_17 = arith.subf %sub3A, %mul3A_16 : vector<512x1024xf32>
    %get3A_18 = arith.constant 0 : index
    %get3A_19 = arith.constant 0 : index
    %get3A_20 = arith.constant 0 : index
    %get3A_21 = vector.load %arg5[%get3A_18, %get3A_19, %get3A_20] : memref<1x1x1024xf32, #tpu.memory_space<vmem>>, vector<1x1x1024xf32>
    %get3A_22 = vector.shape_cast %get3A_21 : vector<1x1x1024xf32> to vector<1x1024xf32>
    %add3A = vector.broadcast %get3A_22 : vector<1x1024xf32> to vector<512x1024xf32>
    %add3A_23 = arith.addf %sub3A_17, %add3A : vector<512x1024xf32>
    %get3A_24 = arith.constant 0 : index
    %get3A_25 = arith.constant 0 : index
    %get3A_26 = vector.load %arg6[%get3A_24, %get3A_25] : memref<156x199xf32, #tpu.memory_space<vmem>>, vector<156x199xf32>
    %dot_general3A_27 = arith.constant dense<0.000000e+00> : vector<1024x199xf32>
    %dot_general3A_28 = tpu.matmul %get3A_8, %get3A_26, %dot_general3A_27 {dimension_numbers = #tpu.dot_dimension_numbers<[1], [0], [0], [1], [0, 0, 1, 1], [], []>, transpose_lhs_hint = false} : vector<1024x156xf32>, vector<156x199xf32>, vector<1024x199xf32> -> vector<1024x199xf32>
    %convert_element_type3A = arith.truncf %dot_general3A_28 : vector<1024x199xf32> to vector<1024x199xbf16>
    %get3A_29 = arith.constant 0 : index
    %get3A_30 = arith.constant 0 : index
    %get3A_31 = vector.load %arg7[%get3A_29, %get3A_30] : memref<156x199xf32, #tpu.memory_space<vmem>>, vector<156x199xf32>
    %dot_general3A_32 = arith.constant dense<0.000000e+00> : vector<512x199xf32>
    %dot_general3A_33 = tpu.matmul %get3A_3, %get3A_31, %dot_general3A_32 {dimension_numbers = #tpu.dot_dimension_numbers<[1], [0], [0], [1], [0, 0, 1, 1], [], []>, transpose_lhs_hint = false} : vector<512x156xf32>, vector<156x199xf32>, vector<512x199xf32> -> vector<512x199xf32>
    %get3A_34 = arith.constant 0 : index
    %get3A_35 = arith.constant 0 : index
    %get3A_36 = vector.load %arg8[%get3A_34, %get3A_35] : memref<1x199xf32, #tpu.memory_space<vmem>>, vector<1x199xf32>
    %add3A_37 = vector.broadcast %get3A_36 : vector<1x199xf32> to vector<512x199xf32>
    %add3A_38 = arith.addf %dot_general3A_33, %add3A_37 : vector<512x199xf32>
    %iota3A = tpu.iota {dimensions = array<i32: 1>} : vector<512x1024xi32>
    %broadcast_in_dim3A = arith.constant 0xFF800000 : f32
    %broadcast_in_dim3A_39 = vector.broadcast %broadcast_in_dim3A : f32 to vector<512x128xf32>
    %argmin3A = tpu.reduce_index %add3A_23 {axis = 1 : i32, kind = #tpu.reduction_kind<arg_min>} : vector<512x1024xf32> -> vector<512xi32>
    %broadcast_in_dim3A_40 = vector.shape_cast %argmin3A : vector<512xi32> to vector<512x1xi32>
    %eq3A = vector.broadcast %broadcast_in_dim3A_40 : vector<512x1xi32> to vector<512x1024xi32>
    %eq3A_41 = arith.cmpi eq, %iota3A, %eq3A : vector<512x1024xi32>
    %convert_element_type3A_42 = arith.extui %eq3A_41 : vector<512x1024xi1> to vector<512x1024xi32>
    %convert_element_type3A_43 = arith.sitofp %convert_element_type3A_42 : vector<512x1024xi32> to vector<512x1024xf32>
    %convert_element_type3A_44 = arith.truncf %convert_element_type3A_43 : vector<512x1024xf32> to vector<512x1024xbf16>
    %dot_general3A_45 = arith.constant dense<0.000000e+00> : vector<512x199xf32>
    %dot_general3A_46 = tpu.matmul %convert_element_type3A_44, %convert_element_type3A, %dot_general3A_45 {dimension_numbers = #tpu.dot_dimension_numbers<[1], [0], [0], [1], [0, 0, 1, 1], [], []>, transpose_lhs_hint = false} : vector<512x1024xbf16>, vector<1024x199xbf16>, vector<512x199xf32> -> vector<512x199xf32>
    %add3A_47 = arith.addf %dot_general3A_46, %add3A_38 : vector<512x199xf32>
    %integer_pow3A = arith.mulf %add3A_47, %add3A_47 : vector<512x199xf32>
    %integer_pow3A_48 = arith.mulf %add3A_47, %integer_pow3A : vector<512x199xf32>
    %mul3A_49 = arith.constant 4.471500e-02 : f32
    %mul3A_50 = vector.broadcast %mul3A_49 : f32 to vector<512x199xf32>
    %mul3A_51 = arith.mulf %mul3A_50, %integer_pow3A_48 : vector<512x199xf32>
    %add3A_52 = arith.addf %add3A_47, %mul3A_51 : vector<512x199xf32>
    %mul3A_53 = arith.constant 0.797884583 : f32
    %mul3A_54 = vector.broadcast %mul3A_53 : f32 to vector<512x199xf32>
    %mul3A_55 = arith.mulf %mul3A_54, %add3A_52 : vector<512x199xf32>
    %tanh3A = math.tanh %mul3A_55 : vector<512x199xf32>
    %add3A_56 = arith.constant 1.000000e+00 : f32
    %add3A_57 = vector.broadcast %add3A_56 : f32 to vector<512x199xf32>
    %add3A_58 = arith.addf %add3A_57, %tanh3A : vector<512x199xf32>
    %mul3A_59 = arith.constant 5.000000e-01 : f32
    %mul3A_60 = vector.broadcast %mul3A_59 : f32 to vector<512x199xf32>
    %mul3A_61 = arith.mulf %mul3A_60, %add3A_58 : vector<512x199xf32>
    %mul3A_62 = arith.mulf %add3A_47, %mul3A_61 : vector<512x199xf32>
    %get3A_63 = arith.constant 0 : index
    %get3A_64 = arith.constant 0 : index
    %get3A_65 = vector.load %arg9[%get3A_63, %get3A_64] : memref<199x128xf32, #tpu.memory_space<vmem>>, vector<199x128xf32>
    %dot_general3A_66 = arith.constant dense<0.000000e+00> : vector<512x128xf32>
    %dot_general3A_67 = tpu.matmul %mul3A_62, %get3A_65, %dot_general3A_66 {dimension_numbers = #tpu.dot_dimension_numbers<[1], [0], [0], [1], [0, 0, 1, 1], [], []>, transpose_lhs_hint = false} : vector<512x199xf32>, vector<199x128xf32>, vector<512x128xf32> -> vector<512x128xf32>
    %get3A_68 = arith.constant 0 : index
    %get3A_69 = arith.constant 0 : index
    %get3A_70 = vector.load %arg10[%get3A_68, %get3A_69] : memref<1x128xf32, #tpu.memory_space<vmem>>, vector<1x128xf32>
    %add3A_71 = vector.broadcast %get3A_70 : vector<1x128xf32> to vector<512x128xf32>
    %add3A_72 = arith.addf %dot_general3A_67, %add3A_71 : vector<512x128xf32>
    %integer_pow3A_73 = arith.mulf %add3A_72, %add3A_72 : vector<512x128xf32>
    %integer_pow3A_74 = arith.mulf %add3A_72, %integer_pow3A_73 : vector<512x128xf32>
    %mul3A_75 = arith.constant 4.471500e-02 : f32
    %mul3A_76 = vector.broadcast %mul3A_75 : f32 to vector<512x128xf32>
    %mul3A_77 = arith.mulf %mul3A_76, %integer_pow3A_74 : vector<512x128xf32>
    %add3A_78 = arith.addf %add3A_72, %mul3A_77 : vector<512x128xf32>
    %mul3A_79 = arith.constant 0.797884583 : f32
    %mul3A_80 = vector.broadcast %mul3A_79 : f32 to vector<512x128xf32>
    %mul3A_81 = arith.mulf %mul3A_80, %add3A_78 : vector<512x128xf32>
    %tanh3A_82 = math.tanh %mul3A_81 : vector<512x128xf32>
    %add3A_83 = arith.constant 1.000000e+00 : f32
    %add3A_84 = vector.broadcast %add3A_83 : f32 to vector<512x128xf32>
    %add3A_85 = arith.addf %add3A_84, %tanh3A_82 : vector<512x128xf32>
    %mul3A_86 = arith.constant 5.000000e-01 : f32
    %mul3A_87 = vector.broadcast %mul3A_86 : f32 to vector<512x128xf32>
    %mul3A_88 = arith.mulf %mul3A_87, %add3A_85 : vector<512x128xf32>
    %mul3A_89 = arith.mulf %add3A_72, %mul3A_88 : vector<512x128xf32>
    %max3A = arith.maximumf %broadcast_in_dim3A_39, %mul3A_89 : vector<512x128xf32>
    %jit3A = arith.constant 0x7F800000 : f32
    %broadcast_in_dim3A_90 = vector.broadcast %jit3A : f32 to vector<512x1024xf32>
    %select_n3A = arith.select %eq3A_41, %broadcast_in_dim3A_90, %add3A_23 : vector<512x1024xi1>, vector<512x1024xf32>
    %argmin3A_91 = tpu.reduce_index %select_n3A {axis = 1 : i32, kind = #tpu.reduction_kind<arg_min>} : vector<512x1024xf32> -> vector<512xi32>
    %broadcast_in_dim3A_92 = vector.shape_cast %argmin3A_91 : vector<512xi32> to vector<512x1xi32>
    %eq3A_93 = vector.broadcast %broadcast_in_dim3A_92 : vector<512x1xi32> to vector<512x1024xi32>
    %eq3A_94 = arith.cmpi eq, %iota3A, %eq3A_93 : vector<512x1024xi32>
    %convert_element_type3A_95 = arith.extui %eq3A_94 : vector<512x1024xi1> to vector<512x1024xi32>
    %convert_element_type3A_96 = arith.sitofp %convert_element_type3A_95 : vector<512x1024xi32> to vector<512x1024xf32>
    %convert_element_type3A_97 = arith.truncf %convert_element_type3A_96 : vector<512x1024xf32> to vector<512x1024xbf16>
    %dot_general3A_98 = arith.constant dense<0.000000e+00> : vector<512x199xf32>
    %dot_general3A_99 = tpu.matmul %convert_element_type3A_97, %convert_element_type3A, %dot_general3A_98 {dimension_numbers = #tpu.dot_dimension_numbers<[1], [0], [0], [1], [0, 0, 1, 1], [], []>, transpose_lhs_hint = false} : vector<512x1024xbf16>, vector<1024x199xbf16>, vector<512x199xf32> -> vector<512x199xf32>
    %add3A_100 = arith.addf %dot_general3A_99, %add3A_38 : vector<512x199xf32>
    %integer_pow3A_101 = arith.mulf %add3A_100, %add3A_100 : vector<512x199xf32>
    %integer_pow3A_102 = arith.mulf %add3A_100, %integer_pow3A_101 : vector<512x199xf32>
    %mul3A_103 = arith.constant 4.471500e-02 : f32
    %mul3A_104 = vector.broadcast %mul3A_103 : f32 to vector<512x199xf32>
    %mul3A_105 = arith.mulf %mul3A_104, %integer_pow3A_102 : vector<512x199xf32>
    %add3A_106 = arith.addf %add3A_100, %mul3A_105 : vector<512x199xf32>
    %mul3A_107 = arith.constant 0.797884583 : f32
    %mul3A_108 = vector.broadcast %mul3A_107 : f32 to vector<512x199xf32>
    %mul3A_109 = arith.mulf %mul3A_108, %add3A_106 : vector<512x199xf32>
    %tanh3A_110 = math.tanh %mul3A_109 : vector<512x199xf32>
    %add3A_111 = arith.constant 1.000000e+00 : f32
    %add3A_112 = vector.broadcast %add3A_111 : f32 to vector<512x199xf32>
    %add3A_113 = arith.addf %add3A_112, %tanh3A_110 : vector<512x199xf32>
    %mul3A_114 = arith.constant 5.000000e-01 : f32
    %mul3A_115 = vector.broadcast %mul3A_114 : f32 to vector<512x199xf32>
    %mul3A_116 = arith.mulf %mul3A_115, %add3A_113 : vector<512x199xf32>
    %mul3A_117 = arith.mulf %add3A_100, %mul3A_116 : vector<512x199xf32>
    %get3A_118 = arith.constant 0 : index
    %get3A_119 = arith.constant 0 : index
    %get3A_120 = vector.load %arg9[%get3A_118, %get3A_119] : memref<199x128xf32, #tpu.memory_space<vmem>>, vector<199x128xf32>
    %dot_general3A_121 = arith.constant dense<0.000000e+00> : vector<512x128xf32>
    %dot_general3A_122 = tpu.matmul %mul3A_117, %get3A_120, %dot_general3A_121 {dimension_numbers = #tpu.dot_dimension_numbers<[1], [0], [0], [1], [0, 0, 1, 1], [], []>, transpose_lhs_hint = false} : vector<512x199xf32>, vector<199x128xf32>, vector<512x128xf32> -> vector<512x128xf32>
    %get3A_123 = arith.constant 0 : index
    %get3A_124 = arith.constant 0 : index
    %get3A_125 = vector.load %arg10[%get3A_123, %get3A_124] : memref<1x128xf32, #tpu.memory_space<vmem>>, vector<1x128xf32>
    %add3A_126 = vector.broadcast %get3A_125 : vector<1x128xf32> to vector<512x128xf32>
    %add3A_127 = arith.addf %dot_general3A_122, %add3A_126 : vector<512x128xf32>
    %integer_pow3A_128 = arith.mulf %add3A_127, %add3A_127 : vector<512x128xf32>
    %integer_pow3A_129 = arith.mulf %add3A_127, %integer_pow3A_128 : vector<512x128xf32>
    %mul3A_130 = arith.constant 4.471500e-02 : f32
    %mul3A_131 = vector.broadcast %mul3A_130 : f32 to vector<512x128xf32>
    %mul3A_132 = arith.mulf %mul3A_131, %integer_pow3A_129 : vector<512x128xf32>
    %add3A_133 = arith.addf %add3A_127, %mul3A_132 : vector<512x128xf32>
    %mul3A_134 = arith.constant 0.797884583 : f32
    %mul3A_135 = vector.broadcast %mul3A_134 : f32 to vector<512x128xf32>
    %mul3A_136 = arith.mulf %mul3A_135, %add3A_133 : vector<512x128xf32>
    %tanh3A_137 = math.tanh %mul3A_136 : vector<512x128xf32>
    %add3A_138 = arith.constant 1.000000e+00 : f32
    %add3A_139 = vector.broadcast %add3A_138 : f32 to vector<512x128xf32>
    %add3A_140 = arith.addf %add3A_139, %tanh3A_137 : vector<512x128xf32>
    %mul3A_141 = arith.constant 5.000000e-01 : f32
    %mul3A_142 = vector.broadcast %mul3A_141 : f32 to vector<512x128xf32>
    %mul3A_143 = arith.mulf %mul3A_142, %add3A_140 : vector<512x128xf32>
    %mul3A_144 = arith.mulf %add3A_127, %mul3A_143 : vector<512x128xf32>
    %max3A_145 = arith.maximumf %max3A, %mul3A_144 : vector<512x128xf32>
    %jit3A_146 = arith.constant 0x7F800000 : f32
    %broadcast_in_dim3A_147 = vector.broadcast %jit3A_146 : f32 to vector<512x1024xf32>
    %select_n3A_148 = arith.select %eq3A_94, %broadcast_in_dim3A_147, %select_n3A : vector<512x1024xi1>, vector<512x1024xf32>
    %argmin3A_149 = tpu.reduce_index %select_n3A_148 {axis = 1 : i32, kind = #tpu.reduction_kind<arg_min>} : vector<512x1024xf32> -> vector<512xi32>
    %broadcast_in_dim3A_150 = vector.shape_cast %argmin3A_149 : vector<512xi32> to vector<512x1xi32>
    %eq3A_151 = vector.broadcast %broadcast_in_dim3A_150 : vector<512x1xi32> to vector<512x1024xi32>
    %eq3A_152 = arith.cmpi eq, %iota3A, %eq3A_151 : vector<512x1024xi32>
    %convert_element_type3A_153 = arith.extui %eq3A_152 : vector<512x1024xi1> to vector<512x1024xi32>
    %convert_element_type3A_154 = arith.sitofp %convert_element_type3A_153 : vector<512x1024xi32> to vector<512x1024xf32>
    %convert_element_type3A_155 = arith.truncf %convert_element_type3A_154 : vector<512x1024xf32> to vector<512x1024xbf16>
    %dot_general3A_156 = arith.constant dense<0.000000e+00> : vector<512x199xf32>
    %dot_general3A_157 = tpu.matmul %convert_element_type3A_155, %convert_element_type3A, %dot_general3A_156 {dimension_numbers = #tpu.dot_dimension_numbers<[1], [0], [0], [1], [0, 0, 1, 1], [], []>, transpose_lhs_hint = false} : vector<512x1024xbf16>, vector<1024x199xbf16>, vector<512x199xf32> -> vector<512x199xf32>
    %add3A_158 = arith.addf %dot_general3A_157, %add3A_38 : vector<512x199xf32>
    %integer_pow3A_159 = arith.mulf %add3A_158, %add3A_158 : vector<512x199xf32>
    %integer_pow3A_160 = arith.mulf %add3A_158, %integer_pow3A_159 : vector<512x199xf32>
    %mul3A_161 = arith.constant 4.471500e-02 : f32
    %mul3A_162 = vector.broadcast %mul3A_161 : f32 to vector<512x199xf32>
    %mul3A_163 = arith.mulf %mul3A_162, %integer_pow3A_160 : vector<512x199xf32>
    %add3A_164 = arith.addf %add3A_158, %mul3A_163 : vector<512x199xf32>
    %mul3A_165 = arith.constant 0.797884583 : f32
    %mul3A_166 = vector.broadcast %mul3A_165 : f32 to vector<512x199xf32>
    %mul3A_167 = arith.mulf %mul3A_166, %add3A_164 : vector<512x199xf32>
    %tanh3A_168 = math.tanh %mul3A_167 : vector<512x199xf32>
    %add3A_169 = arith.constant 1.000000e+00 : f32
    %add3A_170 = vector.broadcast %add3A_169 : f32 to vector<512x199xf32>
    %add3A_171 = arith.addf %add3A_170, %tanh3A_168 : vector<512x199xf32>
    %mul3A_172 = arith.constant 5.000000e-01 : f32
    %mul3A_173 = vector.broadcast %mul3A_172 : f32 to vector<512x199xf32>
    %mul3A_174 = arith.mulf %mul3A_173, %add3A_171 : vector<512x199xf32>
    %mul3A_175 = arith.mulf %add3A_158, %mul3A_174 : vector<512x199xf32>
    %get3A_176 = arith.constant 0 : index
    %get3A_177 = arith.constant 0 : index
    %get3A_178 = vector.load %arg9[%get3A_176, %get3A_177] : memref<199x128xf32, #tpu.memory_space<vmem>>, vector<199x128xf32>
    %dot_general3A_179 = arith.constant dense<0.000000e+00> : vector<512x128xf32>
    %dot_general3A_180 = tpu.matmul %mul3A_175, %get3A_178, %dot_general3A_179 {dimension_numbers = #tpu.dot_dimension_numbers<[1], [0], [0], [1], [0, 0, 1, 1], [], []>, transpose_lhs_hint = false} : vector<512x199xf32>, vector<199x128xf32>, vector<512x128xf32> -> vector<512x128xf32>
    %get3A_181 = arith.constant 0 : index
    %get3A_182 = arith.constant 0 : index
    %get3A_183 = vector.load %arg10[%get3A_181, %get3A_182] : memref<1x128xf32, #tpu.memory_space<vmem>>, vector<1x128xf32>
    %add3A_184 = vector.broadcast %get3A_183 : vector<1x128xf32> to vector<512x128xf32>
    %add3A_185 = arith.addf %dot_general3A_180, %add3A_184 : vector<512x128xf32>
    %integer_pow3A_186 = arith.mulf %add3A_185, %add3A_185 : vector<512x128xf32>
    %integer_pow3A_187 = arith.mulf %add3A_185, %integer_pow3A_186 : vector<512x128xf32>
    %mul3A_188 = arith.constant 4.471500e-02 : f32
    %mul3A_189 = vector.broadcast %mul3A_188 : f32 to vector<512x128xf32>
    %mul3A_190 = arith.mulf %mul3A_189, %integer_pow3A_187 : vector<512x128xf32>
    %add3A_191 = arith.addf %add3A_185, %mul3A_190 : vector<512x128xf32>
    %mul3A_192 = arith.constant 0.797884583 : f32
    %mul3A_193 = vector.broadcast %mul3A_192 : f32 to vector<512x128xf32>
    %mul3A_194 = arith.mulf %mul3A_193, %add3A_191 : vector<512x128xf32>
    %tanh3A_195 = math.tanh %mul3A_194 : vector<512x128xf32>
    %add3A_196 = arith.constant 1.000000e+00 : f32
    %add3A_197 = vector.broadcast %add3A_196 : f32 to vector<512x128xf32>
    %add3A_198 = arith.addf %add3A_197, %tanh3A_195 : vector<512x128xf32>
    %mul3A_199 = arith.constant 5.000000e-01 : f32
    %mul3A_200 = vector.broadcast %mul3A_199 : f32 to vector<512x128xf32>
    %mul3A_201 = arith.mulf %mul3A_200, %add3A_198 : vector<512x128xf32>
    %mul3A_202 = arith.mulf %add3A_185, %mul3A_201 : vector<512x128xf32>
    %max3A_203 = arith.maximumf %max3A_145, %mul3A_202 : vector<512x128xf32>
    %jit3A_204 = arith.constant 0x7F800000 : f32
    %broadcast_in_dim3A_205 = vector.broadcast %jit3A_204 : f32 to vector<512x1024xf32>
    %select_n3A_206 = arith.select %eq3A_152, %broadcast_in_dim3A_205, %select_n3A_148 : vector<512x1024xi1>, vector<512x1024xf32>
    %argmin3A_207 = tpu.reduce_index %select_n3A_206 {axis = 1 : i32, kind = #tpu.reduction_kind<arg_min>} : vector<512x1024xf32> -> vector<512xi32>
    %broadcast_in_dim3A_208 = vector.shape_cast %argmin3A_207 : vector<512xi32> to vector<512x1xi32>
    %eq3A_209 = vector.broadcast %broadcast_in_dim3A_208 : vector<512x1xi32> to vector<512x1024xi32>
    %eq3A_210 = arith.cmpi eq, %iota3A, %eq3A_209 : vector<512x1024xi32>
    %convert_element_type3A_211 = arith.extui %eq3A_210 : vector<512x1024xi1> to vector<512x1024xi32>
    %convert_element_type3A_212 = arith.sitofp %convert_element_type3A_211 : vector<512x1024xi32> to vector<512x1024xf32>
    %convert_element_type3A_213 = arith.truncf %convert_element_type3A_212 : vector<512x1024xf32> to vector<512x1024xbf16>
    %dot_general3A_214 = arith.constant dense<0.000000e+00> : vector<512x199xf32>
    %dot_general3A_215 = tpu.matmul %convert_element_type3A_213, %convert_element_type3A, %dot_general3A_214 {dimension_numbers = #tpu.dot_dimension_numbers<[1], [0], [0], [1], [0, 0, 1, 1], [], []>, transpose_lhs_hint = false} : vector<512x1024xbf16>, vector<1024x199xbf16>, vector<512x199xf32> -> vector<512x199xf32>
    %add3A_216 = arith.addf %dot_general3A_215, %add3A_38 : vector<512x199xf32>
    %integer_pow3A_217 = arith.mulf %add3A_216, %add3A_216 : vector<512x199xf32>
    %integer_pow3A_218 = arith.mulf %add3A_216, %integer_pow3A_217 : vector<512x199xf32>
    %mul3A_219 = arith.constant 4.471500e-02 : f32
    %mul3A_220 = vector.broadcast %mul3A_219 : f32 to vector<512x199xf32>
    %mul3A_221 = arith.mulf %mul3A_220, %integer_pow3A_218 : vector<512x199xf32>
    %add3A_222 = arith.addf %add3A_216, %mul3A_221 : vector<512x199xf32>
    %mul3A_223 = arith.constant 0.797884583 : f32
    %mul3A_224 = vector.broadcast %mul3A_223 : f32 to vector<512x199xf32>
    %mul3A_225 = arith.mulf %mul3A_224, %add3A_222 : vector<512x199xf32>
    %tanh3A_226 = math.tanh %mul3A_225 : vector<512x199xf32>
    %add3A_227 = arith.constant 1.000000e+00 : f32
    %add3A_228 = vector.broadcast %add3A_227 : f32 to vector<512x199xf32>
    %add3A_229 = arith.addf %add3A_228, %tanh3A_226 : vector<512x199xf32>
    %mul3A_230 = arith.constant 5.000000e-01 : f32
    %mul3A_231 = vector.broadcast %mul3A_230 : f32 to vector<512x199xf32>
    %mul3A_232 = arith.mulf %mul3A_231, %add3A_229 : vector<512x199xf32>
    %mul3A_233 = arith.mulf %add3A_216, %mul3A_232 : vector<512x199xf32>
    %get3A_234 = arith.constant 0 : index
    %get3A_235 = arith.constant 0 : index
    %get3A_236 = vector.load %arg9[%get3A_234, %get3A_235] : memref<199x128xf32, #tpu.memory_space<vmem>>, vector<199x128xf32>
    %dot_general3A_237 = arith.constant dense<0.000000e+00> : vector<512x128xf32>
    %dot_general3A_238 = tpu.matmul %mul3A_233, %get3A_236, %dot_general3A_237 {dimension_numbers = #tpu.dot_dimension_numbers<[1], [0], [0], [1], [0, 0, 1, 1], [], []>, transpose_lhs_hint = false} : vector<512x199xf32>, vector<199x128xf32>, vector<512x128xf32> -> vector<512x128xf32>
    %get3A_239 = arith.constant 0 : index
    %get3A_240 = arith.constant 0 : index
    %get3A_241 = vector.load %arg10[%get3A_239, %get3A_240] : memref<1x128xf32, #tpu.memory_space<vmem>>, vector<1x128xf32>
    %add3A_242 = vector.broadcast %get3A_241 : vector<1x128xf32> to vector<512x128xf32>
    %add3A_243 = arith.addf %dot_general3A_238, %add3A_242 : vector<512x128xf32>
    %integer_pow3A_244 = arith.mulf %add3A_243, %add3A_243 : vector<512x128xf32>
    %integer_pow3A_245 = arith.mulf %add3A_243, %integer_pow3A_244 : vector<512x128xf32>
    %mul3A_246 = arith.constant 4.471500e-02 : f32
    %mul3A_247 = vector.broadcast %mul3A_246 : f32 to vector<512x128xf32>
    %mul3A_248 = arith.mulf %mul3A_247, %integer_pow3A_245 : vector<512x128xf32>
    %add3A_249 = arith.addf %add3A_243, %mul3A_248 : vector<512x128xf32>
    %mul3A_250 = arith.constant 0.797884583 : f32
    %mul3A_251 = vector.broadcast %mul3A_250 : f32 to vector<512x128xf32>
    %mul3A_252 = arith.mulf %mul3A_251, %add3A_249 : vector<512x128xf32>
    %tanh3A_253 = math.tanh %mul3A_252 : vector<512x128xf32>
    %add3A_254 = arith.constant 1.000000e+00 : f32
    %add3A_255 = vector.broadcast %add3A_254 : f32 to vector<512x128xf32>
    %add3A_256 = arith.addf %add3A_255, %tanh3A_253 : vector<512x128xf32>
    %mul3A_257 = arith.constant 5.000000e-01 : f32
    %mul3A_258 = vector.broadcast %mul3A_257 : f32 to vector<512x128xf32>
    %mul3A_259 = arith.mulf %mul3A_258, %add3A_256 : vector<512x128xf32>
    %mul3A_260 = arith.mulf %add3A_243, %mul3A_259 : vector<512x128xf32>
    %max3A_261 = arith.maximumf %max3A_203, %mul3A_260 : vector<512x128xf32>
    %jit3A_262 = arith.constant 0x7F800000 : f32
    %broadcast_in_dim3A_263 = vector.broadcast %jit3A_262 : f32 to vector<512x1024xf32>
    %select_n3A_264 = arith.select %eq3A_210, %broadcast_in_dim3A_263, %select_n3A_206 : vector<512x1024xi1>, vector<512x1024xf32>
    %argmin3A_265 = tpu.reduce_index %select_n3A_264 {axis = 1 : i32, kind = #tpu.reduction_kind<arg_min>} : vector<512x1024xf32> -> vector<512xi32>
    %broadcast_in_dim3A_266 = vector.shape_cast %argmin3A_265 : vector<512xi32> to vector<512x1xi32>
    %eq3A_267 = vector.broadcast %broadcast_in_dim3A_266 : vector<512x1xi32> to vector<512x1024xi32>
    %eq3A_268 = arith.cmpi eq, %iota3A, %eq3A_267 : vector<512x1024xi32>
    %convert_element_type3A_269 = arith.extui %eq3A_268 : vector<512x1024xi1> to vector<512x1024xi32>
    %convert_element_type3A_270 = arith.sitofp %convert_element_type3A_269 : vector<512x1024xi32> to vector<512x1024xf32>
    %convert_element_type3A_271 = arith.truncf %convert_element_type3A_270 : vector<512x1024xf32> to vector<512x1024xbf16>
    %dot_general3A_272 = arith.constant dense<0.000000e+00> : vector<512x199xf32>
    %dot_general3A_273 = tpu.matmul %convert_element_type3A_271, %convert_element_type3A, %dot_general3A_272 {dimension_numbers = #tpu.dot_dimension_numbers<[1], [0], [0], [1], [0, 0, 1, 1], [], []>, transpose_lhs_hint = false} : vector<512x1024xbf16>, vector<1024x199xbf16>, vector<512x199xf32> -> vector<512x199xf32>
    %add3A_274 = arith.addf %dot_general3A_273, %add3A_38 : vector<512x199xf32>
    %integer_pow3A_275 = arith.mulf %add3A_274, %add3A_274 : vector<512x199xf32>
    %integer_pow3A_276 = arith.mulf %add3A_274, %integer_pow3A_275 : vector<512x199xf32>
    %mul3A_277 = arith.constant 4.471500e-02 : f32
    %mul3A_278 = vector.broadcast %mul3A_277 : f32 to vector<512x199xf32>
    %mul3A_279 = arith.mulf %mul3A_278, %integer_pow3A_276 : vector<512x199xf32>
    %add3A_280 = arith.addf %add3A_274, %mul3A_279 : vector<512x199xf32>
    %mul3A_281 = arith.constant 0.797884583 : f32
    %mul3A_282 = vector.broadcast %mul3A_281 : f32 to vector<512x199xf32>
    %mul3A_283 = arith.mulf %mul3A_282, %add3A_280 : vector<512x199xf32>
    %tanh3A_284 = math.tanh %mul3A_283 : vector<512x199xf32>
    %add3A_285 = arith.constant 1.000000e+00 : f32
    %add3A_286 = vector.broadcast %add3A_285 : f32 to vector<512x199xf32>
    %add3A_287 = arith.addf %add3A_286, %tanh3A_284 : vector<512x199xf32>
    %mul3A_288 = arith.constant 5.000000e-01 : f32
    %mul3A_289 = vector.broadcast %mul3A_288 : f32 to vector<512x199xf32>
    %mul3A_290 = arith.mulf %mul3A_289, %add3A_287 : vector<512x199xf32>
    %mul3A_291 = arith.mulf %add3A_274, %mul3A_290 : vector<512x199xf32>
    %get3A_292 = arith.constant 0 : index
    %get3A_293 = arith.constant 0 : index
    %get3A_294 = vector.load %arg9[%get3A_292, %get3A_293] : memref<199x128xf32, #tpu.memory_space<vmem>>, vector<199x128xf32>
    %dot_general3A_295 = arith.constant dense<0.000000e+00> : vector<512x128xf32>
    %dot_general3A_296 = tpu.matmul %mul3A_291, %get3A_294, %dot_general3A_295 {dimension_numbers = #tpu.dot_dimension_numbers<[1], [0], [0], [1], [0, 0, 1, 1], [], []>, transpose_lhs_hint = false} : vector<512x199xf32>, vector<199x128xf32>, vector<512x128xf32> -> vector<512x128xf32>
    %get3A_297 = arith.constant 0 : index
    %get3A_298 = arith.constant 0 : index
    %get3A_299 = vector.load %arg10[%get3A_297, %get3A_298] : memref<1x128xf32, #tpu.memory_space<vmem>>, vector<1x128xf32>
    %add3A_300 = vector.broadcast %get3A_299 : vector<1x128xf32> to vector<512x128xf32>
    %add3A_301 = arith.addf %dot_general3A_296, %add3A_300 : vector<512x128xf32>
    %integer_pow3A_302 = arith.mulf %add3A_301, %add3A_301 : vector<512x128xf32>
    %integer_pow3A_303 = arith.mulf %add3A_301, %integer_pow3A_302 : vector<512x128xf32>
    %mul3A_304 = arith.constant 4.471500e-02 : f32
    %mul3A_305 = vector.broadcast %mul3A_304 : f32 to vector<512x128xf32>
    %mul3A_306 = arith.mulf %mul3A_305, %integer_pow3A_303 : vector<512x128xf32>
    %add3A_307 = arith.addf %add3A_301, %mul3A_306 : vector<512x128xf32>
    %mul3A_308 = arith.constant 0.797884583 : f32
    %mul3A_309 = vector.broadcast %mul3A_308 : f32 to vector<512x128xf32>
    %mul3A_310 = arith.mulf %mul3A_309, %add3A_307 : vector<512x128xf32>
    %tanh3A_311 = math.tanh %mul3A_310 : vector<512x128xf32>
    %add3A_312 = arith.constant 1.000000e+00 : f32
    %add3A_313 = vector.broadcast %add3A_312 : f32 to vector<512x128xf32>
    %add3A_314 = arith.addf %add3A_313, %tanh3A_311 : vector<512x128xf32>
    %mul3A_315 = arith.constant 5.000000e-01 : f32
    %mul3A_316 = vector.broadcast %mul3A_315 : f32 to vector<512x128xf32>
    %mul3A_317 = arith.mulf %mul3A_316, %add3A_314 : vector<512x128xf32>
    %mul3A_318 = arith.mulf %add3A_301, %mul3A_317 : vector<512x128xf32>
    %max3A_319 = arith.maximumf %max3A_261, %mul3A_318 : vector<512x128xf32>
    %jit3A_320 = arith.constant 0x7F800000 : f32
    %broadcast_in_dim3A_321 = vector.broadcast %jit3A_320 : f32 to vector<512x1024xf32>
    %select_n3A_322 = arith.select %eq3A_268, %broadcast_in_dim3A_321, %select_n3A_264 : vector<512x1024xi1>, vector<512x1024xf32>
    %argmin3A_323 = tpu.reduce_index %select_n3A_322 {axis = 1 : i32, kind = #tpu.reduction_kind<arg_min>} : vector<512x1024xf32> -> vector<512xi32>
    %broadcast_in_dim3A_324 = vector.shape_cast %argmin3A_323 : vector<512xi32> to vector<512x1xi32>
    %eq3A_325 = vector.broadcast %broadcast_in_dim3A_324 : vector<512x1xi32> to vector<512x1024xi32>
    %eq3A_326 = arith.cmpi eq, %iota3A, %eq3A_325 : vector<512x1024xi32>
    %convert_element_type3A_327 = arith.extui %eq3A_326 : vector<512x1024xi1> to vector<512x1024xi32>
    %convert_element_type3A_328 = arith.sitofp %convert_element_type3A_327 : vector<512x1024xi32> to vector<512x1024xf32>
    %convert_element_type3A_329 = arith.truncf %convert_element_type3A_328 : vector<512x1024xf32> to vector<512x1024xbf16>
    %dot_general3A_330 = arith.constant dense<0.000000e+00> : vector<512x199xf32>
    %dot_general3A_331 = tpu.matmul %convert_element_type3A_329, %convert_element_type3A, %dot_general3A_330 {dimension_numbers = #tpu.dot_dimension_numbers<[1], [0], [0], [1], [0, 0, 1, 1], [], []>, transpose_lhs_hint = false} : vector<512x1024xbf16>, vector<1024x199xbf16>, vector<512x199xf32> -> vector<512x199xf32>
    %add3A_332 = arith.addf %dot_general3A_331, %add3A_38 : vector<512x199xf32>
    %integer_pow3A_333 = arith.mulf %add3A_332, %add3A_332 : vector<512x199xf32>
    %integer_pow3A_334 = arith.mulf %add3A_332, %integer_pow3A_333 : vector<512x199xf32>
    %mul3A_335 = arith.constant 4.471500e-02 : f32
    %mul3A_336 = vector.broadcast %mul3A_335 : f32 to vector<512x199xf32>
    %mul3A_337 = arith.mulf %mul3A_336, %integer_pow3A_334 : vector<512x199xf32>
    %add3A_338 = arith.addf %add3A_332, %mul3A_337 : vector<512x199xf32>
    %mul3A_339 = arith.constant 0.797884583 : f32
    %mul3A_340 = vector.broadcast %mul3A_339 : f32 to vector<512x199xf32>
    %mul3A_341 = arith.mulf %mul3A_340, %add3A_338 : vector<512x199xf32>
    %tanh3A_342 = math.tanh %mul3A_341 : vector<512x199xf32>
    %add3A_343 = arith.constant 1.000000e+00 : f32
    %add3A_344 = vector.broadcast %add3A_343 : f32 to vector<512x199xf32>
    %add3A_345 = arith.addf %add3A_344, %tanh3A_342 : vector<512x199xf32>
    %mul3A_346 = arith.constant 5.000000e-01 : f32
    %mul3A_347 = vector.broadcast %mul3A_346 : f32 to vector<512x199xf32>
    %mul3A_348 = arith.mulf %mul3A_347, %add3A_345 : vector<512x199xf32>
    %mul3A_349 = arith.mulf %add3A_332, %mul3A_348 : vector<512x199xf32>
    %get3A_350 = arith.constant 0 : index
    %get3A_351 = arith.constant 0 : index
    %get3A_352 = vector.load %arg9[%get3A_350, %get3A_351] : memref<199x128xf32, #tpu.memory_space<vmem>>, vector<199x128xf32>
    %dot_general3A_353 = arith.constant dense<0.000000e+00> : vector<512x128xf32>
    %dot_general3A_354 = tpu.matmul %mul3A_349, %get3A_352, %dot_general3A_353 {dimension_numbers = #tpu.dot_dimension_numbers<[1], [0], [0], [1], [0, 0, 1, 1], [], []>, transpose_lhs_hint = false} : vector<512x199xf32>, vector<199x128xf32>, vector<512x128xf32> -> vector<512x128xf32>
    %get3A_355 = arith.constant 0 : index
    %get3A_356 = arith.constant 0 : index
    %get3A_357 = vector.load %arg10[%get3A_355, %get3A_356] : memref<1x128xf32, #tpu.memory_space<vmem>>, vector<1x128xf32>
    %add3A_358 = vector.broadcast %get3A_357 : vector<1x128xf32> to vector<512x128xf32>
    %add3A_359 = arith.addf %dot_general3A_354, %add3A_358 : vector<512x128xf32>
    %integer_pow3A_360 = arith.mulf %add3A_359, %add3A_359 : vector<512x128xf32>
    %integer_pow3A_361 = arith.mulf %add3A_359, %integer_pow3A_360 : vector<512x128xf32>
    %mul3A_362 = arith.constant 4.471500e-02 : f32
    %mul3A_363 = vector.broadcast %mul3A_362 : f32 to vector<512x128xf32>
    %mul3A_364 = arith.mulf %mul3A_363, %integer_pow3A_361 : vector<512x128xf32>
    %add3A_365 = arith.addf %add3A_359, %mul3A_364 : vector<512x128xf32>
    %mul3A_366 = arith.constant 0.797884583 : f32
    %mul3A_367 = vector.broadcast %mul3A_366 : f32 to vector<512x128xf32>
    %mul3A_368 = arith.mulf %mul3A_367, %add3A_365 : vector<512x128xf32>
    %tanh3A_369 = math.tanh %mul3A_368 : vector<512x128xf32>
    %add3A_370 = arith.constant 1.000000e+00 : f32
    %add3A_371 = vector.broadcast %add3A_370 : f32 to vector<512x128xf32>
    %add3A_372 = arith.addf %add3A_371, %tanh3A_369 : vector<512x128xf32>
    %mul3A_373 = arith.constant 5.000000e-01 : f32
    %mul3A_374 = vector.broadcast %mul3A_373 : f32 to vector<512x128xf32>
    %mul3A_375 = arith.mulf %mul3A_374, %add3A_372 : vector<512x128xf32>
    %mul3A_376 = arith.mulf %add3A_359, %mul3A_375 : vector<512x128xf32>
    %max3A_377 = arith.maximumf %max3A_319, %mul3A_376 : vector<512x128xf32>
    %jit3A_378 = arith.constant 0x7F800000 : f32
    %broadcast_in_dim3A_379 = vector.broadcast %jit3A_378 : f32 to vector<512x1024xf32>
    %select_n3A_380 = arith.select %eq3A_326, %broadcast_in_dim3A_379, %select_n3A_322 : vector<512x1024xi1>, vector<512x1024xf32>
    %argmin3A_381 = tpu.reduce_index %select_n3A_380 {axis = 1 : i32, kind = #tpu.reduction_kind<arg_min>} : vector<512x1024xf32> -> vector<512xi32>
    %broadcast_in_dim3A_382 = vector.shape_cast %argmin3A_381 : vector<512xi32> to vector<512x1xi32>
    %eq3A_383 = vector.broadcast %broadcast_in_dim3A_382 : vector<512x1xi32> to vector<512x1024xi32>
    %eq3A_384 = arith.cmpi eq, %iota3A, %eq3A_383 : vector<512x1024xi32>
    %convert_element_type3A_385 = arith.extui %eq3A_384 : vector<512x1024xi1> to vector<512x1024xi32>
    %convert_element_type3A_386 = arith.sitofp %convert_element_type3A_385 : vector<512x1024xi32> to vector<512x1024xf32>
    %convert_element_type3A_387 = arith.truncf %convert_element_type3A_386 : vector<512x1024xf32> to vector<512x1024xbf16>
    %dot_general3A_388 = arith.constant dense<0.000000e+00> : vector<512x199xf32>
    %dot_general3A_389 = tpu.matmul %convert_element_type3A_387, %convert_element_type3A, %dot_general3A_388 {dimension_numbers = #tpu.dot_dimension_numbers<[1], [0], [0], [1], [0, 0, 1, 1], [], []>, transpose_lhs_hint = false} : vector<512x1024xbf16>, vector<1024x199xbf16>, vector<512x199xf32> -> vector<512x199xf32>
    %add3A_390 = arith.addf %dot_general3A_389, %add3A_38 : vector<512x199xf32>
    %integer_pow3A_391 = arith.mulf %add3A_390, %add3A_390 : vector<512x199xf32>
    %integer_pow3A_392 = arith.mulf %add3A_390, %integer_pow3A_391 : vector<512x199xf32>
    %mul3A_393 = arith.constant 4.471500e-02 : f32
    %mul3A_394 = vector.broadcast %mul3A_393 : f32 to vector<512x199xf32>
    %mul3A_395 = arith.mulf %mul3A_394, %integer_pow3A_392 : vector<512x199xf32>
    %add3A_396 = arith.addf %add3A_390, %mul3A_395 : vector<512x199xf32>
    %mul3A_397 = arith.constant 0.797884583 : f32
    %mul3A_398 = vector.broadcast %mul3A_397 : f32 to vector<512x199xf32>
    %mul3A_399 = arith.mulf %mul3A_398, %add3A_396 : vector<512x199xf32>
    %tanh3A_400 = math.tanh %mul3A_399 : vector<512x199xf32>
    %add3A_401 = arith.constant 1.000000e+00 : f32
    %add3A_402 = vector.broadcast %add3A_401 : f32 to vector<512x199xf32>
    %add3A_403 = arith.addf %add3A_402, %tanh3A_400 : vector<512x199xf32>
    %mul3A_404 = arith.constant 5.000000e-01 : f32
    %mul3A_405 = vector.broadcast %mul3A_404 : f32 to vector<512x199xf32>
    %mul3A_406 = arith.mulf %mul3A_405, %add3A_403 : vector<512x199xf32>
    %mul3A_407 = arith.mulf %add3A_390, %mul3A_406 : vector<512x199xf32>
    %get3A_408 = arith.constant 0 : index
    %get3A_409 = arith.constant 0 : index
    %get3A_410 = vector.load %arg9[%get3A_408, %get3A_409] : memref<199x128xf32, #tpu.memory_space<vmem>>, vector<199x128xf32>
    %dot_general3A_411 = arith.constant dense<0.000000e+00> : vector<512x128xf32>
    %dot_general3A_412 = tpu.matmul %mul3A_407, %get3A_410, %dot_general3A_411 {dimension_numbers = #tpu.dot_dimension_numbers<[1], [0], [0], [1], [0, 0, 1, 1], [], []>, transpose_lhs_hint = false} : vector<512x199xf32>, vector<199x128xf32>, vector<512x128xf32> -> vector<512x128xf32>
    %get3A_413 = arith.constant 0 : index
    %get3A_414 = arith.constant 0 : index
    %get3A_415 = vector.load %arg10[%get3A_413, %get3A_414] : memref<1x128xf32, #tpu.memory_space<vmem>>, vector<1x128xf32>
    %add3A_416 = vector.broadcast %get3A_415 : vector<1x128xf32> to vector<512x128xf32>
    %add3A_417 = arith.addf %dot_general3A_412, %add3A_416 : vector<512x128xf32>
    %integer_pow3A_418 = arith.mulf %add3A_417, %add3A_417 : vector<512x128xf32>
    %integer_pow3A_419 = arith.mulf %add3A_417, %integer_pow3A_418 : vector<512x128xf32>
    %mul3A_420 = arith.constant 4.471500e-02 : f32
    %mul3A_421 = vector.broadcast %mul3A_420 : f32 to vector<512x128xf32>
    %mul3A_422 = arith.mulf %mul3A_421, %integer_pow3A_419 : vector<512x128xf32>
    %add3A_423 = arith.addf %add3A_417, %mul3A_422 : vector<512x128xf32>
    %mul3A_424 = arith.constant 0.797884583 : f32
    %mul3A_425 = vector.broadcast %mul3A_424 : f32 to vector<512x128xf32>
    %mul3A_426 = arith.mulf %mul3A_425, %add3A_423 : vector<512x128xf32>
    %tanh3A_427 = math.tanh %mul3A_426 : vector<512x128xf32>
    %add3A_428 = arith.constant 1.000000e+00 : f32
    %add3A_429 = vector.broadcast %add3A_428 : f32 to vector<512x128xf32>
    %add3A_430 = arith.addf %add3A_429, %tanh3A_427 : vector<512x128xf32>
    %mul3A_431 = arith.constant 5.000000e-01 : f32
    %mul3A_432 = vector.broadcast %mul3A_431 : f32 to vector<512x128xf32>
    %mul3A_433 = arith.mulf %mul3A_432, %add3A_430 : vector<512x128xf32>
    %mul3A_434 = arith.mulf %add3A_417, %mul3A_433 : vector<512x128xf32>
    %max3A_435 = arith.maximumf %max3A_377, %mul3A_434 : vector<512x128xf32>
    %jit3A_436 = arith.constant 0x7F800000 : f32
    %broadcast_in_dim3A_437 = vector.broadcast %jit3A_436 : f32 to vector<512x1024xf32>
    %select_n3A_438 = arith.select %eq3A_384, %broadcast_in_dim3A_437, %select_n3A_380 : vector<512x1024xi1>, vector<512x1024xf32>
    %argmin3A_439 = tpu.reduce_index %select_n3A_438 {axis = 1 : i32, kind = #tpu.reduction_kind<arg_min>} : vector<512x1024xf32> -> vector<512xi32>
    %broadcast_in_dim3A_440 = vector.shape_cast %argmin3A_439 : vector<512xi32> to vector<512x1xi32>
    %eq3A_441 = vector.broadcast %broadcast_in_dim3A_440 : vector<512x1xi32> to vector<512x1024xi32>
    %eq3A_442 = arith.cmpi eq, %iota3A, %eq3A_441 : vector<512x1024xi32>
    %convert_element_type3A_443 = arith.extui %eq3A_442 : vector<512x1024xi1> to vector<512x1024xi32>
    %convert_element_type3A_444 = arith.sitofp %convert_element_type3A_443 : vector<512x1024xi32> to vector<512x1024xf32>
    %convert_element_type3A_445 = arith.truncf %convert_element_type3A_444 : vector<512x1024xf32> to vector<512x1024xbf16>
    %dot_general3A_446 = arith.constant dense<0.000000e+00> : vector<512x199xf32>
    %dot_general3A_447 = tpu.matmul %convert_element_type3A_445, %convert_element_type3A, %dot_general3A_446 {dimension_numbers = #tpu.dot_dimension_numbers<[1], [0], [0], [1], [0, 0, 1, 1], [], []>, transpose_lhs_hint = false} : vector<512x1024xbf16>, vector<1024x199xbf16>, vector<512x199xf32> -> vector<512x199xf32>
    %add3A_448 = arith.addf %dot_general3A_447, %add3A_38 : vector<512x199xf32>
    %integer_pow3A_449 = arith.mulf %add3A_448, %add3A_448 : vector<512x199xf32>
    %integer_pow3A_450 = arith.mulf %add3A_448, %integer_pow3A_449 : vector<512x199xf32>
    %mul3A_451 = arith.constant 4.471500e-02 : f32
    %mul3A_452 = vector.broadcast %mul3A_451 : f32 to vector<512x199xf32>
    %mul3A_453 = arith.mulf %mul3A_452, %integer_pow3A_450 : vector<512x199xf32>
    %add3A_454 = arith.addf %add3A_448, %mul3A_453 : vector<512x199xf32>
    %mul3A_455 = arith.constant 0.797884583 : f32
    %mul3A_456 = vector.broadcast %mul3A_455 : f32 to vector<512x199xf32>
    %mul3A_457 = arith.mulf %mul3A_456, %add3A_454 : vector<512x199xf32>
    %tanh3A_458 = math.tanh %mul3A_457 : vector<512x199xf32>
    %add3A_459 = arith.constant 1.000000e+00 : f32
    %add3A_460 = vector.broadcast %add3A_459 : f32 to vector<512x199xf32>
    %add3A_461 = arith.addf %add3A_460, %tanh3A_458 : vector<512x199xf32>
    %mul3A_462 = arith.constant 5.000000e-01 : f32
    %mul3A_463 = vector.broadcast %mul3A_462 : f32 to vector<512x199xf32>
    %mul3A_464 = arith.mulf %mul3A_463, %add3A_461 : vector<512x199xf32>
    %mul3A_465 = arith.mulf %add3A_448, %mul3A_464 : vector<512x199xf32>
    %get3A_466 = arith.constant 0 : index
    %get3A_467 = arith.constant 0 : index
    %get3A_468 = vector.load %arg9[%get3A_466, %get3A_467] : memref<199x128xf32, #tpu.memory_space<vmem>>, vector<199x128xf32>
    %dot_general3A_469 = arith.constant dense<0.000000e+00> : vector<512x128xf32>
    %dot_general3A_470 = tpu.matmul %mul3A_465, %get3A_468, %dot_general3A_469 {dimension_numbers = #tpu.dot_dimension_numbers<[1], [0], [0], [1], [0, 0, 1, 1], [], []>, transpose_lhs_hint = false} : vector<512x199xf32>, vector<199x128xf32>, vector<512x128xf32> -> vector<512x128xf32>
    %get3A_471 = arith.constant 0 : index
    %get3A_472 = arith.constant 0 : index
    %get3A_473 = vector.load %arg10[%get3A_471, %get3A_472] : memref<1x128xf32, #tpu.memory_space<vmem>>, vector<1x128xf32>
    %add3A_474 = vector.broadcast %get3A_473 : vector<1x128xf32> to vector<512x128xf32>
    %add3A_475 = arith.addf %dot_general3A_470, %add3A_474 : vector<512x128xf32>
    %integer_pow3A_476 = arith.mulf %add3A_475, %add3A_475 : vector<512x128xf32>
    %integer_pow3A_477 = arith.mulf %add3A_475, %integer_pow3A_476 : vector<512x128xf32>
    %mul3A_478 = arith.constant 4.471500e-02 : f32
    %mul3A_479 = vector.broadcast %mul3A_478 : f32 to vector<512x128xf32>
    %mul3A_480 = arith.mulf %mul3A_479, %integer_pow3A_477 : vector<512x128xf32>
    %add3A_481 = arith.addf %add3A_475, %mul3A_480 : vector<512x128xf32>
    %mul3A_482 = arith.constant 0.797884583 : f32
    %mul3A_483 = vector.broadcast %mul3A_482 : f32 to vector<512x128xf32>
    %mul3A_484 = arith.mulf %mul3A_483, %add3A_481 : vector<512x128xf32>
    %tanh3A_485 = math.tanh %mul3A_484 : vector<512x128xf32>
    %add3A_486 = arith.constant 1.000000e+00 : f32
    %add3A_487 = vector.broadcast %add3A_486 : f32 to vector<512x128xf32>
    %add3A_488 = arith.addf %add3A_487, %tanh3A_485 : vector<512x128xf32>
    %mul3A_489 = arith.constant 5.000000e-01 : f32
    %mul3A_490 = vector.broadcast %mul3A_489 : f32 to vector<512x128xf32>
    %mul3A_491 = arith.mulf %mul3A_490, %add3A_488 : vector<512x128xf32>
    %mul3A_492 = arith.mulf %add3A_475, %mul3A_491 : vector<512x128xf32>
    %max3A_493 = arith.maximumf %max3A_435, %mul3A_492 : vector<512x128xf32>
    %jit3A_494 = arith.constant 0x7F800000 : f32
    %broadcast_in_dim3A_495 = vector.broadcast %jit3A_494 : f32 to vector<512x1024xf32>
    %select_n3A_496 = arith.select %eq3A_442, %broadcast_in_dim3A_495, %select_n3A_438 : vector<512x1024xi1>, vector<512x1024xf32>
    %argmin3A_497 = tpu.reduce_index %select_n3A_496 {axis = 1 : i32, kind = #tpu.reduction_kind<arg_min>} : vector<512x1024xf32> -> vector<512xi32>
    %broadcast_in_dim3A_498 = vector.shape_cast %argmin3A_497 : vector<512xi32> to vector<512x1xi32>
    %eq3A_499 = vector.broadcast %broadcast_in_dim3A_498 : vector<512x1xi32> to vector<512x1024xi32>
    %eq3A_500 = arith.cmpi eq, %iota3A, %eq3A_499 : vector<512x1024xi32>
    %convert_element_type3A_501 = arith.extui %eq3A_500 : vector<512x1024xi1> to vector<512x1024xi32>
    %convert_element_type3A_502 = arith.sitofp %convert_element_type3A_501 : vector<512x1024xi32> to vector<512x1024xf32>
    %convert_element_type3A_503 = arith.truncf %convert_element_type3A_502 : vector<512x1024xf32> to vector<512x1024xbf16>
    %dot_general3A_504 = arith.constant dense<0.000000e+00> : vector<512x199xf32>
    %dot_general3A_505 = tpu.matmul %convert_element_type3A_503, %convert_element_type3A, %dot_general3A_504 {dimension_numbers = #tpu.dot_dimension_numbers<[1], [0], [0], [1], [0, 0, 1, 1], [], []>, transpose_lhs_hint = false} : vector<512x1024xbf16>, vector<1024x199xbf16>, vector<512x199xf32> -> vector<512x199xf32>
    %add3A_506 = arith.addf %dot_general3A_505, %add3A_38 : vector<512x199xf32>
    %integer_pow3A_507 = arith.mulf %add3A_506, %add3A_506 : vector<512x199xf32>
    %integer_pow3A_508 = arith.mulf %add3A_506, %integer_pow3A_507 : vector<512x199xf32>
    %mul3A_509 = arith.constant 4.471500e-02 : f32
    %mul3A_510 = vector.broadcast %mul3A_509 : f32 to vector<512x199xf32>
    %mul3A_511 = arith.mulf %mul3A_510, %integer_pow3A_508 : vector<512x199xf32>
    %add3A_512 = arith.addf %add3A_506, %mul3A_511 : vector<512x199xf32>
    %mul3A_513 = arith.constant 0.797884583 : f32
    %mul3A_514 = vector.broadcast %mul3A_513 : f32 to vector<512x199xf32>
    %mul3A_515 = arith.mulf %mul3A_514, %add3A_512 : vector<512x199xf32>
    %tanh3A_516 = math.tanh %mul3A_515 : vector<512x199xf32>
    %add3A_517 = arith.constant 1.000000e+00 : f32
    %add3A_518 = vector.broadcast %add3A_517 : f32 to vector<512x199xf32>
    %add3A_519 = arith.addf %add3A_518, %tanh3A_516 : vector<512x199xf32>
    %mul3A_520 = arith.constant 5.000000e-01 : f32
    %mul3A_521 = vector.broadcast %mul3A_520 : f32 to vector<512x199xf32>
    %mul3A_522 = arith.mulf %mul3A_521, %add3A_519 : vector<512x199xf32>
    %mul3A_523 = arith.mulf %add3A_506, %mul3A_522 : vector<512x199xf32>
    %get3A_524 = arith.constant 0 : index
    %get3A_525 = arith.constant 0 : index
    %get3A_526 = vector.load %arg9[%get3A_524, %get3A_525] : memref<199x128xf32, #tpu.memory_space<vmem>>, vector<199x128xf32>
    %dot_general3A_527 = arith.constant dense<0.000000e+00> : vector<512x128xf32>
    %dot_general3A_528 = tpu.matmul %mul3A_523, %get3A_526, %dot_general3A_527 {dimension_numbers = #tpu.dot_dimension_numbers<[1], [0], [0], [1], [0, 0, 1, 1], [], []>, transpose_lhs_hint = false} : vector<512x199xf32>, vector<199x128xf32>, vector<512x128xf32> -> vector<512x128xf32>
    %get3A_529 = arith.constant 0 : index
    %get3A_530 = arith.constant 0 : index
    %get3A_531 = vector.load %arg10[%get3A_529, %get3A_530] : memref<1x128xf32, #tpu.memory_space<vmem>>, vector<1x128xf32>
    %add3A_532 = vector.broadcast %get3A_531 : vector<1x128xf32> to vector<512x128xf32>
    %add3A_533 = arith.addf %dot_general3A_528, %add3A_532 : vector<512x128xf32>
    %integer_pow3A_534 = arith.mulf %add3A_533, %add3A_533 : vector<512x128xf32>
    %integer_pow3A_535 = arith.mulf %add3A_533, %integer_pow3A_534 : vector<512x128xf32>
    %mul3A_536 = arith.constant 4.471500e-02 : f32
    %mul3A_537 = vector.broadcast %mul3A_536 : f32 to vector<512x128xf32>
    %mul3A_538 = arith.mulf %mul3A_537, %integer_pow3A_535 : vector<512x128xf32>
    %add3A_539 = arith.addf %add3A_533, %mul3A_538 : vector<512x128xf32>
    %mul3A_540 = arith.constant 0.797884583 : f32
    %mul3A_541 = vector.broadcast %mul3A_540 : f32 to vector<512x128xf32>
    %mul3A_542 = arith.mulf %mul3A_541, %add3A_539 : vector<512x128xf32>
    %tanh3A_543 = math.tanh %mul3A_542 : vector<512x128xf32>
    %add3A_544 = arith.constant 1.000000e+00 : f32
    %add3A_545 = vector.broadcast %add3A_544 : f32 to vector<512x128xf32>
    %add3A_546 = arith.addf %add3A_545, %tanh3A_543 : vector<512x128xf32>
    %mul3A_547 = arith.constant 5.000000e-01 : f32
    %mul3A_548 = vector.broadcast %mul3A_547 : f32 to vector<512x128xf32>
    %mul3A_549 = arith.mulf %mul3A_548, %add3A_546 : vector<512x128xf32>
    %mul3A_550 = arith.mulf %add3A_533, %mul3A_549 : vector<512x128xf32>
    %max3A_551 = arith.maximumf %max3A_493, %mul3A_550 : vector<512x128xf32>
    %jit3A_552 = arith.constant 0x7F800000 : f32
    %broadcast_in_dim3A_553 = vector.broadcast %jit3A_552 : f32 to vector<512x1024xf32>
    %select_n3A_554 = arith.select %eq3A_500, %broadcast_in_dim3A_553, %select_n3A_496 : vector<512x1024xi1>, vector<512x1024xf32>
    %argmin3A_555 = tpu.reduce_index %select_n3A_554 {axis = 1 : i32, kind = #tpu.reduction_kind<arg_min>} : vector<512x1024xf32> -> vector<512xi32>
    %broadcast_in_dim3A_556 = vector.shape_cast %argmin3A_555 : vector<512xi32> to vector<512x1xi32>
    %eq3A_557 = vector.broadcast %broadcast_in_dim3A_556 : vector<512x1xi32> to vector<512x1024xi32>
    %eq3A_558 = arith.cmpi eq, %iota3A, %eq3A_557 : vector<512x1024xi32>
    %convert_element_type3A_559 = arith.extui %eq3A_558 : vector<512x1024xi1> to vector<512x1024xi32>
    %convert_element_type3A_560 = arith.sitofp %convert_element_type3A_559 : vector<512x1024xi32> to vector<512x1024xf32>
    %convert_element_type3A_561 = arith.truncf %convert_element_type3A_560 : vector<512x1024xf32> to vector<512x1024xbf16>
    %dot_general3A_562 = arith.constant dense<0.000000e+00> : vector<512x199xf32>
    %dot_general3A_563 = tpu.matmul %convert_element_type3A_561, %convert_element_type3A, %dot_general3A_562 {dimension_numbers = #tpu.dot_dimension_numbers<[1], [0], [0], [1], [0, 0, 1, 1], [], []>, transpose_lhs_hint = false} : vector<512x1024xbf16>, vector<1024x199xbf16>, vector<512x199xf32> -> vector<512x199xf32>
    %add3A_564 = arith.addf %dot_general3A_563, %add3A_38 : vector<512x199xf32>
    %integer_pow3A_565 = arith.mulf %add3A_564, %add3A_564 : vector<512x199xf32>
    %integer_pow3A_566 = arith.mulf %add3A_564, %integer_pow3A_565 : vector<512x199xf32>
    %mul3A_567 = arith.constant 4.471500e-02 : f32
    %mul3A_568 = vector.broadcast %mul3A_567 : f32 to vector<512x199xf32>
    %mul3A_569 = arith.mulf %mul3A_568, %integer_pow3A_566 : vector<512x199xf32>
    %add3A_570 = arith.addf %add3A_564, %mul3A_569 : vector<512x199xf32>
    %mul3A_571 = arith.constant 0.797884583 : f32
    %mul3A_572 = vector.broadcast %mul3A_571 : f32 to vector<512x199xf32>
    %mul3A_573 = arith.mulf %mul3A_572, %add3A_570 : vector<512x199xf32>
    %tanh3A_574 = math.tanh %mul3A_573 : vector<512x199xf32>
    %add3A_575 = arith.constant 1.000000e+00 : f32
    %add3A_576 = vector.broadcast %add3A_575 : f32 to vector<512x199xf32>
    %add3A_577 = arith.addf %add3A_576, %tanh3A_574 : vector<512x199xf32>
    %mul3A_578 = arith.constant 5.000000e-01 : f32
    %mul3A_579 = vector.broadcast %mul3A_578 : f32 to vector<512x199xf32>
    %mul3A_580 = arith.mulf %mul3A_579, %add3A_577 : vector<512x199xf32>
    %mul3A_581 = arith.mulf %add3A_564, %mul3A_580 : vector<512x199xf32>
    %get3A_582 = arith.constant 0 : index
    %get3A_583 = arith.constant 0 : index
    %get3A_584 = vector.load %arg9[%get3A_582, %get3A_583] : memref<199x128xf32, #tpu.memory_space<vmem>>, vector<199x128xf32>
    %dot_general3A_585 = arith.constant dense<0.000000e+00> : vector<512x128xf32>
    %dot_general3A_586 = tpu.matmul %mul3A_581, %get3A_584, %dot_general3A_585 {dimension_numbers = #tpu.dot_dimension_numbers<[1], [0], [0], [1], [0, 0, 1, 1], [], []>, transpose_lhs_hint = false} : vector<512x199xf32>, vector<199x128xf32>, vector<512x128xf32> -> vector<512x128xf32>
    %get3A_587 = arith.constant 0 : index
    %get3A_588 = arith.constant 0 : index
    %get3A_589 = vector.load %arg10[%get3A_587, %get3A_588] : memref<1x128xf32, #tpu.memory_space<vmem>>, vector<1x128xf32>
    %add3A_590 = vector.broadcast %get3A_589 : vector<1x128xf32> to vector<512x128xf32>
    %add3A_591 = arith.addf %dot_general3A_586, %add3A_590 : vector<512x128xf32>
    %integer_pow3A_592 = arith.mulf %add3A_591, %add3A_591 : vector<512x128xf32>
    %integer_pow3A_593 = arith.mulf %add3A_591, %integer_pow3A_592 : vector<512x128xf32>
    %mul3A_594 = arith.constant 4.471500e-02 : f32
    %mul3A_595 = vector.broadcast %mul3A_594 : f32 to vector<512x128xf32>
    %mul3A_596 = arith.mulf %mul3A_595, %integer_pow3A_593 : vector<512x128xf32>
    %add3A_597 = arith.addf %add3A_591, %mul3A_596 : vector<512x128xf32>
    %mul3A_598 = arith.constant 0.797884583 : f32
    %mul3A_599 = vector.broadcast %mul3A_598 : f32 to vector<512x128xf32>
    %mul3A_600 = arith.mulf %mul3A_599, %add3A_597 : vector<512x128xf32>
    %tanh3A_601 = math.tanh %mul3A_600 : vector<512x128xf32>
    %add3A_602 = arith.constant 1.000000e+00 : f32
    %add3A_603 = vector.broadcast %add3A_602 : f32 to vector<512x128xf32>
    %add3A_604 = arith.addf %add3A_603, %tanh3A_601 : vector<512x128xf32>
    %mul3A_605 = arith.constant 5.000000e-01 : f32
    %mul3A_606 = vector.broadcast %mul3A_605 : f32 to vector<512x128xf32>
    %mul3A_607 = arith.mulf %mul3A_606, %add3A_604 : vector<512x128xf32>
    %mul3A_608 = arith.mulf %add3A_591, %mul3A_607 : vector<512x128xf32>
    %max3A_609 = arith.maximumf %max3A_551, %mul3A_608 : vector<512x128xf32>
    %swap3A = arith.constant 0 : index
    %swap3A_610 = arith.constant 0 : index
    %swap3A_611 = arith.constant 0 : index
    %swap3A_612 = vector.load %arg11[%swap3A, %swap3A_610, %swap3A_611] : memref<1x512x128xf32, #tpu.memory_space<vmem>>, vector<1x512x128xf32>
    %swap3A_613 = vector.shape_cast %swap3A_612 : vector<1x512x128xf32> to vector<512x128xf32>
    %swap3A_614 = vector.shape_cast %max3A_609 : vector<512x128xf32> to vector<1x512x128xf32>
    tpu.vector_store %arg11[%swap3A, %swap3A_610, %swap3A_611], %swap3A_614 {strides = array<i32>} : memref<1x512x128xf32, #tpu.memory_space<vmem>>, vector<1x512x128xf32>,
    return
  }
  func.func @transform_0(%arg0: i32, %arg1: i32) -> (i32, i32, i32) {
    %c0_i32 = arith.constant 0 : i32
    %c0_i32_0 = arith.constant 0 : i32
    return %arg0, %arg1, %c0_i32 : i32, i32, i32
  }
  func.func @transform_1(%arg0: i32, %arg1: i32) -> (i32, i32, i32) {
    %c0_i32 = arith.constant 0 : i32
    %c0_i32_0 = arith.constant 0 : i32
    %c0_i32_1 = arith.constant 0 : i32
    return %arg0, %c0_i32, %c0_i32_0 : i32, i32, i32
  }
  func.func @transform_2(%arg0: i32, %arg1: i32) -> (i32, i32, i32) {
    %c0_i32 = arith.constant 0 : i32
    %c0_i32_0 = arith.constant 0 : i32
    return %arg0, %arg1, %c0_i32 : i32, i32, i32
  }
  func.func @transform_3(%arg0: i32, %arg1: i32) -> (i32, i32, i32) {
    %c0_i32 = arith.constant 0 : i32
    %c0_i32_0 = arith.constant 0 : i32
    %c0_i32_1 = arith.constant 0 : i32
    return %arg0, %c0_i32, %c0_i32_0 : i32, i32, i32
  }
  func.func @transform_4(%arg0: i32, %arg1: i32) -> (i32, i32) {
    %c0_i32 = arith.constant 0 : i32
    %c0_i32_0 = arith.constant 0 : i32
    %c0_i32_1 = arith.constant 0 : i32
    return %c0_i32, %c0_i32_0 : i32, i32
  }
  func.func @transform_5(%arg0: i32, %arg1: i32) -> (i32, i32) {
    %c0_i32 = arith.constant 0 : i32
    %c0_i32_0 = arith.constant 0 : i32
    %c0_i32_1 = arith.constant 0 : i32
    return %c0_i32, %c0_i32_0 : i32, i32
  }
  func.func @transform_6(%arg0: i32, %arg1: i32) -> (i32, i32) {
    %c0_i32 = arith.constant 0 : i32
    %c0_i32_0 = arith.constant 0 : i32
    %c0_i32_1 = arith.constant 0 : i32
    return %c0_i32, %c0_i32_0 : i32, i32
  }
  func.func @transform_7(%arg0: i32, %arg1: i32) -> (i32, i32) {
    %c0_i32 = arith.constant 0 : i32
    %c0_i32_0 = arith.constant 0 : i32
    %c0_i32_1 = arith.constant 0 : i32
    return %c0_i32, %c0_i32_0 : i32, i32
  }
  func.func @transform_8(%arg0: i32, %arg1: i32) -> (i32, i32) {
    %c0_i32 = arith.constant 0 : i32
    %c0_i32_0 = arith.constant 0 : i32
    %c0_i32_1 = arith.constant 0 : i32
    return %c0_i32, %c0_i32_0 : i32, i32
  }
  func.func @transform_9(%arg0: i32, %arg1: i32) -> (i32, i32, i32) {
    %c0_i32 = arith.constant 0 : i32
    %c0_i32_0 = arith.constant 0 : i32
    return %arg0, %arg1, %c0_i32 : i32, i32, i32
  }
}

module attributes {stable_mosaic.version = 14 : i64} {
  func.func @body(%arg0: i32, %arg1: memref<1x1024x284xf32, #tpu.memory_space<vmem>>, %arg2: memref<284x190xf32, #tpu.memory_space<vmem>>, %arg3: memref<1x190xf32, #tpu.memory_space<vmem>>, %arg4: memref<1x1024x190xf32, #tpu.memory_space<vmem>>) attributes {dimension_semantics = [#tpu.dimension_semantics<arbitrary>], iteration_bounds = array<i64: 8>, scalar_prefetch = 0 : i64, scratch_operands = 0 : i64, tpu.core_type = #tpu.core_type<tc>, window_params = [{transform_indices = @transform_0, window_bounds = array<i64: 1, 1024, 284>}, {pipeline_mode = #tpu.pipeline_mode<synchronous>, transform_indices = @transform_1, window_bounds = array<i64: 284, 190>}, {pipeline_mode = #tpu.pipeline_mode<synchronous>, transform_indices = @transform_2, window_bounds = array<i64: 1, 190>}, {transform_indices = @transform_3, window_bounds = array<i64: 1, 1024, 190>}]} {
    %get3A = arith.constant 0 : index
    %get3A_0 = arith.constant 0 : index
    %get3A_1 = arith.constant 0 : index
    %get3A_2 = vector.load %arg1[%get3A, %get3A_0, %get3A_1] : memref<1x1024x284xf32, #tpu.memory_space<vmem>>, vector<1x1024x284xf32>
    %get3A_3 = vector.shape_cast %get3A_2 : vector<1x1024x284xf32> to vector<1024x284xf32>
    %get3A_4 = arith.constant 0 : index
    %get3A_5 = arith.constant 0 : index
    %get3A_6 = vector.load %arg2[%get3A_4, %get3A_5] : memref<284x190xf32, #tpu.memory_space<vmem>>, vector<284x190xf32>
    %dot_general3A = arith.constant dense<0.000000e+00> : vector<1024x190xf32>
    %dot_general3A_7 = tpu.matmul %get3A_3, %get3A_6, %dot_general3A {dimension_numbers = #tpu.dot_dimension_numbers<[1], [0], [0], [1], [0, 0, 1, 1], [], []>, transpose_lhs_hint = false} : vector<1024x284xf32>, vector<284x190xf32>, vector<1024x190xf32> -> vector<1024x190xf32>
    %get3A_8 = arith.constant 0 : index
    %get3A_9 = arith.constant 0 : index
    %get3A_10 = vector.load %arg3[%get3A_8, %get3A_9] : memref<1x190xf32, #tpu.memory_space<vmem>>, vector<1x190xf32>
    %add3A = vector.broadcast %get3A_10 : vector<1x190xf32> to vector<1024x190xf32>
    %add3A_11 = arith.addf %dot_general3A_7, %add3A : vector<1024x190xf32>
    %integer_pow3A = arith.mulf %add3A_11, %add3A_11 : vector<1024x190xf32>
    %integer_pow3A_12 = arith.mulf %add3A_11, %integer_pow3A : vector<1024x190xf32>
    %mul3A = arith.constant 4.471500e-02 : f32
    %mul3A_13 = vector.broadcast %mul3A : f32 to vector<1024x190xf32>
    %mul3A_14 = arith.mulf %mul3A_13, %integer_pow3A_12 : vector<1024x190xf32>
    %add3A_15 = arith.addf %add3A_11, %mul3A_14 : vector<1024x190xf32>
    %mul3A_16 = arith.constant 0.797884583 : f32
    %mul3A_17 = vector.broadcast %mul3A_16 : f32 to vector<1024x190xf32>
    %mul3A_18 = arith.mulf %mul3A_17, %add3A_15 : vector<1024x190xf32>
    %tanh3A = math.tanh %mul3A_18 : vector<1024x190xf32>
    %add3A_19 = arith.constant 1.000000e+00 : f32
    %add3A_20 = vector.broadcast %add3A_19 : f32 to vector<1024x190xf32>
    %add3A_21 = arith.addf %add3A_20, %tanh3A : vector<1024x190xf32>
    %mul3A_22 = arith.constant 5.000000e-01 : f32
    %mul3A_23 = vector.broadcast %mul3A_22 : f32 to vector<1024x190xf32>
    %mul3A_24 = arith.mulf %mul3A_23, %add3A_21 : vector<1024x190xf32>
    %mul3A_25 = arith.mulf %add3A_11, %mul3A_24 : vector<1024x190xf32>
    %swap3A = arith.constant 0 : index
    %swap3A_26 = arith.constant 0 : index
    %swap3A_27 = arith.constant 0 : index
    %swap3A_28 = vector.load %arg4[%swap3A, %swap3A_26, %swap3A_27] : memref<1x1024x190xf32, #tpu.memory_space<vmem>>, vector<1x1024x190xf32>
    %swap3A_29 = vector.shape_cast %swap3A_28 : vector<1x1024x190xf32> to vector<1024x190xf32>
    %swap3A_30 = vector.shape_cast %mul3A_25 : vector<1024x190xf32> to vector<1x1024x190xf32>
    tpu.vector_store %arg4[%swap3A, %swap3A_26, %swap3A_27], %swap3A_30 {strides = array<i32>} : memref<1x1024x190xf32, #tpu.memory_space<vmem>>, vector<1x1024x190xf32>,
    return
  }
  func.func @transform_0(%arg0: i32) -> (i32, i32, i32) {
    %c0_i32 = arith.constant 0 : i32
    %c0_i32_0 = arith.constant 0 : i32
    %c0_i32_1 = arith.constant 0 : i32
    return %arg0, %c0_i32, %c0_i32_0 : i32, i32, i32
  }
  func.func @transform_1(%arg0: i32) -> (i32, i32) {
    %c0_i32 = arith.constant 0 : i32
    %c0_i32_0 = arith.constant 0 : i32
    %c0_i32_1 = arith.constant 0 : i32
    return %c0_i32, %c0_i32_0 : i32, i32
  }
  func.func @transform_2(%arg0: i32) -> (i32, i32) {
    %c0_i32 = arith.constant 0 : i32
    %c0_i32_0 = arith.constant 0 : i32
    %c0_i32_1 = arith.constant 0 : i32
    return %c0_i32, %c0_i32_0 : i32, i32
  }
  func.func @transform_3(%arg0: i32) -> (i32, i32, i32) {
    %c0_i32 = arith.constant 0 : i32
    %c0_i32_0 = arith.constant 0 : i32
    %c0_i32_1 = arith.constant 0 : i32
    return %arg0, %c0_i32, %c0_i32_0 : i32, i32, i32
  }
}

module attributes {stable_mosaic.version = 14 : i64} {
  func.func @body(%arg0: i32, %arg1: memref<1x1024x190xf32, #tpu.memory_space<vmem>>, %arg2: memref<190x128xf32, #tpu.memory_space<vmem>>, %arg3: memref<1x128xf32, #tpu.memory_space<vmem>>, %arg4: memref<1x1024x128xf32, #tpu.memory_space<vmem>>) attributes {dimension_semantics = [#tpu.dimension_semantics<arbitrary>], iteration_bounds = array<i64: 8>, scalar_prefetch = 0 : i64, scratch_operands = 0 : i64, tpu.core_type = #tpu.core_type<tc>, window_params = [{transform_indices = @transform_0, window_bounds = array<i64: 1, 1024, 190>}, {pipeline_mode = #tpu.pipeline_mode<synchronous>, transform_indices = @transform_1, window_bounds = array<i64: 190, 128>}, {pipeline_mode = #tpu.pipeline_mode<synchronous>, transform_indices = @transform_2, window_bounds = array<i64: 1, 128>}, {transform_indices = @transform_3, window_bounds = array<i64: 1, 1024, 128>}]} {
    %get3A = arith.constant 0 : index
    %get3A_0 = arith.constant 0 : index
    %get3A_1 = arith.constant 0 : index
    %get3A_2 = vector.load %arg1[%get3A, %get3A_0, %get3A_1] : memref<1x1024x190xf32, #tpu.memory_space<vmem>>, vector<1x1024x190xf32>
    %get3A_3 = vector.shape_cast %get3A_2 : vector<1x1024x190xf32> to vector<1024x190xf32>
    %get3A_4 = arith.constant 0 : index
    %get3A_5 = arith.constant 0 : index
    %get3A_6 = vector.load %arg2[%get3A_4, %get3A_5] : memref<190x128xf32, #tpu.memory_space<vmem>>, vector<190x128xf32>
    %dot_general3A = arith.constant dense<0.000000e+00> : vector<1024x128xf32>
    %dot_general3A_7 = tpu.matmul %get3A_3, %get3A_6, %dot_general3A {dimension_numbers = #tpu.dot_dimension_numbers<[1], [0], [0], [1], [0, 0, 1, 1], [], []>, transpose_lhs_hint = false} : vector<1024x190xf32>, vector<190x128xf32>, vector<1024x128xf32> -> vector<1024x128xf32>
    %get3A_8 = arith.constant 0 : index
    %get3A_9 = arith.constant 0 : index
    %get3A_10 = vector.load %arg3[%get3A_8, %get3A_9] : memref<1x128xf32, #tpu.memory_space<vmem>>, vector<1x128xf32>
    %add3A = vector.broadcast %get3A_10 : vector<1x128xf32> to vector<1024x128xf32>
    %add3A_11 = arith.addf %dot_general3A_7, %add3A : vector<1024x128xf32>
    %integer_pow3A = arith.mulf %add3A_11, %add3A_11 : vector<1024x128xf32>
    %integer_pow3A_12 = arith.mulf %add3A_11, %integer_pow3A : vector<1024x128xf32>
    %mul3A = arith.constant 4.471500e-02 : f32
    %mul3A_13 = vector.broadcast %mul3A : f32 to vector<1024x128xf32>
    %mul3A_14 = arith.mulf %mul3A_13, %integer_pow3A_12 : vector<1024x128xf32>
    %add3A_15 = arith.addf %add3A_11, %mul3A_14 : vector<1024x128xf32>
    %mul3A_16 = arith.constant 0.797884583 : f32
    %mul3A_17 = vector.broadcast %mul3A_16 : f32 to vector<1024x128xf32>
    %mul3A_18 = arith.mulf %mul3A_17, %add3A_15 : vector<1024x128xf32>
    %tanh3A = math.tanh %mul3A_18 : vector<1024x128xf32>
    %add3A_19 = arith.constant 1.000000e+00 : f32
    %add3A_20 = vector.broadcast %add3A_19 : f32 to vector<1024x128xf32>
    %add3A_21 = arith.addf %add3A_20, %tanh3A : vector<1024x128xf32>
    %mul3A_22 = arith.constant 5.000000e-01 : f32
    %mul3A_23 = vector.broadcast %mul3A_22 : f32 to vector<1024x128xf32>
    %mul3A_24 = arith.mulf %mul3A_23, %add3A_21 : vector<1024x128xf32>
    %mul3A_25 = arith.mulf %add3A_11, %mul3A_24 : vector<1024x128xf32>
    %swap3A = arith.constant 0 : index
    %swap3A_26 = arith.constant 0 : index
    %swap3A_27 = arith.constant 0 : index
    %swap3A_28 = vector.load %arg4[%swap3A, %swap3A_26, %swap3A_27] : memref<1x1024x128xf32, #tpu.memory_space<vmem>>, vector<1x1024x128xf32>
    %swap3A_29 = vector.shape_cast %swap3A_28 : vector<1x1024x128xf32> to vector<1024x128xf32>
    %swap3A_30 = vector.shape_cast %mul3A_25 : vector<1024x128xf32> to vector<1x1024x128xf32>
    tpu.vector_store %arg4[%swap3A, %swap3A_26, %swap3A_27], %swap3A_30 {strides = array<i32>} : memref<1x1024x128xf32, #tpu.memory_space<vmem>>, vector<1x1024x128xf32>,
    return
  }
  func.func @transform_0(%arg0: i32) -> (i32, i32, i32) {
    %c0_i32 = arith.constant 0 : i32
    %c0_i32_0 = arith.constant 0 : i32
    %c0_i32_1 = arith.constant 0 : i32
    return %arg0, %c0_i32, %c0_i32_0 : i32, i32, i32
  }
  func.func @transform_1(%arg0: i32) -> (i32, i32) {
    %c0_i32 = arith.constant 0 : i32
    %c0_i32_0 = arith.constant 0 : i32
    %c0_i32_1 = arith.constant 0 : i32
    return %c0_i32, %c0_i32_0 : i32, i32
  }
  func.func @transform_2(%arg0: i32) -> (i32, i32) {
    %c0_i32 = arith.constant 0 : i32
    %c0_i32_0 = arith.constant 0 : i32
    %c0_i32_1 = arith.constant 0 : i32
    return %c0_i32, %c0_i32_0 : i32, i32
  }
  func.func @transform_3(%arg0: i32) -> (i32, i32, i32) {
    %c0_i32 = arith.constant 0 : i32
    %c0_i32_0 = arith.constant 0 : i32
    %c0_i32_1 = arith.constant 0 : i32
    return %arg0, %c0_i32, %c0_i32_0 : i32, i32, i32
  }
}

module attributes {stable_mosaic.version = 14 : i64} {
  func.func @body(%arg0: i32, %arg1: memref<1x512x768xf32, #tpu.memory_space<vmem>>, %arg2: memref<768x128xf32, #tpu.memory_space<vmem>>, %arg3: memref<1x128xf32, #tpu.memory_space<vmem>>, %arg4: memref<1x512x128xf32, #tpu.memory_space<vmem>>) attributes {dimension_semantics = [#tpu.dimension_semantics<arbitrary>], iteration_bounds = array<i64: 8>, scalar_prefetch = 0 : i64, scratch_operands = 0 : i64, tpu.core_type = #tpu.core_type<tc>, window_params = [{transform_indices = @transform_0, window_bounds = array<i64: 1, 512, 768>}, {pipeline_mode = #tpu.pipeline_mode<synchronous>, transform_indices = @transform_1, window_bounds = array<i64: 768, 128>}, {pipeline_mode = #tpu.pipeline_mode<synchronous>, transform_indices = @transform_2, window_bounds = array<i64: 1, 128>}, {transform_indices = @transform_3, window_bounds = array<i64: 1, 512, 128>}]} {
    %get3A = arith.constant 0 : index
    %get3A_0 = arith.constant 0 : index
    %get3A_1 = arith.constant 0 : index
    %get3A_2 = vector.load %arg1[%get3A, %get3A_0, %get3A_1] : memref<1x512x768xf32, #tpu.memory_space<vmem>>, vector<1x512x768xf32>
    %get3A_3 = vector.shape_cast %get3A_2 : vector<1x512x768xf32> to vector<512x768xf32>
    %get3A_4 = arith.constant 0 : index
    %get3A_5 = arith.constant 0 : index
    %get3A_6 = vector.load %arg2[%get3A_4, %get3A_5] : memref<768x128xf32, #tpu.memory_space<vmem>>, vector<768x128xf32>
    %dot_general3A = arith.constant dense<0.000000e+00> : vector<512x128xf32>
    %dot_general3A_7 = tpu.matmul %get3A_3, %get3A_6, %dot_general3A {dimension_numbers = #tpu.dot_dimension_numbers<[1], [0], [0], [1], [0, 0, 1, 1], [], []>, transpose_lhs_hint = false} : vector<512x768xf32>, vector<768x128xf32>, vector<512x128xf32> -> vector<512x128xf32>
    %get3A_8 = arith.constant 0 : index
    %get3A_9 = arith.constant 0 : index
    %get3A_10 = vector.load %arg3[%get3A_8, %get3A_9] : memref<1x128xf32, #tpu.memory_space<vmem>>, vector<1x128xf32>
    %add3A = vector.broadcast %get3A_10 : vector<1x128xf32> to vector<512x128xf32>
    %add3A_11 = arith.addf %dot_general3A_7, %add3A : vector<512x128xf32>
    %integer_pow3A = arith.mulf %add3A_11, %add3A_11 : vector<512x128xf32>
    %integer_pow3A_12 = arith.mulf %add3A_11, %integer_pow3A : vector<512x128xf32>
    %mul3A = arith.constant 4.471500e-02 : f32
    %mul3A_13 = vector.broadcast %mul3A : f32 to vector<512x128xf32>
    %mul3A_14 = arith.mulf %mul3A_13, %integer_pow3A_12 : vector<512x128xf32>
    %add3A_15 = arith.addf %add3A_11, %mul3A_14 : vector<512x128xf32>
    %mul3A_16 = arith.constant 0.797884583 : f32
    %mul3A_17 = vector.broadcast %mul3A_16 : f32 to vector<512x128xf32>
    %mul3A_18 = arith.mulf %mul3A_17, %add3A_15 : vector<512x128xf32>
    %tanh3A = math.tanh %mul3A_18 : vector<512x128xf32>
    %add3A_19 = arith.constant 1.000000e+00 : f32
    %add3A_20 = vector.broadcast %add3A_19 : f32 to vector<512x128xf32>
    %add3A_21 = arith.addf %add3A_20, %tanh3A : vector<512x128xf32>
    %mul3A_22 = arith.constant 5.000000e-01 : f32
    %mul3A_23 = vector.broadcast %mul3A_22 : f32 to vector<512x128xf32>
    %mul3A_24 = arith.mulf %mul3A_23, %add3A_21 : vector<512x128xf32>
    %mul3A_25 = arith.mulf %add3A_11, %mul3A_24 : vector<512x128xf32>
    %swap3A = arith.constant 0 : index
    %swap3A_26 = arith.constant 0 : index
    %swap3A_27 = arith.constant 0 : index
    %swap3A_28 = vector.load %arg4[%swap3A, %swap3A_26, %swap3A_27] : memref<1x512x128xf32, #tpu.memory_space<vmem>>, vector<1x512x128xf32>
    %swap3A_29 = vector.shape_cast %swap3A_28 : vector<1x512x128xf32> to vector<512x128xf32>
    %swap3A_30 = vector.shape_cast %mul3A_25 : vector<512x128xf32> to vector<1x512x128xf32>
    tpu.vector_store %arg4[%swap3A, %swap3A_26, %swap3A_27], %swap3A_30 {strides = array<i32>} : memref<1x512x128xf32, #tpu.memory_space<vmem>>, vector<1x512x128xf32>,
    return
  }
  func.func @transform_0(%arg0: i32) -> (i32, i32, i32) {
    %c0_i32 = arith.constant 0 : i32
    %c0_i32_0 = arith.constant 0 : i32
    %c0_i32_1 = arith.constant 0 : i32
    return %arg0, %c0_i32, %c0_i32_0 : i32, i32, i32
  }
  func.func @transform_1(%arg0: i32) -> (i32, i32) {
    %c0_i32 = arith.constant 0 : i32
    %c0_i32_0 = arith.constant 0 : i32
    %c0_i32_1 = arith.constant 0 : i32
    return %c0_i32, %c0_i32_0 : i32, i32
  }
  func.func @transform_2(%arg0: i32) -> (i32, i32) {
    %c0_i32 = arith.constant 0 : i32
    %c0_i32_0 = arith.constant 0 : i32
    %c0_i32_1 = arith.constant 0 : i32
    return %c0_i32, %c0_i32_0 : i32, i32
  }
  func.func @transform_3(%arg0: i32) -> (i32, i32, i32) {
    %c0_i32 = arith.constant 0 : i32
    %c0_i32_0 = arith.constant 0 : i32
    %c0_i32_1 = arith.constant 0 : i32
    return %arg0, %c0_i32, %c0_i32_0 : i32, i32, i32
  }
}

</mosaic_0001>

<sc_bundles>
// kernel: kernel.12.cloned.1.call-start
scs
__scs_entry_jumppad:
0x0: {  	(pc) =	sbr.rel $0x88, $3  }
0x1: {  	(tag) =	ssettag $0x0;
	lr =	simm.s32 $0x1  }
0x2: {  	[smem:$0x3F7F] =	sst lr;
	_ =	strace $0xD0000000  }
0x3: {  	_ = 	snop  }
0x4: {  	_ = 	snop  }
0x5: {  	_ = 	snop  }
0x6: {  	_ = 	snop  }
0x7: {  	_ = 	snop  }
__scs_overlays_trampoline_lowered:
0x8: {  	[smem:$0x3F8E] =	sst s0  }
0x9: {  	[smem:$0x3F8F] =	sst s1  }
0xa: {  	[smem:$0x3F90] =	sst s2  }
0xb: {  	[smem:$0x3F91] =	sst s3  }
0xc: {  	[smem:$0x3F92] =	sst s4  }
0xd: {  	[smem:$0x3F93] =	sst s5  }
0xe: {  	[smem:$0x3F94] =	sst s6  }
0xf: {  	[smem:$0x3F95] =	sst s7  }
0x10: {  	[smem:$0x3F96] =	sst s8  }
0x11: {  	[smem:$0x3F97] =	sst s9;
	s0 =	simm.s32 @!p0 $0x0  }
0x12: {  	s1 =	sld [smem:$0x3F7D];
	s0 =	simm.s32 @p0 $0x1  }
0x13: {  	[smem:$0x3F98] =	sst s0;
	s0 =	simm.s32 @!p1 $0x0  }
0x14: {  	s2 =	sld [smem:$0x3F7C];
	s0 =	simm.s32 @p1 $0x1  }
0x15: {  	[smem:$0x3F99] =	sst s0;
	s0 =	simm.s32 @!p2 $0x0  }
0x16: {  	s3 =	sld [smem:$0x3FDB];
	s0 =	simm.s32 @p2 $0x1  }
0x17: {  	s4 =	simm.s32 $0x1BF5;
	[smem:$0x3F9B] =	sst s0  }
0x18: {  	s0 =	sld [smem:$0x3F7E];
	_ =	swait.ge [sflag:s4], $0x0  }
0x19: {  	s7 =	sld [smem:$0x3F7F]  }
0x1a: {  	s8 =	sadd.s32 $0xFFFFE003, lr  }
0x1b: {  	s9 =	sadd.s32 $0xFFFFFEF7, lr;
	s5 =	simm.s32 $0xFFFFFFFF;
	p2 =	slt.u32 s8, $0xFFFFF086  }
0x1c: {  	p1 =	slt.u32 s9, $0xF7A;
	s5 =	simm.s32 @!p2 $0x0  }
0x1d: {  	s5 =	simm.s32 @p1 $0x1;
	p0 =	seq.s32 s7, s2  }
0x1e: {  	s7 =	smul.u32 @!p0 $0xF7A, s2;
	p2 =	seq.s32 @!p0 s5, $0x0  }
0x1f: {  	s9 =	smul.u32 $0xF7A, s1;
	s8 =	simm.s32 @!p0 $0x1BF5;
	p2 =	por !p2, p0  }
0x20: {  	[sflag:s8] =	ssyncset.s32 @!p0 $0xFFFFF086;
	s6 =	sadd.s32 @!p0 s3, s7;
	s7 =	simm.s32 @!p0 $0x108  }
0x21: {  	s3 =	sadd.s32 s3, s9;
	s6 =	sadd.s32 @!p0 $0x88, s6;
	s7 =	simm.s32 @p2 $0x1082  }
0x22: {  	[simem:s7], [sflag:s8] =	dma.local @!p0 [hbm:s6], $0xF7A  }
0x23: {  	s9 =	sor.u32 $0xD0000000, s2;
	s6 =	simm.s32 $0x108;
	_ =	swait.ge @!p0 [sflag:s8], $0x0  }
0x24: {  	s3 =	sadd.s32 $0x88, s3;
	s6 =	simm.s32 @!p1 $0x1082;
	[sflag:s4] =	ssyncset.s32 $0xFFFFF086  }
0x25: {  	[simem:s6], [sflag:s4] =	dma.local [hbm:s3], $0xF7A  }
0x26: {  	[smem:$0x3F7F] =	sst s1;
	(tag) =	ssettag s2;
	_ =	strace s9  }
0x27: {  	s1 =	sld [smem:$0x3F8F]  }
0x28: {  	s2 =	sld [smem:$0x3F90]  }
0x29: {  	s4 =	sld [smem:$0x3F92]  }
0x2a: {  	p0 =	seq.s32 s5, $0x0;
	s5 =	sld [smem:$0x3F93]  }
0x2b: {  	s6 =	sld [smem:$0x3F94]  }
0x2c: {  	s7 =	sld [smem:$0x3F95]  }
0x2d: {  	s3 =	simm.s32 $0x108;
	s8 =	sld [smem:$0x3F96]  }
0x2e: {  	s3 =	simm.s32 @!p0 $0x1082;
	s9 =	sld [smem:$0x3F97]  }
0x2f: {  	lr =	sadd.s32 s0, s3;
	s0 =	sld [smem:$0x3F8E]  }
0x30: {  	s3 =	sld [smem:$0x3F91]  }
0x31: {  	[smem:$0x3F9A] =	sst s10  }
0x32: {  	s10 =	sld [smem:$0x3F98];
	_ =	sdelay $0x3  }
0x33: {  	p0 =	seq.s32 s10, $0x1;
	s10 =	sld [smem:$0x3F9A];
	_ =	sdelay $0x3  }
0x34: {  	[smem:$0x3F9A] =	sst s10  }
0x35: {  	s10 =	sld [smem:$0x3F99];
	_ =	sdelay $0x3  }
0x36: {  	p1 =	seq.s32 s10, $0x1;
	s10 =	sld [smem:$0x3F9A];
	_ =	sdelay $0x3  }
0x37: {  	[smem:$0x3F9A] =	sst s10  }
0x38: {  	s10 =	sld [smem:$0x3F9B]  }
0x39: {  	_ = 	snop;
	(pc) =	sbr.ind lr, $3  }
0x3a: {  	_ = 	snop  }
0x3b: {  	_ = 	snop  }
0x3c: {  	p2 =	seq.s32 s10, $0x1;
	s10 =	sld [smem:$0x3F9A]  }
0x3d: {  	_ =	shalt  }
0x3e: {  	_ =	shalt  }
0x3f: {  	_ =	shalt  }
0x40: {  	_ =	shalt  }
0x41: {  	_ =	shalt  }
0x42: {  	_ =	shalt  }
0x43: {  	_ =	shalt  }
0x44: {  	_ =	shalt  }
0x45: {  	_ =	shalt  }
0x46: {  	_ =	shalt  }
0x47: {  	_ =	shalt  }
0x48: {  	_ =	shalt  }
0x49: {  	_ =	shalt  }
0x4a: {  	_ =	shalt  }
0x4b: {  	_ =	shalt  }
0x4c: {  	_ =	shalt  }
0x4d: {  	_ =	shalt  }
0x4e: {  	_ =	shalt  }
0x4f: {  	_ =	shalt  }
0x50: {  	_ =	shalt  }
0x51: {  	_ =	shalt  }
0x52: {  	_ =	shalt  }
0x53: {  	_ =	shalt  }
0x54: {  	_ =	shalt  }
0x55: {  	_ =	shalt  }
0x56: {  	_ =	shalt  }
0x57: {  	_ =	shalt  }
0x58: {  	_ =	shalt  }
0x59: {  	_ =	shalt  }
0x5a: {  	_ =	shalt  }
0x5b: {  	_ =	shalt  }
0x5c: {  	_ =	shalt  }
0x5d: {  	_ =	shalt  }
0x5e: {  	_ =	shalt  }
0x5f: {  	_ =	shalt  }
0x60: {  	_ =	shalt  }
0x61: {  	_ =	shalt  }
0x62: {  	_ =	shalt  }
0x63: {  	_ =	shalt  }
0x64: {  	_ =	shalt  }
0x65: {  	_ =	shalt  }
0x66: {  	_ =	shalt  }
0x67: {  	_ =	shalt  }
0x68: {  	_ =	shalt  }
0x69: {  	_ =	shalt  }
0x6a: {  	_ =	shalt  }
0x6b: {  	_ =	shalt  }
0x6c: {  	_ =	shalt  }
0x6d: {  	_ =	shalt  }
0x6e: {  	_ =	shalt  }
0x6f: {  	_ =	shalt  }
0x70: {  	_ =	shalt  }
0x71: {  	_ =	shalt  }
0x72: {  	_ =	shalt  }
0x73: {  	_ =	shalt  }
0x74: {  	_ =	shalt  }
0x75: {  	_ =	shalt  }
0x76: {  	_ =	shalt  }
0x77: {  	_ =	shalt  }
0x78: {  	_ =	shalt  }
0x79: {  	_ =	shalt  }
0x7a: {  	_ =	shalt  }
0x7b: {  	_ =	shalt  }
0x7c: {  	_ =	shalt  }
0x7d: {  	_ =	shalt  }
0x7e: {  	_ =	shalt  }
0x7f: {  	_ =	shalt  }
0x80: {  	_ =	shalt  }
0x81: {  	_ =	shalt  }
0x82: {  	_ =	shalt  }
0x83: {  	_ =	shalt  }
0x84: {  	_ =	shalt  }
0x85: {  	_ =	shalt  }
0x86: {  	_ =	shalt  }
0x87: {  	_ =	shalt  }
.Lfunc_end0:
.L_simem_size_0:
called_computation_lowered:
.L_overlay_start_0:
0x88: {  	s2 =	sld [smem:$0x3FD9]  }
0x89: {  	s3 =	sld [smem:$0x3FFE];
	_ =	sdelay $0x1  }
0x8a: {  	s1 =	srdreg.scid  }
0x8b: {  	s0 =	sand.u32 $0x1, s1  }
0x8c: {  	s14 =	sshll.u32 s0, $0xA;
	s2 =	sadd.s32 s3, s2  }
0x8d: {  	s2 =	sadd.s32 s2, s14  }
0x8e: {  	[smem:$0x3FA6] =	sst s2  }
0x8f: {  	_ = 	snop  }
0x90: {  	s2 =	sld [smem:$0x3FD0];
	_ =	sdelay $0x2  }
0x91: {  	s15 =	simm.s32 $0xA;
	s4 =	simm.s32 $0x10  }
0x92: {  	[smem:s4], [sflag:s15] =	dma.local [hbm:s2], $0x1  }
0x93: {  	_ =	swait.eq [sflag:s15], $0x1  }
0x94: {  	[sflag:s15] =	ssyncset.done $0x0  }
0x95: {  	[sflag:s15] =	ssyncadd.s32 $0xFFFFFFFF  }
0x96: {  	s16 =	sld [smem:$0x11];
	(tm) =	ssettm $0x1  }
0x97: {  	s17 =	sld [smem:$0x3FFB];
	_ =	sdelay $0x3  }
0x98: {  	_ =	strace s17  }
0x99: {  	s3 =	sld [smem:$0x3FFC];
	_ =	sdelay $0x3  }
0x9a: {  	_ =	strace s3  }
0x9b: {  	s3 =	sld [smem:$0x3FFD];
	_ =	sdelay $0x3  }
0x9c: {  	_ =	strace s3  }
0x9d: {  	_ =	strace $0x8FFFFFFF  }
0x9e: {  	s18 =	sld [smem:$0x3FDB];
	_ =	sdelay $0x1  }
0x9f: {  	s19 =	simm.s32 $_scs_section_size  }
0xa0: {  	s5 =	simm.s32 $_size__tile_overlayer_lowered;
	s6 =	simm.s32 $_tile_overlayer_lowered  }
0xa1: {  	s22 =	simm.s32 $0x1BFF;
	s21 =	sshll.u32 s6, $0x1;
	s3 =	sadd.s32 s19, s18  }
0xa2: {  	s7 =	simm.s32 $0x0;
	s20 =	sshll.u32 s5, $0x1;
	s5 =	sadd.s32 s21, s3  }
0xa3: {  	[timem:s7], [sflag:s22] =	dma.local [hbm:s5], s20  }
0xa4: {  	_ =	swait.ge [sflag:s22], s20  }
0xa5: {  	s4 =	ssub.s32 $0x0, s20;
	[sflag:s22] =	ssyncset.done $0x0  }
0xa6: {  	[sflag:s22] =	ssyncadd.s32 s4;
	_ =	sdelay $0x1  }
0xa7: {  	s23 =	simm.s32 $0x1B8B  }
0xa8: {  	_ =	swait.ge [sflag:s23], $0x1  }
0xa9: {  	[sflag:s23] =	ssyncset.done $0x0  }
0xaa: {  	s25 =	simm.s32 $0x1B8E;
	s24 =	sld [smem:$0x3FFE];
	[sflag:s23] =	ssyncadd.s32 $0xFFFFFFFF  }
0xab: {  	s26 =	simm.s32 $execute0_lowered;
	[smem:$0x3FD2] =	sst s25  }
0xac: {  	s5 =	sshll.u32 s26, $0x1;
	_ =	strace $0x80000046;
	[dreg:$0x1] =	wrdreg $0xFFFFFFFF  }
0xad: {  	s28 =	simm.s32 $_size_execute0_lowered;
	s3 =	sadd.s32 s3, s5;
	[dreg:$0x0] =	wrdreg $0x0  }
0xae: {  	s5 =	sshll.u32 s28, $0x1;
	[dreg:$0x2] =	wrdreg s3  }
0xaf: {  	[dreg:$0x3] =	wrdreg s5  }
0xb0: {  	[dreg:$0x4] =	wrdreg $0xC0  }
0xb1: {  	_ =	task [dreg:s7], $0x5FFFF  }
0xb2: {  	[dreg:$0x1] =	wrdreg $0xFFFFFFFF  }
0xb3: {  	[dreg:$0x0] =	wrdreg $0x60  }
0xb4: {  	[dreg:$0x2] =	wrdreg s24  }
0xb5: {  	[dreg:$0x3] =	wrdreg s16  }
0xb6: {  	[dreg:$0x4] =	wrdreg $0x9  }
0xb7: {  	_ =	task.clear_ibuf [dreg:s7], $0x5FFFF;
	_ =	strace $0x90000046  }
0xb8: {  	s29 =	simm.s32 $0x9;
	_ =	strace $0x80000048  }
0xb9: {  	_ =	swait.ge [sflag:s29], $0x1  }
0xba: {  	[sflag:s29] =	ssyncadd.s32 $0xFFFFFFFF  }
0xbb: {  	_ =	strace $0x90000048  }
0xbc: {  	_ =	sfence  }
0xbd: {  	s30 =	sld [smem:$0x0];
	_ =	sdelay $0x2  }
0xbe: {  	s31 =	sshll.u32 s1, $0xD;
	s1 =	sshrl.u32 s1, $0x2  }
0xbf: {  	s3 =	sand.u32 $0x4000, s31;
	s1 =	sadd.s32 s1, s30  }
0xc0: {  	s0 =	sor.u32 s3, s0;
	s1 =	sshll.u32 s1, $0x11  }
0xc1: {  	s0 =	sor.u32 s1, s0  }
0xc2: {  	s0 =	sadd.s32 $0x8F2B, s0  }
0xc3: {  	[sflag:s0] =	ssyncadd.remote.s32 $0x1  }
0xc4: {  	_ =	sfence.sel $0xFFFF  }
0xc5: {  	[dreg:$0x0] =	wrdreg $0xFFFFFFFF;
	(pc) =	sbr.abs _section_cstart, $3  }
0xc6: {  	[dreg:$0x1] =	wrdreg $0xFFFFFFFF  }
0xc7: {  	_ =	task.clear_ibuf [dreg:s7], $0x2FFFF;
	_ =	strace $0x9FFFFFFF  }
0xc8: {  	(tm) =	ssettm $0x7FFFFFFF  }
0xc9: {  	_ =	shalt  }
tec
execute0_lowered:
.L_overlay_start_1:
0x0: {  	(tag) =	ssettag $0x1  }
0x1: {  	s0 =	srdreg.scid;
	s1 =	stileid.u32  }
0x2: {  	s5 =	sand.u32 $0x1, s0;
	s1 =	sshll.u32 s1, $0x1  }
0x3: {  	s3 =	rddreg [dreg:$0x0];
	s2 =	simm.s32 $0x0;
	s1 =	sor.u32 s5, s1  }
0x4: {  	s28 =	simm.s32 $0xA100;
	[smem:$0x7FF] =	sst s2;
	s4 =	smul.u32 $0xA00, s1  }
0x5: {  	s0 =	rddreg [dreg:$0x1];
	_ =	strace $0x80000047;
	s9 =	smul.u32 $0x14000, s1  }
0x6: {  	s5 =	ssub.s32 $0x2, s5;
	s1 =	sadd.s32 $0x44000, s3;
	s3 =	sadd.s32 $0x4000, s3  }
0x7: {  	s6 =	sshrl.u32 s4, $0x3;
	s7 =	sor.u32 $0xA0, s4;
	s14 =	sadd.s32 s1, s9  }
0x8: {  	s15 =	sor.u32 $0x140, s4;
	s17 =	sor.u32 $0x1E0, s4;
	s23 =	sadd.s32 $0x280, s4  }
0x9: {  	s26 =	sadd.s32 $0x320, s4;
	s10 =	sadd.s32 $0x3C0, s4;
	s6 =	sadd.s32 s0, s6  }
0xa: {  	s8 =	sshrl.u32 s7, $0x3;
	[dreg:$0x5] =	wrdreg s14;
	s16 =	sshrl.u32 s15, $0x3  }
0xb: {  	s7 =	sshll.u32 s7, $0x5;
	s19 =	sshrl.u32 s17, $0x3;
	s21 =	sshll.u32 s15, $0x5  }
0xc: {  	s24 =	sshrl.u32 s23, $0x3;
	s25 =	sshll.u32 s17, $0x5;
	s30 =	sshrl.u32 s26, $0x3  }
0xd: {  	s11 =	sshrl.u32 s10, $0x3;
	[dreg:$0x3] =	wrdreg s6;
	s13 =	sadd.s32 s0, s8  }
0xe: {  	s12 =	sshll.u32 s26, $0x5;
	s6 =	sadd.s32 s0, s16;
	[dreg:$0x4] =	wrdreg s13  }
0xf: {  	s26 =	sadd.s32 $0x640, s4;
	s18 =	sadd.s32 s1, s7;
	[dreg:$0x6] =	wrdreg s6  }
0x10: {  	s20 =	sadd.s32 s0, s19;
	s22 =	sadd.s32 s1, s21;
	[dreg:$0x7] =	wrdreg s18  }
0x11: {  	s29 =	sadd.s32 s1, s25;
	s31 =	sadd.s32 s0, s30;
	[dreg:$0x8] =	wrdreg s20  }
0x12: {  	s7 =	sshll.u32 s23, $0x5;
	s14 =	sadd.s32 s1, s12;
	[dreg:$0x9] =	wrdreg s22  }
0x13: {  	s21 =	sadd.s32 $0x5A0, s4;
	s6 =	sadd.s32 s0, s24;
	[dreg:$0xb] =	wrdreg s29  }
0x14: {  	[dreg:$0xc] =	wrdreg s31;
	s8 =	sadd.s32 s1, s7;
	s13 =	sadd.s32 $0x460, s4  }
0x15: {  	[dreg:$0xf] =	wrdreg s14;
	s7 =	sshll.u32 s10, $0x5;
	s18 =	sadd.s32 $0x500, s4  }
0x16: {  	s23 =	sshrl.u32 s21, $0x3;
	s29 =	sshrl.u32 s26, $0x3;
	s30 =	sshll.u32 s21, $0x5  }
0x17: {  	s31 =	sadd.s32 $0x6E0, s4;
	s14 =	sadd.s32 $0x780, s4;
	[dreg:$0xa] =	wrdreg s6  }
0x18: {  	[dreg:$0xd] =	wrdreg s8;
	s6 =	sadd.s32 s0, s11;
	s15 =	sshrl.u32 s13, $0x3  }
0x19: {  	s17 =	sadd.s32 s1, s7;
	s19 =	sshrl.u32 s18, $0x3;
	[dreg:$0xe] =	wrdreg s6  }
0x1a: {  	s20 =	sshll.u32 s13, $0x5;
	s24 =	sadd.s32 s0, s23;
	[dreg:$0x11] =	wrdreg s17  }
0x1b: {  	s7 =	sshll.u32 s18, $0x5;
	s10 =	sadd.s32 s1, s30;
	[dreg:$0x14] =	wrdreg s24  }
0x1c: {  	s11 =	sshrl.u32 s31, $0x3;
	s16 =	sadd.s32 s0, s15;
	[dreg:$0x17] =	wrdreg s10  }
0x1d: {  	s23 =	sshrl.u32 s5, $0x1;
	s6 =	sadd.s32 s0, s19;
	[dreg:$0x10] =	wrdreg s16  }
0x1e: {  	s22 =	sadd.s32 s1, s20;
	s25 =	sadd.s32 s1, s7;
	[dreg:$0x12] =	wrdreg s6  }
0x1f: {  	s12 =	sadd.s32 s0, s11;
	s7 =	sshll.u32 s26, $0x5;
	[dreg:$0x13] =	wrdreg s22  }
0x20: {  	s15 =	sshrl.u32 s14, $0x3;
	s17 =	sadd.s32 $0x820, s4;
	[dreg:$0x15] =	wrdreg s25  }
0x21: {  	s6 =	sadd.s32 s0, s29;
	[dreg:$0x18] =	wrdreg s12;
	s13 =	sadd.s32 s1, s7  }
0x22: {  	s16 =	sshll.u32 s31, $0x5;
	s19 =	sshrl.u32 s17, $0x3;
	[dreg:$0x16] =	wrdreg s6  }
0x23: {  	s7 =	sshll.u32 s14, $0x5;
	[dreg:$0x19] =	wrdreg s13;
	s6 =	sadd.s32 s0, s15  }
0x24: {  	s22 =	sadd.s32 $0x8C0, s4;
	s18 =	sadd.s32 s1, s16;
	[dreg:$0x1a] =	wrdreg s6  }
0x25: {  	s9 =	sshll.u32 s17, $0x5;
	s20 =	sadd.s32 s0, s19;
	[dreg:$0x1b] =	wrdreg s18  }
0x26: {  	s4 =	sadd.s32 $0x960, s4;
	s21 =	sadd.s32 s1, s7;
	[dreg:$0x1c] =	wrdreg s20  }
0x27: {  	s24 =	sshrl.u32 s22, $0x3;
	s25 =	sadd.s32 s1, s9;
	[dreg:$0x1d] =	wrdreg s21  }
0x28: {  	s26 =	sshrl.u32 s4, $0x3;
	s6 =	sadd.s32 s0, s24;
	[dreg:$0x1f] =	wrdreg s25  }
0x29: {  	s29 =	sshll.u32 s22, $0x5;
	s0 =	sadd.s32 s0, s26;
	[dreg:$0x1e] =	wrdreg s6  }
0x2a: {  	s4 =	sshll.u32 s4, $0x5;
	s30 =	sadd.s32 s1, s29;
	[smem:$0x7FB] =	sst s0  }
0x2b: {  	v2 =	vlaneseq.u32;
	s5 =	ssub.s32 s5, s23;
	s31 =	sadd.s32 s1, s4;
	[smem:$0x7FC] =	sst s30  }
0x2c: {  	vm0 =	vmmov $0xffff;
	v1 =	vshrl.u32 v2, $0x3;
	s26 =	simm.s32 $0x1;
	s21 =	simm.s32 $0x2;
	[smem:$0x7FD] =	sst s31  }
0x2d: {  	v0 =	vand.u32 $0x7, v2;
	v2 =	vor.u32 $0x8, v2;
	v1 =	vmul.u32 $0x8, v1;
	s0 =	smax.u32 s5, $0x1;
	s5 =	simm.s32 $0x3;
	s6 =	simm.s32 $0x100  }
.LBB2_1:
0x2e: {  	[smem:$0x7FA] =	sst s0  }
0x2f: {  	s22 =	rddreg [dreg:$0x3]  }
0x30: {  	[tilespmem:s2], [sflag:$0x3] =	stream.linear.gather [hbm4b:s22+s2], $0xA0, $0x38;
	[tilespmem:$0x14100] =	vst v63  }
0x31: {  	_ =	swait.ge [sflag:s5], $0xA0  }
0x32: {  	[sflag:s5] =	ssyncset.done $0x0  }
0x33: {  	[sflag:s5] =	ssyncadd.s32 $0xFFFFFF60  }
0x34: {  	v3 =	vld [tilespmem:$0x0];
	_ =	sdelay $0x4  }
0x35: {  	v4 =	vshll.u32 v3, $0x1  }
0x36: {  	v3 =	vand.u32 $0x7, v3;
	v4 =	vand.u32 $0xFFFFFFF0, v4  }
0x37: {  	v3 =	vor.u32 v3, v4  }
0x38: {  	v4 =	vperm.xlane v3, v0;
	_ =	sdelay $0x1  }
0x39: {  	v3 =	vperm.xlane v3, v2;
	v4 =	vadd.s32 v1, v4;
	_ =	sdelay $0x1  }
0x3a: {  	v3 =	vadd.s32 v1, v3;
	_ =	sdelay $0x2  }
0x3b: {  	[tilespmem:s6], [sflag:$0x1] =	stream.indirect_vreg.gather [hbm4b:s3+s2], $0x80, v4, vm0, $0xb8;
	[tilespmem:$0x14100] =	vst v63  }
0x3c: {  	s14 =	simm.s32 $0x900  }
0x3d: {  	[tilespmem:s14], [sflag:$0x1] =	stream.indirect_vreg.gather [hbm4b:s3+s2], $0x80, v3, vm0, $0xb8;
	[tilespmem:$0x14100] =	vst v63  }
0x3e: {  	v3 =	vld [tilespmem:$0x10];
	_ =	sdelay $0x4  }
0x3f: {  	v17 =	vshll.u32 v3, $0x1  }
0x40: {  	v3 =	vand.u32 $0x7, v3;
	v4 =	vand.u32 $0xFFFFFFF0, v17  }
0x41: {  	v3 =	vor.u32 v3, v4  }
0x42: {  	v4 =	vperm.xlane v3, v0;
	_ =	sdelay $0x1  }
0x43: {  	v3 =	vperm.xlane v3, v2;
	v4 =	vadd.s32 v1, v4;
	_ =	sdelay $0x1  }
0x44: {  	v3 =	vadd.s32 v1, v3;
	_ =	sdelay $0x1  }
0x45: {  	s15 =	simm.s32 $0x1100  }
0x46: {  	[tilespmem:s15], [sflag:$0x1] =	stream.indirect_vreg.gather [hbm4b:s3+s2], $0x80, v4, vm0, $0xb8;
	[tilespmem:$0x14100] =	vst v63  }
0x47: {  	s16 =	simm.s32 $0x1900  }
0x48: {  	[tilespmem:s16], [sflag:$0x1] =	stream.indirect_vreg.gather [hbm4b:s3+s2], $0x80, v3, vm0, $0xb8;
	[tilespmem:$0x14100] =	vst v63  }
0x49: {  	v3 =	vld [tilespmem:$0x20];
	_ =	sdelay $0x4  }
0x4a: {  	v18 =	vshll.u32 v3, $0x1  }
0x4b: {  	v3 =	vand.u32 $0x7, v3;
	v4 =	vand.u32 $0xFFFFFFF0, v18  }
0x4c: {  	v3 =	vor.u32 v3, v4  }
0x4d: {  	v4 =	vperm.xlane v3, v0;
	_ =	sdelay $0x1  }
0x4e: {  	v3 =	vperm.xlane v3, v2;
	v4 =	vadd.s32 v1, v4;
	_ =	sdelay $0x1  }
0x4f: {  	v3 =	vadd.s32 v1, v3;
	_ =	sdelay $0x1  }
0x50: {  	s18 =	simm.s32 $0x2100  }
0x51: {  	[tilespmem:s18], [sflag:$0x1] =	stream.indirect_vreg.gather [hbm4b:s3+s2], $0x80, v4, vm0, $0xb8;
	[tilespmem:$0x14100] =	vst v63  }
0x52: {  	s19 =	simm.s32 $0x2900  }
0x53: {  	[tilespmem:s19], [sflag:$0x1] =	stream.indirect_vreg.gather [hbm4b:s3+s2], $0x80, v3, vm0, $0xb8;
	[tilespmem:$0x14100] =	vst v63  }
0x54: {  	v3 =	vld [tilespmem:$0x30];
	_ =	sdelay $0x4  }
0x55: {  	v19 =	vshll.u32 v3, $0x1  }
0x56: {  	v3 =	vand.u32 $0x7, v3;
	v4 =	vand.u32 $0xFFFFFFF0, v19  }
0x57: {  	v3 =	vor.u32 v3, v4  }
0x58: {  	v4 =	vperm.xlane v3, v0;
	_ =	sdelay $0x1  }
0x59: {  	v3 =	vperm.xlane v3, v2;
	v4 =	vadd.s32 v1, v4;
	_ =	sdelay $0x1  }
0x5a: {  	v3 =	vadd.s32 v1, v3;
	_ =	sdelay $0x1  }
0x5b: {  	s20 =	simm.s32 $0x3100  }
0x5c: {  	[tilespmem:s20], [sflag:$0x1] =	stream.indirect_vreg.gather [hbm4b:s3+s2], $0x80, v4, vm0, $0xb8;
	[tilespmem:$0x14100] =	vst v63  }
0x5d: {  	s22 =	simm.s32 $0x3900  }
0x5e: {  	[tilespmem:s22], [sflag:$0x1] =	stream.indirect_vreg.gather [hbm4b:s3+s2], $0x80, v3, vm0, $0xb8;
	[tilespmem:$0x14100] =	vst v63  }
0x5f: {  	v3 =	vld [tilespmem:$0x40];
	_ =	sdelay $0x4  }
0x60: {  	v20 =	vshll.u32 v3, $0x1  }
0x61: {  	v3 =	vand.u32 $0x7, v3;
	v4 =	vand.u32 $0xFFFFFFF0, v20  }
0x62: {  	v3 =	vor.u32 v3, v4  }
0x63: {  	v4 =	vperm.xlane v3, v0;
	_ =	sdelay $0x1  }
0x64: {  	v3 =	vperm.xlane v3, v2;
	v4 =	vadd.s32 v1, v4;
	_ =	sdelay $0x1  }
0x65: {  	v3 =	vadd.s32 v1, v3;
	_ =	sdelay $0x1  }
0x66: {  	s31 =	simm.s32 $0x4100  }
0x67: {  	[tilespmem:s31], [sflag:$0x1] =	stream.indirect_vreg.gather [hbm4b:s3+s2], $0x80, v4, vm0, $0xb8;
	[tilespmem:$0x14100] =	vst v63  }
0x68: {  	s1 =	simm.s32 $0x4900  }
0x69: {  	[tilespmem:s1], [sflag:$0x1] =	stream.indirect_vreg.gather [hbm4b:s3+s2], $0x80, v3, vm0, $0xb8;
	[tilespmem:$0x14100] =	vst v63  }
0x6a: {  	v3 =	vld [tilespmem:$0x50];
	_ =	sdelay $0x4  }
0x6b: {  	v21 =	vshll.u32 v3, $0x1  }
0x6c: {  	v3 =	vand.u32 $0x7, v3;
	v4 =	vand.u32 $0xFFFFFFF0, v21  }
0x6d: {  	v3 =	vor.u32 v3, v4  }
0x6e: {  	v4 =	vperm.xlane v3, v0;
	_ =	sdelay $0x1  }
0x6f: {  	v3 =	vperm.xlane v3, v2;
	v4 =	vadd.s32 v1, v4;
	_ =	sdelay $0x1  }
0x70: {  	v3 =	vadd.s32 v1, v3;
	_ =	sdelay $0x1  }
0x71: {  	s4 =	simm.s32 $0x5100  }
0x72: {  	[tilespmem:s4], [sflag:$0x1] =	stream.indirect_vreg.gather [hbm4b:s3+s2], $0x80, v4, vm0, $0xb8;
	[tilespmem:$0x14100] =	vst v63  }
0x73: {  	s7 =	simm.s32 $0x5900  }
0x74: {  	[tilespmem:s7], [sflag:$0x1] =	stream.indirect_vreg.gather [hbm4b:s3+s2], $0x80, v3, vm0, $0xb8;
	[tilespmem:$0x14100] =	vst v63  }
0x75: {  	v3 =	vld [tilespmem:$0x60];
	_ =	sdelay $0x4  }
0x76: {  	v22 =	vshll.u32 v3, $0x1  }
0x77: {  	v3 =	vand.u32 $0x7, v3;
	v4 =	vand.u32 $0xFFFFFFF0, v22  }
0x78: {  	v3 =	vor.u32 v3, v4  }
0x79: {  	v4 =	vperm.xlane v3, v0;
	_ =	sdelay $0x1  }
0x7a: {  	v3 =	vperm.xlane v3, v2;
	v4 =	vadd.s32 v1, v4;
	_ =	sdelay $0x1  }
0x7b: {  	v3 =	vadd.s32 v1, v3;
	_ =	sdelay $0x1  }
0x7c: {  	s8 =	simm.s32 $0x6100  }
0x7d: {  	[tilespmem:s8], [sflag:$0x1] =	stream.indirect_vreg.gather [hbm4b:s3+s2], $0x80, v4, vm0, $0xb8;
	[tilespmem:$0x14100] =	vst v63  }
0x7e: {  	s9 =	simm.s32 $0x6900  }
0x7f: {  	[tilespmem:s9], [sflag:$0x1] =	stream.indirect_vreg.gather [hbm4b:s3+s2], $0x80, v3, vm0, $0xb8;
	[tilespmem:$0x14100] =	vst v63  }
0x80: {  	v3 =	vld [tilespmem:$0x70];
	_ =	sdelay $0x4  }
0x81: {  	v23 =	vshll.u32 v3, $0x1  }
0x82: {  	v3 =	vand.u32 $0x7, v3;
	v4 =	vand.u32 $0xFFFFFFF0, v23  }
0x83: {  	v3 =	vor.u32 v3, v4  }
0x84: {  	v4 =	vperm.xlane v3, v0;
	_ =	sdelay $0x1  }
0x85: {  	v3 =	vperm.xlane v3, v2;
	v4 =	vadd.s32 v1, v4;
	_ =	sdelay $0x1  }
0x86: {  	v3 =	vadd.s32 v1, v3;
	_ =	sdelay $0x1  }
0x87: {  	s10 =	simm.s32 $0x7100  }
0x88: {  	[tilespmem:s10], [sflag:$0x1] =	stream.indirect_vreg.gather [hbm4b:s3+s2], $0x80, v4, vm0, $0xb8;
	[tilespmem:$0x14100] =	vst v63  }
0x89: {  	s11 =	simm.s32 $0x7900  }
0x8a: {  	[tilespmem:s11], [sflag:$0x1] =	stream.indirect_vreg.gather [hbm4b:s3+s2], $0x80, v3, vm0, $0xb8;
	[tilespmem:$0x14100] =	vst v63  }
0x8b: {  	v3 =	vld [tilespmem:$0x80];
	_ =	sdelay $0x4  }
0x8c: {  	v24 =	vshll.u32 v3, $0x1  }
0x8d: {  	v3 =	vand.u32 $0x7, v3;
	v4 =	vand.u32 $0xFFFFFFF0, v24  }
0x8e: {  	v3 =	vor.u32 v3, v4  }
0x8f: {  	v4 =	vperm.xlane v3, v0;
	_ =	sdelay $0x1  }
0x90: {  	v3 =	vperm.xlane v3, v2;
	v4 =	vadd.s32 v1, v4;
	_ =	sdelay $0x1  }
0x91: {  	v3 =	vadd.s32 v1, v3;
	_ =	sdelay $0x1  }
0x92: {  	s13 =	simm.s32 $0x8100  }
0x93: {  	[tilespmem:s13], [sflag:$0x1] =	stream.indirect_vreg.gather [hbm4b:s3+s2], $0x80, v4, vm0, $0xb8;
	[tilespmem:$0x14100] =	vst v63  }
0x94: {  	s18 =	simm.s32 $0x8900  }
0x95: {  	[tilespmem:s18], [sflag:$0x1] =	stream.indirect_vreg.gather [hbm4b:s3+s2], $0x80, v3, vm0, $0xb8;
	[tilespmem:$0x14100] =	vst v63  }
0x96: {  	v3 =	vld [tilespmem:$0x90];
	_ =	sdelay $0x4  }
0x97: {  	v25 =	vshll.u32 v3, $0x1  }
0x98: {  	v3 =	vand.u32 $0x7, v3;
	v4 =	vand.u32 $0xFFFFFFF0, v25  }
0x99: {  	v3 =	vor.u32 v3, v4  }
0x9a: {  	v4 =	vperm.xlane v3, v0;
	_ =	sdelay $0x1  }
0x9b: {  	v3 =	vperm.xlane v3, v2;
	v4 =	vadd.s32 v1, v4;
	_ =	sdelay $0x1  }
0x9c: {  	v3 =	vadd.s32 v1, v3;
	_ =	sdelay $0x1  }
0x9d: {  	s22 =	simm.s32 $0x9100  }
0x9e: {  	[tilespmem:s22], [sflag:$0x1] =	stream.indirect_vreg.gather [hbm4b:s3+s2], $0x80, v4, vm0, $0xb8;
	[tilespmem:$0x14100] =	vst v63  }
0x9f: {  	s31 =	simm.s32 $0x9900  }
0xa0: {  	[tilespmem:s31], [sflag:$0x1] =	stream.indirect_vreg.gather [hbm4b:s3+s2], $0x80, v3, vm0, $0xb8;
	[tilespmem:$0x14100] =	vst v63  }
0xa1: {  	_ =	swait.ge [sflag:s26], $0xA000  }
0xa2: {  	[sflag:s26] =	ssyncset.done $0x0  }
0xa3: {  	s0 =	rddreg [dreg:$0x4];
	[sflag:s26] =	ssyncadd.s32 $0xFFFF6000  }
0xa4: {  	[tilespmem:s2], [sflag:$0x3] =	stream.linear.gather [hbm4b:s0+s2], $0xA0, $0x38;
	[tilespmem:$0x14100] =	vst v63  }
0xa5: {  	_ =	swait.ge [sflag:s5], $0xA0  }
0xa6: {  	[sflag:s5] =	ssyncset.done $0x0  }
0xa7: {  	[sflag:s5] =	ssyncadd.s32 $0xFFFFFF60  }
0xa8: {  	v3 =	vld [tilespmem:$0x0];
	_ =	sdelay $0x4  }
0xa9: {  	v26 =	vshll.u32 v3, $0x1  }
0xaa: {  	v3 =	vand.u32 $0x7, v3;
	v4 =	vand.u32 $0xFFFFFFF0, v26  }
0xab: {  	v3 =	vor.u32 v3, v4  }
0xac: {  	v4 =	vperm.xlane v3, v0;
	_ =	sdelay $0x1  }
0xad: {  	v3 =	vperm.xlane v3, v2;
	v4 =	vadd.s32 v1, v4;
	_ =	sdelay $0x1  }
0xae: {  	v3 =	vadd.s32 v1, v3;
	_ =	sdelay $0x2  }
0xaf: {  	[tilespmem:s28], [sflag:$0x2] =	stream.indirect_vreg.gather [hbm4b:s3+s2], $0x80, v4, vm0, $0xb8;
	[tilespmem:$0x14100] =	vst v63  }
0xb0: {  	s18 =	simm.s32 $0xA900  }
0xb1: {  	[tilespmem:s18], [sflag:$0x2] =	stream.indirect_vreg.gather [hbm4b:s3+s2], $0x80, v3, vm0, $0xb8;
	[tilespmem:$0x14100] =	vst v63  }
0xb2: {  	v3 =	vld [tilespmem:$0x10];
	_ =	sdelay $0x4  }
0xb3: {  	v27 =	vshll.u32 v3, $0x1  }
0xb4: {  	v3 =	vand.u32 $0x7, v3;
	v4 =	vand.u32 $0xFFFFFFF0, v27  }
0xb5: {  	v3 =	vor.u32 v3, v4  }
0xb6: {  	v4 =	vperm.xlane v3, v0;
	_ =	sdelay $0x1  }
0xb7: {  	v3 =	vperm.xlane v3, v2;
	v4 =	vadd.s32 v1, v4;
	_ =	sdelay $0x1  }
0xb8: {  	v3 =	vadd.s32 v1, v3;
	_ =	sdelay $0x1  }
0xb9: {  	s1 =	simm.s32 $0xB100  }
0xba: {  	[tilespmem:s1], [sflag:$0x2] =	stream.indirect_vreg.gather [hbm4b:s3+s2], $0x80, v4, vm0, $0xb8;
	[tilespmem:$0x14100] =	vst v63  }
0xbb: {  	s4 =	simm.s32 $0xB900  }
0xbc: {  	[tilespmem:s4], [sflag:$0x2] =	stream.indirect_vreg.gather [hbm4b:s3+s2], $0x80, v3, vm0, $0xb8;
	[tilespmem:$0x14100] =	vst v63  }
0xbd: {  	v3 =	vld [tilespmem:$0x20];
	_ =	sdelay $0x4  }
0xbe: {  	v28 =	vshll.u32 v3, $0x1  }
0xbf: {  	v3 =	vand.u32 $0x7, v3;
	v4 =	vand.u32 $0xFFFFFFF0, v28  }
0xc0: {  	v3 =	vor.u32 v3, v4  }
0xc1: {  	v4 =	vperm.xlane v3, v0;
	_ =	sdelay $0x1  }
0xc2: {  	v3 =	vperm.xlane v3, v2;
	v4 =	vadd.s32 v1, v4;
	_ =	sdelay $0x1  }
0xc3: {  	v3 =	vadd.s32 v1, v3;
	_ =	sdelay $0x1  }
0xc4: {  	s7 =	simm.s32 $0xC100  }
0xc5: {  	[tilespmem:s7], [sflag:$0x2] =	stream.indirect_vreg.gather [hbm4b:s3+s2], $0x80, v4, vm0, $0xb8;
	[tilespmem:$0x14100] =	vst v63  }
0xc6: {  	s8 =	simm.s32 $0xC900  }
0xc7: {  	[tilespmem:s8], [sflag:$0x2] =	stream.indirect_vreg.gather [hbm4b:s3+s2], $0x80, v3, vm0, $0xb8;
	[tilespmem:$0x14100] =	vst v63  }
0xc8: {  	v3 =	vld [tilespmem:$0x30];
	_ =	sdelay $0x4  }
0xc9: {  	v29 =	vshll.u32 v3, $0x1  }
0xca: {  	v3 =	vand.u32 $0x7, v3;
	v4 =	vand.u32 $0xFFFFFFF0, v29  }
0xcb: {  	v3 =	vor.u32 v3, v4  }
0xcc: {  	v4 =	vperm.xlane v3, v0;
	_ =	sdelay $0x1  }
0xcd: {  	v3 =	vperm.xlane v3, v2;
	v4 =	vadd.s32 v1, v4;
	_ =	sdelay $0x1  }
0xce: {  	v3 =	vadd.s32 v1, v3;
	_ =	sdelay $0x1  }
0xcf: {  	s13 =	simm.s32 $0xD100  }
0xd0: {  	[tilespmem:s13], [sflag:$0x2] =	stream.indirect_vreg.gather [hbm4b:s3+s2], $0x80, v4, vm0, $0xb8;
	[tilespmem:$0x14100] =	vst v63  }
0xd1: {  	s18 =	simm.s32 $0xD900  }
0xd2: {  	[tilespmem:s18], [sflag:$0x2] =	stream.indirect_vreg.gather [hbm4b:s3+s2], $0x80, v3, vm0, $0xb8;
	[tilespmem:$0x14100] =	vst v63  }
0xd3: {  	v3 =	vld [tilespmem:$0x40];
	_ =	sdelay $0x4  }
0xd4: {  	v30 =	vshll.u32 v3, $0x1  }
0xd5: {  	v3 =	vand.u32 $0x7, v3;
	v4 =	vand.u32 $0xFFFFFFF0, v30  }
0xd6: {  	v3 =	vor.u32 v3, v4  }
0xd7: {  	v4 =	vperm.xlane v3, v0;
	_ =	sdelay $0x1  }
0xd8: {  	v3 =	vperm.xlane v3, v2;
	v4 =	vadd.s32 v1, v4;
	_ =	sdelay $0x1  }
0xd9: {  	v3 =	vadd.s32 v1, v3;
	_ =	sdelay $0x1  }
0xda: {  	s31 =	simm.s32 $0xE100  }
0xdb: {  	[tilespmem:s31], [sflag:$0x2] =	stream.indirect_vreg.gather [hbm4b:s3+s2], $0x80, v4, vm0, $0xb8;
	[tilespmem:$0x14100] =	vst v63  }
0xdc: {  	s7 =	simm.s32 $0xE900  }
0xdd: {  	[tilespmem:s7], [sflag:$0x2] =	stream.indirect_vreg.gather [hbm4b:s3+s2], $0x80, v3, vm0, $0xb8;
	[tilespmem:$0x14100] =	vst v63  }
0xde: {  	v3 =	vld [tilespmem:$0x50];
	_ =	sdelay $0x4  }
0xdf: {  	v31 =	vshll.u32 v3, $0x1  }
0xe0: {  	v3 =	vand.u32 $0x7, v3;
	v4 =	vand.u32 $0xFFFFFFF0, v31  }
0xe1: {  	v3 =	vor.u32 v3, v4  }
0xe2: {  	v4 =	vperm.xlane v3, v0;
	_ =	sdelay $0x1  }
0xe3: {  	v3 =	vperm.xlane v3, v2;
	v4 =	vadd.s32 v1, v4;
	_ =	sdelay $0x1  }
0xe4: {  	v3 =	vadd.s32 v1, v3;
	_ =	sdelay $0x1  }
0xe5: {  	s8 =	simm.s32 $0xF100  }
0xe6: {  	[tilespmem:s8], [sflag:$0x2] =	stream.indirect_vreg.gather [hbm4b:s3+s2], $0x80, v4, vm0, $0xb8;
	[tilespmem:$0x14100] =	vst v63  }
0xe7: {  	s13 =	simm.s32 $0xF900  }
0xe8: {  	[tilespmem:s13], [sflag:$0x2] =	stream.indirect_vreg.gather [hbm4b:s3+s2], $0x80, v3, vm0, $0xb8;
	[tilespmem:$0x14100] =	vst v63  }
0xe9: {  	v3 =	vld [tilespmem:$0x60];
	_ =	sdelay $0x4  }
0xea: {  	v32 =	vshll.u32 v3, $0x1  }
0xeb: {  	v3 =	vand.u32 $0x7, v3;
	v4 =	vand.u32 $0xFFFFFFF0, v32  }
0xec: {  	v3 =	vor.u32 v3, v4  }
0xed: {  	v4 =	vperm.xlane v3, v0;
	_ =	sdelay $0x1  }
0xee: {  	v3 =	vperm.xlane v3, v2;
	v4 =	vadd.s32 v1, v4;
	_ =	sdelay $0x1  }
0xef: {  	v3 =	vadd.s32 v1, v3;
	_ =	sdelay $0x1  }
0xf0: {  	s18 =	simm.s32 $0x10100  }
0xf1: {  	[tilespmem:s18], [sflag:$0x2] =	stream.indirect_vreg.gather [hbm4b:s3+s2], $0x80, v4, vm0, $0xb8;
	[tilespmem:$0x14100] =	vst v63  }
0xf2: {  	s31 =	simm.s32 $0x10900  }
0xf3: {  	[tilespmem:s31], [sflag:$0x2] =	stream.indirect_vreg.gather [hbm4b:s3+s2], $0x80, v3, vm0, $0xb8;
	[tilespmem:$0x14100] =	vst v63  }
0xf4: {  	v3 =	vld [tilespmem:$0x70];
	_ =	sdelay $0x4  }
0xf5: {  	v33 =	vshll.u32 v3, $0x1  }
0xf6: {  	v3 =	vand.u32 $0x7, v3;
	v4 =	vand.u32 $0xFFFFFFF0, v33  }
0xf7: {  	v3 =	vor.u32 v3, v4  }
0xf8: {  	v4 =	vperm.xlane v3, v0;
	_ =	sdelay $0x1  }
0xf9: {  	v3 =	vperm.xlane v3, v2;
	v4 =	vadd.s32 v1, v4;
	_ =	sdelay $0x1  }
0xfa: {  	v3 =	vadd.s32 v1, v3;
	_ =	sdelay $0x1  }
0xfb: {  	s13 =	simm.s32 $0x11100  }
0xfc: {  	[tilespmem:s13], [sflag:$0x2] =	stream.indirect_vreg.gather [hbm4b:s3+s2], $0x80, v4, vm0, $0xb8;
	[tilespmem:$0x14100] =	vst v63  }
0xfd: {  	s18 =	simm.s32 $0x11900  }
0xfe: {  	[tilespmem:s18], [sflag:$0x2] =	stream.indirect_vreg.gather [hbm4b:s3+s2], $0x80, v3, vm0, $0xb8;
	[tilespmem:$0x14100] =	vst v63  }
0xff: {  	v3 =	vld [tilespmem:$0x80];
	_ =	sdelay $0x4  }
0x100: {  	v34 =	vshll.u32 v3, $0x1  }
0x101: {  	v3 =	vand.u32 $0x7, v3;
	v4 =	vand.u32 $0xFFFFFFF0, v34  }
0x102: {  	v3 =	vor.u32 v3, v4  }
0x103: {  	v4 =	vperm.xlane v3, v0;
	_ =	sdelay $0x1  }
0x104: {  	v3 =	vperm.xlane v3, v2;
	v4 =	vadd.s32 v1, v4;
	_ =	sdelay $0x1  }
0x105: {  	v3 =	vadd.s32 v1, v3;
	_ =	sdelay $0x1  }
0x106: {  	s31 =	simm.s32 $0x12100  }
0x107: {  	[tilespmem:s31], [sflag:$0x2] =	stream.indirect_vreg.gather [hbm4b:s3+s2], $0x80, v4, vm0, $0xb8;
	[tilespmem:$0x14100] =	vst v63  }
0x108: {  	s13 =	simm.s32 $0x12900  }
0x109: {  	[tilespmem:s13], [sflag:$0x2] =	stream.indirect_vreg.gather [hbm4b:s3+s2], $0x80, v3, vm0, $0xb8;
	[tilespmem:$0x14100] =	vst v63  }
0x10a: {  	v3 =	vld [tilespmem:$0x90];
	_ =	sdelay $0x4  }
0x10b: {  	v35 =	vshll.u32 v3, $0x1  }
0x10c: {  	v3 =	vand.u32 $0x7, v3;
	v4 =	vand.u32 $0xFFFFFFF0, v35  }
0x10d: {  	v3 =	vor.u32 v3, v4  }
0x10e: {  	v4 =	vperm.xlane v3, v0;
	_ =	sdelay $0x1  }
0x10f: {  	v3 =	vperm.xlane v3, v2;
	v4 =	vadd.s32 v1, v4;
	_ =	sdelay $0x1  }
0x110: {  	v3 =	vadd.s32 v1, v3;
	_ =	sdelay $0x1  }
0x111: {  	s18 =	simm.s32 $0x13100  }
0x112: {  	[tilespmem:s18], [sflag:$0x2] =	stream.indirect_vreg.gather [hbm4b:s3+s2], $0x80, v4, vm0, $0xb8;
	[tilespmem:$0x14100] =	vst v63  }
0x113: {  	s13 =	simm.s32 $0x13900  }
0x114: {  	[tilespmem:s13], [sflag:$0x2] =	stream.indirect_vreg.gather [hbm4b:s3+s2], $0x80, v3, vm0, $0xb8;
	[tilespmem:$0x14100] =	vst v63  }
0x115: {  	s31 =	rddreg [dreg:$0x5]  }
0x116: {  	[hbm4b:s31+s2] =	stream.linear.scatter [tilespmem:s6], [sflag:$0x3], $0xA000, $0x38;
	[tilespmem:$0x14100] =	vst v63  }
0x117: {  	_ =	swait.ge [sflag:s5], $0xA000  }
0x118: {  	[sflag:s5] =	ssyncset.done $0x0  }
0x119: {  	[sflag:s5] =	ssyncadd.s32 $0xFFFF6000  }
0x11a: {  	_ =	swait.ge [sflag:s21], $0xA000  }
0x11b: {  	[sflag:s21] =	ssyncset.done $0x0  }
0x11c: {  	s18 =	rddreg [dreg:$0x6];
	[sflag:s21] =	ssyncadd.s32 $0xFFFF6000  }
0x11d: {  	[tilespmem:s2], [sflag:$0x3] =	stream.linear.gather [hbm4b:s18+s2], $0xA0, $0x38;
	[tilespmem:$0x14100] =	vst v63  }
0x11e: {  	_ =	swait.ge [sflag:s5], $0xA0  }
0x11f: {  	[sflag:s5] =	ssyncset.done $0x0  }
0x120: {  	[sflag:s5] =	ssyncadd.s32 $0xFFFFFF60  }
0x121: {  	v3 =	vld [tilespmem:$0x0];
	_ =	sdelay $0x4  }
0x122: {  	v36 =	vshll.u32 v3, $0x1  }
0x123: {  	v3 =	vand.u32 $0x7, v3;
	v4 =	vand.u32 $0xFFFFFFF0, v36  }
0x124: {  	v3 =	vor.u32 v3, v4  }
0x125: {  	v4 =	vperm.xlane v3, v0;
	_ =	sdelay $0x1  }
0x126: {  	v3 =	vperm.xlane v3, v2;
	v4 =	vadd.s32 v1, v4;
	_ =	sdelay $0x1  }
0x127: {  	v3 =	vadd.s32 v1, v3;
	_ =	sdelay $0x2  }
0x128: {  	[tilespmem:s6], [sflag:$0x1] =	stream.indirect_vreg.gather [hbm4b:s3+s2], $0x80, v4, vm0, $0xb8;
	[tilespmem:$0x14100] =	vst v63  }
0x129: {  	s23 =	simm.s32 $0x900  }
0x12a: {  	[tilespmem:s23], [sflag:$0x1] =	stream.indirect_vreg.gather [hbm4b:s3+s2], $0x80, v3, vm0, $0xb8;
	[tilespmem:$0x14100] =	vst v63  }
0x12b: {  	v3 =	vld [tilespmem:$0x10];
	_ =	sdelay $0x4  }
0x12c: {  	v37 =	vshll.u32 v3, $0x1  }
0x12d: {  	v3 =	vand.u32 $0x7, v3;
	v4 =	vand.u32 $0xFFFFFFF0, v37  }
0x12e: {  	v3 =	vor.u32 v3, v4  }
0x12f: {  	v4 =	vperm.xlane v3, v0;
	_ =	sdelay $0x1  }
0x130: {  	v3 =	vperm.xlane v3, v2;
	v4 =	vadd.s32 v1, v4;
	_ =	sdelay $0x1  }
0x131: {  	v3 =	vadd.s32 v1, v3;
	_ =	sdelay $0x1  }
0x132: {  	s17 =	simm.s32 $0x1100  }
0x133: {  	[tilespmem:s17], [sflag:$0x1] =	stream.indirect_vreg.gather [hbm4b:s3+s2], $0x80, v4, vm0, $0xb8;
	[tilespmem:$0x14100] =	vst v63  }
0x134: {  	s24 =	simm.s32 $0x1900  }
0x135: {  	[tilespmem:s24], [sflag:$0x1] =	stream.indirect_vreg.gather [hbm4b:s3+s2], $0x80, v3, vm0, $0xb8;
	[tilespmem:$0x14100] =	vst v63  }
0x136: {  	v3 =	vld [tilespmem:$0x20];
	_ =	sdelay $0x4  }
0x137: {  	v38 =	vshll.u32 v3, $0x1  }
0x138: {  	v3 =	vand.u32 $0x7, v3;
	v4 =	vand.u32 $0xFFFFFFF0, v38  }
0x139: {  	v3 =	vor.u32 v3, v4  }
0x13a: {  	v4 =	vperm.xlane v3, v0;
	_ =	sdelay $0x1  }
0x13b: {  	v3 =	vperm.xlane v3, v2;
	v4 =	vadd.s32 v1, v4;
	_ =	sdelay $0x1  }
0x13c: {  	v3 =	vadd.s32 v1, v3;
	_ =	sdelay $0x1  }
0x13d: {  	s25 =	simm.s32 $0x2100  }
0x13e: {  	[tilespmem:s25], [sflag:$0x1] =	stream.indirect_vreg.gather [hbm4b:s3+s2], $0x80, v4, vm0, $0xb8;
	[tilespmem:$0x14100] =	vst v63  }
0x13f: {  	s29 =	simm.s32 $0x2900  }
0x140: {  	[tilespmem:s29], [sflag:$0x1] =	stream.indirect_vreg.gather [hbm4b:s3+s2], $0x80, v3, vm0, $0xb8;
	[tilespmem:$0x14100] =	vst v63  }
0x141: {  	v3 =	vld [tilespmem:$0x30];
	_ =	sdelay $0x4  }
0x142: {  	v39 =	vshll.u32 v3, $0x1  }
0x143: {  	v3 =	vand.u32 $0x7, v3;
	v4 =	vand.u32 $0xFFFFFFF0, v39  }
0x144: {  	v3 =	vor.u32 v3, v4  }
0x145: {  	v4 =	vperm.xlane v3, v0;
	_ =	sdelay $0x1  }
0x146: {  	v3 =	vperm.xlane v3, v2;
	v4 =	vadd.s32 v1, v4;
	_ =	sdelay $0x1  }
0x147: {  	v3 =	vadd.s32 v1, v3;
	_ =	sdelay $0x1  }
0x148: {  	s30 =	simm.s32 $0x3100  }
0x149: {  	[tilespmem:s30], [sflag:$0x1] =	stream.indirect_vreg.gather [hbm4b:s3+s2], $0x80, v4, vm0, $0xb8;
	[tilespmem:$0x14100] =	vst v63  }
0x14a: {  	s19 =	simm.s32 $0x3900  }
0x14b: {  	[tilespmem:s19], [sflag:$0x1] =	stream.indirect_vreg.gather [hbm4b:s3+s2], $0x80, v3, vm0, $0xb8;
	[tilespmem:$0x14100] =	vst v63  }
0x14c: {  	v3 =	vld [tilespmem:$0x40];
	_ =	sdelay $0x4  }
0x14d: {  	v40 =	vshll.u32 v3, $0x1  }
0x14e: {  	v3 =	vand.u32 $0x7, v3;
	v4 =	vand.u32 $0xFFFFFFF0, v40  }
0x14f: {  	v3 =	vor.u32 v3, v4  }
0x150: {  	v4 =	vperm.xlane v3, v0;
	_ =	sdelay $0x1  }
0x151: {  	v3 =	vperm.xlane v3, v2;
	v4 =	vadd.s32 v1, v4;
	_ =	sdelay $0x1  }
0x152: {  	v3 =	vadd.s32 v1, v3;
	_ =	sdelay $0x1  }
0x153: {  	s14 =	simm.s32 $0x4100  }
0x154: {  	[tilespmem:s14], [sflag:$0x1] =	stream.indirect_vreg.gather [hbm4b:s3+s2], $0x80, v4, vm0, $0xb8;
	[tilespmem:$0x14100] =	vst v63  }
0x155: {  	s15 =	simm.s32 $0x4900  }
0x156: {  	[tilespmem:s15], [sflag:$0x1] =	stream.indirect_vreg.gather [hbm4b:s3+s2], $0x80, v3, vm0, $0xb8;
	[tilespmem:$0x14100] =	vst v63  }
0x157: {  	v3 =	vld [tilespmem:$0x50];
	_ =	sdelay $0x4  }
0x158: {  	v41 =	vshll.u32 v3, $0x1  }
0x159: {  	v3 =	vand.u32 $0x7, v3;
	v4 =	vand.u32 $0xFFFFFFF0, v41  }
0x15a: {  	v3 =	vor.u32 v3, v4  }
0x15b: {  	v4 =	vperm.xlane v3, v0;
	_ =	sdelay $0x1  }
0x15c: {  	v3 =	vperm.xlane v3, v2;
	v4 =	vadd.s32 v1, v4;
	_ =	sdelay $0x1  }
0x15d: {  	v3 =	vadd.s32 v1, v3;
	_ =	sdelay $0x1  }
0x15e: {  	s12 =	simm.s32 $0x5100  }
0x15f: {  	[tilespmem:s12], [sflag:$0x1] =	stream.indirect_vreg.gather [hbm4b:s3+s2], $0x80, v4, vm0, $0xb8;
	[tilespmem:$0x14100] =	vst v63  }
0x160: {  	s16 =	simm.s32 $0x5900  }
0x161: {  	[tilespmem:s16], [sflag:$0x1] =	stream.indirect_vreg.gather [hbm4b:s3+s2], $0x80, v3, vm0, $0xb8;
	[tilespmem:$0x14100] =	vst v63  }
0x162: {  	v3 =	vld [tilespmem:$0x60];
	_ =	sdelay $0x4  }
0x163: {  	v42 =	vshll.u32 v3, $0x1  }
0x164: {  	v3 =	vand.u32 $0x7, v3;
	v4 =	vand.u32 $0xFFFFFFF0, v42  }
0x165: {  	v3 =	vor.u32 v3, v4  }
0x166: {  	v4 =	vperm.xlane v3, v0;
	_ =	sdelay $0x1  }
0x167: {  	v3 =	vperm.xlane v3, v2;
	v4 =	vadd.s32 v1, v4;
	_ =	sdelay $0x1  }
0x168: {  	v3 =	vadd.s32 v1, v3;
	_ =	sdelay $0x1  }
0x169: {  	s20 =	simm.s32 $0x6100  }
0x16a: {  	[tilespmem:s20], [sflag:$0x1] =	stream.indirect_vreg.gather [hbm4b:s3+s2], $0x80, v4, vm0, $0xb8;
	[tilespmem:$0x14100] =	vst v63  }
0x16b: {  	s17 =	simm.s32 $0x6900  }
0x16c: {  	[tilespmem:s17], [sflag:$0x1] =	stream.indirect_vreg.gather [hbm4b:s3+s2], $0x80, v3, vm0, $0xb8;
	[tilespmem:$0x14100] =	vst v63  }
0x16d: {  	v3 =	vld [tilespmem:$0x70];
	_ =	sdelay $0x4  }
0x16e: {  	v43 =	vshll.u32 v3, $0x1  }
0x16f: {  	v3 =	vand.u32 $0x7, v3;
	v4 =	vand.u32 $0xFFFFFFF0, v43  }
0x170: {  	v3 =	vor.u32 v3, v4  }
0x171: {  	v4 =	vperm.xlane v3, v0;
	_ =	sdelay $0x1  }
0x172: {  	v3 =	vperm.xlane v3, v2;
	v4 =	vadd.s32 v1, v4;
	_ =	sdelay $0x1  }
0x173: {  	v3 =	vadd.s32 v1, v3;
	_ =	sdelay $0x1  }
0x174: {  	s14 =	simm.s32 $0x7100  }
0x175: {  	[tilespmem:s14], [sflag:$0x1] =	stream.indirect_vreg.gather [hbm4b:s3+s2], $0x80, v4, vm0, $0xb8;
	[tilespmem:$0x14100] =	vst v63  }
0x176: {  	s19 =	simm.s32 $0x7900  }
0x177: {  	[tilespmem:s19], [sflag:$0x1] =	stream.indirect_vreg.gather [hbm4b:s3+s2], $0x80, v3, vm0, $0xb8;
	[tilespmem:$0x14100] =	vst v63  }
0x178: {  	v3 =	vld [tilespmem:$0x80];
	_ =	sdelay $0x4  }
0x179: {  	v44 =	vshll.u32 v3, $0x1  }
0x17a: {  	v3 =	vand.u32 $0x7, v3;
	v4 =	vand.u32 $0xFFFFFFF0, v44  }
0x17b: {  	v3 =	vor.u32 v3, v4  }
0x17c: {  	v4 =	vperm.xlane v3, v0;
	_ =	sdelay $0x1  }
0x17d: {  	v3 =	vperm.xlane v3, v2;
	v4 =	vadd.s32 v1, v4;
	_ =	sdelay $0x1  }
0x17e: {  	v3 =	vadd.s32 v1, v3;
	_ =	sdelay $0x1  }
0x17f: {  	s15 =	simm.s32 $0x8100  }
0x180: {  	[tilespmem:s15], [sflag:$0x1] =	stream.indirect_vreg.gather [hbm4b:s3+s2], $0x80, v4, vm0, $0xb8;
	[tilespmem:$0x14100] =	vst v63  }
0x181: {  	s23 =	simm.s32 $0x8900  }
0x182: {  	[tilespmem:s23], [sflag:$0x1] =	stream.indirect_vreg.gather [hbm4b:s3+s2], $0x80, v3, vm0, $0xb8;
	[tilespmem:$0x14100] =	vst v63  }
0x183: {  	v3 =	vld [tilespmem:$0x90];
	_ =	sdelay $0x4  }
0x184: {  	v45 =	vshll.u32 v3, $0x1  }
0x185: {  	v3 =	vand.u32 $0x7, v3;
	v4 =	vand.u32 $0xFFFFFFF0, v45  }
0x186: {  	v3 =	vor.u32 v3, v4  }
0x187: {  	v4 =	vperm.xlane v3, v0;
	_ =	sdelay $0x1  }
0x188: {  	v3 =	vperm.xlane v3, v2;
	v4 =	vadd.s32 v1, v4;
	_ =	sdelay $0x1  }
0x189: {  	v3 =	vadd.s32 v1, v3;
	_ =	sdelay $0x1  }
0x18a: {  	s16 =	simm.s32 $0x9100  }
0x18b: {  	[tilespmem:s16], [sflag:$0x1] =	stream.indirect_vreg.gather [hbm4b:s3+s2], $0x80, v4, vm0, $0xb8;
	[tilespmem:$0x14100] =	vst v63  }
0x18c: {  	s11 =	simm.s32 $0x9900  }
0x18d: {  	[tilespmem:s11], [sflag:$0x1] =	stream.indirect_vreg.gather [hbm4b:s3+s2], $0x80, v3, vm0, $0xb8;
	[tilespmem:$0x14100] =	vst v63  }
0x18e: {  	s31 =	rddreg [dreg:$0x7]  }
0x18f: {  	[hbm4b:s31+s2] =	stream.linear.scatter [tilespmem:s28], [sflag:$0x3], $0xA000, $0x38;
	[tilespmem:$0x14100] =	vst v63  }
0x190: {  	_ =	swait.ge [sflag:s5], $0xA000  }
0x191: {  	[sflag:s5] =	ssyncset.done $0x0  }
0x192: {  	[sflag:s5] =	ssyncadd.s32 $0xFFFF6000  }
0x193: {  	_ =	swait.ge [sflag:s26], $0xA000  }
0x194: {  	[sflag:s26] =	ssyncset.done $0x0  }
0x195: {  	s12 =	rddreg [dreg:$0x8];
	[sflag:s26] =	ssyncadd.s32 $0xFFFF6000  }
0x196: {  	[tilespmem:s2], [sflag:$0x3] =	stream.linear.gather [hbm4b:s12+s2], $0xA0, $0x38;
	[tilespmem:$0x14100] =	vst v63  }
0x197: {  	_ =	swait.ge [sflag:s5], $0xA0  }
0x198: {  	[sflag:s5] =	ssyncset.done $0x0  }
0x199: {  	[sflag:s5] =	ssyncadd.s32 $0xFFFFFF60  }
0x19a: {  	v3 =	vld [tilespmem:$0x0];
	_ =	sdelay $0x4  }
0x19b: {  	v46 =	vshll.u32 v3, $0x1  }
0x19c: {  	v3 =	vand.u32 $0x7, v3;
	v4 =	vand.u32 $0xFFFFFFF0, v46  }
0x19d: {  	v3 =	vor.u32 v3, v4  }
0x19e: {  	v4 =	vperm.xlane v3, v0;
	_ =	sdelay $0x1  }
0x19f: {  	v3 =	vperm.xlane v3, v2;
	v4 =	vadd.s32 v1, v4;
	_ =	sdelay $0x1  }
0x1a0: {  	v3 =	vadd.s32 v1, v3;
	_ =	sdelay $0x2  }
0x1a1: {  	[tilespmem:s28], [sflag:$0x2] =	stream.indirect_vreg.gather [hbm4b:s3+s2], $0x80, v4, vm0, $0xb8;
	[tilespmem:$0x14100] =	vst v63  }
0x1a2: {  	s9 =	simm.s32 $0xA900  }
0x1a3: {  	[tilespmem:s9], [sflag:$0x2] =	stream.indirect_vreg.gather [hbm4b:s3+s2], $0x80, v3, vm0, $0xb8;
	[tilespmem:$0x14100] =	vst v63  }
0x1a4: {  	v3 =	vld [tilespmem:$0x10];
	_ =	sdelay $0x4  }
0x1a5: {  	v47 =	vshll.u32 v3, $0x1  }
0x1a6: {  	v3 =	vand.u32 $0x7, v3;
	v4 =	vand.u32 $0xFFFFFFF0, v47  }
0x1a7: {  	v3 =	vor.u32 v3, v4  }
0x1a8: {  	v4 =	vperm.xlane v3, v0;
	_ =	sdelay $0x1  }
0x1a9: {  	v3 =	vperm.xlane v3, v2;
	v4 =	vadd.s32 v1, v4;
	_ =	sdelay $0x1  }
0x1aa: {  	v3 =	vadd.s32 v1, v3;
	_ =	sdelay $0x1  }
0x1ab: {  	s1 =	simm.s32 $0xB100  }
0x1ac: {  	[tilespmem:s1], [sflag:$0x2] =	stream.indirect_vreg.gather [hbm4b:s3+s2], $0x80, v4, vm0, $0xb8;
	[tilespmem:$0x14100] =	vst v63  }
0x1ad: {  	s10 =	simm.s32 $0xB900  }
0x1ae: {  	[tilespmem:s10], [sflag:$0x2] =	stream.indirect_vreg.gather [hbm4b:s3+s2], $0x80, v3, vm0, $0xb8;
	[tilespmem:$0x14100] =	vst v63  }
0x1af: {  	v3 =	vld [tilespmem:$0x20];
	_ =	sdelay $0x4  }
0x1b0: {  	v48 =	vshll.u32 v3, $0x1  }
0x1b1: {  	v3 =	vand.u32 $0x7, v3;
	v4 =	vand.u32 $0xFFFFFFF0, v48  }
0x1b2: {  	v3 =	vor.u32 v3, v4  }
0x1b3: {  	v4 =	vperm.xlane v3, v0;
	_ =	sdelay $0x1  }
0x1b4: {  	v3 =	vperm.xlane v3, v2;
	v4 =	vadd.s32 v1, v4;
	_ =	sdelay $0x1  }
0x1b5: {  	v3 =	vadd.s32 v1, v3;
	_ =	sdelay $0x1  }
0x1b6: {  	s18 =	simm.s32 $0xC100  }
0x1b7: {  	[tilespmem:s18], [sflag:$0x2] =	stream.indirect_vreg.gather [hbm4b:s3+s2], $0x80, v4, vm0, $0xb8;
	[tilespmem:$0x14100] =	vst v63  }
0x1b8: {  	s0 =	simm.s32 $0xC900  }
0x1b9: {  	[tilespmem:s0], [sflag:$0x2] =	stream.indirect_vreg.gather [hbm4b:s3+s2], $0x80, v3, vm0, $0xb8;
	[tilespmem:$0x14100] =	vst v63  }
0x1ba: {  	v3 =	vld [tilespmem:$0x30];
	_ =	sdelay $0x4  }
0x1bb: {  	v49 =	vshll.u32 v3, $0x1  }
0x1bc: {  	v3 =	vand.u32 $0x7, v3;
	v4 =	vand.u32 $0xFFFFFFF0, v49  }
0x1bd: {  	v3 =	vor.u32 v3, v4  }
0x1be: {  	v4 =	vperm.xlane v3, v0;
	_ =	sdelay $0x1  }
0x1bf: {  	v3 =	vperm.xlane v3, v2;
	v4 =	vadd.s32 v1, v4;
	_ =	sdelay $0x1  }
0x1c0: {  	v3 =	vadd.s32 v1, v3;
	_ =	sdelay $0x1  }
0x1c1: {  	s0 =	simm.s32 $0xD100  }
0x1c2: {  	[tilespmem:s0], [sflag:$0x2] =	stream.indirect_vreg.gather [hbm4b:s3+s2], $0x80, v4, vm0, $0xb8;
	[tilespmem:$0x14100] =	vst v63  }
0x1c3: {  	s4 =	simm.s32 $0xD900  }
0x1c4: {  	[tilespmem:s4], [sflag:$0x2] =	stream.indirect_vreg.gather [hbm4b:s3+s2], $0x80, v3, vm0, $0xb8;
	[tilespmem:$0x14100] =	vst v63  }
0x1c5: {  	v3 =	vld [tilespmem:$0x40];
	_ =	sdelay $0x4  }
0x1c6: {  	v50 =	vshll.u32 v3, $0x1  }
0x1c7: {  	v3 =	vand.u32 $0x7, v3;
	v4 =	vand.u32 $0xFFFFFFF0, v50  }
0x1c8: {  	v3 =	vor.u32 v3, v4  }
0x1c9: {  	v4 =	vperm.xlane v3, v0;
	_ =	sdelay $0x1  }
0x1ca: {  	v3 =	vperm.xlane v3, v2;
	v4 =	vadd.s32 v1, v4;
	_ =	sdelay $0x1  }
0x1cb: {  	v3 =	vadd.s32 v1, v3;
	_ =	sdelay $0x1  }
0x1cc: {  	s1 =	simm.s32 $0xE100  }
0x1cd: {  	[tilespmem:s1], [sflag:$0x2] =	stream.indirect_vreg.gather [hbm4b:s3+s2], $0x80, v4, vm0, $0xb8;
	[tilespmem:$0x14100] =	vst v63  }
0x1ce: {  	s7 =	simm.s32 $0xE900  }
0x1cf: {  	[tilespmem:s7], [sflag:$0x2] =	stream.indirect_vreg.gather [hbm4b:s3+s2], $0x80, v3, vm0, $0xb8;
	[tilespmem:$0x14100] =	vst v63  }
0x1d0: {  	v3 =	vld [tilespmem:$0x50];
	_ =	sdelay $0x4  }
0x1d1: {  	v51 =	vshll.u32 v3, $0x1  }
0x1d2: {  	v3 =	vand.u32 $0x7, v3;
	v4 =	vand.u32 $0xFFFFFFF0, v51  }
0x1d3: {  	v3 =	vor.u32 v3, v4  }
0x1d4: {  	v4 =	vperm.xlane v3, v0;
	_ =	sdelay $0x1  }
0x1d5: {  	v3 =	vperm.xlane v3, v2;
	v4 =	vadd.s32 v1, v4;
	_ =	sdelay $0x1  }
0x1d6: {  	v3 =	vadd.s32 v1, v3;
	_ =	sdelay $0x1  }
0x1d7: {  	s4 =	simm.s32 $0xF100  }
0x1d8: {  	[tilespmem:s4], [sflag:$0x2] =	stream.indirect_vreg.gather [hbm4b:s3+s2], $0x80, v4, vm0, $0xb8;
	[tilespmem:$0x14100] =	vst v63  }
0x1d9: {  	s8 =	simm.s32 $0xF900  }
0x1da: {  	[tilespmem:s8], [sflag:$0x2] =	stream.indirect_vreg.gather [hbm4b:s3+s2], $0x80, v3, vm0, $0xb8;
	[tilespmem:$0x14100] =	vst v63  }
0x1db: {  	v3 =	vld [tilespmem:$0x60];
	_ =	sdelay $0x4  }
0x1dc: {  	v52 =	vshll.u32 v3, $0x1  }
0x1dd: {  	v3 =	vand.u32 $0x7, v3;
	v4 =	vand.u32 $0xFFFFFFF0, v52  }
0x1de: {  	v3 =	vor.u32 v3, v4  }
0x1df: {  	v4 =	vperm.xlane v3, v0;
	_ =	sdelay $0x1  }
0x1e0: {  	v3 =	vperm.xlane v3, v2;
	v4 =	vadd.s32 v1, v4;
	_ =	sdelay $0x1  }
0x1e1: {  	v3 =	vadd.s32 v1, v3;
	_ =	sdelay $0x1  }
0x1e2: {  	s20 =	simm.s32 $0x10100  }
0x1e3: {  	[tilespmem:s20], [sflag:$0x2] =	stream.indirect_vreg.gather [hbm4b:s3+s2], $0x80, v4, vm0, $0xb8;
	[tilespmem:$0x14100] =	vst v63  }
0x1e4: {  	s9 =	simm.s32 $0x10900  }
0x1e5: {  	[tilespmem:s9], [sflag:$0x2] =	stream.indirect_vreg.gather [hbm4b:s3+s2], $0x80, v3, vm0, $0xb8;
	[tilespmem:$0x14100] =	vst v63  }
0x1e6: {  	v3 =	vld [tilespmem:$0x70];
	_ =	sdelay $0x4  }
0x1e7: {  	v53 =	vshll.u32 v3, $0x1  }
0x1e8: {  	v3 =	vand.u32 $0x7, v3;
	v4 =	vand.u32 $0xFFFFFFF0, v53  }
0x1e9: {  	v3 =	vor.u32 v3, v4  }
0x1ea: {  	v4 =	vperm.xlane v3, v0;
	_ =	sdelay $0x1  }
0x1eb: {  	v3 =	vperm.xlane v3, v2;
	v4 =	vadd.s32 v1, v4;
	_ =	sdelay $0x1  }
0x1ec: {  	v3 =	vadd.s32 v1, v3;
	_ =	sdelay $0x1  }
0x1ed: {  	s7 =	simm.s32 $0x11100  }
0x1ee: {  	[tilespmem:s7], [sflag:$0x2] =	stream.indirect_vreg.gather [hbm4b:s3+s2], $0x80, v4, vm0, $0xb8;
	[tilespmem:$0x14100] =	vst v63  }
0x1ef: {  	s10 =	simm.s32 $0x11900  }
0x1f0: {  	[tilespmem:s10], [sflag:$0x2] =	stream.indirect_vreg.gather [hbm4b:s3+s2], $0x80, v3, vm0, $0xb8;
	[tilespmem:$0x14100] =	vst v63  }
0x1f1: {  	v3 =	vld [tilespmem:$0x80];
	_ =	sdelay $0x4  }
0x1f2: {  	v54 =	vshll.u32 v3, $0x1  }
0x1f3: {  	v3 =	vand.u32 $0x7, v3;
	v4 =	vand.u32 $0xFFFFFFF0, v54  }
0x1f4: {  	v3 =	vor.u32 v3, v4  }
0x1f5: {  	v4 =	vperm.xlane v3, v0;
	_ =	sdelay $0x1  }
0x1f6: {  	v3 =	vperm.xlane v3, v2;
	v4 =	vadd.s32 v1, v4;
	_ =	sdelay $0x1  }
0x1f7: {  	v3 =	vadd.s32 v1, v3;
	_ =	sdelay $0x1  }
0x1f8: {  	s8 =	simm.s32 $0x12100  }
0x1f9: {  	[tilespmem:s8], [sflag:$0x2] =	stream.indirect_vreg.gather [hbm4b:s3+s2], $0x80, v4, vm0, $0xb8;
	[tilespmem:$0x14100] =	vst v63  }
0x1fa: {  	s11 =	simm.s32 $0x12900  }
0x1fb: {  	[tilespmem:s11], [sflag:$0x2] =	stream.indirect_vreg.gather [hbm4b:s3+s2], $0x80, v3, vm0, $0xb8;
	[tilespmem:$0x14100] =	vst v63  }
0x1fc: {  	v3 =	vld [tilespmem:$0x90];
	_ =	sdelay $0x4  }
0x1fd: {  	v55 =	vshll.u32 v3, $0x1  }
0x1fe: {  	v3 =	vand.u32 $0x7, v3;
	v4 =	vand.u32 $0xFFFFFFF0, v55  }
0x1ff: {  	v3 =	vor.u32 v3, v4  }
0x200: {  	v4 =	vperm.xlane v3, v0;
	_ =	sdelay $0x1  }
0x201: {  	v3 =	vperm.xlane v3, v2;
	v4 =	vadd.s32 v1, v4;
	_ =	sdelay $0x1  }
0x202: {  	v3 =	vadd.s32 v1, v3;
	_ =	sdelay $0x1  }
0x203: {  	s12 =	simm.s32 $0x13100  }
0x204: {  	[tilespmem:s12], [sflag:$0x2] =	stream.indirect_vreg.gather [hbm4b:s3+s2], $0x80, v4, vm0, $0xb8;
	[tilespmem:$0x14100] =	vst v63  }
0x205: {  	s13 =	simm.s32 $0x13900  }
0x206: {  	[tilespmem:s13], [sflag:$0x2] =	stream.indirect_vreg.gather [hbm4b:s3+s2], $0x80, v3, vm0, $0xb8;
	[tilespmem:$0x14100] =	vst v63  }
0x207: {  	s22 =	rddreg [dreg:$0x9]  }
0x208: {  	[hbm4b:s22+s2] =	stream.linear.scatter [tilespmem:s6], [sflag:$0x3], $0xA000, $0x38;
	[tilespmem:$0x14100] =	vst v63  }
0x209: {  	_ =	swait.ge [sflag:s5], $0xA000  }
0x20a: {  	[sflag:s5] =	ssyncset.done $0x0  }
0x20b: {  	[sflag:s5] =	ssyncadd.s32 $0xFFFF6000  }
0x20c: {  	_ =	swait.ge [sflag:s21], $0xA000  }
0x20d: {  	[sflag:s21] =	ssyncset.done $0x0  }
0x20e: {  	s13 =	rddreg [dreg:$0xa];
	[sflag:s21] =	ssyncadd.s32 $0xFFFF6000  }
0x20f: {  	[tilespmem:s2], [sflag:$0x3] =	stream.linear.gather [hbm4b:s13+s2], $0xA0, $0x38;
	[tilespmem:$0x14100] =	vst v63  }
0x210: {  	_ =	swait.ge [sflag:s5], $0xA0  }
0x211: {  	[sflag:s5] =	ssyncset.done $0x0  }
0x212: {  	[sflag:s5] =	ssyncadd.s32 $0xFFFFFF60  }
0x213: {  	v3 =	vld [tilespmem:$0x0];
	_ =	sdelay $0x4  }
0x214: {  	v56 =	vshll.u32 v3, $0x1  }
0x215: {  	v3 =	vand.u32 $0x7, v3;
	v4 =	vand.u32 $0xFFFFFFF0, v56  }
0x216: {  	v3 =	vor.u32 v3, v4  }
0x217: {  	v4 =	vperm.xlane v3, v0;
	_ =	sdelay $0x1  }
0x218: {  	v3 =	vperm.xlane v3, v2;
	v4 =	vadd.s32 v1, v4;
	_ =	sdelay $0x1  }
0x219: {  	v3 =	vadd.s32 v1, v3;
	_ =	sdelay $0x2  }
0x21a: {  	[tilespmem:s6], [sflag:$0x1] =	stream.indirect_vreg.gather [hbm4b:s3+s2], $0x80, v4, vm0, $0xb8;
	[tilespmem:$0x14100] =	vst v63  }
0x21b: {  	s22 =	simm.s32 $0x900  }
0x21c: {  	[tilespmem:s22], [sflag:$0x1] =	stream.indirect_vreg.gather [hbm4b:s3+s2], $0x80, v3, vm0, $0xb8;
	[tilespmem:$0x14100] =	vst v63  }
0x21d: {  	v3 =	vld [tilespmem:$0x10];
	_ =	sdelay $0x4  }
0x21e: {  	v57 =	vshll.u32 v3, $0x1  }
0x21f: {  	v3 =	vand.u32 $0x7, v3;
	v4 =	vand.u32 $0xFFFFFFF0, v57  }
0x220: {  	v3 =	vor.u32 v3, v4  }
0x221: {  	v4 =	vperm.xlane v3, v0;
	_ =	sdelay $0x1  }
0x222: {  	v3 =	vperm.xlane v3, v2;
	v4 =	vadd.s32 v1, v4;
	_ =	sdelay $0x1  }
0x223: {  	v3 =	vadd.s32 v1, v3;
	_ =	sdelay $0x1  }
0x224: {  	s22 =	simm.s32 $0x1100  }
0x225: {  	[tilespmem:s22], [sflag:$0x1] =	stream.indirect_vreg.gather [hbm4b:s3+s2], $0x80, v4, vm0, $0xb8;
	[tilespmem:$0x14100] =	vst v63  }
0x226: {  	s22 =	simm.s32 $0x1900  }
0x227: {  	[tilespmem:s22], [sflag:$0x1] =	stream.indirect_vreg.gather [hbm4b:s3+s2], $0x80, v3, vm0, $0xb8;
	[tilespmem:$0x14100] =	vst v63  }
0x228: {  	v3 =	vld [tilespmem:$0x20];
	_ =	sdelay $0x4  }
0x229: {  	v58 =	vshll.u32 v3, $0x1  }
0x22a: {  	v3 =	vand.u32 $0x7, v3;
	v4 =	vand.u32 $0xFFFFFFF0, v58  }
0x22b: {  	v3 =	vor.u32 v3, v4  }
0x22c: {  	v4 =	vperm.xlane v3, v0;
	_ =	sdelay $0x1  }
0x22d: {  	v3 =	vperm.xlane v3, v2;
	v4 =	vadd.s32 v1, v4;
	_ =	sdelay $0x1  }
0x22e: {  	v3 =	vadd.s32 v1, v3;
	_ =	sdelay $0x1  }
0x22f: {  	s22 =	simm.s32 $0x2100  }
0x230: {  	[tilespmem:s22], [sflag:$0x1] =	stream.indirect_vreg.gather [hbm4b:s3+s2], $0x80, v4, vm0, $0xb8;
	[tilespmem:$0x14100] =	vst v63  }
0x231: {  	s22 =	simm.s32 $0x2900  }
0x232: {  	[tilespmem:s22], [sflag:$0x1] =	stream.indirect_vreg.gather [hbm4b:s3+s2], $0x80, v3, vm0, $0xb8;
	[tilespmem:$0x14100] =	vst v63  }
0x233: {  	v3 =	vld [tilespmem:$0x30];
	_ =	sdelay $0x4  }
0x234: {  	v59 =	vshll.u32 v3, $0x1  }
0x235: {  	v3 =	vand.u32 $0x7, v3;
	v4 =	vand.u32 $0xFFFFFFF0, v59  }
0x236: {  	v3 =	vor.u32 v3, v4  }
0x237: {  	v4 =	vperm.xlane v3, v0;
	_ =	sdelay $0x1  }
0x238: {  	v3 =	vperm.xlane v3, v2;
	v4 =	vadd.s32 v1, v4;
	_ =	sdelay $0x1  }
0x239: {  	v3 =	vadd.s32 v1, v3;
	_ =	sdelay $0x1  }
0x23a: {  	s22 =	simm.s32 $0x3100  }
0x23b: {  	[tilespmem:s22], [sflag:$0x1] =	stream.indirect_vreg.gather [hbm4b:s3+s2], $0x80, v4, vm0, $0xb8;
	[tilespmem:$0x14100] =	vst v63  }
0x23c: {  	s22 =	simm.s32 $0x3900  }
0x23d: {  	[tilespmem:s22], [sflag:$0x1] =	stream.indirect_vreg.gather [hbm4b:s3+s2], $0x80, v3, vm0, $0xb8;
	[tilespmem:$0x14100] =	vst v63  }
0x23e: {  	v3 =	vld [tilespmem:$0x40];
	_ =	sdelay $0x4  }
0x23f: {  	v60 =	vshll.u32 v3, $0x1  }
0x240: {  	v3 =	vand.u32 $0x7, v3;
	v4 =	vand.u32 $0xFFFFFFF0, v60  }
0x241: {  	v3 =	vor.u32 v3, v4  }
0x242: {  	v4 =	vperm.xlane v3, v0;
	_ =	sdelay $0x1  }
0x243: {  	v3 =	vperm.xlane v3, v2;
	v4 =	vadd.s32 v1, v4;
	_ =	sdelay $0x1  }
0x244: {  	v3 =	vadd.s32 v1, v3;
	_ =	sdelay $0x1  }
0x245: {  	s22 =	simm.s32 $0x4100  }
0x246: {  	[tilespmem:s22], [sflag:$0x1] =	stream.indirect_vreg.gather [hbm4b:s3+s2], $0x80, v4, vm0, $0xb8;
	[tilespmem:$0x14100] =	vst v63  }
0x247: {  	s22 =	simm.s32 $0x4900  }
0x248: {  	[tilespmem:s22], [sflag:$0x1] =	stream.indirect_vreg.gather [hbm4b:s3+s2], $0x80, v3, vm0, $0xb8;
	[tilespmem:$0x14100] =	vst v63  }
0x249: {  	v3 =	vld [tilespmem:$0x50];
	_ =	sdelay $0x4  }
0x24a: {  	v61 =	vshll.u32 v3, $0x1  }
0x24b: {  	v3 =	vand.u32 $0x7, v3;
	v4 =	vand.u32 $0xFFFFFFF0, v61  }
0x24c: {  	v3 =	vor.u32 v3, v4  }
0x24d: {  	v4 =	vperm.xlane v3, v0;
	_ =	sdelay $0x1  }
0x24e: {  	v3 =	vperm.xlane v3, v2;
	v4 =	vadd.s32 v1, v4;
	_ =	sdelay $0x1  }
0x24f: {  	v3 =	vadd.s32 v1, v3;
	_ =	sdelay $0x1  }
0x250: {  	s22 =	simm.s32 $0x5100  }
0x251: {  	[tilespmem:s22], [sflag:$0x1] =	stream.indirect_vreg.gather [hbm4b:s3+s2], $0x80, v4, vm0, $0xb8;
	[tilespmem:$0x14100] =	vst v63  }
0x252: {  	s22 =	simm.s32 $0x5900  }
0x253: {  	[tilespmem:s22], [sflag:$0x1] =	stream.indirect_vreg.gather [hbm4b:s3+s2], $0x80, v3, vm0, $0xb8;
	[tilespmem:$0x14100] =	vst v63  }
0x254: {  	v3 =	vld [tilespmem:$0x60];
	_ =	sdelay $0x4  }
0x255: {  	v62 =	vshll.u32 v3, $0x1  }
0x256: {  	v3 =	vand.u32 $0x7, v3;
	v4 =	vand.u32 $0xFFFFFFF0, v62  }
0x257: {  	v3 =	vor.u32 v3, v4  }
0x258: {  	v4 =	vperm.xlane v3, v0;
	_ =	sdelay $0x1  }
0x259: {  	v3 =	vperm.xlane v3, v2;
	v4 =	vadd.s32 v1, v4;
	_ =	sdelay $0x1  }
0x25a: {  	v3 =	vadd.s32 v1, v3;
	_ =	sdelay $0x1  }
0x25b: {  	s22 =	simm.s32 $0x6100  }
0x25c: {  	[tilespmem:s22], [sflag:$0x1] =	stream.indirect_vreg.gather [hbm4b:s3+s2], $0x80, v4, vm0, $0xb8;
	[tilespmem:$0x14100] =	vst v63  }
0x25d: {  	_ = 	snop  }
0x25e: {  	[tilespmem:s17], [sflag:$0x1] =	stream.indirect_vreg.gather [hbm4b:s3+s2], $0x80, v3, vm0, $0xb8;
	[tilespmem:$0x14100] =	vst v63  }
0x25f: {  	v3 =	vld [tilespmem:$0x70];
	_ =	sdelay $0x4  }
0x260: {  	v63 =	vshll.u32 v3, $0x1  }
0x261: {  	v3 =	vand.u32 $0x7, v3;
	v4 =	vand.u32 $0xFFFFFFF0, v63  }
0x262: {  	v3 =	vor.u32 v3, v4  }
0x263: {  	v4 =	vperm.xlane v3, v0;
	_ =	sdelay $0x1  }
0x264: {  	v3 =	vperm.xlane v3, v2;
	v4 =	vadd.s32 v1, v4;
	_ =	sdelay $0x1  }
0x265: {  	v3 =	vadd.s32 v1, v3;
	_ =	sdelay $0x2  }
0x266: {  	[tilespmem:s14], [sflag:$0x1] =	stream.indirect_vreg.gather [hbm4b:s3+s2], $0x80, v4, vm0, $0xb8;
	[tilespmem:$0x14100] =	vst v63  }
0x267: {  	_ = 	snop  }
0x268: {  	[tilespmem:s19], [sflag:$0x1] =	stream.indirect_vreg.gather [hbm4b:s3+s2], $0x80, v3, vm0, $0xb8;
	[tilespmem:$0x14100] =	vst v63  }
0x269: {  	v3 =	vld [tilespmem:$0x80];
	_ =	sdelay $0x4  }
0x26a: {  	v8 =	vshll.u32 v3, $0x1  }
0x26b: {  	v3 =	vand.u32 $0x7, v3;
	v4 =	vand.u32 $0xFFFFFFF0, v8  }
0x26c: {  	v3 =	vor.u32 v3, v4  }
0x26d: {  	v4 =	vperm.xlane v3, v0;
	_ =	sdelay $0x1  }
0x26e: {  	v3 =	vperm.xlane v3, v2;
	v4 =	vadd.s32 v1, v4;
	_ =	sdelay $0x1  }
0x26f: {  	v3 =	vadd.s32 v1, v3;
	_ =	sdelay $0x2  }
0x270: {  	[tilespmem:s15], [sflag:$0x1] =	stream.indirect_vreg.gather [hbm4b:s3+s2], $0x80, v4, vm0, $0xb8;
	[tilespmem:$0x14100] =	vst v63  }
0x271: {  	_ = 	snop  }
0x272: {  	[tilespmem:s23], [sflag:$0x1] =	stream.indirect_vreg.gather [hbm4b:s3+s2], $0x80, v3, vm0, $0xb8;
	[tilespmem:$0x14100] =	vst v63  }
0x273: {  	v3 =	vld [tilespmem:$0x90];
	_ =	sdelay $0x4  }
0x274: {  	v9 =	vshll.u32 v3, $0x1  }
0x275: {  	v3 =	vand.u32 $0x7, v3;
	v4 =	vand.u32 $0xFFFFFFF0, v9  }
0x276: {  	v3 =	vor.u32 v3, v4  }
0x277: {  	v4 =	vperm.xlane v3, v0;
	_ =	sdelay $0x1  }
0x278: {  	v3 =	vperm.xlane v3, v2;
	v4 =	vadd.s32 v1, v4;
	_ =	sdelay $0x1  }
0x279: {  	v3 =	vadd.s32 v1, v3;
	_ =	sdelay $0x2  }
0x27a: {  	[tilespmem:s16], [sflag:$0x1] =	stream.indirect_vreg.gather [hbm4b:s3+s2], $0x80, v4, vm0, $0xb8;
	[tilespmem:$0x14100] =	vst v63  }
0x27b: {  	s13 =	simm.s32 $0x9900  }
0x27c: {  	[tilespmem:s13], [sflag:$0x1] =	stream.indirect_vreg.gather [hbm4b:s3+s2], $0x80, v3, vm0, $0xb8;
	[tilespmem:$0x14100] =	vst v63  }
0x27d: {  	s22 =	rddreg [dreg:$0xb]  }
0x27e: {  	[hbm4b:s22+s2] =	stream.linear.scatter [tilespmem:s28], [sflag:$0x3], $0xA000, $0x38;
	[tilespmem:$0x14100] =	vst v63  }
0x27f: {  	_ =	swait.ge [sflag:s5], $0xA000  }
0x280: {  	[sflag:s5] =	ssyncset.done $0x0  }
0x281: {  	[sflag:s5] =	ssyncadd.s32 $0xFFFF6000  }
0x282: {  	_ =	swait.ge [sflag:s26], $0xA000  }
0x283: {  	[sflag:s26] =	ssyncset.done $0x0  }
0x284: {  	s13 =	rddreg [dreg:$0xc];
	[sflag:s26] =	ssyncadd.s32 $0xFFFF6000  }
0x285: {  	[tilespmem:s2], [sflag:$0x3] =	stream.linear.gather [hbm4b:s13+s2], $0xA0, $0x38;
	[tilespmem:$0x14100] =	vst v63  }
0x286: {  	_ =	swait.ge [sflag:s5], $0xA0  }
0x287: {  	[sflag:s5] =	ssyncset.done $0x0  }
0x288: {  	[sflag:s5] =	ssyncadd.s32 $0xFFFFFF60  }
0x289: {  	v3 =	vld [tilespmem:$0x0];
	_ =	sdelay $0x4  }
0x28a: {  	v10 =	vshll.u32 v3, $0x1  }
0x28b: {  	v3 =	vand.u32 $0x7, v3;
	v4 =	vand.u32 $0xFFFFFFF0, v10  }
0x28c: {  	v3 =	vor.u32 v3, v4  }
0x28d: {  	v4 =	vperm.xlane v3, v0;
	_ =	sdelay $0x1  }
0x28e: {  	v3 =	vperm.xlane v3, v2;
	v4 =	vadd.s32 v1, v4;
	_ =	sdelay $0x1  }
0x28f: {  	v3 =	vadd.s32 v1, v3;
	_ =	sdelay $0x2  }
0x290: {  	[tilespmem:s28], [sflag:$0x2] =	stream.indirect_vreg.gather [hbm4b:s3+s2], $0x80, v4, vm0, $0xb8;
	[tilespmem:$0x14100] =	vst v63  }
0x291: {  	s13 =	simm.s32 $0xA900  }
0x292: {  	[tilespmem:s13], [sflag:$0x2] =	stream.indirect_vreg.gather [hbm4b:s3+s2], $0x80, v3, vm0, $0xb8;
	[tilespmem:$0x14100] =	vst v63  }
0x293: {  	v3 =	vld [tilespmem:$0x10];
	_ =	sdelay $0x4  }
0x294: {  	v11 =	vshll.u32 v3, $0x1  }
0x295: {  	v3 =	vand.u32 $0x7, v3;
	v4 =	vand.u32 $0xFFFFFFF0, v11  }
0x296: {  	v3 =	vor.u32 v3, v4  }
0x297: {  	v4 =	vperm.xlane v3, v0;
	_ =	sdelay $0x1  }
0x298: {  	v3 =	vperm.xlane v3, v2;
	v4 =	vadd.s32 v1, v4;
	_ =	sdelay $0x1  }
0x299: {  	v3 =	vadd.s32 v1, v3;
	_ =	sdelay $0x1  }
0x29a: {  	s24 =	simm.s32 $0xB100  }
0x29b: {  	[tilespmem:s24], [sflag:$0x2] =	stream.indirect_vreg.gather [hbm4b:s3+s2], $0x80, v4, vm0, $0xb8;
	[tilespmem:$0x14100] =	vst v63  }
0x29c: {  	s13 =	simm.s32 $0xB900  }
0x29d: {  	[tilespmem:s13], [sflag:$0x2] =	stream.indirect_vreg.gather [hbm4b:s3+s2], $0x80, v3, vm0, $0xb8;
	[tilespmem:$0x14100] =	vst v63  }
0x29e: {  	v3 =	vld [tilespmem:$0x20];
	_ =	sdelay $0x4  }
0x29f: {  	v12 =	vshll.u32 v3, $0x1  }
0x2a0: {  	v3 =	vand.u32 $0x7, v3;
	v4 =	vand.u32 $0xFFFFFFF0, v12  }
0x2a1: {  	v3 =	vor.u32 v3, v4  }
0x2a2: {  	v4 =	vperm.xlane v3, v0;
	_ =	sdelay $0x1  }
0x2a3: {  	v3 =	vperm.xlane v3, v2;
	v4 =	vadd.s32 v1, v4;
	_ =	sdelay $0x1  }
0x2a4: {  	v3 =	vadd.s32 v1, v3;
	_ =	sdelay $0x2  }
0x2a5: {  	[tilespmem:s18], [sflag:$0x2] =	stream.indirect_vreg.gather [hbm4b:s3+s2], $0x80, v4, vm0, $0xb8;
	[tilespmem:$0x14100] =	vst v63  }
0x2a6: {  	s25 =	simm.s32 $0xC900  }
0x2a7: {  	[tilespmem:s25], [sflag:$0x2] =	stream.indirect_vreg.gather [hbm4b:s3+s2], $0x80, v3, vm0, $0xb8;
	[tilespmem:$0x14100] =	vst v63  }
0x2a8: {  	v3 =	vld [tilespmem:$0x30];
	_ =	sdelay $0x4  }
0x2a9: {  	v13 =	vshll.u32 v3, $0x1  }
0x2aa: {  	v3 =	vand.u32 $0x7, v3;
	v4 =	vand.u32 $0xFFFFFFF0, v13  }
0x2ab: {  	v3 =	vor.u32 v3, v4  }
0x2ac: {  	v4 =	vperm.xlane v3, v0;
	_ =	sdelay $0x1  }
0x2ad: {  	v3 =	vperm.xlane v3, v2;
	v4 =	vadd.s32 v1, v4;
	_ =	sdelay $0x1  }
0x2ae: {  	v3 =	vadd.s32 v1, v3;
	_ =	sdelay $0x2  }
0x2af: {  	[tilespmem:s0], [sflag:$0x2] =	stream.indirect_vreg.gather [hbm4b:s3+s2], $0x80, v4, vm0, $0xb8;
	[tilespmem:$0x14100] =	vst v63  }
0x2b0: {  	s29 =	simm.s32 $0xD900  }
0x2b1: {  	[tilespmem:s29], [sflag:$0x2] =	stream.indirect_vreg.gather [hbm4b:s3+s2], $0x80, v3, vm0, $0xb8;
	[tilespmem:$0x14100] =	vst v63  }
0x2b2: {  	v3 =	vld [tilespmem:$0x40];
	_ =	sdelay $0x4  }
0x2b3: {  	v14 =	vshll.u32 v3, $0x1  }
0x2b4: {  	v3 =	vand.u32 $0x7, v3;
	v4 =	vand.u32 $0xFFFFFFF0, v14  }
0x2b5: {  	v3 =	vor.u32 v3, v4  }
0x2b6: {  	v4 =	vperm.xlane v3, v0;
	_ =	sdelay $0x1  }
0x2b7: {  	v3 =	vperm.xlane v3, v2;
	v4 =	vadd.s32 v1, v4;
	_ =	sdelay $0x1  }
0x2b8: {  	v3 =	vadd.s32 v1, v3;
	_ =	sdelay $0x2  }
0x2b9: {  	[tilespmem:s1], [sflag:$0x2] =	stream.indirect_vreg.gather [hbm4b:s3+s2], $0x80, v4, vm0, $0xb8;
	[tilespmem:$0x14100] =	vst v63  }
0x2ba: {  	s30 =	simm.s32 $0xE900  }
0x2bb: {  	[tilespmem:s30], [sflag:$0x2] =	stream.indirect_vreg.gather [hbm4b:s3+s2], $0x80, v3, vm0, $0xb8;
	[tilespmem:$0x14100] =	vst v63  }
0x2bc: {  	v3 =	vld [tilespmem:$0x50];
	_ =	sdelay $0x4  }
0x2bd: {  	v15 =	vshll.u32 v3, $0x1  }
0x2be: {  	v3 =	vand.u32 $0x7, v3;
	v4 =	vand.u32 $0xFFFFFFF0, v15  }
0x2bf: {  	v3 =	vor.u32 v3, v4  }
0x2c0: {  	v4 =	vperm.xlane v3, v0;
	_ =	sdelay $0x1  }
0x2c1: {  	v3 =	vperm.xlane v3, v2;
	v4 =	vadd.s32 v1, v4;
	_ =	sdelay $0x1  }
0x2c2: {  	v3 =	vadd.s32 v1, v3;
	_ =	sdelay $0x2  }
0x2c3: {  	[tilespmem:s4], [sflag:$0x2] =	stream.indirect_vreg.gather [hbm4b:s3+s2], $0x80, v4, vm0, $0xb8;
	[tilespmem:$0x14100] =	vst v63  }
0x2c4: {  	s31 =	simm.s32 $0xF900  }
0x2c5: {  	[tilespmem:s31], [sflag:$0x2] =	stream.indirect_vreg.gather [hbm4b:s3+s2], $0x80, v3, vm0, $0xb8;
	[tilespmem:$0x14100] =	vst v63  }
0x2c6: {  	v3 =	vld [tilespmem:$0x60];
	_ =	sdelay $0x4  }
0x2c7: {  	v16 =	vshll.u32 v3, $0x1  }
0x2c8: {  	v3 =	vand.u32 $0x7, v3;
	v4 =	vand.u32 $0xFFFFFFF0, v16  }
0x2c9: {  	v3 =	vor.u32 v3, v4  }
0x2ca: {  	v4 =	vperm.xlane v3, v0;
	_ =	sdelay $0x1  }
0x2cb: {  	v3 =	vperm.xlane v3, v2;
	v4 =	vadd.s32 v1, v4;
	_ =	sdelay $0x1  }
0x2cc: {  	v3 =	vadd.s32 v1, v3;
	_ =	sdelay $0x2  }
0x2cd: {  	[tilespmem:s20], [sflag:$0x2] =	stream.indirect_vreg.gather [hbm4b:s3+s2], $0x80, v4, vm0, $0xb8;
	[tilespmem:$0x14100] =	vst v63  }
0x2ce: {  	_ = 	snop  }
0x2cf: {  	[tilespmem:s9], [sflag:$0x2] =	stream.indirect_vreg.gather [hbm4b:s3+s2], $0x80, v3, vm0, $0xb8;
	[tilespmem:$0x14100] =	vst v63  }
0x2d0: {  	v3 =	vld [tilespmem:$0x70];
	_ =	sdelay $0x4  }
0x2d1: {  	v17 =	vshll.u32 v3, $0x1  }
0x2d2: {  	v3 =	vand.u32 $0x7, v3;
	v4 =	vand.u32 $0xFFFFFFF0, v17  }
0x2d3: {  	v3 =	vor.u32 v3, v4  }
0x2d4: {  	v4 =	vperm.xlane v3, v0;
	_ =	sdelay $0x1  }
0x2d5: {  	v3 =	vperm.xlane v3, v2;
	v4 =	vadd.s32 v1, v4;
	_ =	sdelay $0x1  }
0x2d6: {  	v3 =	vadd.s32 v1, v3;
	_ =	sdelay $0x2  }
0x2d7: {  	[tilespmem:s7], [sflag:$0x2] =	stream.indirect_vreg.gather [hbm4b:s3+s2], $0x80, v4, vm0, $0xb8;
	[tilespmem:$0x14100] =	vst v63  }
0x2d8: {  	_ = 	snop  }
0x2d9: {  	[tilespmem:s10], [sflag:$0x2] =	stream.indirect_vreg.gather [hbm4b:s3+s2], $0x80, v3, vm0, $0xb8;
	[tilespmem:$0x14100] =	vst v63  }
0x2da: {  	v3 =	vld [tilespmem:$0x80];
	_ =	sdelay $0x4  }
0x2db: {  	v18 =	vshll.u32 v3, $0x1  }
0x2dc: {  	v3 =	vand.u32 $0x7, v3;
	v4 =	vand.u32 $0xFFFFFFF0, v18  }
0x2dd: {  	v3 =	vor.u32 v3, v4  }
0x2de: {  	v4 =	vperm.xlane v3, v0;
	_ =	sdelay $0x1  }
0x2df: {  	v3 =	vperm.xlane v3, v2;
	v4 =	vadd.s32 v1, v4;
	_ =	sdelay $0x1  }
0x2e0: {  	v3 =	vadd.s32 v1, v3;
	_ =	sdelay $0x2  }
0x2e1: {  	[tilespmem:s8], [sflag:$0x2] =	stream.indirect_vreg.gather [hbm4b:s3+s2], $0x80, v4, vm0, $0xb8;
	[tilespmem:$0x14100] =	vst v63  }
0x2e2: {  	_ = 	snop  }
0x2e3: {  	[tilespmem:s11], [sflag:$0x2] =	stream.indirect_vreg.gather [hbm4b:s3+s2], $0x80, v3, vm0, $0xb8;
	[tilespmem:$0x14100] =	vst v63  }
0x2e4: {  	v3 =	vld [tilespmem:$0x90];
	_ =	sdelay $0x4  }
0x2e5: {  	v19 =	vshll.u32 v3, $0x1  }
0x2e6: {  	v3 =	vand.u32 $0x7, v3;
	v4 =	vand.u32 $0xFFFFFFF0, v19  }
0x2e7: {  	v3 =	vor.u32 v3, v4  }
0x2e8: {  	v4 =	vperm.xlane v3, v0;
	_ =	sdelay $0x1  }
0x2e9: {  	v3 =	vperm.xlane v3, v2;
	v4 =	vadd.s32 v1, v4;
	_ =	sdelay $0x1  }
0x2ea: {  	v3 =	vadd.s32 v1, v3;
	_ =	sdelay $0x2  }
0x2eb: {  	[tilespmem:s12], [sflag:$0x2] =	stream.indirect_vreg.gather [hbm4b:s3+s2], $0x80, v4, vm0, $0xb8;
	[tilespmem:$0x14100] =	vst v63  }
0x2ec: {  	s12 =	simm.s32 $0x13900  }
0x2ed: {  	[tilespmem:s12], [sflag:$0x2] =	stream.indirect_vreg.gather [hbm4b:s3+s2], $0x80, v3, vm0, $0xb8;
	[tilespmem:$0x14100] =	vst v63  }
0x2ee: {  	s22 =	rddreg [dreg:$0xd]  }
0x2ef: {  	[hbm4b:s22+s2] =	stream.linear.scatter [tilespmem:s6], [sflag:$0x3], $0xA000, $0x38;
	[tilespmem:$0x14100] =	vst v63  }
0x2f0: {  	_ =	swait.ge [sflag:s5], $0xA000  }
0x2f1: {  	[sflag:s5] =	ssyncset.done $0x0  }
0x2f2: {  	[sflag:s5] =	ssyncadd.s32 $0xFFFF6000  }
0x2f3: {  	_ =	swait.ge [sflag:s21], $0xA000  }
0x2f4: {  	[sflag:s21] =	ssyncset.done $0x0  }
0x2f5: {  	s12 =	rddreg [dreg:$0xe];
	[sflag:s21] =	ssyncadd.s32 $0xFFFF6000  }
0x2f6: {  	[tilespmem:s2], [sflag:$0x3] =	stream.linear.gather [hbm4b:s12+s2], $0xA0, $0x38;
	[tilespmem:$0x14100] =	vst v63  }
0x2f7: {  	_ =	swait.ge [sflag:s5], $0xA0  }
0x2f8: {  	[sflag:s5] =	ssyncset.done $0x0  }
0x2f9: {  	[sflag:s5] =	ssyncadd.s32 $0xFFFFFF60  }
0x2fa: {  	v3 =	vld [tilespmem:$0x0];
	_ =	sdelay $0x4  }
0x2fb: {  	v20 =	vshll.u32 v3, $0x1  }
0x2fc: {  	v3 =	vand.u32 $0x7, v3;
	v4 =	vand.u32 $0xFFFFFFF0, v20  }
0x2fd: {  	v3 =	vor.u32 v3, v4  }
0x2fe: {  	v4 =	vperm.xlane v3, v0;
	_ =	sdelay $0x1  }
0x2ff: {  	v3 =	vperm.xlane v3, v2;
	v4 =	vadd.s32 v1, v4;
	_ =	sdelay $0x1  }
0x300: {  	v3 =	vadd.s32 v1, v3;
	_ =	sdelay $0x2  }
0x301: {  	[tilespmem:s6], [sflag:$0x1] =	stream.indirect_vreg.gather [hbm4b:s3+s2], $0x80, v4, vm0, $0xb8;
	[tilespmem:$0x14100] =	vst v63  }
0x302: {  	s22 =	simm.s32 $0x900  }
0x303: {  	[tilespmem:s22], [sflag:$0x1] =	stream.indirect_vreg.gather [hbm4b:s3+s2], $0x80, v3, vm0, $0xb8;
	[tilespmem:$0x14100] =	vst v63  }
0x304: {  	v3 =	vld [tilespmem:$0x10];
	_ =	sdelay $0x4  }
0x305: {  	v21 =	vshll.u32 v3, $0x1  }
0x306: {  	v3 =	vand.u32 $0x7, v3;
	v4 =	vand.u32 $0xFFFFFFF0, v21  }
0x307: {  	v3 =	vor.u32 v3, v4  }
0x308: {  	v4 =	vperm.xlane v3, v0;
	_ =	sdelay $0x1  }
0x309: {  	v3 =	vperm.xlane v3, v2;
	v4 =	vadd.s32 v1, v4;
	_ =	sdelay $0x1  }
0x30a: {  	v3 =	vadd.s32 v1, v3;
	_ =	sdelay $0x1  }
0x30b: {  	s22 =	simm.s32 $0x1100  }
0x30c: {  	[tilespmem:s22], [sflag:$0x1] =	stream.indirect_vreg.gather [hbm4b:s3+s2], $0x80, v4, vm0, $0xb8;
	[tilespmem:$0x14100] =	vst v63  }
0x30d: {  	s22 =	simm.s32 $0x1900  }
0x30e: {  	[tilespmem:s22], [sflag:$0x1] =	stream.indirect_vreg.gather [hbm4b:s3+s2], $0x80, v3, vm0, $0xb8;
	[tilespmem:$0x14100] =	vst v63  }
0x30f: {  	v3 =	vld [tilespmem:$0x20];
	_ =	sdelay $0x4  }
0x310: {  	v22 =	vshll.u32 v3, $0x1  }
0x311: {  	v3 =	vand.u32 $0x7, v3;
	v4 =	vand.u32 $0xFFFFFFF0, v22  }
0x312: {  	v3 =	vor.u32 v3, v4  }
0x313: {  	v4 =	vperm.xlane v3, v0;
	_ =	sdelay $0x1  }
0x314: {  	v3 =	vperm.xlane v3, v2;
	v4 =	vadd.s32 v1, v4;
	_ =	sdelay $0x1  }
0x315: {  	v3 =	vadd.s32 v1, v3;
	_ =	sdelay $0x1  }
0x316: {  	s22 =	simm.s32 $0x2100  }
0x317: {  	[tilespmem:s22], [sflag:$0x1] =	stream.indirect_vreg.gather [hbm4b:s3+s2], $0x80, v4, vm0, $0xb8;
	[tilespmem:$0x14100] =	vst v63  }
0x318: {  	s22 =	simm.s32 $0x2900  }
0x319: {  	[tilespmem:s22], [sflag:$0x1] =	stream.indirect_vreg.gather [hbm4b:s3+s2], $0x80, v3, vm0, $0xb8;
	[tilespmem:$0x14100] =	vst v63  }
0x31a: {  	v3 =	vld [tilespmem:$0x30];
	_ =	sdelay $0x4  }
0x31b: {  	v23 =	vshll.u32 v3, $0x1  }
0x31c: {  	v3 =	vand.u32 $0x7, v3;
	v4 =	vand.u32 $0xFFFFFFF0, v23  }
0x31d: {  	v3 =	vor.u32 v3, v4  }
0x31e: {  	v4 =	vperm.xlane v3, v0;
	_ =	sdelay $0x1  }
0x31f: {  	v3 =	vperm.xlane v3, v2;
	v4 =	vadd.s32 v1, v4;
	_ =	sdelay $0x1  }
0x320: {  	v3 =	vadd.s32 v1, v3;
	_ =	sdelay $0x1  }
0x321: {  	s22 =	simm.s32 $0x3100  }
0x322: {  	[tilespmem:s22], [sflag:$0x1] =	stream.indirect_vreg.gather [hbm4b:s3+s2], $0x80, v4, vm0, $0xb8;
	[tilespmem:$0x14100] =	vst v63  }
0x323: {  	s22 =	simm.s32 $0x3900  }
0x324: {  	[tilespmem:s22], [sflag:$0x1] =	stream.indirect_vreg.gather [hbm4b:s3+s2], $0x80, v3, vm0, $0xb8;
	[tilespmem:$0x14100] =	vst v63  }
0x325: {  	v3 =	vld [tilespmem:$0x40];
	_ =	sdelay $0x4  }
0x326: {  	v24 =	vshll.u32 v3, $0x1  }
0x327: {  	v3 =	vand.u32 $0x7, v3;
	v4 =	vand.u32 $0xFFFFFFF0, v24  }
0x328: {  	v3 =	vor.u32 v3, v4  }
0x329: {  	v4 =	vperm.xlane v3, v0;
	_ =	sdelay $0x1  }
0x32a: {  	v3 =	vperm.xlane v3, v2;
	v4 =	vadd.s32 v1, v4;
	_ =	sdelay $0x1  }
0x32b: {  	v3 =	vadd.s32 v1, v3;
	_ =	sdelay $0x1  }
0x32c: {  	s22 =	simm.s32 $0x4100  }
0x32d: {  	[tilespmem:s22], [sflag:$0x1] =	stream.indirect_vreg.gather [hbm4b:s3+s2], $0x80, v4, vm0, $0xb8;
	[tilespmem:$0x14100] =	vst v63  }
0x32e: {  	s22 =	simm.s32 $0x4900  }
0x32f: {  	[tilespmem:s22], [sflag:$0x1] =	stream.indirect_vreg.gather [hbm4b:s3+s2], $0x80, v3, vm0, $0xb8;
	[tilespmem:$0x14100] =	vst v63  }
0x330: {  	v3 =	vld [tilespmem:$0x50];
	_ =	sdelay $0x4  }
0x331: {  	v25 =	vshll.u32 v3, $0x1  }
0x332: {  	v3 =	vand.u32 $0x7, v3;
	v4 =	vand.u32 $0xFFFFFFF0, v25  }
0x333: {  	v3 =	vor.u32 v3, v4  }
0x334: {  	v4 =	vperm.xlane v3, v0;
	_ =	sdelay $0x1  }
0x335: {  	v3 =	vperm.xlane v3, v2;
	v4 =	vadd.s32 v1, v4;
	_ =	sdelay $0x1  }
0x336: {  	v3 =	vadd.s32 v1, v3;
	_ =	sdelay $0x1  }
0x337: {  	s22 =	simm.s32 $0x5100  }
0x338: {  	[tilespmem:s22], [sflag:$0x1] =	stream.indirect_vreg.gather [hbm4b:s3+s2], $0x80, v4, vm0, $0xb8;
	[tilespmem:$0x14100] =	vst v63  }
0x339: {  	s22 =	simm.s32 $0x5900  }
0x33a: {  	[tilespmem:s22], [sflag:$0x1] =	stream.indirect_vreg.gather [hbm4b:s3+s2], $0x80, v3, vm0, $0xb8;
	[tilespmem:$0x14100] =	vst v63  }
0x33b: {  	v3 =	vld [tilespmem:$0x60];
	_ =	sdelay $0x4  }
0x33c: {  	v26 =	vshll.u32 v3, $0x1  }
0x33d: {  	v3 =	vand.u32 $0x7, v3;
	v4 =	vand.u32 $0xFFFFFFF0, v26  }
0x33e: {  	v3 =	vor.u32 v3, v4  }
0x33f: {  	v4 =	vperm.xlane v3, v0;
	_ =	sdelay $0x1  }
0x340: {  	v3 =	vperm.xlane v3, v2;
	v4 =	vadd.s32 v1, v4;
	_ =	sdelay $0x1  }
0x341: {  	v3 =	vadd.s32 v1, v3;
	_ =	sdelay $0x1  }
0x342: {  	s22 =	simm.s32 $0x6100  }
0x343: {  	[tilespmem:s22], [sflag:$0x1] =	stream.indirect_vreg.gather [hbm4b:s3+s2], $0x80, v4, vm0, $0xb8;
	[tilespmem:$0x14100] =	vst v63  }
0x344: {  	s17 =	simm.s32 $0x6900  }
0x345: {  	[tilespmem:s17], [sflag:$0x1] =	stream.indirect_vreg.gather [hbm4b:s3+s2], $0x80, v3, vm0, $0xb8;
	[tilespmem:$0x14100] =	vst v63  }
0x346: {  	v3 =	vld [tilespmem:$0x70];
	_ =	sdelay $0x4  }
0x347: {  	v27 =	vshll.u32 v3, $0x1  }
0x348: {  	v3 =	vand.u32 $0x7, v3;
	v4 =	vand.u32 $0xFFFFFFF0, v27  }
0x349: {  	v3 =	vor.u32 v3, v4  }
0x34a: {  	v4 =	vperm.xlane v3, v0;
	_ =	sdelay $0x1  }
0x34b: {  	v3 =	vperm.xlane v3, v2;
	v4 =	vadd.s32 v1, v4;
	_ =	sdelay $0x1  }
0x34c: {  	v3 =	vadd.s32 v1, v3;
	_ =	sdelay $0x1  }
0x34d: {  	s14 =	simm.s32 $0x7100  }
0x34e: {  	[tilespmem:s14], [sflag:$0x1] =	stream.indirect_vreg.gather [hbm4b:s3+s2], $0x80, v4, vm0, $0xb8;
	[tilespmem:$0x14100] =	vst v63  }
0x34f: {  	s19 =	simm.s32 $0x7900  }
0x350: {  	[tilespmem:s19], [sflag:$0x1] =	stream.indirect_vreg.gather [hbm4b:s3+s2], $0x80, v3, vm0, $0xb8;
	[tilespmem:$0x14100] =	vst v63  }
0x351: {  	v3 =	vld [tilespmem:$0x80];
	_ =	sdelay $0x4  }
0x352: {  	v28 =	vshll.u32 v3, $0x1  }
0x353: {  	v3 =	vand.u32 $0x7, v3;
	v4 =	vand.u32 $0xFFFFFFF0, v28  }
0x354: {  	v3 =	vor.u32 v3, v4  }
0x355: {  	v4 =	vperm.xlane v3, v0;
	_ =	sdelay $0x1  }
0x356: {  	v3 =	vperm.xlane v3, v2;
	v4 =	vadd.s32 v1, v4;
	_ =	sdelay $0x1  }
0x357: {  	v3 =	vadd.s32 v1, v3;
	_ =	sdelay $0x1  }
0x358: {  	s15 =	simm.s32 $0x8100  }
0x359: {  	[tilespmem:s15], [sflag:$0x1] =	stream.indirect_vreg.gather [hbm4b:s3+s2], $0x80, v4, vm0, $0xb8;
	[tilespmem:$0x14100] =	vst v63  }
0x35a: {  	s23 =	simm.s32 $0x8900  }
0x35b: {  	[tilespmem:s23], [sflag:$0x1] =	stream.indirect_vreg.gather [hbm4b:s3+s2], $0x80, v3, vm0, $0xb8;
	[tilespmem:$0x14100] =	vst v63  }
0x35c: {  	v3 =	vld [tilespmem:$0x90];
	_ =	sdelay $0x4  }
0x35d: {  	v29 =	vshll.u32 v3, $0x1  }
0x35e: {  	v3 =	vand.u32 $0x7, v3;
	v4 =	vand.u32 $0xFFFFFFF0, v29  }
0x35f: {  	v3 =	vor.u32 v3, v4  }
0x360: {  	v4 =	vperm.xlane v3, v0;
	_ =	sdelay $0x1  }
0x361: {  	v3 =	vperm.xlane v3, v2;
	v4 =	vadd.s32 v1, v4;
	_ =	sdelay $0x1  }
0x362: {  	v3 =	vadd.s32 v1, v3;
	_ =	sdelay $0x1  }
0x363: {  	s16 =	simm.s32 $0x9100  }
0x364: {  	[tilespmem:s16], [sflag:$0x1] =	stream.indirect_vreg.gather [hbm4b:s3+s2], $0x80, v4, vm0, $0xb8;
	[tilespmem:$0x14100] =	vst v63  }
0x365: {  	s17 =	simm.s32 $0x9900  }
0x366: {  	[tilespmem:s17], [sflag:$0x1] =	stream.indirect_vreg.gather [hbm4b:s3+s2], $0x80, v3, vm0, $0xb8;
	[tilespmem:$0x14100] =	vst v63  }
0x367: {  	s22 =	rddreg [dreg:$0xf]  }
0x368: {  	[hbm4b:s22+s2] =	stream.linear.scatter [tilespmem:s28], [sflag:$0x3], $0xA000, $0x38;
	[tilespmem:$0x14100] =	vst v63  }
0x369: {  	_ =	swait.ge [sflag:s5], $0xA000  }
0x36a: {  	[sflag:s5] =	ssyncset.done $0x0  }
0x36b: {  	[sflag:s5] =	ssyncadd.s32 $0xFFFF6000  }
0x36c: {  	_ =	swait.ge [sflag:s26], $0xA000  }
0x36d: {  	[sflag:s26] =	ssyncset.done $0x0  }
0x36e: {  	s17 =	rddreg [dreg:$0x10];
	[sflag:s26] =	ssyncadd.s32 $0xFFFF6000  }
0x36f: {  	[tilespmem:s2], [sflag:$0x3] =	stream.linear.gather [hbm4b:s17+s2], $0xA0, $0x38;
	[tilespmem:$0x14100] =	vst v63  }
0x370: {  	_ =	swait.ge [sflag:s5], $0xA0  }
0x371: {  	[sflag:s5] =	ssyncset.done $0x0  }
0x372: {  	[sflag:s5] =	ssyncadd.s32 $0xFFFFFF60  }
0x373: {  	v3 =	vld [tilespmem:$0x0];
	_ =	sdelay $0x4  }
0x374: {  	v30 =	vshll.u32 v3, $0x1  }
0x375: {  	v3 =	vand.u32 $0x7, v3;
	v4 =	vand.u32 $0xFFFFFFF0, v30  }
0x376: {  	v3 =	vor.u32 v3, v4  }
0x377: {  	v4 =	vperm.xlane v3, v0;
	_ =	sdelay $0x1  }
0x378: {  	v3 =	vperm.xlane v3, v2;
	v4 =	vadd.s32 v1, v4;
	_ =	sdelay $0x1  }
0x379: {  	v3 =	vadd.s32 v1, v3;
	_ =	sdelay $0x2  }
0x37a: {  	[tilespmem:s28], [sflag:$0x2] =	stream.indirect_vreg.gather [hbm4b:s3+s2], $0x80, v4, vm0, $0xb8;
	[tilespmem:$0x14100] =	vst v63  }
0x37b: {  	s22 =	simm.s32 $0xA900  }
0x37c: {  	[tilespmem:s22], [sflag:$0x2] =	stream.indirect_vreg.gather [hbm4b:s3+s2], $0x80, v3, vm0, $0xb8;
	[tilespmem:$0x14100] =	vst v63  }
0x37d: {  	v3 =	vld [tilespmem:$0x10];
	_ =	sdelay $0x4  }
0x37e: {  	v31 =	vshll.u32 v3, $0x1  }
0x37f: {  	v3 =	vand.u32 $0x7, v3;
	v4 =	vand.u32 $0xFFFFFFF0, v31  }
0x380: {  	v3 =	vor.u32 v3, v4  }
0x381: {  	v4 =	vperm.xlane v3, v0;
	_ =	sdelay $0x1  }
0x382: {  	v3 =	vperm.xlane v3, v2;
	v4 =	vadd.s32 v1, v4;
	_ =	sdelay $0x1  }
0x383: {  	v3 =	vadd.s32 v1, v3;
	_ =	sdelay $0x1  }
0x384: {  	s24 =	simm.s32 $0xB100  }
0x385: {  	[tilespmem:s24], [sflag:$0x2] =	stream.indirect_vreg.gather [hbm4b:s3+s2], $0x80, v4, vm0, $0xb8;
	[tilespmem:$0x14100] =	vst v63  }
0x386: {  	s24 =	simm.s32 $0xB900  }
0x387: {  	[tilespmem:s24], [sflag:$0x2] =	stream.indirect_vreg.gather [hbm4b:s3+s2], $0x80, v3, vm0, $0xb8;
	[tilespmem:$0x14100] =	vst v63  }
0x388: {  	v3 =	vld [tilespmem:$0x20];
	_ =	sdelay $0x4  }
0x389: {  	v32 =	vshll.u32 v3, $0x1  }
0x38a: {  	v3 =	vand.u32 $0x7, v3;
	v4 =	vand.u32 $0xFFFFFFF0, v32  }
0x38b: {  	v3 =	vor.u32 v3, v4  }
0x38c: {  	v4 =	vperm.xlane v3, v0;
	_ =	sdelay $0x1  }
0x38d: {  	v3 =	vperm.xlane v3, v2;
	v4 =	vadd.s32 v1, v4;
	_ =	sdelay $0x1  }
0x38e: {  	v3 =	vadd.s32 v1, v3;
	_ =	sdelay $0x1  }
0x38f: {  	s13 =	simm.s32 $0xC100  }
0x390: {  	[tilespmem:s13], [sflag:$0x2] =	stream.indirect_vreg.gather [hbm4b:s3+s2], $0x80, v4, vm0, $0xb8;
	[tilespmem:$0x14100] =	vst v63  }
0x391: {  	s18 =	simm.s32 $0xC900  }
0x392: {  	[tilespmem:s18], [sflag:$0x2] =	stream.indirect_vreg.gather [hbm4b:s3+s2], $0x80, v3, vm0, $0xb8;
	[tilespmem:$0x14100] =	vst v63  }
0x393: {  	v3 =	vld [tilespmem:$0x30];
	_ =	sdelay $0x4  }
0x394: {  	v33 =	vshll.u32 v3, $0x1  }
0x395: {  	v3 =	vand.u32 $0x7, v3;
	v4 =	vand.u32 $0xFFFFFFF0, v33  }
0x396: {  	v3 =	vor.u32 v3, v4  }
0x397: {  	v4 =	vperm.xlane v3, v0;
	_ =	sdelay $0x1  }
0x398: {  	v3 =	vperm.xlane v3, v2;
	v4 =	vadd.s32 v1, v4;
	_ =	sdelay $0x1  }
0x399: {  	v3 =	vadd.s32 v1, v3;
	_ =	sdelay $0x1  }
0x39a: {  	s0 =	simm.s32 $0xD100  }
0x39b: {  	[tilespmem:s0], [sflag:$0x2] =	stream.indirect_vreg.gather [hbm4b:s3+s2], $0x80, v4, vm0, $0xb8;
	[tilespmem:$0x14100] =	vst v63  }
0x39c: {  	s25 =	simm.s32 $0xD900  }
0x39d: {  	[tilespmem:s25], [sflag:$0x2] =	stream.indirect_vreg.gather [hbm4b:s3+s2], $0x80, v3, vm0, $0xb8;
	[tilespmem:$0x14100] =	vst v63  }
0x39e: {  	v3 =	vld [tilespmem:$0x40];
	_ =	sdelay $0x4  }
0x39f: {  	v34 =	vshll.u32 v3, $0x1  }
0x3a0: {  	v3 =	vand.u32 $0x7, v3;
	v4 =	vand.u32 $0xFFFFFFF0, v34  }
0x3a1: {  	v3 =	vor.u32 v3, v4  }
0x3a2: {  	v4 =	vperm.xlane v3, v0;
	_ =	sdelay $0x1  }
0x3a3: {  	v3 =	vperm.xlane v3, v2;
	v4 =	vadd.s32 v1, v4;
	_ =	sdelay $0x1  }
0x3a4: {  	v3 =	vadd.s32 v1, v3;
	_ =	sdelay $0x1  }
0x3a5: {  	s1 =	simm.s32 $0xE100  }
0x3a6: {  	[tilespmem:s1], [sflag:$0x2] =	stream.indirect_vreg.gather [hbm4b:s3+s2], $0x80, v4, vm0, $0xb8;
	[tilespmem:$0x14100] =	vst v63  }
0x3a7: {  	s30 =	simm.s32 $0xE900  }
0x3a8: {  	[tilespmem:s30], [sflag:$0x2] =	stream.indirect_vreg.gather [hbm4b:s3+s2], $0x80, v3, vm0, $0xb8;
	[tilespmem:$0x14100] =	vst v63  }
0x3a9: {  	v3 =	vld [tilespmem:$0x50];
	_ =	sdelay $0x4  }
0x3aa: {  	v35 =	vshll.u32 v3, $0x1  }
0x3ab: {  	v3 =	vand.u32 $0x7, v3;
	v4 =	vand.u32 $0xFFFFFFF0, v35  }
0x3ac: {  	v3 =	vor.u32 v3, v4  }
0x3ad: {  	v4 =	vperm.xlane v3, v0;
	_ =	sdelay $0x1  }
0x3ae: {  	v3 =	vperm.xlane v3, v2;
	v4 =	vadd.s32 v1, v4;
	_ =	sdelay $0x1  }
0x3af: {  	v3 =	vadd.s32 v1, v3;
	_ =	sdelay $0x1  }
0x3b0: {  	s29 =	simm.s32 $0xF100  }
0x3b1: {  	[tilespmem:s29], [sflag:$0x2] =	stream.indirect_vreg.gather [hbm4b:s3+s2], $0x80, v4, vm0, $0xb8;
	[tilespmem:$0x14100] =	vst v63  }
0x3b2: {  	s29 =	simm.s32 $0xF900  }
0x3b3: {  	[tilespmem:s29], [sflag:$0x2] =	stream.indirect_vreg.gather [hbm4b:s3+s2], $0x80, v3, vm0, $0xb8;
	[tilespmem:$0x14100] =	vst v63  }
0x3b4: {  	v3 =	vld [tilespmem:$0x60];
	_ =	sdelay $0x4  }
0x3b5: {  	v36 =	vshll.u32 v3, $0x1  }
0x3b6: {  	v3 =	vand.u32 $0x7, v3;
	v4 =	vand.u32 $0xFFFFFFF0, v36  }
0x3b7: {  	v3 =	vor.u32 v3, v4  }
0x3b8: {  	v4 =	vperm.xlane v3, v0;
	_ =	sdelay $0x1  }
0x3b9: {  	v3 =	vperm.xlane v3, v2;
	v4 =	vadd.s32 v1, v4;
	_ =	sdelay $0x1  }
0x3ba: {  	v3 =	vadd.s32 v1, v3;
	_ =	sdelay $0x1  }
0x3bb: {  	s4 =	simm.s32 $0x10100  }
0x3bc: {  	[tilespmem:s4], [sflag:$0x2] =	stream.indirect_vreg.gather [hbm4b:s3+s2], $0x80, v4, vm0, $0xb8;
	[tilespmem:$0x14100] =	vst v63  }
0x3bd: {  	s31 =	simm.s32 $0x10900  }
0x3be: {  	[tilespmem:s31], [sflag:$0x2] =	stream.indirect_vreg.gather [hbm4b:s3+s2], $0x80, v3, vm0, $0xb8;
	[tilespmem:$0x14100] =	vst v63  }
0x3bf: {  	v3 =	vld [tilespmem:$0x70];
	_ =	sdelay $0x4  }
0x3c0: {  	v37 =	vshll.u32 v3, $0x1  }
0x3c1: {  	v3 =	vand.u32 $0x7, v3;
	v4 =	vand.u32 $0xFFFFFFF0, v37  }
0x3c2: {  	v3 =	vor.u32 v3, v4  }
0x3c3: {  	v4 =	vperm.xlane v3, v0;
	_ =	sdelay $0x1  }
0x3c4: {  	v3 =	vperm.xlane v3, v2;
	v4 =	vadd.s32 v1, v4;
	_ =	sdelay $0x1  }
0x3c5: {  	v3 =	vadd.s32 v1, v3;
	_ =	sdelay $0x1  }
0x3c6: {  	s20 =	simm.s32 $0x11100  }
0x3c7: {  	[tilespmem:s20], [sflag:$0x2] =	stream.indirect_vreg.gather [hbm4b:s3+s2], $0x80, v4, vm0, $0xb8;
	[tilespmem:$0x14100] =	vst v63  }
0x3c8: {  	s9 =	simm.s32 $0x11900  }
0x3c9: {  	[tilespmem:s9], [sflag:$0x2] =	stream.indirect_vreg.gather [hbm4b:s3+s2], $0x80, v3, vm0, $0xb8;
	[tilespmem:$0x14100] =	vst v63  }
0x3ca: {  	v3 =	vld [tilespmem:$0x80];
	_ =	sdelay $0x4  }
0x3cb: {  	v38 =	vshll.u32 v3, $0x1  }
0x3cc: {  	v3 =	vand.u32 $0x7, v3;
	v4 =	vand.u32 $0xFFFFFFF0, v38  }
0x3cd: {  	v3 =	vor.u32 v3, v4  }
0x3ce: {  	v4 =	vperm.xlane v3, v0;
	_ =	sdelay $0x1  }
0x3cf: {  	v3 =	vperm.xlane v3, v2;
	v4 =	vadd.s32 v1, v4;
	_ =	sdelay $0x1  }
0x3d0: {  	v3 =	vadd.s32 v1, v3;
	_ =	sdelay $0x1  }
0x3d1: {  	s7 =	simm.s32 $0x12100  }
0x3d2: {  	[tilespmem:s7], [sflag:$0x2] =	stream.indirect_vreg.gather [hbm4b:s3+s2], $0x80, v4, vm0, $0xb8;
	[tilespmem:$0x14100] =	vst v63  }
0x3d3: {  	s8 =	simm.s32 $0x12900  }
0x3d4: {  	[tilespmem:s8], [sflag:$0x2] =	stream.indirect_vreg.gather [hbm4b:s3+s2], $0x80, v3, vm0, $0xb8;
	[tilespmem:$0x14100] =	vst v63  }
0x3d5: {  	v3 =	vld [tilespmem:$0x90];
	_ =	sdelay $0x4  }
0x3d6: {  	v39 =	vshll.u32 v3, $0x1  }
0x3d7: {  	v3 =	vand.u32 $0x7, v3;
	v4 =	vand.u32 $0xFFFFFFF0, v39  }
0x3d8: {  	v3 =	vor.u32 v3, v4  }
0x3d9: {  	v4 =	vperm.xlane v3, v0;
	_ =	sdelay $0x1  }
0x3da: {  	v3 =	vperm.xlane v3, v2;
	v4 =	vadd.s32 v1, v4;
	_ =	sdelay $0x1  }
0x3db: {  	v3 =	vadd.s32 v1, v3;
	_ =	sdelay $0x1  }
0x3dc: {  	s10 =	simm.s32 $0x13100  }
0x3dd: {  	[tilespmem:s10], [sflag:$0x2] =	stream.indirect_vreg.gather [hbm4b:s3+s2], $0x80, v4, vm0, $0xb8;
	[tilespmem:$0x14100] =	vst v63  }
0x3de: {  	s11 =	simm.s32 $0x13900  }
0x3df: {  	[tilespmem:s11], [sflag:$0x2] =	stream.indirect_vreg.gather [hbm4b:s3+s2], $0x80, v3, vm0, $0xb8;
	[tilespmem:$0x14100] =	vst v63  }
0x3e0: {  	s31 =	rddreg [dreg:$0x11]  }
0x3e1: {  	[hbm4b:s31+s2] =	stream.linear.scatter [tilespmem:s6], [sflag:$0x3], $0xA000, $0x38;
	[tilespmem:$0x14100] =	vst v63  }
0x3e2: {  	_ =	swait.ge [sflag:s5], $0xA000  }
0x3e3: {  	[sflag:s5] =	ssyncset.done $0x0  }
0x3e4: {  	[sflag:s5] =	ssyncadd.s32 $0xFFFF6000  }
0x3e5: {  	_ =	swait.ge [sflag:s21], $0xA000  }
0x3e6: {  	[sflag:s21] =	ssyncset.done $0x0  }
0x3e7: {  	s11 =	rddreg [dreg:$0x12];
	[sflag:s21] =	ssyncadd.s32 $0xFFFF6000  }
0x3e8: {  	[tilespmem:s2], [sflag:$0x3] =	stream.linear.gather [hbm4b:s11+s2], $0xA0, $0x38;
	[tilespmem:$0x14100] =	vst v63  }
0x3e9: {  	_ =	swait.ge [sflag:s5], $0xA0  }
0x3ea: {  	[sflag:s5] =	ssyncset.done $0x0  }
0x3eb: {  	[sflag:s5] =	ssyncadd.s32 $0xFFFFFF60  }
0x3ec: {  	v3 =	vld [tilespmem:$0x0];
	_ =	sdelay $0x4  }
0x3ed: {  	v40 =	vshll.u32 v3, $0x1  }
0x3ee: {  	v3 =	vand.u32 $0x7, v3;
	v4 =	vand.u32 $0xFFFFFFF0, v40  }
0x3ef: {  	v3 =	vor.u32 v3, v4  }
0x3f0: {  	v4 =	vperm.xlane v3, v0;
	_ =	sdelay $0x1  }
0x3f1: {  	v3 =	vperm.xlane v3, v2;
	v4 =	vadd.s32 v1, v4;
	_ =	sdelay $0x1  }
0x3f2: {  	v3 =	vadd.s32 v1, v3;
	_ =	sdelay $0x2  }
0x3f3: {  	[tilespmem:s6], [sflag:$0x1] =	stream.indirect_vreg.gather [hbm4b:s3+s2], $0x80, v4, vm0, $0xb8;
	[tilespmem:$0x14100] =	vst v63  }
0x3f4: {  	s22 =	simm.s32 $0x900  }
0x3f5: {  	[tilespmem:s22], [sflag:$0x1] =	stream.indirect_vreg.gather [hbm4b:s3+s2], $0x80, v3, vm0, $0xb8;
	[tilespmem:$0x14100] =	vst v63  }
0x3f6: {  	v3 =	vld [tilespmem:$0x10];
	_ =	sdelay $0x4  }
0x3f7: {  	v41 =	vshll.u32 v3, $0x1  }
0x3f8: {  	v3 =	vand.u32 $0x7, v3;
	v4 =	vand.u32 $0xFFFFFFF0, v41  }
0x3f9: {  	v3 =	vor.u32 v3, v4  }
0x3fa: {  	v4 =	vperm.xlane v3, v0;
	_ =	sdelay $0x1  }
0x3fb: {  	v3 =	vperm.xlane v3, v2;
	v4 =	vadd.s32 v1, v4;
	_ =	sdelay $0x1  }
0x3fc: {  	v3 =	vadd.s32 v1, v3;
	_ =	sdelay $0x1  }
0x3fd: {  	s31 =	simm.s32 $0x1100  }
0x3fe: {  	[tilespmem:s31], [sflag:$0x1] =	stream.indirect_vreg.gather [hbm4b:s3+s2], $0x80, v4, vm0, $0xb8;
	[tilespmem:$0x14100] =	vst v63  }
0x3ff: {  	s22 =	simm.s32 $0x1900  }
0x400: {  	[tilespmem:s22], [sflag:$0x1] =	stream.indirect_vreg.gather [hbm4b:s3+s2], $0x80, v3, vm0, $0xb8;
	[tilespmem:$0x14100] =	vst v63  }
0x401: {  	v3 =	vld [tilespmem:$0x20];
	_ =	sdelay $0x4  }
0x402: {  	v42 =	vshll.u32 v3, $0x1  }
0x403: {  	v3 =	vand.u32 $0x7, v3;
	v4 =	vand.u32 $0xFFFFFFF0, v42  }
0x404: {  	v3 =	vor.u32 v3, v4  }
0x405: {  	v4 =	vperm.xlane v3, v0;
	_ =	sdelay $0x1  }
0x406: {  	v3 =	vperm.xlane v3, v2;
	v4 =	vadd.s32 v1, v4;
	_ =	sdelay $0x1  }
0x407: {  	v3 =	vadd.s32 v1, v3;
	_ =	sdelay $0x1  }
0x408: {  	s31 =	simm.s32 $0x2100  }
0x409: {  	[tilespmem:s31], [sflag:$0x1] =	stream.indirect_vreg.gather [hbm4b:s3+s2], $0x80, v4, vm0, $0xb8;
	[tilespmem:$0x14100] =	vst v63  }
0x40a: {  	s22 =	simm.s32 $0x2900  }
0x40b: {  	[tilespmem:s22], [sflag:$0x1] =	stream.indirect_vreg.gather [hbm4b:s3+s2], $0x80, v3, vm0, $0xb8;
	[tilespmem:$0x14100] =	vst v63  }
0x40c: {  	v3 =	vld [tilespmem:$0x30];
	_ =	sdelay $0x4  }
0x40d: {  	v43 =	vshll.u32 v3, $0x1  }
0x40e: {  	v3 =	vand.u32 $0x7, v3;
	v4 =	vand.u32 $0xFFFFFFF0, v43  }
0x40f: {  	v3 =	vor.u32 v3, v4  }
0x410: {  	v4 =	vperm.xlane v3, v0;
	_ =	sdelay $0x1  }
0x411: {  	v3 =	vperm.xlane v3, v2;
	v4 =	vadd.s32 v1, v4;
	_ =	sdelay $0x1  }
0x412: {  	v3 =	vadd.s32 v1, v3;
	_ =	sdelay $0x1  }
0x413: {  	s31 =	simm.s32 $0x3100  }
0x414: {  	[tilespmem:s31], [sflag:$0x1] =	stream.indirect_vreg.gather [hbm4b:s3+s2], $0x80, v4, vm0, $0xb8;
	[tilespmem:$0x14100] =	vst v63  }
0x415: {  	s22 =	simm.s32 $0x3900  }
0x416: {  	[tilespmem:s22], [sflag:$0x1] =	stream.indirect_vreg.gather [hbm4b:s3+s2], $0x80, v3, vm0, $0xb8;
	[tilespmem:$0x14100] =	vst v63  }
0x417: {  	v3 =	vld [tilespmem:$0x40];
	_ =	sdelay $0x4  }
0x418: {  	v44 =	vshll.u32 v3, $0x1  }
0x419: {  	v3 =	vand.u32 $0x7, v3;
	v4 =	vand.u32 $0xFFFFFFF0, v44  }
0x41a: {  	v3 =	vor.u32 v3, v4  }
0x41b: {  	v4 =	vperm.xlane v3, v0;
	_ =	sdelay $0x1  }
0x41c: {  	v3 =	vperm.xlane v3, v2;
	v4 =	vadd.s32 v1, v4;
	_ =	sdelay $0x1  }
0x41d: {  	v3 =	vadd.s32 v1, v3;
	_ =	sdelay $0x1  }
0x41e: {  	s31 =	simm.s32 $0x4100  }
0x41f: {  	[tilespmem:s31], [sflag:$0x1] =	stream.indirect_vreg.gather [hbm4b:s3+s2], $0x80, v4, vm0, $0xb8;
	[tilespmem:$0x14100] =	vst v63  }
0x420: {  	s22 =	simm.s32 $0x4900  }
0x421: {  	[tilespmem:s22], [sflag:$0x1] =	stream.indirect_vreg.gather [hbm4b:s3+s2], $0x80, v3, vm0, $0xb8;
	[tilespmem:$0x14100] =	vst v63  }
0x422: {  	v3 =	vld [tilespmem:$0x50];
	_ =	sdelay $0x4  }
0x423: {  	v45 =	vshll.u32 v3, $0x1  }
0x424: {  	v3 =	vand.u32 $0x7, v3;
	v4 =	vand.u32 $0xFFFFFFF0, v45  }
0x425: {  	v3 =	vor.u32 v3, v4  }
0x426: {  	v4 =	vperm.xlane v3, v0;
	_ =	sdelay $0x1  }
0x427: {  	v3 =	vperm.xlane v3, v2;
	v4 =	vadd.s32 v1, v4;
	_ =	sdelay $0x1  }
0x428: {  	v3 =	vadd.s32 v1, v3;
	_ =	sdelay $0x1  }
0x429: {  	s31 =	simm.s32 $0x5100  }
0x42a: {  	[tilespmem:s31], [sflag:$0x1] =	stream.indirect_vreg.gather [hbm4b:s3+s2], $0x80, v4, vm0, $0xb8;
	[tilespmem:$0x14100] =	vst v63  }
0x42b: {  	s22 =	simm.s32 $0x5900  }
0x42c: {  	[tilespmem:s22], [sflag:$0x1] =	stream.indirect_vreg.gather [hbm4b:s3+s2], $0x80, v3, vm0, $0xb8;
	[tilespmem:$0x14100] =	vst v63  }
0x42d: {  	v3 =	vld [tilespmem:$0x60];
	_ =	sdelay $0x4  }
0x42e: {  	v46 =	vshll.u32 v3, $0x1  }
0x42f: {  	v3 =	vand.u32 $0x7, v3;
	v4 =	vand.u32 $0xFFFFFFF0, v46  }
0x430: {  	v3 =	vor.u32 v3, v4  }
0x431: {  	v4 =	vperm.xlane v3, v0;
	_ =	sdelay $0x1  }
0x432: {  	v3 =	vperm.xlane v3, v2;
	v4 =	vadd.s32 v1, v4;
	_ =	sdelay $0x1  }
0x433: {  	v3 =	vadd.s32 v1, v3;
	_ =	sdelay $0x1  }
0x434: {  	s31 =	simm.s32 $0x6100  }
0x435: {  	[tilespmem:s31], [sflag:$0x1] =	stream.indirect_vreg.gather [hbm4b:s3+s2], $0x80, v4, vm0, $0xb8;
	[tilespmem:$0x14100] =	vst v63  }
0x436: {  	s22 =	simm.s32 $0x6900  }
0x437: {  	[tilespmem:s22], [sflag:$0x1] =	stream.indirect_vreg.gather [hbm4b:s3+s2], $0x80, v3, vm0, $0xb8;
	[tilespmem:$0x14100] =	vst v63  }
0x438: {  	v3 =	vld [tilespmem:$0x70];
	_ =	sdelay $0x4  }
0x439: {  	v47 =	vshll.u32 v3, $0x1  }
0x43a: {  	v3 =	vand.u32 $0x7, v3;
	v4 =	vand.u32 $0xFFFFFFF0, v47  }
0x43b: {  	v3 =	vor.u32 v3, v4  }
0x43c: {  	v4 =	vperm.xlane v3, v0;
	_ =	sdelay $0x1  }
0x43d: {  	v3 =	vperm.xlane v3, v2;
	v4 =	vadd.s32 v1, v4;
	_ =	sdelay $0x1  }
0x43e: {  	v3 =	vadd.s32 v1, v3;
	_ =	sdelay $0x1  }
0x43f: {  	s14 =	simm.s32 $0x7100  }
0x440: {  	[tilespmem:s14], [sflag:$0x1] =	stream.indirect_vreg.gather [hbm4b:s3+s2], $0x80, v4, vm0, $0xb8;
	[tilespmem:$0x14100] =	vst v63  }
0x441: {  	s19 =	simm.s32 $0x7900  }
0x442: {  	[tilespmem:s19], [sflag:$0x1] =	stream.indirect_vreg.gather [hbm4b:s3+s2], $0x80, v3, vm0, $0xb8;
	[tilespmem:$0x14100] =	vst v63  }
0x443: {  	v3 =	vld [tilespmem:$0x80];
	_ =	sdelay $0x4  }
0x444: {  	v48 =	vshll.u32 v3, $0x1  }
0x445: {  	v3 =	vand.u32 $0x7, v3;
	v4 =	vand.u32 $0xFFFFFFF0, v48  }
0x446: {  	v3 =	vor.u32 v3, v4  }
0x447: {  	v4 =	vperm.xlane v3, v0;
	_ =	sdelay $0x1  }
0x448: {  	v3 =	vperm.xlane v3, v2;
	v4 =	vadd.s32 v1, v4;
	_ =	sdelay $0x1  }
0x449: {  	v3 =	vadd.s32 v1, v3;
	_ =	sdelay $0x1  }
0x44a: {  	s15 =	simm.s32 $0x8100  }
0x44b: {  	[tilespmem:s15], [sflag:$0x1] =	stream.indirect_vreg.gather [hbm4b:s3+s2], $0x80, v4, vm0, $0xb8;
	[tilespmem:$0x14100] =	vst v63  }
0x44c: {  	s23 =	simm.s32 $0x8900  }
0x44d: {  	[tilespmem:s23], [sflag:$0x1] =	stream.indirect_vreg.gather [hbm4b:s3+s2], $0x80, v3, vm0, $0xb8;
	[tilespmem:$0x14100] =	vst v63  }
0x44e: {  	v3 =	vld [tilespmem:$0x90];
	_ =	sdelay $0x4  }
0x44f: {  	v49 =	vshll.u32 v3, $0x1  }
0x450: {  	v3 =	vand.u32 $0x7, v3;
	v4 =	vand.u32 $0xFFFFFFF0, v49  }
0x451: {  	v3 =	vor.u32 v3, v4  }
0x452: {  	v4 =	vperm.xlane v3, v0;
	_ =	sdelay $0x1  }
0x453: {  	v3 =	vperm.xlane v3, v2;
	v4 =	vadd.s32 v1, v4;
	_ =	sdelay $0x1  }
0x454: {  	v3 =	vadd.s32 v1, v3;
	_ =	sdelay $0x1  }
0x455: {  	s16 =	simm.s32 $0x9100  }
0x456: {  	[tilespmem:s16], [sflag:$0x1] =	stream.indirect_vreg.gather [hbm4b:s3+s2], $0x80, v4, vm0, $0xb8;
	[tilespmem:$0x14100] =	vst v63  }
0x457: {  	s23 =	simm.s32 $0x9900  }
0x458: {  	[tilespmem:s23], [sflag:$0x1] =	stream.indirect_vreg.gather [hbm4b:s3+s2], $0x80, v3, vm0, $0xb8;
	[tilespmem:$0x14100] =	vst v63  }
0x459: {  	s22 =	rddreg [dreg:$0x13]  }
0x45a: {  	[hbm4b:s22+s2] =	stream.linear.scatter [tilespmem:s28], [sflag:$0x3], $0xA000, $0x38;
	[tilespmem:$0x14100] =	vst v63  }
0x45b: {  	_ =	swait.ge [sflag:s5], $0xA000  }
0x45c: {  	[sflag:s5] =	ssyncset.done $0x0  }
0x45d: {  	[sflag:s5] =	ssyncadd.s32 $0xFFFF6000  }
0x45e: {  	_ =	swait.ge [sflag:s26], $0xA000  }
0x45f: {  	[sflag:s26] =	ssyncset.done $0x0  }
0x460: {  	s11 =	rddreg [dreg:$0x14];
	[sflag:s26] =	ssyncadd.s32 $0xFFFF6000  }
0x461: {  	[tilespmem:s2], [sflag:$0x3] =	stream.linear.gather [hbm4b:s11+s2], $0xA0, $0x38;
	[tilespmem:$0x14100] =	vst v63  }
0x462: {  	_ =	swait.ge [sflag:s5], $0xA0  }
0x463: {  	[sflag:s5] =	ssyncset.done $0x0  }
0x464: {  	[sflag:s5] =	ssyncadd.s32 $0xFFFFFF60  }
0x465: {  	v3 =	vld [tilespmem:$0x0];
	_ =	sdelay $0x4  }
0x466: {  	v50 =	vshll.u32 v3, $0x1  }
0x467: {  	v3 =	vand.u32 $0x7, v3;
	v4 =	vand.u32 $0xFFFFFFF0, v50  }
0x468: {  	v3 =	vor.u32 v3, v4  }
0x469: {  	v4 =	vperm.xlane v3, v0;
	_ =	sdelay $0x1  }
0x46a: {  	v3 =	vperm.xlane v3, v2;
	v4 =	vadd.s32 v1, v4;
	_ =	sdelay $0x1  }
0x46b: {  	v3 =	vadd.s32 v1, v3;
	_ =	sdelay $0x2  }
0x46c: {  	[tilespmem:s28], [sflag:$0x2] =	stream.indirect_vreg.gather [hbm4b:s3+s2], $0x80, v4, vm0, $0xb8;
	[tilespmem:$0x14100] =	vst v63  }
0x46d: {  	s23 =	simm.s32 $0xA900  }
0x46e: {  	[tilespmem:s23], [sflag:$0x2] =	stream.indirect_vreg.gather [hbm4b:s3+s2], $0x80, v3, vm0, $0xb8;
	[tilespmem:$0x14100] =	vst v63  }
0x46f: {  	v3 =	vld [tilespmem:$0x10];
	_ =	sdelay $0x4  }
0x470: {  	v51 =	vshll.u32 v3, $0x1  }
0x471: {  	v3 =	vand.u32 $0x7, v3;
	v4 =	vand.u32 $0xFFFFFFF0, v51  }
0x472: {  	v3 =	vor.u32 v3, v4  }
0x473: {  	v4 =	vperm.xlane v3, v0;
	_ =	sdelay $0x1  }
0x474: {  	v3 =	vperm.xlane v3, v2;
	v4 =	vadd.s32 v1, v4;
	_ =	sdelay $0x1  }
0x475: {  	v3 =	vadd.s32 v1, v3;
	_ =	sdelay $0x1  }
0x476: {  	s17 =	simm.s32 $0xB100  }
0x477: {  	[tilespmem:s17], [sflag:$0x2] =	stream.indirect_vreg.gather [hbm4b:s3+s2], $0x80, v4, vm0, $0xb8;
	[tilespmem:$0x14100] =	vst v63  }
0x478: {  	s22 =	simm.s32 $0xB900  }
0x479: {  	[tilespmem:s22], [sflag:$0x2] =	stream.indirect_vreg.gather [hbm4b:s3+s2], $0x80, v3, vm0, $0xb8;
	[tilespmem:$0x14100] =	vst v63  }
0x47a: {  	v3 =	vld [tilespmem:$0x20];
	_ =	sdelay $0x4  }
0x47b: {  	v52 =	vshll.u32 v3, $0x1  }
0x47c: {  	v3 =	vand.u32 $0x7, v3;
	v4 =	vand.u32 $0xFFFFFFF0, v52  }
0x47d: {  	v3 =	vor.u32 v3, v4  }
0x47e: {  	v4 =	vperm.xlane v3, v0;
	_ =	sdelay $0x1  }
0x47f: {  	v3 =	vperm.xlane v3, v2;
	v4 =	vadd.s32 v1, v4;
	_ =	sdelay $0x1  }
0x480: {  	v3 =	vadd.s32 v1, v3;
	_ =	sdelay $0x1  }
0x481: {  	s12 =	simm.s32 $0xC100  }
0x482: {  	[tilespmem:s12], [sflag:$0x2] =	stream.indirect_vreg.gather [hbm4b:s3+s2], $0x80, v4, vm0, $0xb8;
	[tilespmem:$0x14100] =	vst v63  }
0x483: {  	s24 =	simm.s32 $0xC900  }
0x484: {  	[tilespmem:s24], [sflag:$0x2] =	stream.indirect_vreg.gather [hbm4b:s3+s2], $0x80, v3, vm0, $0xb8;
	[tilespmem:$0x14100] =	vst v63  }
0x485: {  	v3 =	vld [tilespmem:$0x30];
	_ =	sdelay $0x4  }
0x486: {  	v53 =	vshll.u32 v3, $0x1  }
0x487: {  	v3 =	vand.u32 $0x7, v3;
	v4 =	vand.u32 $0xFFFFFFF0, v53  }
0x488: {  	v3 =	vor.u32 v3, v4  }
0x489: {  	v4 =	vperm.xlane v3, v0;
	_ =	sdelay $0x1  }
0x48a: {  	v3 =	vperm.xlane v3, v2;
	v4 =	vadd.s32 v1, v4;
	_ =	sdelay $0x1  }
0x48b: {  	v3 =	vadd.s32 v1, v3;
	_ =	sdelay $0x1  }
0x48c: {  	s0 =	simm.s32 $0xD100  }
0x48d: {  	[tilespmem:s0], [sflag:$0x2] =	stream.indirect_vreg.gather [hbm4b:s3+s2], $0x80, v4, vm0, $0xb8;
	[tilespmem:$0x14100] =	vst v63  }
0x48e: {  	s13 =	simm.s32 $0xD900  }
0x48f: {  	[tilespmem:s13], [sflag:$0x2] =	stream.indirect_vreg.gather [hbm4b:s3+s2], $0x80, v3, vm0, $0xb8;
	[tilespmem:$0x14100] =	vst v63  }
0x490: {  	v3 =	vld [tilespmem:$0x40];
	_ =	sdelay $0x4  }
0x491: {  	v54 =	vshll.u32 v3, $0x1  }
0x492: {  	v3 =	vand.u32 $0x7, v3;
	v4 =	vand.u32 $0xFFFFFFF0, v54  }
0x493: {  	v3 =	vor.u32 v3, v4  }
0x494: {  	v4 =	vperm.xlane v3, v0;
	_ =	sdelay $0x1  }
0x495: {  	v3 =	vperm.xlane v3, v2;
	v4 =	vadd.s32 v1, v4;
	_ =	sdelay $0x1  }
0x496: {  	v3 =	vadd.s32 v1, v3;
	_ =	sdelay $0x1  }
0x497: {  	s1 =	simm.s32 $0xE100  }
0x498: {  	[tilespmem:s1], [sflag:$0x2] =	stream.indirect_vreg.gather [hbm4b:s3+s2], $0x80, v4, vm0, $0xb8;
	[tilespmem:$0x14100] =	vst v63  }
0x499: {  	s30 =	simm.s32 $0xE900  }
0x49a: {  	[tilespmem:s30], [sflag:$0x2] =	stream.indirect_vreg.gather [hbm4b:s3+s2], $0x80, v3, vm0, $0xb8;
	[tilespmem:$0x14100] =	vst v63  }
0x49b: {  	v3 =	vld [tilespmem:$0x50];
	_ =	sdelay $0x4  }
0x49c: {  	v55 =	vshll.u32 v3, $0x1  }
0x49d: {  	v3 =	vand.u32 $0x7, v3;
	v4 =	vand.u32 $0xFFFFFFF0, v55  }
0x49e: {  	v3 =	vor.u32 v3, v4  }
0x49f: {  	v4 =	vperm.xlane v3, v0;
	_ =	sdelay $0x1  }
0x4a0: {  	v3 =	vperm.xlane v3, v2;
	v4 =	vadd.s32 v1, v4;
	_ =	sdelay $0x1  }
0x4a1: {  	v3 =	vadd.s32 v1, v3;
	_ =	sdelay $0x1  }
0x4a2: {  	s18 =	simm.s32 $0xF100  }
0x4a3: {  	[tilespmem:s18], [sflag:$0x2] =	stream.indirect_vreg.gather [hbm4b:s3+s2], $0x80, v4, vm0, $0xb8;
	[tilespmem:$0x14100] =	vst v63  }
0x4a4: {  	s23 =	simm.s32 $0xF900  }
0x4a5: {  	[tilespmem:s23], [sflag:$0x2] =	stream.indirect_vreg.gather [hbm4b:s3+s2], $0x80, v3, vm0, $0xb8;
	[tilespmem:$0x14100] =	vst v63  }
0x4a6: {  	v3 =	vld [tilespmem:$0x60];
	_ =	sdelay $0x4  }
0x4a7: {  	v56 =	vshll.u32 v3, $0x1  }
0x4a8: {  	v3 =	vand.u32 $0x7, v3;
	v4 =	vand.u32 $0xFFFFFFF0, v56  }
0x4a9: {  	v3 =	vor.u32 v3, v4  }
0x4aa: {  	v4 =	vperm.xlane v3, v0;
	_ =	sdelay $0x1  }
0x4ab: {  	v3 =	vperm.xlane v3, v2;
	v4 =	vadd.s32 v1, v4;
	_ =	sdelay $0x1  }
0x4ac: {  	v3 =	vadd.s32 v1, v3;
	_ =	sdelay $0x1  }
0x4ad: {  	s4 =	simm.s32 $0x10100  }
0x4ae: {  	[tilespmem:s4], [sflag:$0x2] =	stream.indirect_vreg.gather [hbm4b:s3+s2], $0x80, v4, vm0, $0xb8;
	[tilespmem:$0x14100] =	vst v63  }
0x4af: {  	s29 =	simm.s32 $0x10900  }
0x4b0: {  	[tilespmem:s29], [sflag:$0x2] =	stream.indirect_vreg.gather [hbm4b:s3+s2], $0x80, v3, vm0, $0xb8;
	[tilespmem:$0x14100] =	vst v63  }
0x4b1: {  	v3 =	vld [tilespmem:$0x70];
	_ =	sdelay $0x4  }
0x4b2: {  	v57 =	vshll.u32 v3, $0x1  }
0x4b3: {  	v3 =	vand.u32 $0x7, v3;
	v4 =	vand.u32 $0xFFFFFFF0, v57  }
0x4b4: {  	v3 =	vor.u32 v3, v4  }
0x4b5: {  	v4 =	vperm.xlane v3, v0;
	_ =	sdelay $0x1  }
0x4b6: {  	v3 =	vperm.xlane v3, v2;
	v4 =	vadd.s32 v1, v4;
	_ =	sdelay $0x1  }
0x4b7: {  	v3 =	vadd.s32 v1, v3;
	_ =	sdelay $0x1  }
0x4b8: {  	s25 =	simm.s32 $0x11100  }
0x4b9: {  	[tilespmem:s25], [sflag:$0x2] =	stream.indirect_vreg.gather [hbm4b:s3+s2], $0x80, v4, vm0, $0xb8;
	[tilespmem:$0x14100] =	vst v63  }
0x4ba: {  	s9 =	simm.s32 $0x11900  }
0x4bb: {  	[tilespmem:s9], [sflag:$0x2] =	stream.indirect_vreg.gather [hbm4b:s3+s2], $0x80, v3, vm0, $0xb8;
	[tilespmem:$0x14100] =	vst v63  }
0x4bc: {  	v3 =	vld [tilespmem:$0x80];
	_ =	sdelay $0x4  }
0x4bd: {  	v58 =	vshll.u32 v3, $0x1  }
0x4be: {  	v3 =	vand.u32 $0x7, v3;
	v4 =	vand.u32 $0xFFFFFFF0, v58  }
0x4bf: {  	v3 =	vor.u32 v3, v4  }
0x4c0: {  	v4 =	vperm.xlane v3, v0;
	_ =	sdelay $0x1  }
0x4c1: {  	v3 =	vperm.xlane v3, v2;
	v4 =	vadd.s32 v1, v4;
	_ =	sdelay $0x1  }
0x4c2: {  	v3 =	vadd.s32 v1, v3;
	_ =	sdelay $0x1  }
0x4c3: {  	s20 =	simm.s32 $0x12100  }
0x4c4: {  	[tilespmem:s20], [sflag:$0x2] =	stream.indirect_vreg.gather [hbm4b:s3+s2], $0x80, v4, vm0, $0xb8;
	[tilespmem:$0x14100] =	vst v63  }
0x4c5: {  	s7 =	simm.s32 $0x12900  }
0x4c6: {  	[tilespmem:s7], [sflag:$0x2] =	stream.indirect_vreg.gather [hbm4b:s3+s2], $0x80, v3, vm0, $0xb8;
	[tilespmem:$0x14100] =	vst v63  }
0x4c7: {  	v3 =	vld [tilespmem:$0x90];
	_ =	sdelay $0x4  }
0x4c8: {  	v59 =	vshll.u32 v3, $0x1  }
0x4c9: {  	v3 =	vand.u32 $0x7, v3;
	v4 =	vand.u32 $0xFFFFFFF0, v59  }
0x4ca: {  	v3 =	vor.u32 v3, v4  }
0x4cb: {  	v4 =	vperm.xlane v3, v0;
	_ =	sdelay $0x1  }
0x4cc: {  	v3 =	vperm.xlane v3, v2;
	v4 =	vadd.s32 v1, v4;
	_ =	sdelay $0x1  }
0x4cd: {  	v3 =	vadd.s32 v1, v3;
	_ =	sdelay $0x1  }
0x4ce: {  	s8 =	simm.s32 $0x13100  }
0x4cf: {  	[tilespmem:s8], [sflag:$0x2] =	stream.indirect_vreg.gather [hbm4b:s3+s2], $0x80, v4, vm0, $0xb8;
	[tilespmem:$0x14100] =	vst v63  }
0x4d0: {  	s10 =	simm.s32 $0x13900  }
0x4d1: {  	[tilespmem:s10], [sflag:$0x2] =	stream.indirect_vreg.gather [hbm4b:s3+s2], $0x80, v3, vm0, $0xb8;
	[tilespmem:$0x14100] =	vst v63  }
0x4d2: {  	s25 =	rddreg [dreg:$0x15]  }
0x4d3: {  	[hbm4b:s25+s2] =	stream.linear.scatter [tilespmem:s6], [sflag:$0x3], $0xA000, $0x38;
	[tilespmem:$0x14100] =	vst v63  }
0x4d4: {  	_ =	swait.ge [sflag:s5], $0xA000  }
0x4d5: {  	[sflag:s5] =	ssyncset.done $0x0  }
0x4d6: {  	[sflag:s5] =	ssyncadd.s32 $0xFFFF6000  }
0x4d7: {  	_ =	swait.ge [sflag:s21], $0xA000  }
0x4d8: {  	[sflag:s21] =	ssyncset.done $0x0  }
0x4d9: {  	s10 =	rddreg [dreg:$0x16];
	[sflag:s21] =	ssyncadd.s32 $0xFFFF6000  }
0x4da: {  	[tilespmem:s2], [sflag:$0x3] =	stream.linear.gather [hbm4b:s10+s2], $0xA0, $0x38;
	[tilespmem:$0x14100] =	vst v63  }
0x4db: {  	_ =	swait.ge [sflag:s5], $0xA0  }
0x4dc: {  	[sflag:s5] =	ssyncset.done $0x0  }
0x4dd: {  	[sflag:s5] =	ssyncadd.s32 $0xFFFFFF60  }
0x4de: {  	v3 =	vld [tilespmem:$0x0];
	_ =	sdelay $0x4  }
0x4df: {  	v60 =	vshll.u32 v3, $0x1  }
0x4e0: {  	v3 =	vand.u32 $0x7, v3;
	v4 =	vand.u32 $0xFFFFFFF0, v60  }
0x4e1: {  	v3 =	vor.u32 v3, v4  }
0x4e2: {  	v4 =	vperm.xlane v3, v0;
	_ =	sdelay $0x1  }
0x4e3: {  	v3 =	vperm.xlane v3, v2;
	v4 =	vadd.s32 v1, v4;
	_ =	sdelay $0x1  }
0x4e4: {  	v3 =	vadd.s32 v1, v3;
	_ =	sdelay $0x2  }
0x4e5: {  	[tilespmem:s6], [sflag:$0x1] =	stream.indirect_vreg.gather [hbm4b:s3+s2], $0x80, v4, vm0, $0xb8;
	[tilespmem:$0x14100] =	vst v63  }
0x4e6: {  	s22 =	simm.s32 $0x900  }
0x4e7: {  	[tilespmem:s22], [sflag:$0x1] =	stream.indirect_vreg.gather [hbm4b:s3+s2], $0x80, v3, vm0, $0xb8;
	[tilespmem:$0x14100] =	vst v63  }
0x4e8: {  	v3 =	vld [tilespmem:$0x10];
	_ =	sdelay $0x4  }
0x4e9: {  	v61 =	vshll.u32 v3, $0x1  }
0x4ea: {  	v3 =	vand.u32 $0x7, v3;
	v4 =	vand.u32 $0xFFFFFFF0, v61  }
0x4eb: {  	v3 =	vor.u32 v3, v4  }
0x4ec: {  	v4 =	vperm.xlane v3, v0;
	_ =	sdelay $0x1  }
0x4ed: {  	v3 =	vperm.xlane v3, v2;
	v4 =	vadd.s32 v1, v4;
	_ =	sdelay $0x1  }
0x4ee: {  	v3 =	vadd.s32 v1, v3;
	_ =	sdelay $0x1  }
0x4ef: {  	s25 =	simm.s32 $0x1100  }
0x4f0: {  	[tilespmem:s25], [sflag:$0x1] =	stream.indirect_vreg.gather [hbm4b:s3+s2], $0x80, v4, vm0, $0xb8;
	[tilespmem:$0x14100] =	vst v63  }
0x4f1: {  	s22 =	simm.s32 $0x1900  }
0x4f2: {  	[tilespmem:s22], [sflag:$0x1] =	stream.indirect_vreg.gather [hbm4b:s3+s2], $0x80, v3, vm0, $0xb8;
	[tilespmem:$0x14100] =	vst v63  }
0x4f3: {  	v3 =	vld [tilespmem:$0x20];
	_ =	sdelay $0x4  }
0x4f4: {  	v62 =	vshll.u32 v3, $0x1  }
0x4f5: {  	v3 =	vand.u32 $0x7, v3;
	v4 =	vand.u32 $0xFFFFFFF0, v62  }
0x4f6: {  	v3 =	vor.u32 v3, v4  }
0x4f7: {  	v4 =	vperm.xlane v3, v0;
	_ =	sdelay $0x1  }
0x4f8: {  	v3 =	vperm.xlane v3, v2;
	v4 =	vadd.s32 v1, v4;
	_ =	sdelay $0x1  }
0x4f9: {  	v3 =	vadd.s32 v1, v3;
	_ =	sdelay $0x1  }
0x4fa: {  	s25 =	simm.s32 $0x2100  }
0x4fb: {  	[tilespmem:s25], [sflag:$0x1] =	stream.indirect_vreg.gather [hbm4b:s3+s2], $0x80, v4, vm0, $0xb8;
	[tilespmem:$0x14100] =	vst v63  }
0x4fc: {  	s22 =	simm.s32 $0x2900  }
0x4fd: {  	[tilespmem:s22], [sflag:$0x1] =	stream.indirect_vreg.gather [hbm4b:s3+s2], $0x80, v3, vm0, $0xb8;
	[tilespmem:$0x14100] =	vst v63  }
0x4fe: {  	v3 =	vld [tilespmem:$0x30];
	_ =	sdelay $0x4  }
0x4ff: {  	v63 =	vshll.u32 v3, $0x1  }
0x500: {  	v3 =	vand.u32 $0x7, v3;
	v4 =	vand.u32 $0xFFFFFFF0, v63  }
0x501: {  	v3 =	vor.u32 v3, v4  }
0x502: {  	v4 =	vperm.xlane v3, v0;
	_ =	sdelay $0x1  }
0x503: {  	v3 =	vperm.xlane v3, v2;
	v4 =	vadd.s32 v1, v4;
	_ =	sdelay $0x1  }
0x504: {  	v3 =	vadd.s32 v1, v3;
	_ =	sdelay $0x1  }
0x505: {  	s25 =	simm.s32 $0x3100  }
0x506: {  	[tilespmem:s25], [sflag:$0x1] =	stream.indirect_vreg.gather [hbm4b:s3+s2], $0x80, v4, vm0, $0xb8;
	[tilespmem:$0x14100] =	vst v63  }
0x507: {  	s22 =	simm.s32 $0x3900  }
0x508: {  	[tilespmem:s22], [sflag:$0x1] =	stream.indirect_vreg.gather [hbm4b:s3+s2], $0x80, v3, vm0, $0xb8;
	[tilespmem:$0x14100] =	vst v63  }
0x509: {  	v3 =	vld [tilespmem:$0x40];
	_ =	sdelay $0x4  }
0x50a: {  	v8 =	vshll.u32 v3, $0x1  }
0x50b: {  	v3 =	vand.u32 $0x7, v3;
	v4 =	vand.u32 $0xFFFFFFF0, v8  }
0x50c: {  	v3 =	vor.u32 v3, v4  }
0x50d: {  	v4 =	vperm.xlane v3, v0;
	_ =	sdelay $0x1  }
0x50e: {  	v3 =	vperm.xlane v3, v2;
	v4 =	vadd.s32 v1, v4;
	_ =	sdelay $0x1  }
0x50f: {  	v3 =	vadd.s32 v1, v3;
	_ =	sdelay $0x1  }
0x510: {  	s25 =	simm.s32 $0x4100  }
0x511: {  	[tilespmem:s25], [sflag:$0x1] =	stream.indirect_vreg.gather [hbm4b:s3+s2], $0x80, v4, vm0, $0xb8;
	[tilespmem:$0x14100] =	vst v63  }
0x512: {  	s22 =	simm.s32 $0x4900  }
0x513: {  	[tilespmem:s22], [sflag:$0x1] =	stream.indirect_vreg.gather [hbm4b:s3+s2], $0x80, v3, vm0, $0xb8;
	[tilespmem:$0x14100] =	vst v63  }
0x514: {  	v3 =	vld [tilespmem:$0x50];
	_ =	sdelay $0x4  }
0x515: {  	v9 =	vshll.u32 v3, $0x1  }
0x516: {  	v3 =	vand.u32 $0x7, v3;
	v4 =	vand.u32 $0xFFFFFFF0, v9  }
0x517: {  	v3 =	vor.u32 v3, v4  }
0x518: {  	v4 =	vperm.xlane v3, v0;
	_ =	sdelay $0x1  }
0x519: {  	v3 =	vperm.xlane v3, v2;
	v4 =	vadd.s32 v1, v4;
	_ =	sdelay $0x1  }
0x51a: {  	v3 =	vadd.s32 v1, v3;
	_ =	sdelay $0x1  }
0x51b: {  	s25 =	simm.s32 $0x5100  }
0x51c: {  	[tilespmem:s25], [sflag:$0x1] =	stream.indirect_vreg.gather [hbm4b:s3+s2], $0x80, v4, vm0, $0xb8;
	[tilespmem:$0x14100] =	vst v63  }
0x51d: {  	s22 =	simm.s32 $0x5900  }
0x51e: {  	[tilespmem:s22], [sflag:$0x1] =	stream.indirect_vreg.gather [hbm4b:s3+s2], $0x80, v3, vm0, $0xb8;
	[tilespmem:$0x14100] =	vst v63  }
0x51f: {  	v3 =	vld [tilespmem:$0x60];
	_ =	sdelay $0x4  }
0x520: {  	v10 =	vshll.u32 v3, $0x1  }
0x521: {  	v3 =	vand.u32 $0x7, v3;
	v4 =	vand.u32 $0xFFFFFFF0, v10  }
0x522: {  	v3 =	vor.u32 v3, v4  }
0x523: {  	v4 =	vperm.xlane v3, v0;
	_ =	sdelay $0x1  }
0x524: {  	v3 =	vperm.xlane v3, v2;
	v4 =	vadd.s32 v1, v4;
	_ =	sdelay $0x1  }
0x525: {  	v3 =	vadd.s32 v1, v3;
	_ =	sdelay $0x1  }
0x526: {  	s25 =	simm.s32 $0x6100  }
0x527: {  	[tilespmem:s25], [sflag:$0x1] =	stream.indirect_vreg.gather [hbm4b:s3+s2], $0x80, v4, vm0, $0xb8;
	[tilespmem:$0x14100] =	vst v63  }
0x528: {  	s31 =	simm.s32 $0x6900  }
0x529: {  	[tilespmem:s31], [sflag:$0x1] =	stream.indirect_vreg.gather [hbm4b:s3+s2], $0x80, v3, vm0, $0xb8;
	[tilespmem:$0x14100] =	vst v63  }
0x52a: {  	v3 =	vld [tilespmem:$0x70];
	_ =	sdelay $0x4  }
0x52b: {  	v11 =	vshll.u32 v3, $0x1  }
0x52c: {  	v3 =	vand.u32 $0x7, v3;
	v4 =	vand.u32 $0xFFFFFFF0, v11  }
0x52d: {  	v3 =	vor.u32 v3, v4  }
0x52e: {  	v4 =	vperm.xlane v3, v0;
	_ =	sdelay $0x1  }
0x52f: {  	v3 =	vperm.xlane v3, v2;
	v4 =	vadd.s32 v1, v4;
	_ =	sdelay $0x1  }
0x530: {  	v3 =	vadd.s32 v1, v3;
	_ =	sdelay $0x1  }
0x531: {  	s14 =	simm.s32 $0x7100  }
0x532: {  	[tilespmem:s14], [sflag:$0x1] =	stream.indirect_vreg.gather [hbm4b:s3+s2], $0x80, v4, vm0, $0xb8;
	[tilespmem:$0x14100] =	vst v63  }
0x533: {  	s22 =	simm.s32 $0x7900  }
0x534: {  	[tilespmem:s22], [sflag:$0x1] =	stream.indirect_vreg.gather [hbm4b:s3+s2], $0x80, v3, vm0, $0xb8;
	[tilespmem:$0x14100] =	vst v63  }
0x535: {  	v3 =	vld [tilespmem:$0x80];
	_ =	sdelay $0x4  }
0x536: {  	v12 =	vshll.u32 v3, $0x1  }
0x537: {  	v3 =	vand.u32 $0x7, v3;
	v4 =	vand.u32 $0xFFFFFFF0, v12  }
0x538: {  	v3 =	vor.u32 v3, v4  }
0x539: {  	v4 =	vperm.xlane v3, v0;
	_ =	sdelay $0x1  }
0x53a: {  	v3 =	vperm.xlane v3, v2;
	v4 =	vadd.s32 v1, v4;
	_ =	sdelay $0x1  }
0x53b: {  	v3 =	vadd.s32 v1, v3;
	_ =	sdelay $0x1  }
0x53c: {  	s15 =	simm.s32 $0x8100  }
0x53d: {  	[tilespmem:s15], [sflag:$0x1] =	stream.indirect_vreg.gather [hbm4b:s3+s2], $0x80, v4, vm0, $0xb8;
	[tilespmem:$0x14100] =	vst v63  }
0x53e: {  	s19 =	simm.s32 $0x8900  }
0x53f: {  	[tilespmem:s19], [sflag:$0x1] =	stream.indirect_vreg.gather [hbm4b:s3+s2], $0x80, v3, vm0, $0xb8;
	[tilespmem:$0x14100] =	vst v63  }
0x540: {  	v3 =	vld [tilespmem:$0x90];
	_ =	sdelay $0x4  }
0x541: {  	v13 =	vshll.u32 v3, $0x1  }
0x542: {  	v3 =	vand.u32 $0x7, v3;
	v4 =	vand.u32 $0xFFFFFFF0, v13  }
0x543: {  	v3 =	vor.u32 v3, v4  }
0x544: {  	v4 =	vperm.xlane v3, v0;
	_ =	sdelay $0x1  }
0x545: {  	v3 =	vperm.xlane v3, v2;
	v4 =	vadd.s32 v1, v4;
	_ =	sdelay $0x1  }
0x546: {  	v3 =	vadd.s32 v1, v3;
	_ =	sdelay $0x1  }
0x547: {  	s16 =	simm.s32 $0x9100  }
0x548: {  	[tilespmem:s16], [sflag:$0x1] =	stream.indirect_vreg.gather [hbm4b:s3+s2], $0x80, v4, vm0, $0xb8;
	[tilespmem:$0x14100] =	vst v63  }
0x549: {  	s25 =	simm.s32 $0x9900  }
0x54a: {  	[tilespmem:s25], [sflag:$0x1] =	stream.indirect_vreg.gather [hbm4b:s3+s2], $0x80, v3, vm0, $0xb8;
	[tilespmem:$0x14100] =	vst v63  }
0x54b: {  	s22 =	rddreg [dreg:$0x17]  }
0x54c: {  	[hbm4b:s22+s2] =	stream.linear.scatter [tilespmem:s28], [sflag:$0x3], $0xA000, $0x38;
	[tilespmem:$0x14100] =	vst v63  }
0x54d: {  	_ =	swait.ge [sflag:s5], $0xA000  }
0x54e: {  	[sflag:s5] =	ssyncset.done $0x0  }
0x54f: {  	[sflag:s5] =	ssyncadd.s32 $0xFFFF6000  }
0x550: {  	_ =	swait.ge [sflag:s26], $0xA000  }
0x551: {  	[sflag:s26] =	ssyncset.done $0x0  }
0x552: {  	s19 =	rddreg [dreg:$0x18];
	[sflag:s26] =	ssyncadd.s32 $0xFFFF6000  }
0x553: {  	[tilespmem:s2], [sflag:$0x3] =	stream.linear.gather [hbm4b:s19+s2], $0xA0, $0x38;
	[tilespmem:$0x14100] =	vst v63  }
0x554: {  	_ =	swait.ge [sflag:s5], $0xA0  }
0x555: {  	[sflag:s5] =	ssyncset.done $0x0  }
0x556: {  	[sflag:s5] =	ssyncadd.s32 $0xFFFFFF60  }
0x557: {  	v3 =	vld [tilespmem:$0x0];
	_ =	sdelay $0x4  }
0x558: {  	v14 =	vshll.u32 v3, $0x1  }
0x559: {  	v3 =	vand.u32 $0x7, v3;
	v4 =	vand.u32 $0xFFFFFFF0, v14  }
0x55a: {  	v3 =	vor.u32 v3, v4  }
0x55b: {  	v4 =	vperm.xlane v3, v0;
	_ =	sdelay $0x1  }
0x55c: {  	v3 =	vperm.xlane v3, v2;
	v4 =	vadd.s32 v1, v4;
	_ =	sdelay $0x1  }
0x55d: {  	v3 =	vadd.s32 v1, v3;
	_ =	sdelay $0x2  }
0x55e: {  	[tilespmem:s28], [sflag:$0x2] =	stream.indirect_vreg.gather [hbm4b:s3+s2], $0x80, v4, vm0, $0xb8;
	[tilespmem:$0x14100] =	vst v63  }
0x55f: {  	s22 =	simm.s32 $0xA900  }
0x560: {  	[tilespmem:s22], [sflag:$0x2] =	stream.indirect_vreg.gather [hbm4b:s3+s2], $0x80, v3, vm0, $0xb8;
	[tilespmem:$0x14100] =	vst v63  }
0x561: {  	v3 =	vld [tilespmem:$0x10];
	_ =	sdelay $0x4  }
0x562: {  	v15 =	vshll.u32 v3, $0x1  }
0x563: {  	v3 =	vand.u32 $0x7, v3;
	v4 =	vand.u32 $0xFFFFFFF0, v15  }
0x564: {  	v3 =	vor.u32 v3, v4  }
0x565: {  	v4 =	vperm.xlane v3, v0;
	_ =	sdelay $0x1  }
0x566: {  	v3 =	vperm.xlane v3, v2;
	v4 =	vadd.s32 v1, v4;
	_ =	sdelay $0x1  }
0x567: {  	v3 =	vadd.s32 v1, v3;
	_ =	sdelay $0x1  }
0x568: {  	s17 =	simm.s32 $0xB100  }
0x569: {  	[tilespmem:s17], [sflag:$0x2] =	stream.indirect_vreg.gather [hbm4b:s3+s2], $0x80, v4, vm0, $0xb8;
	[tilespmem:$0x14100] =	vst v63  }
0x56a: {  	s25 =	simm.s32 $0xB900  }
0x56b: {  	[tilespmem:s25], [sflag:$0x2] =	stream.indirect_vreg.gather [hbm4b:s3+s2], $0x80, v3, vm0, $0xb8;
	[tilespmem:$0x14100] =	vst v63  }
0x56c: {  	v3 =	vld [tilespmem:$0x20];
	_ =	sdelay $0x4  }
0x56d: {  	v16 =	vshll.u32 v3, $0x1  }
0x56e: {  	v3 =	vand.u32 $0x7, v3;
	v4 =	vand.u32 $0xFFFFFFF0, v16  }
0x56f: {  	v3 =	vor.u32 v3, v4  }
0x570: {  	v4 =	vperm.xlane v3, v0;
	_ =	sdelay $0x1  }
0x571: {  	v3 =	vperm.xlane v3, v2;
	v4 =	vadd.s32 v1, v4;
	_ =	sdelay $0x1  }
0x572: {  	v3 =	vadd.s32 v1, v3;
	_ =	sdelay $0x1  }
0x573: {  	s11 =	simm.s32 $0xC100  }
0x574: {  	[tilespmem:s11], [sflag:$0x2] =	stream.indirect_vreg.gather [hbm4b:s3+s2], $0x80, v4, vm0, $0xb8;
	[tilespmem:$0x14100] =	vst v63  }
0x575: {  	s24 =	simm.s32 $0xC900  }
0x576: {  	[tilespmem:s24], [sflag:$0x2] =	stream.indirect_vreg.gather [hbm4b:s3+s2], $0x80, v3, vm0, $0xb8;
	[tilespmem:$0x14100] =	vst v63  }
0x577: {  	v3 =	vld [tilespmem:$0x30];
	_ =	sdelay $0x4  }
0x578: {  	v17 =	vshll.u32 v3, $0x1  }
0x579: {  	v3 =	vand.u32 $0x7, v3;
	v4 =	vand.u32 $0xFFFFFFF0, v17  }
0x57a: {  	v3 =	vor.u32 v3, v4  }
0x57b: {  	v4 =	vperm.xlane v3, v0;
	_ =	sdelay $0x1  }
0x57c: {  	v3 =	vperm.xlane v3, v2;
	v4 =	vadd.s32 v1, v4;
	_ =	sdelay $0x1  }
0x57d: {  	v3 =	vadd.s32 v1, v3;
	_ =	sdelay $0x1  }
0x57e: {  	s0 =	simm.s32 $0xD100  }
0x57f: {  	[tilespmem:s0], [sflag:$0x2] =	stream.indirect_vreg.gather [hbm4b:s3+s2], $0x80, v4, vm0, $0xb8;
	[tilespmem:$0x14100] =	vst v63  }
0x580: {  	s13 =	simm.s32 $0xD900  }
0x581: {  	[tilespmem:s13], [sflag:$0x2] =	stream.indirect_vreg.gather [hbm4b:s3+s2], $0x80, v3, vm0, $0xb8;
	[tilespmem:$0x14100] =	vst v63  }
0x582: {  	v3 =	vld [tilespmem:$0x40];
	_ =	sdelay $0x4  }
0x583: {  	v18 =	vshll.u32 v3, $0x1  }
0x584: {  	v3 =	vand.u32 $0x7, v3;
	v4 =	vand.u32 $0xFFFFFFF0, v18  }
0x585: {  	v3 =	vor.u32 v3, v4  }
0x586: {  	v4 =	vperm.xlane v3, v0;
	_ =	sdelay $0x1  }
0x587: {  	v3 =	vperm.xlane v3, v2;
	v4 =	vadd.s32 v1, v4;
	_ =	sdelay $0x1  }
0x588: {  	v3 =	vadd.s32 v1, v3;
	_ =	sdelay $0x1  }
0x589: {  	s1 =	simm.s32 $0xE100  }
0x58a: {  	[tilespmem:s1], [sflag:$0x2] =	stream.indirect_vreg.gather [hbm4b:s3+s2], $0x80, v4, vm0, $0xb8;
	[tilespmem:$0x14100] =	vst v63  }
0x58b: {  	s30 =	simm.s32 $0xE900  }
0x58c: {  	[tilespmem:s30], [sflag:$0x2] =	stream.indirect_vreg.gather [hbm4b:s3+s2], $0x80, v3, vm0, $0xb8;
	[tilespmem:$0x14100] =	vst v63  }
0x58d: {  	v3 =	vld [tilespmem:$0x50];
	_ =	sdelay $0x4  }
0x58e: {  	v19 =	vshll.u32 v3, $0x1  }
0x58f: {  	v3 =	vand.u32 $0x7, v3;
	v4 =	vand.u32 $0xFFFFFFF0, v19  }
0x590: {  	v3 =	vor.u32 v3, v4  }
0x591: {  	v4 =	vperm.xlane v3, v0;
	_ =	sdelay $0x1  }
0x592: {  	v3 =	vperm.xlane v3, v2;
	v4 =	vadd.s32 v1, v4;
	_ =	sdelay $0x1  }
0x593: {  	v3 =	vadd.s32 v1, v3;
	_ =	sdelay $0x1  }
0x594: {  	s18 =	simm.s32 $0xF100  }
0x595: {  	[tilespmem:s18], [sflag:$0x2] =	stream.indirect_vreg.gather [hbm4b:s3+s2], $0x80, v4, vm0, $0xb8;
	[tilespmem:$0x14100] =	vst v63  }
0x596: {  	s30 =	simm.s32 $0xF900  }
0x597: {  	[tilespmem:s30], [sflag:$0x2] =	stream.indirect_vreg.gather [hbm4b:s3+s2], $0x80, v3, vm0, $0xb8;
	[tilespmem:$0x14100] =	vst v63  }
0x598: {  	v3 =	vld [tilespmem:$0x60];
	_ =	sdelay $0x4  }
0x599: {  	v20 =	vshll.u32 v3, $0x1  }
0x59a: {  	v3 =	vand.u32 $0x7, v3;
	v4 =	vand.u32 $0xFFFFFFF0, v20  }
0x59b: {  	v3 =	vor.u32 v3, v4  }
0x59c: {  	v4 =	vperm.xlane v3, v0;
	_ =	sdelay $0x1  }
0x59d: {  	v3 =	vperm.xlane v3, v2;
	v4 =	vadd.s32 v1, v4;
	_ =	sdelay $0x1  }
0x59e: {  	v3 =	vadd.s32 v1, v3;
	_ =	sdelay $0x1  }
0x59f: {  	s4 =	simm.s32 $0x10100  }
0x5a0: {  	[tilespmem:s4], [sflag:$0x2] =	stream.indirect_vreg.gather [hbm4b:s3+s2], $0x80, v4, vm0, $0xb8;
	[tilespmem:$0x14100] =	vst v63  }
0x5a1: {  	s29 =	simm.s32 $0x10900  }
0x5a2: {  	[tilespmem:s29], [sflag:$0x2] =	stream.indirect_vreg.gather [hbm4b:s3+s2], $0x80, v3, vm0, $0xb8;
	[tilespmem:$0x14100] =	vst v63  }
0x5a3: {  	v3 =	vld [tilespmem:$0x70];
	_ =	sdelay $0x4  }
0x5a4: {  	v21 =	vshll.u32 v3, $0x1  }
0x5a5: {  	v3 =	vand.u32 $0x7, v3;
	v4 =	vand.u32 $0xFFFFFFF0, v21  }
0x5a6: {  	v3 =	vor.u32 v3, v4  }
0x5a7: {  	v4 =	vperm.xlane v3, v0;
	_ =	sdelay $0x1  }
0x5a8: {  	v3 =	vperm.xlane v3, v2;
	v4 =	vadd.s32 v1, v4;
	_ =	sdelay $0x1  }
0x5a9: {  	v3 =	vadd.s32 v1, v3;
	_ =	sdelay $0x1  }
0x5aa: {  	s23 =	simm.s32 $0x11100  }
0x5ab: {  	[tilespmem:s23], [sflag:$0x2] =	stream.indirect_vreg.gather [hbm4b:s3+s2], $0x80, v4, vm0, $0xb8;
	[tilespmem:$0x14100] =	vst v63  }
0x5ac: {  	s9 =	simm.s32 $0x11900  }
0x5ad: {  	[tilespmem:s9], [sflag:$0x2] =	stream.indirect_vreg.gather [hbm4b:s3+s2], $0x80, v3, vm0, $0xb8;
	[tilespmem:$0x14100] =	vst v63  }
0x5ae: {  	v3 =	vld [tilespmem:$0x80];
	_ =	sdelay $0x4  }
0x5af: {  	v22 =	vshll.u32 v3, $0x1  }
0x5b0: {  	v3 =	vand.u32 $0x7, v3;
	v4 =	vand.u32 $0xFFFFFFF0, v22  }
0x5b1: {  	v3 =	vor.u32 v3, v4  }
0x5b2: {  	v4 =	vperm.xlane v3, v0;
	_ =	sdelay $0x1  }
0x5b3: {  	v3 =	vperm.xlane v3, v2;
	v4 =	vadd.s32 v1, v4;
	_ =	sdelay $0x1  }
0x5b4: {  	v3 =	vadd.s32 v1, v3;
	_ =	sdelay $0x1  }
0x5b5: {  	s12 =	simm.s32 $0x12100  }
0x5b6: {  	[tilespmem:s12], [sflag:$0x2] =	stream.indirect_vreg.gather [hbm4b:s3+s2], $0x80, v4, vm0, $0xb8;
	[tilespmem:$0x14100] =	vst v63  }
0x5b7: {  	s20 =	simm.s32 $0x12900  }
0x5b8: {  	[tilespmem:s20], [sflag:$0x2] =	stream.indirect_vreg.gather [hbm4b:s3+s2], $0x80, v3, vm0, $0xb8;
	[tilespmem:$0x14100] =	vst v63  }
0x5b9: {  	v3 =	vld [tilespmem:$0x90];
	_ =	sdelay $0x4  }
0x5ba: {  	v23 =	vshll.u32 v3, $0x1  }
0x5bb: {  	v3 =	vand.u32 $0x7, v3;
	v4 =	vand.u32 $0xFFFFFFF0, v23  }
0x5bc: {  	v3 =	vor.u32 v3, v4  }
0x5bd: {  	v4 =	vperm.xlane v3, v0;
	_ =	sdelay $0x1  }
0x5be: {  	v3 =	vperm.xlane v3, v2;
	v4 =	vadd.s32 v1, v4;
	_ =	sdelay $0x1  }
0x5bf: {  	v3 =	vadd.s32 v1, v3;
	_ =	sdelay $0x1  }
0x5c0: {  	s7 =	simm.s32 $0x13100  }
0x5c1: {  	[tilespmem:s7], [sflag:$0x2] =	stream.indirect_vreg.gather [hbm4b:s3+s2], $0x80, v4, vm0, $0xb8;
	[tilespmem:$0x14100] =	vst v63  }
0x5c2: {  	s8 =	simm.s32 $0x13900  }
0x5c3: {  	[tilespmem:s8], [sflag:$0x2] =	stream.indirect_vreg.gather [hbm4b:s3+s2], $0x80, v3, vm0, $0xb8;
	[tilespmem:$0x14100] =	vst v63  }
0x5c4: {  	s20 =	rddreg [dreg:$0x19]  }
0x5c5: {  	[hbm4b:s20+s2] =	stream.linear.scatter [tilespmem:s6], [sflag:$0x3], $0xA000, $0x38;
	[tilespmem:$0x14100] =	vst v63  }
0x5c6: {  	_ =	swait.ge [sflag:s5], $0xA000  }
0x5c7: {  	[sflag:s5] =	ssyncset.done $0x0  }
0x5c8: {  	[sflag:s5] =	ssyncadd.s32 $0xFFFF6000  }
0x5c9: {  	_ =	swait.ge [sflag:s21], $0xA000  }
0x5ca: {  	[sflag:s21] =	ssyncset.done $0x0  }
0x5cb: {  	s7 =	rddreg [dreg:$0x1a];
	[sflag:s21] =	ssyncadd.s32 $0xFFFF6000  }
0x5cc: {  	[tilespmem:s2], [sflag:$0x3] =	stream.linear.gather [hbm4b:s7+s2], $0xA0, $0x38;
	[tilespmem:$0x14100] =	vst v63  }
0x5cd: {  	_ =	swait.ge [sflag:s5], $0xA0  }
0x5ce: {  	[sflag:s5] =	ssyncset.done $0x0  }
0x5cf: {  	[sflag:s5] =	ssyncadd.s32 $0xFFFFFF60  }
0x5d0: {  	v3 =	vld [tilespmem:$0x0];
	_ =	sdelay $0x4  }
0x5d1: {  	v24 =	vshll.u32 v3, $0x1  }
0x5d2: {  	v3 =	vand.u32 $0x7, v3;
	v4 =	vand.u32 $0xFFFFFFF0, v24  }
0x5d3: {  	v3 =	vor.u32 v3, v4  }
0x5d4: {  	v4 =	vperm.xlane v3, v0;
	_ =	sdelay $0x1  }
0x5d5: {  	v3 =	vperm.xlane v3, v2;
	v4 =	vadd.s32 v1, v4;
	_ =	sdelay $0x1  }
0x5d6: {  	v3 =	vadd.s32 v1, v3;
	_ =	sdelay $0x2  }
0x5d7: {  	[tilespmem:s6], [sflag:$0x1] =	stream.indirect_vreg.gather [hbm4b:s3+s2], $0x80, v4, vm0, $0xb8;
	[tilespmem:$0x14100] =	vst v63  }
0x5d8: {  	s8 =	simm.s32 $0x900  }
0x5d9: {  	[tilespmem:s8], [sflag:$0x1] =	stream.indirect_vreg.gather [hbm4b:s3+s2], $0x80, v3, vm0, $0xb8;
	[tilespmem:$0x14100] =	vst v63  }
0x5da: {  	v3 =	vld [tilespmem:$0x10];
	_ =	sdelay $0x4  }
0x5db: {  	v25 =	vshll.u32 v3, $0x1  }
0x5dc: {  	v3 =	vand.u32 $0x7, v3;
	v4 =	vand.u32 $0xFFFFFFF0, v25  }
0x5dd: {  	v3 =	vor.u32 v3, v4  }
0x5de: {  	v4 =	vperm.xlane v3, v0;
	_ =	sdelay $0x1  }
0x5df: {  	v3 =	vperm.xlane v3, v2;
	v4 =	vadd.s32 v1, v4;
	_ =	sdelay $0x1  }
0x5e0: {  	v3 =	vadd.s32 v1, v3;
	_ =	sdelay $0x1  }
0x5e1: {  	s9 =	simm.s32 $0x1100  }
0x5e2: {  	[tilespmem:s9], [sflag:$0x1] =	stream.indirect_vreg.gather [hbm4b:s3+s2], $0x80, v4, vm0, $0xb8;
	[tilespmem:$0x14100] =	vst v63  }
0x5e3: {  	s20 =	simm.s32 $0x1900  }
0x5e4: {  	[tilespmem:s20], [sflag:$0x1] =	stream.indirect_vreg.gather [hbm4b:s3+s2], $0x80, v3, vm0, $0xb8;
	[tilespmem:$0x14100] =	vst v63  }
0x5e5: {  	v3 =	vld [tilespmem:$0x20];
	_ =	sdelay $0x4  }
0x5e6: {  	v26 =	vshll.u32 v3, $0x1  }
0x5e7: {  	v3 =	vand.u32 $0x7, v3;
	v4 =	vand.u32 $0xFFFFFFF0, v26  }
0x5e8: {  	v3 =	vor.u32 v3, v4  }
0x5e9: {  	v4 =	vperm.xlane v3, v0;
	_ =	sdelay $0x1  }
0x5ea: {  	v3 =	vperm.xlane v3, v2;
	v4 =	vadd.s32 v1, v4;
	_ =	sdelay $0x1  }
0x5eb: {  	v3 =	vadd.s32 v1, v3;
	_ =	sdelay $0x1  }
0x5ec: {  	s22 =	simm.s32 $0x2100  }
0x5ed: {  	[tilespmem:s22], [sflag:$0x1] =	stream.indirect_vreg.gather [hbm4b:s3+s2], $0x80, v4, vm0, $0xb8;
	[tilespmem:$0x14100] =	vst v63  }
0x5ee: {  	s8 =	simm.s32 $0x2900  }
0x5ef: {  	[tilespmem:s8], [sflag:$0x1] =	stream.indirect_vreg.gather [hbm4b:s3+s2], $0x80, v3, vm0, $0xb8;
	[tilespmem:$0x14100] =	vst v63  }
0x5f0: {  	v3 =	vld [tilespmem:$0x30];
	_ =	sdelay $0x4  }
0x5f1: {  	v27 =	vshll.u32 v3, $0x1  }
0x5f2: {  	v3 =	vand.u32 $0x7, v3;
	v4 =	vand.u32 $0xFFFFFFF0, v27  }
0x5f3: {  	v3 =	vor.u32 v3, v4  }
0x5f4: {  	v4 =	vperm.xlane v3, v0;
	_ =	sdelay $0x1  }
0x5f5: {  	v3 =	vperm.xlane v3, v2;
	v4 =	vadd.s32 v1, v4;
	_ =	sdelay $0x1  }
0x5f6: {  	v3 =	vadd.s32 v1, v3;
	_ =	sdelay $0x1  }
0x5f7: {  	s9 =	simm.s32 $0x3100  }
0x5f8: {  	[tilespmem:s9], [sflag:$0x1] =	stream.indirect_vreg.gather [hbm4b:s3+s2], $0x80, v4, vm0, $0xb8;
	[tilespmem:$0x14100] =	vst v63  }
0x5f9: {  	s20 =	simm.s32 $0x3900  }
0x5fa: {  	[tilespmem:s20], [sflag:$0x1] =	stream.indirect_vreg.gather [hbm4b:s3+s2], $0x80, v3, vm0, $0xb8;
	[tilespmem:$0x14100] =	vst v63  }
0x5fb: {  	v3 =	vld [tilespmem:$0x40];
	_ =	sdelay $0x4  }
0x5fc: {  	v28 =	vshll.u32 v3, $0x1  }
0x5fd: {  	v3 =	vand.u32 $0x7, v3;
	v4 =	vand.u32 $0xFFFFFFF0, v28  }
0x5fe: {  	v3 =	vor.u32 v3, v4  }
0x5ff: {  	v4 =	vperm.xlane v3, v0;
	_ =	sdelay $0x1  }
0x600: {  	v3 =	vperm.xlane v3, v2;
	v4 =	vadd.s32 v1, v4;
	_ =	sdelay $0x1  }
0x601: {  	v3 =	vadd.s32 v1, v3;
	_ =	sdelay $0x1  }
0x602: {  	s22 =	simm.s32 $0x4100  }
0x603: {  	[tilespmem:s22], [sflag:$0x1] =	stream.indirect_vreg.gather [hbm4b:s3+s2], $0x80, v4, vm0, $0xb8;
	[tilespmem:$0x14100] =	vst v63  }
0x604: {  	s8 =	simm.s32 $0x4900  }
0x605: {  	[tilespmem:s8], [sflag:$0x1] =	stream.indirect_vreg.gather [hbm4b:s3+s2], $0x80, v3, vm0, $0xb8;
	[tilespmem:$0x14100] =	vst v63  }
0x606: {  	v3 =	vld [tilespmem:$0x50];
	_ =	sdelay $0x4  }
0x607: {  	v29 =	vshll.u32 v3, $0x1  }
0x608: {  	v3 =	vand.u32 $0x7, v3;
	v4 =	vand.u32 $0xFFFFFFF0, v29  }
0x609: {  	v3 =	vor.u32 v3, v4  }
0x60a: {  	v4 =	vperm.xlane v3, v0;
	_ =	sdelay $0x1  }
0x60b: {  	v3 =	vperm.xlane v3, v2;
	v4 =	vadd.s32 v1, v4;
	_ =	sdelay $0x1  }
0x60c: {  	v3 =	vadd.s32 v1, v3;
	_ =	sdelay $0x1  }
0x60d: {  	s9 =	simm.s32 $0x5100  }
0x60e: {  	[tilespmem:s9], [sflag:$0x1] =	stream.indirect_vreg.gather [hbm4b:s3+s2], $0x80, v4, vm0, $0xb8;
	[tilespmem:$0x14100] =	vst v63  }
0x60f: {  	s20 =	simm.s32 $0x5900  }
0x610: {  	[tilespmem:s20], [sflag:$0x1] =	stream.indirect_vreg.gather [hbm4b:s3+s2], $0x80, v3, vm0, $0xb8;
	[tilespmem:$0x14100] =	vst v63  }
0x611: {  	v3 =	vld [tilespmem:$0x60];
	_ =	sdelay $0x4  }
0x612: {  	v30 =	vshll.u32 v3, $0x1  }
0x613: {  	v3 =	vand.u32 $0x7, v3;
	v4 =	vand.u32 $0xFFFFFFF0, v30  }
0x614: {  	v3 =	vor.u32 v3, v4  }
0x615: {  	v4 =	vperm.xlane v3, v0;
	_ =	sdelay $0x1  }
0x616: {  	v3 =	vperm.xlane v3, v2;
	v4 =	vadd.s32 v1, v4;
	_ =	sdelay $0x1  }
0x617: {  	v3 =	vadd.s32 v1, v3;
	_ =	sdelay $0x1  }
0x618: {  	s22 =	simm.s32 $0x6100  }
0x619: {  	[tilespmem:s22], [sflag:$0x1] =	stream.indirect_vreg.gather [hbm4b:s3+s2], $0x80, v4, vm0, $0xb8;
	[tilespmem:$0x14100] =	vst v63  }
0x61a: {  	s31 =	simm.s32 $0x6900  }
0x61b: {  	[tilespmem:s31], [sflag:$0x1] =	stream.indirect_vreg.gather [hbm4b:s3+s2], $0x80, v3, vm0, $0xb8;
	[tilespmem:$0x14100] =	vst v63  }
0x61c: {  	v3 =	vld [tilespmem:$0x70];
	_ =	sdelay $0x4  }
0x61d: {  	v31 =	vshll.u32 v3, $0x1  }
0x61e: {  	v3 =	vand.u32 $0x7, v3;
	v4 =	vand.u32 $0xFFFFFFF0, v31  }
0x61f: {  	v3 =	vor.u32 v3, v4  }
0x620: {  	v4 =	vperm.xlane v3, v0;
	_ =	sdelay $0x1  }
0x621: {  	v3 =	vperm.xlane v3, v2;
	v4 =	vadd.s32 v1, v4;
	_ =	sdelay $0x1  }
0x622: {  	v3 =	vadd.s32 v1, v3;
	_ =	sdelay $0x1  }
0x623: {  	s10 =	simm.s32 $0x7100  }
0x624: {  	[tilespmem:s10], [sflag:$0x1] =	stream.indirect_vreg.gather [hbm4b:s3+s2], $0x80, v4, vm0, $0xb8;
	[tilespmem:$0x14100] =	vst v63  }
0x625: {  	s14 =	simm.s32 $0x7900  }
0x626: {  	[tilespmem:s14], [sflag:$0x1] =	stream.indirect_vreg.gather [hbm4b:s3+s2], $0x80, v3, vm0, $0xb8;
	[tilespmem:$0x14100] =	vst v63  }
0x627: {  	v3 =	vld [tilespmem:$0x80];
	_ =	sdelay $0x4  }
0x628: {  	v32 =	vshll.u32 v3, $0x1  }
0x629: {  	v3 =	vand.u32 $0x7, v3;
	v4 =	vand.u32 $0xFFFFFFF0, v32  }
0x62a: {  	v3 =	vor.u32 v3, v4  }
0x62b: {  	v4 =	vperm.xlane v3, v0;
	_ =	sdelay $0x1  }
0x62c: {  	v3 =	vperm.xlane v3, v2;
	v4 =	vadd.s32 v1, v4;
	_ =	sdelay $0x1  }
0x62d: {  	v3 =	vadd.s32 v1, v3;
	_ =	sdelay $0x1  }
0x62e: {  	s15 =	simm.s32 $0x8100  }
0x62f: {  	[tilespmem:s15], [sflag:$0x1] =	stream.indirect_vreg.gather [hbm4b:s3+s2], $0x80, v4, vm0, $0xb8;
	[tilespmem:$0x14100] =	vst v63  }
0x630: {  	s31 =	simm.s32 $0x8900  }
0x631: {  	[tilespmem:s31], [sflag:$0x1] =	stream.indirect_vreg.gather [hbm4b:s3+s2], $0x80, v3, vm0, $0xb8;
	[tilespmem:$0x14100] =	vst v63  }
0x632: {  	v3 =	vld [tilespmem:$0x90];
	_ =	sdelay $0x4  }
0x633: {  	v33 =	vshll.u32 v3, $0x1  }
0x634: {  	v3 =	vand.u32 $0x7, v3;
	v4 =	vand.u32 $0xFFFFFFF0, v33  }
0x635: {  	v3 =	vor.u32 v3, v4  }
0x636: {  	v4 =	vperm.xlane v3, v0;
	_ =	sdelay $0x1  }
0x637: {  	v3 =	vperm.xlane v3, v2;
	v4 =	vadd.s32 v1, v4;
	_ =	sdelay $0x1  }
0x638: {  	v3 =	vadd.s32 v1, v3;
	_ =	sdelay $0x1  }
0x639: {  	s16 =	simm.s32 $0x9100  }
0x63a: {  	[tilespmem:s16], [sflag:$0x1] =	stream.indirect_vreg.gather [hbm4b:s3+s2], $0x80, v4, vm0, $0xb8;
	[tilespmem:$0x14100] =	vst v63  }
0x63b: {  	s16 =	simm.s32 $0x9900  }
0x63c: {  	[tilespmem:s16], [sflag:$0x1] =	stream.indirect_vreg.gather [hbm4b:s3+s2], $0x80, v3, vm0, $0xb8;
	[tilespmem:$0x14100] =	vst v63  }
0x63d: {  	s10 =	rddreg [dreg:$0x1b]  }
0x63e: {  	[hbm4b:s10+s2] =	stream.linear.scatter [tilespmem:s28], [sflag:$0x3], $0xA000, $0x38;
	[tilespmem:$0x14100] =	vst v63  }
0x63f: {  	_ =	swait.ge [sflag:s5], $0xA000  }
0x640: {  	[sflag:s5] =	ssyncset.done $0x0  }
0x641: {  	[sflag:s5] =	ssyncadd.s32 $0xFFFF6000  }
0x642: {  	_ =	swait.ge [sflag:s26], $0xA000  }
0x643: {  	[sflag:s26] =	ssyncset.done $0x0  }
0x644: {  	s10 =	rddreg [dreg:$0x1c];
	[sflag:s26] =	ssyncadd.s32 $0xFFFF6000  }
0x645: {  	[tilespmem:s2], [sflag:$0x3] =	stream.linear.gather [hbm4b:s10+s2], $0xA0, $0x38;
	[tilespmem:$0x14100] =	vst v63  }
0x646: {  	_ =	swait.ge [sflag:s5], $0xA0  }
0x647: {  	[sflag:s5] =	ssyncset.done $0x0  }
0x648: {  	[sflag:s5] =	ssyncadd.s32 $0xFFFFFF60  }
0x649: {  	v3 =	vld [tilespmem:$0x0];
	_ =	sdelay $0x4  }
0x64a: {  	v34 =	vshll.u32 v3, $0x1  }
0x64b: {  	v3 =	vand.u32 $0x7, v3;
	v4 =	vand.u32 $0xFFFFFFF0, v34  }
0x64c: {  	v3 =	vor.u32 v3, v4  }
0x64d: {  	v4 =	vperm.xlane v3, v0;
	_ =	sdelay $0x1  }
0x64e: {  	v3 =	vperm.xlane v3, v2;
	v4 =	vadd.s32 v1, v4;
	_ =	sdelay $0x1  }
0x64f: {  	v3 =	vadd.s32 v1, v3;
	_ =	sdelay $0x2  }
0x650: {  	[tilespmem:s28], [sflag:$0x2] =	stream.indirect_vreg.gather [hbm4b:s3+s2], $0x80, v4, vm0, $0xb8;
	[tilespmem:$0x14100] =	vst v63  }
0x651: {  	s16 =	simm.s32 $0xA900  }
0x652: {  	[tilespmem:s16], [sflag:$0x2] =	stream.indirect_vreg.gather [hbm4b:s3+s2], $0x80, v3, vm0, $0xb8;
	[tilespmem:$0x14100] =	vst v63  }
0x653: {  	v3 =	vld [tilespmem:$0x10];
	_ =	sdelay $0x4  }
0x654: {  	v35 =	vshll.u32 v3, $0x1  }
0x655: {  	v3 =	vand.u32 $0x7, v3;
	v4 =	vand.u32 $0xFFFFFFF0, v35  }
0x656: {  	v3 =	vor.u32 v3, v4  }
0x657: {  	v4 =	vperm.xlane v3, v0;
	_ =	sdelay $0x1  }
0x658: {  	v3 =	vperm.xlane v3, v2;
	v4 =	vadd.s32 v1, v4;
	_ =	sdelay $0x1  }
0x659: {  	v3 =	vadd.s32 v1, v3;
	_ =	sdelay $0x1  }
0x65a: {  	s17 =	simm.s32 $0xB100  }
0x65b: {  	[tilespmem:s17], [sflag:$0x2] =	stream.indirect_vreg.gather [hbm4b:s3+s2], $0x80, v4, vm0, $0xb8;
	[tilespmem:$0x14100] =	vst v63  }
0x65c: {  	s17 =	simm.s32 $0xB900  }
0x65d: {  	[tilespmem:s17], [sflag:$0x2] =	stream.indirect_vreg.gather [hbm4b:s3+s2], $0x80, v3, vm0, $0xb8;
	[tilespmem:$0x14100] =	vst v63  }
0x65e: {  	v3 =	vld [tilespmem:$0x20];
	_ =	sdelay $0x4  }
0x65f: {  	v36 =	vshll.u32 v3, $0x1  }
0x660: {  	v3 =	vand.u32 $0x7, v3;
	v4 =	vand.u32 $0xFFFFFFF0, v36  }
0x661: {  	v3 =	vor.u32 v3, v4  }
0x662: {  	v4 =	vperm.xlane v3, v0;
	_ =	sdelay $0x1  }
0x663: {  	v3 =	vperm.xlane v3, v2;
	v4 =	vadd.s32 v1, v4;
	_ =	sdelay $0x1  }
0x664: {  	v3 =	vadd.s32 v1, v3;
	_ =	sdelay $0x1  }
0x665: {  	s11 =	simm.s32 $0xC100  }
0x666: {  	[tilespmem:s11], [sflag:$0x2] =	stream.indirect_vreg.gather [hbm4b:s3+s2], $0x80, v4, vm0, $0xb8;
	[tilespmem:$0x14100] =	vst v63  }
0x667: {  	s24 =	simm.s32 $0xC900  }
0x668: {  	[tilespmem:s24], [sflag:$0x2] =	stream.indirect_vreg.gather [hbm4b:s3+s2], $0x80, v3, vm0, $0xb8;
	[tilespmem:$0x14100] =	vst v63  }
0x669: {  	v3 =	vld [tilespmem:$0x30];
	_ =	sdelay $0x4  }
0x66a: {  	v37 =	vshll.u32 v3, $0x1  }
0x66b: {  	v3 =	vand.u32 $0x7, v3;
	v4 =	vand.u32 $0xFFFFFFF0, v37  }
0x66c: {  	v3 =	vor.u32 v3, v4  }
0x66d: {  	v4 =	vperm.xlane v3, v0;
	_ =	sdelay $0x1  }
0x66e: {  	v3 =	vperm.xlane v3, v2;
	v4 =	vadd.s32 v1, v4;
	_ =	sdelay $0x1  }
0x66f: {  	v3 =	vadd.s32 v1, v3;
	_ =	sdelay $0x1  }
0x670: {  	s0 =	simm.s32 $0xD100  }
0x671: {  	[tilespmem:s0], [sflag:$0x2] =	stream.indirect_vreg.gather [hbm4b:s3+s2], $0x80, v4, vm0, $0xb8;
	[tilespmem:$0x14100] =	vst v63  }
0x672: {  	s13 =	simm.s32 $0xD900  }
0x673: {  	[tilespmem:s13], [sflag:$0x2] =	stream.indirect_vreg.gather [hbm4b:s3+s2], $0x80, v3, vm0, $0xb8;
	[tilespmem:$0x14100] =	vst v63  }
0x674: {  	v3 =	vld [tilespmem:$0x40];
	_ =	sdelay $0x4  }
0x675: {  	v38 =	vshll.u32 v3, $0x1  }
0x676: {  	v3 =	vand.u32 $0x7, v3;
	v4 =	vand.u32 $0xFFFFFFF0, v38  }
0x677: {  	v3 =	vor.u32 v3, v4  }
0x678: {  	v4 =	vperm.xlane v3, v0;
	_ =	sdelay $0x1  }
0x679: {  	v3 =	vperm.xlane v3, v2;
	v4 =	vadd.s32 v1, v4;
	_ =	sdelay $0x1  }
0x67a: {  	v3 =	vadd.s32 v1, v3;
	_ =	sdelay $0x1  }
0x67b: {  	s1 =	simm.s32 $0xE100  }
0x67c: {  	[tilespmem:s1], [sflag:$0x2] =	stream.indirect_vreg.gather [hbm4b:s3+s2], $0x80, v4, vm0, $0xb8;
	[tilespmem:$0x14100] =	vst v63  }
0x67d: {  	s25 =	simm.s32 $0xE900  }
0x67e: {  	[tilespmem:s25], [sflag:$0x2] =	stream.indirect_vreg.gather [hbm4b:s3+s2], $0x80, v3, vm0, $0xb8;
	[tilespmem:$0x14100] =	vst v63  }
0x67f: {  	v3 =	vld [tilespmem:$0x50];
	_ =	sdelay $0x4  }
0x680: {  	v39 =	vshll.u32 v3, $0x1  }
0x681: {  	v3 =	vand.u32 $0x7, v3;
	v4 =	vand.u32 $0xFFFFFFF0, v39  }
0x682: {  	v3 =	vor.u32 v3, v4  }
0x683: {  	v4 =	vperm.xlane v3, v0;
	_ =	sdelay $0x1  }
0x684: {  	v3 =	vperm.xlane v3, v2;
	v4 =	vadd.s32 v1, v4;
	_ =	sdelay $0x1  }
0x685: {  	v3 =	vadd.s32 v1, v3;
	_ =	sdelay $0x1  }
0x686: {  	s18 =	simm.s32 $0xF100  }
0x687: {  	[tilespmem:s18], [sflag:$0x2] =	stream.indirect_vreg.gather [hbm4b:s3+s2], $0x80, v4, vm0, $0xb8;
	[tilespmem:$0x14100] =	vst v63  }
0x688: {  	s22 =	simm.s32 $0xF900  }
0x689: {  	[tilespmem:s22], [sflag:$0x2] =	stream.indirect_vreg.gather [hbm4b:s3+s2], $0x80, v3, vm0, $0xb8;
	[tilespmem:$0x14100] =	vst v63  }
0x68a: {  	v3 =	vld [tilespmem:$0x60];
	_ =	sdelay $0x4  }
0x68b: {  	v40 =	vshll.u32 v3, $0x1  }
0x68c: {  	v3 =	vand.u32 $0x7, v3;
	v4 =	vand.u32 $0xFFFFFFF0, v40  }
0x68d: {  	v3 =	vor.u32 v3, v4  }
0x68e: {  	v4 =	vperm.xlane v3, v0;
	_ =	sdelay $0x1  }
0x68f: {  	v3 =	vperm.xlane v3, v2;
	v4 =	vadd.s32 v1, v4;
	_ =	sdelay $0x1  }
0x690: {  	v3 =	vadd.s32 v1, v3;
	_ =	sdelay $0x1  }
0x691: {  	s4 =	simm.s32 $0x10100  }
0x692: {  	[tilespmem:s4], [sflag:$0x2] =	stream.indirect_vreg.gather [hbm4b:s3+s2], $0x80, v4, vm0, $0xb8;
	[tilespmem:$0x14100] =	vst v63  }
0x693: {  	s25 =	simm.s32 $0x10900  }
0x694: {  	[tilespmem:s25], [sflag:$0x2] =	stream.indirect_vreg.gather [hbm4b:s3+s2], $0x80, v3, vm0, $0xb8;
	[tilespmem:$0x14100] =	vst v63  }
0x695: {  	v3 =	vld [tilespmem:$0x70];
	_ =	sdelay $0x4  }
0x696: {  	v41 =	vshll.u32 v3, $0x1  }
0x697: {  	v3 =	vand.u32 $0x7, v3;
	v4 =	vand.u32 $0xFFFFFFF0, v41  }
0x698: {  	v3 =	vor.u32 v3, v4  }
0x699: {  	v4 =	vperm.xlane v3, v0;
	_ =	sdelay $0x1  }
0x69a: {  	v3 =	vperm.xlane v3, v2;
	v4 =	vadd.s32 v1, v4;
	_ =	sdelay $0x1  }
0x69b: {  	v3 =	vadd.s32 v1, v3;
	_ =	sdelay $0x1  }
0x69c: {  	s19 =	simm.s32 $0x11100  }
0x69d: {  	[tilespmem:s19], [sflag:$0x2] =	stream.indirect_vreg.gather [hbm4b:s3+s2], $0x80, v4, vm0, $0xb8;
	[tilespmem:$0x14100] =	vst v63  }
0x69e: {  	s30 =	simm.s32 $0x11900  }
0x69f: {  	[tilespmem:s30], [sflag:$0x2] =	stream.indirect_vreg.gather [hbm4b:s3+s2], $0x80, v3, vm0, $0xb8;
	[tilespmem:$0x14100] =	vst v63  }
0x6a0: {  	v3 =	vld [tilespmem:$0x80];
	_ =	sdelay $0x4  }
0x6a1: {  	v42 =	vshll.u32 v3, $0x1  }
0x6a2: {  	v3 =	vand.u32 $0x7, v3;
	v4 =	vand.u32 $0xFFFFFFF0, v42  }
0x6a3: {  	v3 =	vor.u32 v3, v4  }
0x6a4: {  	v4 =	vperm.xlane v3, v0;
	_ =	sdelay $0x1  }
0x6a5: {  	v3 =	vperm.xlane v3, v2;
	v4 =	vadd.s32 v1, v4;
	_ =	sdelay $0x1  }
0x6a6: {  	v3 =	vadd.s32 v1, v3;
	_ =	sdelay $0x1  }
0x6a7: {  	s12 =	simm.s32 $0x12100  }
0x6a8: {  	[tilespmem:s12], [sflag:$0x2] =	stream.indirect_vreg.gather [hbm4b:s3+s2], $0x80, v4, vm0, $0xb8;
	[tilespmem:$0x14100] =	vst v63  }
0x6a9: {  	s29 =	simm.s32 $0x12900  }
0x6aa: {  	[tilespmem:s29], [sflag:$0x2] =	stream.indirect_vreg.gather [hbm4b:s3+s2], $0x80, v3, vm0, $0xb8;
	[tilespmem:$0x14100] =	vst v63  }
0x6ab: {  	v3 =	vld [tilespmem:$0x90];
	_ =	sdelay $0x4  }
0x6ac: {  	v43 =	vshll.u32 v3, $0x1  }
0x6ad: {  	v3 =	vand.u32 $0x7, v3;
	v4 =	vand.u32 $0xFFFFFFF0, v43  }
0x6ae: {  	v3 =	vor.u32 v3, v4  }
0x6af: {  	v4 =	vperm.xlane v3, v0;
	_ =	sdelay $0x1  }
0x6b0: {  	v3 =	vperm.xlane v3, v2;
	v4 =	vadd.s32 v1, v4;
	_ =	sdelay $0x1  }
0x6b1: {  	v3 =	vadd.s32 v1, v3;
	_ =	sdelay $0x1  }
0x6b2: {  	s23 =	simm.s32 $0x13100  }
0x6b3: {  	[tilespmem:s23], [sflag:$0x2] =	stream.indirect_vreg.gather [hbm4b:s3+s2], $0x80, v4, vm0, $0xb8;
	[tilespmem:$0x14100] =	vst v63  }
0x6b4: {  	s29 =	simm.s32 $0x13900  }
0x6b5: {  	[tilespmem:s29], [sflag:$0x2] =	stream.indirect_vreg.gather [hbm4b:s3+s2], $0x80, v3, vm0, $0xb8;
	[tilespmem:$0x14100] =	vst v63  }
0x6b6: {  	s30 =	rddreg [dreg:$0x1d]  }
0x6b7: {  	[hbm4b:s30+s2] =	stream.linear.scatter [tilespmem:s6], [sflag:$0x3], $0xA000, $0x38;
	[tilespmem:$0x14100] =	vst v63  }
0x6b8: {  	_ =	swait.ge [sflag:s5], $0xA000  }
0x6b9: {  	[sflag:s5] =	ssyncset.done $0x0  }
0x6ba: {  	[sflag:s5] =	ssyncadd.s32 $0xFFFF6000  }
0x6bb: {  	_ =	swait.ge [sflag:s21], $0xA000  }
0x6bc: {  	[sflag:s21] =	ssyncset.done $0x0  }
0x6bd: {  	s30 =	rddreg [dreg:$0x1e];
	[sflag:s21] =	ssyncadd.s32 $0xFFFF6000  }
0x6be: {  	[tilespmem:s2], [sflag:$0x3] =	stream.linear.gather [hbm4b:s30+s2], $0xA0, $0x38;
	[tilespmem:$0x14100] =	vst v63  }
0x6bf: {  	_ =	swait.ge [sflag:s5], $0xA0  }
0x6c0: {  	[sflag:s5] =	ssyncset.done $0x0  }
0x6c1: {  	[sflag:s5] =	ssyncadd.s32 $0xFFFFFF60  }
0x6c2: {  	v3 =	vld [tilespmem:$0x0];
	_ =	sdelay $0x4  }
0x6c3: {  	v44 =	vshll.u32 v3, $0x1  }
0x6c4: {  	v3 =	vand.u32 $0x7, v3;
	v4 =	vand.u32 $0xFFFFFFF0, v44  }
0x6c5: {  	v3 =	vor.u32 v3, v4  }
0x6c6: {  	v4 =	vperm.xlane v3, v0;
	_ =	sdelay $0x1  }
0x6c7: {  	v3 =	vperm.xlane v3, v2;
	v4 =	vadd.s32 v1, v4;
	_ =	sdelay $0x1  }
0x6c8: {  	v3 =	vadd.s32 v1, v3;
	_ =	sdelay $0x2  }
0x6c9: {  	[tilespmem:s6], [sflag:$0x1] =	stream.indirect_vreg.gather [hbm4b:s3+s2], $0x80, v4, vm0, $0xb8;
	[tilespmem:$0x14100] =	vst v63  }
0x6ca: {  	s29 =	simm.s32 $0x900  }
0x6cb: {  	[tilespmem:s29], [sflag:$0x1] =	stream.indirect_vreg.gather [hbm4b:s3+s2], $0x80, v3, vm0, $0xb8;
	[tilespmem:$0x14100] =	vst v63  }
0x6cc: {  	v3 =	vld [tilespmem:$0x10];
	_ =	sdelay $0x4  }
0x6cd: {  	v45 =	vshll.u32 v3, $0x1  }
0x6ce: {  	v3 =	vand.u32 $0x7, v3;
	v4 =	vand.u32 $0xFFFFFFF0, v45  }
0x6cf: {  	v3 =	vor.u32 v3, v4  }
0x6d0: {  	v4 =	vperm.xlane v3, v0;
	_ =	sdelay $0x1  }
0x6d1: {  	v3 =	vperm.xlane v3, v2;
	v4 =	vadd.s32 v1, v4;
	_ =	sdelay $0x1  }
0x6d2: {  	v3 =	vadd.s32 v1, v3;
	_ =	sdelay $0x1  }
0x6d3: {  	s30 =	simm.s32 $0x1100  }
0x6d4: {  	[tilespmem:s30], [sflag:$0x1] =	stream.indirect_vreg.gather [hbm4b:s3+s2], $0x80, v4, vm0, $0xb8;
	[tilespmem:$0x14100] =	vst v63  }
0x6d5: {  	s29 =	simm.s32 $0x1900  }
0x6d6: {  	[tilespmem:s29], [sflag:$0x1] =	stream.indirect_vreg.gather [hbm4b:s3+s2], $0x80, v3, vm0, $0xb8;
	[tilespmem:$0x14100] =	vst v63  }
0x6d7: {  	v3 =	vld [tilespmem:$0x20];
	_ =	sdelay $0x4  }
0x6d8: {  	v46 =	vshll.u32 v3, $0x1  }
0x6d9: {  	v3 =	vand.u32 $0x7, v3;
	v4 =	vand.u32 $0xFFFFFFF0, v46  }
0x6da: {  	v3 =	vor.u32 v3, v4  }
0x6db: {  	v4 =	vperm.xlane v3, v0;
	_ =	sdelay $0x1  }
0x6dc: {  	v3 =	vperm.xlane v3, v2;
	v4 =	vadd.s32 v1, v4;
	_ =	sdelay $0x1  }
0x6dd: {  	v3 =	vadd.s32 v1, v3;
	_ =	sdelay $0x1  }
0x6de: {  	s30 =	simm.s32 $0x2100  }
0x6df: {  	[tilespmem:s30], [sflag:$0x1] =	stream.indirect_vreg.gather [hbm4b:s3+s2], $0x80, v4, vm0, $0xb8;
	[tilespmem:$0x14100] =	vst v63  }
0x6e0: {  	s29 =	simm.s32 $0x2900  }
0x6e1: {  	[tilespmem:s29], [sflag:$0x1] =	stream.indirect_vreg.gather [hbm4b:s3+s2], $0x80, v3, vm0, $0xb8;
	[tilespmem:$0x14100] =	vst v63  }
0x6e2: {  	v3 =	vld [tilespmem:$0x30];
	_ =	sdelay $0x4  }
0x6e3: {  	v47 =	vshll.u32 v3, $0x1  }
0x6e4: {  	v3 =	vand.u32 $0x7, v3;
	v4 =	vand.u32 $0xFFFFFFF0, v47  }
0x6e5: {  	v3 =	vor.u32 v3, v4  }
0x6e6: {  	v4 =	vperm.xlane v3, v0;
	_ =	sdelay $0x1  }
0x6e7: {  	v3 =	vperm.xlane v3, v2;
	v4 =	vadd.s32 v1, v4;
	_ =	sdelay $0x1  }
0x6e8: {  	v3 =	vadd.s32 v1, v3;
	_ =	sdelay $0x1  }
0x6e9: {  	s30 =	simm.s32 $0x3100  }
0x6ea: {  	[tilespmem:s30], [sflag:$0x1] =	stream.indirect_vreg.gather [hbm4b:s3+s2], $0x80, v4, vm0, $0xb8;
	[tilespmem:$0x14100] =	vst v63  }
0x6eb: {  	s29 =	simm.s32 $0x3900  }
0x6ec: {  	[tilespmem:s29], [sflag:$0x1] =	stream.indirect_vreg.gather [hbm4b:s3+s2], $0x80, v3, vm0, $0xb8;
	[tilespmem:$0x14100] =	vst v63  }
0x6ed: {  	v3 =	vld [tilespmem:$0x40];
	_ =	sdelay $0x4  }
0x6ee: {  	v48 =	vshll.u32 v3, $0x1  }
0x6ef: {  	v3 =	vand.u32 $0x7, v3;
	v4 =	vand.u32 $0xFFFFFFF0, v48  }
0x6f0: {  	v3 =	vor.u32 v3, v4  }
0x6f1: {  	v4 =	vperm.xlane v3, v0;
	_ =	sdelay $0x1  }
0x6f2: {  	v3 =	vperm.xlane v3, v2;
	v4 =	vadd.s32 v1, v4;
	_ =	sdelay $0x1  }
0x6f3: {  	v3 =	vadd.s32 v1, v3;
	_ =	sdelay $0x1  }
0x6f4: {  	s30 =	simm.s32 $0x4100  }
0x6f5: {  	[tilespmem:s30], [sflag:$0x1] =	stream.indirect_vreg.gather [hbm4b:s3+s2], $0x80, v4, vm0, $0xb8;
	[tilespmem:$0x14100] =	vst v63  }
0x6f6: {  	s29 =	simm.s32 $0x4900  }
0x6f7: {  	[tilespmem:s29], [sflag:$0x1] =	stream.indirect_vreg.gather [hbm4b:s3+s2], $0x80, v3, vm0, $0xb8;
	[tilespmem:$0x14100] =	vst v63  }
0x6f8: {  	v3 =	vld [tilespmem:$0x50];
	_ =	sdelay $0x4  }
0x6f9: {  	v49 =	vshll.u32 v3, $0x1  }
0x6fa: {  	v3 =	vand.u32 $0x7, v3;
	v4 =	vand.u32 $0xFFFFFFF0, v49  }
0x6fb: {  	v3 =	vor.u32 v3, v4  }
0x6fc: {  	v4 =	vperm.xlane v3, v0;
	_ =	sdelay $0x1  }
0x6fd: {  	v3 =	vperm.xlane v3, v2;
	v4 =	vadd.s32 v1, v4;
	_ =	sdelay $0x1  }
0x6fe: {  	v3 =	vadd.s32 v1, v3;
	_ =	sdelay $0x1  }
0x6ff: {  	s30 =	simm.s32 $0x5100  }
0x700: {  	[tilespmem:s30], [sflag:$0x1] =	stream.indirect_vreg.gather [hbm4b:s3+s2], $0x80, v4, vm0, $0xb8;
	[tilespmem:$0x14100] =	vst v63  }
0x701: {  	s29 =	simm.s32 $0x5900  }
0x702: {  	[tilespmem:s29], [sflag:$0x1] =	stream.indirect_vreg.gather [hbm4b:s3+s2], $0x80, v3, vm0, $0xb8;
	[tilespmem:$0x14100] =	vst v63  }
0x703: {  	v3 =	vld [tilespmem:$0x60];
	_ =	sdelay $0x4  }
0x704: {  	v50 =	vshll.u32 v3, $0x1  }
0x705: {  	v3 =	vand.u32 $0x7, v3;
	v4 =	vand.u32 $0xFFFFFFF0, v50  }
0x706: {  	v3 =	vor.u32 v3, v4  }
0x707: {  	v4 =	vperm.xlane v3, v0;
	_ =	sdelay $0x1  }
0x708: {  	v3 =	vperm.xlane v3, v2;
	v4 =	vadd.s32 v1, v4;
	_ =	sdelay $0x1  }
0x709: {  	v3 =	vadd.s32 v1, v3;
	_ =	sdelay $0x1  }
0x70a: {  	s30 =	simm.s32 $0x6100  }
0x70b: {  	[tilespmem:s30], [sflag:$0x1] =	stream.indirect_vreg.gather [hbm4b:s3+s2], $0x80, v4, vm0, $0xb8;
	[tilespmem:$0x14100] =	vst v63  }
0x70c: {  	s9 =	simm.s32 $0x6900  }
0x70d: {  	[tilespmem:s9], [sflag:$0x1] =	stream.indirect_vreg.gather [hbm4b:s3+s2], $0x80, v3, vm0, $0xb8;
	[tilespmem:$0x14100] =	vst v63  }
0x70e: {  	v3 =	vld [tilespmem:$0x70];
	_ =	sdelay $0x4  }
0x70f: {  	v51 =	vshll.u32 v3, $0x1  }
0x710: {  	v3 =	vand.u32 $0x7, v3;
	v4 =	vand.u32 $0xFFFFFFF0, v51  }
0x711: {  	v3 =	vor.u32 v3, v4  }
0x712: {  	v4 =	vperm.xlane v3, v0;
	_ =	sdelay $0x1  }
0x713: {  	v3 =	vperm.xlane v3, v2;
	v4 =	vadd.s32 v1, v4;
	_ =	sdelay $0x1  }
0x714: {  	v3 =	vadd.s32 v1, v3;
	_ =	sdelay $0x1  }
0x715: {  	s8 =	simm.s32 $0x7100  }
0x716: {  	[tilespmem:s8], [sflag:$0x1] =	stream.indirect_vreg.gather [hbm4b:s3+s2], $0x80, v4, vm0, $0xb8;
	[tilespmem:$0x14100] =	vst v63  }
0x717: {  	s20 =	simm.s32 $0x7900  }
0x718: {  	[tilespmem:s20], [sflag:$0x1] =	stream.indirect_vreg.gather [hbm4b:s3+s2], $0x80, v3, vm0, $0xb8;
	[tilespmem:$0x14100] =	vst v63  }
0x719: {  	v3 =	vld [tilespmem:$0x80];
	_ =	sdelay $0x4  }
0x71a: {  	v52 =	vshll.u32 v3, $0x1  }
0x71b: {  	v3 =	vand.u32 $0x7, v3;
	v4 =	vand.u32 $0xFFFFFFF0, v52  }
0x71c: {  	v3 =	vor.u32 v3, v4  }
0x71d: {  	v4 =	vperm.xlane v3, v0;
	_ =	sdelay $0x1  }
0x71e: {  	v3 =	vperm.xlane v3, v2;
	v4 =	vadd.s32 v1, v4;
	_ =	sdelay $0x1  }
0x71f: {  	v3 =	vadd.s32 v1, v3;
	_ =	sdelay $0x1  }
0x720: {  	s14 =	simm.s32 $0x8100  }
0x721: {  	[tilespmem:s14], [sflag:$0x1] =	stream.indirect_vreg.gather [hbm4b:s3+s2], $0x80, v4, vm0, $0xb8;
	[tilespmem:$0x14100] =	vst v63  }
0x722: {  	s31 =	simm.s32 $0x8900  }
0x723: {  	[tilespmem:s31], [sflag:$0x1] =	stream.indirect_vreg.gather [hbm4b:s3+s2], $0x80, v3, vm0, $0xb8;
	[tilespmem:$0x14100] =	vst v63  }
0x724: {  	v3 =	vld [tilespmem:$0x90];
	_ =	sdelay $0x4  }
0x725: {  	v53 =	vshll.u32 v3, $0x1  }
0x726: {  	v3 =	vand.u32 $0x7, v3;
	v4 =	vand.u32 $0xFFFFFFF0, v53  }
0x727: {  	v3 =	vor.u32 v3, v4  }
0x728: {  	v4 =	vperm.xlane v3, v0;
	_ =	sdelay $0x1  }
0x729: {  	v3 =	vperm.xlane v3, v2;
	v4 =	vadd.s32 v1, v4;
	_ =	sdelay $0x1  }
0x72a: {  	v3 =	vadd.s32 v1, v3;
	_ =	sdelay $0x1  }
0x72b: {  	s15 =	simm.s32 $0x9100  }
0x72c: {  	[tilespmem:s15], [sflag:$0x1] =	stream.indirect_vreg.gather [hbm4b:s3+s2], $0x80, v4, vm0, $0xb8;
	[tilespmem:$0x14100] =	vst v63  }
0x72d: {  	s9 =	simm.s32 $0x9900  }
0x72e: {  	[tilespmem:s9], [sflag:$0x1] =	stream.indirect_vreg.gather [hbm4b:s3+s2], $0x80, v3, vm0, $0xb8;
	[tilespmem:$0x14100] =	vst v63  }
0x72f: {  	s31 =	rddreg [dreg:$0x1f]  }
0x730: {  	[hbm4b:s31+s2] =	stream.linear.scatter [tilespmem:s28], [sflag:$0x3], $0xA000, $0x38;
	[tilespmem:$0x14100] =	vst v63  }
0x731: {  	_ =	swait.ge [sflag:s5], $0xA000  }
0x732: {  	[sflag:s5] =	ssyncset.done $0x0  }
0x733: {  	[sflag:s5] =	ssyncadd.s32 $0xFFFF6000  }
0x734: {  	_ =	swait.ge [sflag:s26], $0xA000  }
0x735: {  	s14 =	sld [smem:$0x7FB]  }
0x736: {  	[sflag:s26] =	ssyncset.done $0x0  }
0x737: {  	[sflag:s26] =	ssyncadd.s32 $0xFFFF6000  }
0x738: {  	[tilespmem:s2], [sflag:$0x3] =	stream.linear.gather [hbm4b:s14+s2], $0xA0, $0x38;
	[tilespmem:$0x14100] =	vst v63  }
0x739: {  	_ =	swait.ge [sflag:s5], $0xA0  }
0x73a: {  	[sflag:s5] =	ssyncset.done $0x0  }
0x73b: {  	[sflag:s5] =	ssyncadd.s32 $0xFFFFFF60  }
0x73c: {  	v3 =	vld [tilespmem:$0x0];
	_ =	sdelay $0x4  }
0x73d: {  	v54 =	vshll.u32 v3, $0x1  }
0x73e: {  	v3 =	vand.u32 $0x7, v3;
	v4 =	vand.u32 $0xFFFFFFF0, v54  }
0x73f: {  	v3 =	vor.u32 v3, v4  }
0x740: {  	v4 =	vperm.xlane v3, v0;
	_ =	sdelay $0x1  }
0x741: {  	v3 =	vperm.xlane v3, v2;
	v4 =	vadd.s32 v1, v4;
	_ =	sdelay $0x1  }
0x742: {  	v3 =	vadd.s32 v1, v3;
	_ =	sdelay $0x2  }
0x743: {  	[tilespmem:s28], [sflag:$0x2] =	stream.indirect_vreg.gather [hbm4b:s3+s2], $0x80, v4, vm0, $0xb8;
	[tilespmem:$0x14100] =	vst v63  }
0x744: {  	s15 =	simm.s32 $0xA900  }
0x745: {  	[tilespmem:s15], [sflag:$0x2] =	stream.indirect_vreg.gather [hbm4b:s3+s2], $0x80, v3, vm0, $0xb8;
	[tilespmem:$0x14100] =	vst v63  }
0x746: {  	v3 =	vld [tilespmem:$0x10];
	_ =	sdelay $0x4  }
0x747: {  	v55 =	vshll.u32 v3, $0x1  }
0x748: {  	v3 =	vand.u32 $0x7, v3;
	v4 =	vand.u32 $0xFFFFFFF0, v55  }
0x749: {  	v3 =	vor.u32 v3, v4  }
0x74a: {  	v4 =	vperm.xlane v3, v0;
	_ =	sdelay $0x1  }
0x74b: {  	v3 =	vperm.xlane v3, v2;
	v4 =	vadd.s32 v1, v4;
	_ =	sdelay $0x1  }
0x74c: {  	v3 =	vadd.s32 v1, v3;
	_ =	sdelay $0x1  }
0x74d: {  	s16 =	simm.s32 $0xB100  }
0x74e: {  	[tilespmem:s16], [sflag:$0x2] =	stream.indirect_vreg.gather [hbm4b:s3+s2], $0x80, v4, vm0, $0xb8;
	[tilespmem:$0x14100] =	vst v63  }
0x74f: {  	s16 =	simm.s32 $0xB900  }
0x750: {  	[tilespmem:s16], [sflag:$0x2] =	stream.indirect_vreg.gather [hbm4b:s3+s2], $0x80, v3, vm0, $0xb8;
	[tilespmem:$0x14100] =	vst v63  }
0x751: {  	v3 =	vld [tilespmem:$0x20];
	_ =	sdelay $0x4  }
0x752: {  	v56 =	vshll.u32 v3, $0x1  }
0x753: {  	v3 =	vand.u32 $0x7, v3;
	v4 =	vand.u32 $0xFFFFFFF0, v56  }
0x754: {  	v3 =	vor.u32 v3, v4  }
0x755: {  	v4 =	vperm.xlane v3, v0;
	_ =	sdelay $0x1  }
0x756: {  	v3 =	vperm.xlane v3, v2;
	v4 =	vadd.s32 v1, v4;
	_ =	sdelay $0x1  }
0x757: {  	v3 =	vadd.s32 v1, v3;
	_ =	sdelay $0x1  }
0x758: {  	s10 =	simm.s32 $0xC100  }
0x759: {  	[tilespmem:s10], [sflag:$0x2] =	stream.indirect_vreg.gather [hbm4b:s3+s2], $0x80, v4, vm0, $0xb8;
	[tilespmem:$0x14100] =	vst v63  }
0x75a: {  	s7 =	simm.s32 $0xC900  }
0x75b: {  	[tilespmem:s7], [sflag:$0x2] =	stream.indirect_vreg.gather [hbm4b:s3+s2], $0x80, v3, vm0, $0xb8;
	[tilespmem:$0x14100] =	vst v63  }
0x75c: {  	v3 =	vld [tilespmem:$0x30];
	_ =	sdelay $0x4  }
0x75d: {  	v57 =	vshll.u32 v3, $0x1  }
0x75e: {  	v3 =	vand.u32 $0x7, v3;
	v4 =	vand.u32 $0xFFFFFFF0, v57  }
0x75f: {  	v3 =	vor.u32 v3, v4  }
0x760: {  	v4 =	vperm.xlane v3, v0;
	_ =	sdelay $0x1  }
0x761: {  	v3 =	vperm.xlane v3, v2;
	v4 =	vadd.s32 v1, v4;
	_ =	sdelay $0x1  }
0x762: {  	v3 =	vadd.s32 v1, v3;
	_ =	sdelay $0x1  }
0x763: {  	s11 =	simm.s32 $0xD100  }
0x764: {  	[tilespmem:s11], [sflag:$0x2] =	stream.indirect_vreg.gather [hbm4b:s3+s2], $0x80, v4, vm0, $0xb8;
	[tilespmem:$0x14100] =	vst v63  }
0x765: {  	s17 =	simm.s32 $0xD900  }
0x766: {  	[tilespmem:s17], [sflag:$0x2] =	stream.indirect_vreg.gather [hbm4b:s3+s2], $0x80, v3, vm0, $0xb8;
	[tilespmem:$0x14100] =	vst v63  }
0x767: {  	v3 =	vld [tilespmem:$0x40];
	_ =	sdelay $0x4  }
0x768: {  	v58 =	vshll.u32 v3, $0x1  }
0x769: {  	v3 =	vand.u32 $0x7, v3;
	v4 =	vand.u32 $0xFFFFFFF0, v58  }
0x76a: {  	v3 =	vor.u32 v3, v4  }
0x76b: {  	v4 =	vperm.xlane v3, v0;
	_ =	sdelay $0x1  }
0x76c: {  	v3 =	vperm.xlane v3, v2;
	v4 =	vadd.s32 v1, v4;
	_ =	sdelay $0x1  }
0x76d: {  	v3 =	vadd.s32 v1, v3;
	_ =	sdelay $0x1  }
0x76e: {  	s0 =	simm.s32 $0xE100  }
0x76f: {  	[tilespmem:s0], [sflag:$0x2] =	stream.indirect_vreg.gather [hbm4b:s3+s2], $0x80, v4, vm0, $0xb8;
	[tilespmem:$0x14100] =	vst v63  }
0x770: {  	s24 =	simm.s32 $0xE900  }
0x771: {  	[tilespmem:s24], [sflag:$0x2] =	stream.indirect_vreg.gather [hbm4b:s3+s2], $0x80, v3, vm0, $0xb8;
	[tilespmem:$0x14100] =	vst v63  }
0x772: {  	v3 =	vld [tilespmem:$0x50];
	_ =	sdelay $0x4  }
0x773: {  	v59 =	vshll.u32 v3, $0x1  }
0x774: {  	v3 =	vand.u32 $0x7, v3;
	v4 =	vand.u32 $0xFFFFFFF0, v59  }
0x775: {  	v3 =	vor.u32 v3, v4  }
0x776: {  	v4 =	vperm.xlane v3, v0;
	_ =	sdelay $0x1  }
0x777: {  	v3 =	vperm.xlane v3, v2;
	v4 =	vadd.s32 v1, v4;
	_ =	sdelay $0x1  }
0x778: {  	v3 =	vadd.s32 v1, v3;
	_ =	sdelay $0x1  }
0x779: {  	s13 =	simm.s32 $0xF100  }
0x77a: {  	[tilespmem:s13], [sflag:$0x2] =	stream.indirect_vreg.gather [hbm4b:s3+s2], $0x80, v4, vm0, $0xb8;
	[tilespmem:$0x14100] =	vst v63  }
0x77b: {  	s24 =	simm.s32 $0xF900  }
0x77c: {  	[tilespmem:s24], [sflag:$0x2] =	stream.indirect_vreg.gather [hbm4b:s3+s2], $0x80, v3, vm0, $0xb8;
	[tilespmem:$0x14100] =	vst v63  }
0x77d: {  	v3 =	vld [tilespmem:$0x60];
	_ =	sdelay $0x4  }
0x77e: {  	v60 =	vshll.u32 v3, $0x1  }
0x77f: {  	v3 =	vand.u32 $0x7, v3;
	v4 =	vand.u32 $0xFFFFFFF0, v60  }
0x780: {  	v3 =	vor.u32 v3, v4  }
0x781: {  	v4 =	vperm.xlane v3, v0;
	_ =	sdelay $0x1  }
0x782: {  	v3 =	vperm.xlane v3, v2;
	v4 =	vadd.s32 v1, v4;
	_ =	sdelay $0x1  }
0x783: {  	v3 =	vadd.s32 v1, v3;
	_ =	sdelay $0x1  }
0x784: {  	s1 =	simm.s32 $0x10100  }
0x785: {  	[tilespmem:s1], [sflag:$0x2] =	stream.indirect_vreg.gather [hbm4b:s3+s2], $0x80, v4, vm0, $0xb8;
	[tilespmem:$0x14100] =	vst v63  }
0x786: {  	s29 =	simm.s32 $0x10900  }
0x787: {  	[tilespmem:s29], [sflag:$0x2] =	stream.indirect_vreg.gather [hbm4b:s3+s2], $0x80, v3, vm0, $0xb8;
	[tilespmem:$0x14100] =	vst v63  }
0x788: {  	v3 =	vld [tilespmem:$0x70];
	_ =	sdelay $0x4  }
0x789: {  	v61 =	vshll.u32 v3, $0x1  }
0x78a: {  	v3 =	vand.u32 $0x7, v3;
	v4 =	vand.u32 $0xFFFFFFF0, v61  }
0x78b: {  	v3 =	vor.u32 v3, v4  }
0x78c: {  	v4 =	vperm.xlane v3, v0;
	_ =	sdelay $0x1  }
0x78d: {  	v3 =	vperm.xlane v3, v2;
	v4 =	vadd.s32 v1, v4;
	_ =	sdelay $0x1  }
0x78e: {  	v3 =	vadd.s32 v1, v3;
	_ =	sdelay $0x1  }
0x78f: {  	s4 =	simm.s32 $0x11100  }
0x790: {  	[tilespmem:s4], [sflag:$0x2] =	stream.indirect_vreg.gather [hbm4b:s3+s2], $0x80, v4, vm0, $0xb8;
	[tilespmem:$0x14100] =	vst v63  }
0x791: {  	s25 =	simm.s32 $0x11900  }
0x792: {  	[tilespmem:s25], [sflag:$0x2] =	stream.indirect_vreg.gather [hbm4b:s3+s2], $0x80, v3, vm0, $0xb8;
	[tilespmem:$0x14100] =	vst v63  }
0x793: {  	v3 =	vld [tilespmem:$0x80];
	_ =	sdelay $0x4  }
0x794: {  	v62 =	vshll.u32 v3, $0x1  }
0x795: {  	v3 =	vand.u32 $0x7, v3;
	v4 =	vand.u32 $0xFFFFFFF0, v62  }
0x796: {  	v3 =	vor.u32 v3, v4  }
0x797: {  	v4 =	vperm.xlane v3, v0;
	_ =	sdelay $0x1  }
0x798: {  	v3 =	vperm.xlane v3, v2;
	v4 =	vadd.s32 v1, v4;
	_ =	sdelay $0x1  }
0x799: {  	v3 =	vadd.s32 v1, v3;
	_ =	sdelay $0x1  }
0x79a: {  	s18 =	simm.s32 $0x12100  }
0x79b: {  	[tilespmem:s18], [sflag:$0x2] =	stream.indirect_vreg.gather [hbm4b:s3+s2], $0x80, v4, vm0, $0xb8;
	[tilespmem:$0x14100] =	vst v63  }
0x79c: {  	s19 =	simm.s32 $0x12900  }
0x79d: {  	[tilespmem:s19], [sflag:$0x2] =	stream.indirect_vreg.gather [hbm4b:s3+s2], $0x80, v3, vm0, $0xb8;
	[tilespmem:$0x14100] =	vst v63  }
0x79e: {  	v3 =	vld [tilespmem:$0x90];
	_ =	sdelay $0x4  }
0x79f: {  	v63 =	vshll.u32 v3, $0x1  }
0x7a0: {  	v3 =	vand.u32 $0x7, v3;
	v4 =	vand.u32 $0xFFFFFFF0, v63  }
0x7a1: {  	v3 =	vor.u32 v3, v4  }
0x7a2: {  	v4 =	vperm.xlane v3, v0;
	_ =	sdelay $0x1  }
0x7a3: {  	v3 =	vperm.xlane v3, v2;
	v4 =	vadd.s32 v1, v4;
	_ =	sdelay $0x1  }
0x7a4: {  	v3 =	vadd.s32 v1, v3;
	_ =	sdelay $0x1  }
0x7a5: {  	s12 =	simm.s32 $0x13100  }
0x7a6: {  	[tilespmem:s12], [sflag:$0x2] =	stream.indirect_vreg.gather [hbm4b:s3+s2], $0x80, v4, vm0, $0xb8;
	[tilespmem:$0x14100] =	vst v63  }
0x7a7: {  	s23 =	simm.s32 $0x13900;
	s30 =	sld [smem:$0x7FC]  }
0x7a8: {  	[tilespmem:s23], [sflag:$0x2] =	stream.indirect_vreg.gather [hbm4b:s3+s2], $0x80, v3, vm0, $0xb8;
	[tilespmem:$0x14100] =	vst v63  }
0x7a9: {  	_ = 	snop  }
0x7aa: {  	[hbm4b:s30+s2] =	stream.linear.scatter [tilespmem:s6], [sflag:$0x3], $0xA000, $0x38;
	[tilespmem:$0x14100] =	vst v63  }
0x7ab: {  	s20 =	sld [smem:$0x7FA];
	_ =	swait.ge [sflag:s5], $0xA000  }
0x7ac: {  	[sflag:s5] =	ssyncset.done $0x0  }
0x7ad: {  	[sflag:s5] =	ssyncadd.s32 $0xFFFF6000  }
0x7ae: {  	_ =	swait.ge [sflag:s21], $0xA000  }
0x7af: {  	s31 =	sld [smem:$0x7FD]  }
0x7b0: {  	p0 =	sne.s32 s20, $0x1;
	[sflag:s21] =	ssyncset.done $0x0  }
.Ltmp0:
0x7b1: {  	[sflag:s21] =	ssyncadd.s32 $0xFFFF6000;
	(pc) =	sbr.rel @p0 .LBB2_1-.Ltmp0, $4  }
0x7b2: {  	[hbm4b:s31+s2] =	stream.linear.scatter [tilespmem:s28], [sflag:$0x3], $0xA000, $0x38;
	[tilespmem:$0x14100] =	vst v63  }
0x7b3: {  	_ =	swait.ge [sflag:s5], $0xA000  }
0x7b4: {  	[sflag:s5] =	ssyncset.done $0x0  }
0x7b5: {  	s0 =	sadd.s32 $0xFFFFFFFF, s20;
	[sflag:s5] =	ssyncadd.s32 $0xFFFF6000  }
0x7b6: {  	_ =	sfence.sel $0x180000  }
0x7b7: {  	[bflag:$0x0] =	sbarrier.arrive $0xFFFF  }
0x7b8: {  	_ =	strace $0x90000047  }
0x7b9: {  	s0 =	stileid.u32;
	[bflag:$0x2] =	sbarrier.arrive $0xFFFF  }
0x7ba: {  	p0 =	sne.s32 s0, $0x0;
	s0 =	rddreg [dreg:$0x2]  }
0x7bb: {  	s0 =	sadd.s32 @!p0 $0x100000, s0  }
0x7bc: {  	[sflag:s0] =	ssyncadd.tile.s32 @!p0 $0x1;
	_ =	shalt  }
.Lfunc_end2:
_tile_overlayer_lowered:
.L_overlay_start_2:
0x7bd: {  	(tag) =	ssettag $0x2  }
0x7be: {  	s0 =	rddreg [dreg:$0x0];
	s2 =	stileid.u32  }
0x7bf: {  	s1 =	rddreg [dreg:$0x1];
	p0 =	sne.s32 s2, $0x0  }
0x7c0: {  	s3 =	rddreg [dreg:$0x2];
	[bflag:$0x3] =	sbarrier.arrive $0xFFFF;
	s2 =	simm.s32 @!p0 $0x1C03  }
0x7c1: {  	[timem:s3], [sflag:s2] =	dma.local @!p0 [hbm:s0], s1  }
0x7c2: {  	s0 =	simm.s32 @!p0 $0x3  }
0x7c3: {  	_ =	swait.ge @!p0 [sflag:s0], s1  }
0x7c4: {  	s1 =	ssub.s32 @!p0 $0x0, s1;
	[sflag:s0] =	ssyncset.done @!p0 $0x0  }
0x7c5: {  	[sflag:s0] =	ssyncadd.s32 @!p0 s1  }
0x7c6: {  	[bflag:$0x3] =	sbarrier.arrive $0xFFFF  }
0x7c7: {  	_ =	shalt  }

</sc_bundles>
